<compile_context>
chip_gen: v7x
topology: tpu7x:2x2x1
jax: 0.10.2.dev20260603
libtpu: 0.0.44.dev20260713+nightly
codegen_flags: <defaults>
</compile_context>

<pallas_src>
import functools

import jax
import jax.numpy as jnp
import numpy as np
from jax import lax
from jax.experimental import pallas as pl
from jax.experimental.pallas import tpu as pltpu
from jax.experimental.pallas import tpu_sc as plsc

N_ATOMS = 10000
N_EDGES = 320000
EPSILON = 1e-08
MAX_RADIUS = 5.0
NUM_RBF = 32
BETA = float(((2.0 / NUM_RBF) * (1.0 - np.exp(-MAX_RADIUS))) ** (-2))

TROW = 144
PAYW = 352
AUXW = 16
GW = 128
CW = 128
EB = 512
NB = 1000
NWORK = 32

def _f32(shape):
    return jax.ShapeDtypeStruct(shape, jnp.float32)



def _sc_kernel(out_type, scratch_types=()):
    def deco(fn):
        @functools.cache
        def build():
            mesh = plsc.VectorSubcoreMesh(core_axis_name="c",
                                          subcore_axis_name="s")
            return pl.kernel(
                fn, mesh=mesh, out_type=out_type,
                scratch_types=list(scratch_types),
                compiler_params=pltpu.CompilerParams(
                    use_tc_tiling_on_sc=False))

        def call(*args):
            return build()(*args)
        return call
    return deco


@_sc_kernel(out_type=(_f32((N_EDGES, TROW)), _f32((N_EDGES, TROW))))
def _sc_gather_hx(t_hbm, ij_hbm, ii_hbm, gj_hbm, gi_hbm):
    def body(ij_v, ii_v, gj_v, gi_v):
        pltpu.sync_copy(t_hbm.at[ij_v.at[0]], gj_v)
        pltpu.sync_copy(t_hbm.at[ii_v.at[0]], gi_v)

    pltpu.emit_pipeline(
        body,
        grid=(N_EDGES // GW,),
        in_specs=[pl.BlockSpec((1, GW), lambda i: (0, i)),
                  pl.BlockSpec((1, GW), lambda i: (0, i))],
        out_specs=[pl.BlockSpec((GW, TROW), lambda i: (i, 0)),
                   pl.BlockSpec((GW, TROW), lambda i: (i, 0))],
        core_axis_name=("c", "s"),
        dimension_semantics=(pltpu.PARALLEL,),
    )(ij_hbm, ii_hbm, gj_hbm, gi_hbm)


DW = 256
DNC = N_EDGES // DW
DIR_ = DW // CW
DNCW = -(-DNC // 16)
DGC = DNC // 2
DGW = -(-DGC // 16)


@_sc_kernel(out_type=(_f32((N_ATOMS, AUXW)), _f32((N_EDGES, AUXW))),
            scratch_types=[pltpu.VMEM((DIR_, CW), jnp.int32),
                           pltpu.VMEM((DW, AUXW), jnp.float32),
                           pltpu.VMEM_SHARED((N_ATOMS, AUXW), jnp.float32)])
def _sc_denom_fused(aux_hbm, ii4_hbm, zero_hbm, table_hbm, dene_hbm,
                    idx_v, rows_v, table_s):
    c = lax.axis_index("c")
    s = lax.axis_index("s")

    @pl.when(s < 10)
    def _():
        pltpu.sync_copy(zero_hbm.at[pl.ds(s * NB, NB)],
                        table_s.at[pl.ds(s * NB, NB)])
    plsc.subcore_barrier()

    @pl.loop(0, DNCW)
    def _(i):
        chunk = s + i * 16

        @pl.when(chunk < DNC)
        def _():
            pltpu.sync_copy(ii4_hbm.at[pl.ds(chunk * DIR_, DIR_)], idx_v)
            pltpu.sync_copy(aux_hbm.at[pl.ds(chunk * DW, DW)], rows_v)
            for j in range(DIR_):
                pltpu.sync_copy(rows_v.at[pl.ds(j * CW, CW)],
                                table_s.at[idx_v.at[j]], add=True)

    plsc.subcore_barrier()

    @pl.when(jnp.logical_and(c == 0, s < 10))
    def _():
        pltpu.sync_copy(table_s.at[pl.ds(s * NB, NB)],
                        table_hbm.at[pl.ds(s * NB, NB)])

    @pl.loop(0, DGW)
    def _(i):
        w = s + i * 16

        @pl.when(w < DGC)
        def _():
            win = c * DGC + w
            pltpu.sync_copy(ii4_hbm.at[pl.ds(win * DIR_, DIR_)], idx_v)
            for j in range(DIR_):
                pltpu.sync_copy(table_s.at[idx_v.at[j]],
                                rows_v.at[pl.ds(j * CW, CW)])
            pltpu.sync_copy(rows_v, dene_hbm.at[pl.ds(win * DW, DW)])


QW = 96
CW2 = 256
NC2 = N_EDGES // CW2
NCW2 = 80
IR = CW2 // CW


@_sc_kernel(out_type=tuple(_f32((N_ATOMS, QW)) for _ in range(4)),
            scratch_types=[pltpu.VMEM((2, IR, CW), jnp.int32),
                           pltpu.VMEM((2, CW2, QW), jnp.float32),
                           pltpu.VMEM_SHARED((N_ATOMS, QW), jnp.float32),
                           pltpu.SemaphoreType.DMA,
                           pltpu.SemaphoreType.DMA])
def _sc_seg_payload(p0, p1, p2, p3, ii4_hbm, zero_hbm,
                    o0, o1, o2, o3, idx_v, rows_v, table_s, sem0, sem1):
    c = lax.axis_index("c")
    s = lax.axis_index("s")
    sems = (sem0, sem1)

    def issue(p_hbm, b, k, active):
        chunk = s + 16 * k

        @pl.when(jnp.logical_and(active, chunk < NC2))
        def _():
            pltpu.async_copy(ii4_hbm.at[pl.ds(chunk * IR, IR)],
                             idx_v.at[b], sems[b])
            pltpu.async_copy(p_hbm.at[pl.ds(chunk * CW2, CW2)],
                             rows_v.at[b], sems[b])

    def drain_and_scatter(p_hbm, b, k, active):
        chunk = s + 16 * k

        @pl.when(jnp.logical_and(active, chunk < NC2))
        def _():
            pltpu.make_async_copy(ii4_hbm.at[pl.ds(0, IR)],
                                  idx_v.at[b], sems[b]).wait()
            pltpu.make_async_copy(p_hbm.at[pl.ds(0, CW2)],
                                  rows_v.at[b], sems[b]).wait()
            for j in range(IR):
                pltpu.sync_copy(rows_v.at[b, pl.ds(j * CW, CW)],
                                table_s.at[idx_v.at[b, j]], add=True)

    for q, (p_hbm, out_hbm) in enumerate(((p0, o0), (p1, o1),
                                          (p2, o2), (p3, o3))):
        active = c == (q // 2)

        @pl.when(jnp.logical_and(active, s < 10))
        def _():
            pltpu.sync_copy(zero_hbm.at[pl.ds(s * NB, NB)],
                            table_s.at[pl.ds(s * NB, NB)])
        plsc.subcore_barrier()

        issue(p_hbm, 0, 0, active)
        issue(p_hbm, 1, 1, active)

        @pl.loop(0, NCW2 // 2)
        def _(i):
            drain_and_scatter(p_hbm, 0, 2 * i, active)
            issue(p_hbm, 0, 2 * i + 2, active)
            drain_and_scatter(p_hbm, 1, 2 * i + 1, active)
            issue(p_hbm, 1, 2 * i + 3, active)

        plsc.subcore_barrier()

        @pl.when(jnp.logical_and(active, s < 10))
        def _():
            pltpu.sync_copy(table_s.at[pl.ds(s * NB, NB)],
                            out_hbm.at[pl.ds(s * NB, NB)])
        plsc.subcore_barrier()



def _layer_norm(t):
    m = jnp.mean(t, axis=-1, keepdims=True)
    var = jnp.mean((t - m) ** 2, axis=-1, keepdims=True)
    return (t - m) / jnp.sqrt(var + 1e-05)


def _silu(t):
    return t * (1.0 / (1.0 + jnp.exp(-t)))


def _mm(a, b):
    return jnp.dot(a, b, preferred_element_type=jnp.float32)


def _edge_mlp_kernel(gj, gi, pt, wein, bein, mu, w1a, w1b, w1c, b1,
                     w2, b2, wsem, bsem, e64_o, aux_o):
    hj = gj[:, :128]
    hi = gi[:, :128]
    r = gj[:, 128:131] - gi[:, 128:131]
    d = jnp.sqrt(jnp.sum(r * r, axis=1, keepdims=True) + EPSILON)
    dire = r / (d + EPSILON)
    rbf = jnp.exp(-BETA * (jnp.exp(-d) - mu[:]) ** 2)
    f1 = rbf * (_mm(hj, wein[:128]) + _mm(hi, wein[128:]) + bein[:])
    z1 = (_mm(hj, w1a[:128]) + _mm(hi, w1a[128:]) + _mm(f1, w1b[...])
          + d * w1c[:] + b1[:])
    eh = _layer_norm(_silu(z1))
    e64 = _layer_norm(_mm(eh, w2[...]) + b2[:])
    aw = _mm(e64, wsem[...]) + bsem[:]
    aw = jnp.maximum(aw, 0.0) + jnp.minimum(0.0, 2.0 * (jnp.exp(aw * 0.5) - 1.0))
    selfm = pt[:, 0:1] == pt[:, 1:2]
    w_exp = jnp.where(selfm, 0.0, jnp.exp(aw))
    ones = jnp.ones_like(d)
    pad = jnp.zeros((gj.shape[0], AUXW - 8), jnp.float32)
    e64_o[...] = e64
    aux_o[...] = jnp.concatenate([w_exp, dire, ones, pad], axis=1)


def _edge2_kernel(e64, aux, den, rm, sm, wxm, r2, s2, p0, p1, p2, p3):
    att = aux[:, 0:4] / jnp.maximum(den[:, 0:4], 1e-30)
    h_sem = _mm(e64[...], rm[...]) * _mm(att, sm[...])
    mix = _layer_norm(jnp.tanh(_mm(h_sem, wxm[...])))
    comb = _mm(mix, r2[...]) * _mm(aux[:, 4:7], s2[...])
    p0[...] = h_sem[:, 0:96]
    p1[...] = h_sem[:, 96:192]
    p2[...] = jnp.concatenate([h_sem[:, 192:256], comb[:, 0:32]], axis=1)
    p3[...] = jnp.concatenate(
        [comb[:, 32:96], jnp.zeros((comb.shape[0], 32), jnp.float32)], axis=1)


def _node_kernel(h, x, v, s0, s1, s2, s3, dt, wn1h, wn1s, wn1sp, bn1,
                 wn2, bn2, gm, wpn1, bpn1, wpn2, bpn2, wvm1, bvm1, wvm2, vmx,
                 h_o, x_o, v_o):
    h_sem = jnp.concatenate([s0[...], s1[...], s2[:, 0:64]], axis=1)
    counts = dt[:, 7:8]
    safe = jnp.maximum(counts, 1.0)
    comb_mean = jnp.concatenate([s2[:, 64:96], s3[:, 0:64]], axis=1) / safe
    nsq = _mm(comb_mean * comb_mean, gm[...])
    sh = _layer_norm(_silu(_mm(nsq, wpn1[...]) + bpn1[:]))
    h_sp = _layer_norm(_silu(_mm(sh, wpn2[...]) + bpn2[:]))
    n1 = (_mm(h[...], wn1h[...]) + _mm(h_sem, wn1s[...]) + _mm(h_sp, wn1sp[...]) + bn1[:])
    nh = _layer_norm(_silu(n1))
    h_up = h[...] + _layer_norm(_silu(_mm(nh, wn2[...]) + bn2[:]))
    dv = _mm(comb_mean, vmx[...])
    vmh = _layer_norm(_silu(_mm(h_up, wvm1[...]) + bvm1[:]))
    v_scale = 2.0 / (1.0 + jnp.exp(-_mm(vmh, wvm2[...])))
    v_up = v_scale * v[...] + dv
    h_o[...] = h_up
    x_o[...] = x[...] + v_up
    v_o[...] = v_up


def _const_expanders():
    rm = np.zeros((64, 256), np.float32)
    sm = np.zeros((4, 256), np.float32)
    for b in range(64):
        for k in range(4):
            rm[b, b * 4 + k] = 1.0
            sm[k, b * 4 + k] = 1.0
    r2 = np.zeros((32, 96), np.float32)
    s2 = np.zeros((3, 96), np.float32)
    for cc in range(32):
        for dd in range(3):
            r2[cc, cc * 3 + dd] = 1.0
            s2[dd, cc * 3 + dd] = 1.0
    gm = np.zeros((96, 32), np.float32)
    for cc in range(32):
        for dd in range(3):
            gm[cc * 3 + dd, cc] = 1.0
    return rm, sm, r2, s2, gm


_RM, _SM, _R2, _S2, _GM = _const_expanders()


def kernel(h, x, v, pairlist, params):
    n_atoms, n_edges = h.shape[0], pairlist.shape[1]
    assert n_atoms == N_ATOMS and n_edges == N_EDGES

    ii = pairlist[0].reshape(1, n_edges)
    ij = pairlist[1].reshape(1, n_edges)
    pair_t = jnp.concatenate([pairlist[0][:, None], pairlist[1][:, None]],
                             axis=1)

    table = jnp.concatenate(
        [h, jnp.pad(x, ((0, 0), (0, TROW - 131)))], axis=1)

    gj, gi = _sc_gather_hx(table, ij, ii)

    p = params
    row = lambda a: jnp.asarray(a).reshape(1, -1)
    full = lambda arr: pl.BlockSpec(arr.shape, lambda i: (0,) * arr.ndim)
    w1 = p['W_eo1']
    eb_grid = (n_edges // EB,)
    e_in = [gj, gi, pair_t, p['W_edge_in'], row(p['b_edge_in']),
            row(np.linspace(np.exp(-MAX_RADIUS), 1.0, NUM_RBF)
                .astype(np.float32)),
            w1[:256], w1[256:288], row(w1[288]), row(p['b_eo1']),
            p['W_eo2'], row(p['b_eo2']), p['W_sem'], row(p['b_sem'])]
    e_specs = ([pl.BlockSpec((EB, TROW), lambda i: (i, 0)),
                pl.BlockSpec((EB, TROW), lambda i: (i, 0)),
                pl.BlockSpec((EB, 2), lambda i: (i, 0))]
               + [full(a) for a in e_in[3:]])
    e64, aux = pl.pallas_call(
        _edge_mlp_kernel,
        grid=eb_grid,
        in_specs=e_specs,
        out_specs=[pl.BlockSpec((EB, 64), lambda i: (i, 0)),
                   pl.BlockSpec((EB, AUXW), lambda i: (i, 0))],
        out_shape=(_f32((n_edges, 64)), _f32((n_edges, AUXW))),
    )(*e_in)

    zero16 = jnp.zeros((n_atoms, AUXW), jnp.float32)
    ii4 = pairlist[0].reshape(N_EDGES // CW, CW)
    den_table, den_e = _sc_denom_fused(aux, ii4, zero16)

    e2_in = [e64, aux, den_e, jnp.asarray(_RM), jnp.asarray(_SM),
             p['W_xm'], jnp.asarray(_R2), jnp.asarray(_S2)]
    e2_specs = ([pl.BlockSpec((EB, 64), lambda i: (i, 0)),
                 pl.BlockSpec((EB, AUXW), lambda i: (i, 0)),
                 pl.BlockSpec((EB, AUXW), lambda i: (i, 0))]
                + [full(a) for a in e2_in[3:]])
    payload = pl.pallas_call(
        _edge2_kernel,
        grid=eb_grid,
        in_specs=e2_specs,
        out_specs=[pl.BlockSpec((EB, QW), lambda i: (i, 0))] * 4,
        out_shape=tuple(_f32((n_edges, QW)) for _ in range(4)),
    )(*e2_in)

    zero96 = jnp.zeros((n_atoms, QW), jnp.float32)
    seg = _sc_seg_payload(*payload, ii4, zero96)

    wn1 = p['W_n1']
    vmx = jnp.kron(p['W_vmix'], jnp.eye(3, dtype=jnp.float32))
    n_in = [h, x, v, *seg, den_table,
            wn1[:128], wn1[128:384], wn1[384:], row(p['b_n1']),
            p['W_n2'], row(p['b_n2']), jnp.asarray(_GM),
            p['W_pn1'], row(p['b_pn1']), p['W_pn2'], row(p['b_pn2']),
            p['W_vm1'], row(p['b_vm1']), p['W_vm2'], vmx]
    n_specs = ([pl.BlockSpec((NB, 128), lambda i: (i, 0)),
                pl.BlockSpec((NB, 3), lambda i: (i, 0)),
                pl.BlockSpec((NB, 3), lambda i: (i, 0))]
               + [pl.BlockSpec((NB, QW), lambda i: (i, 0))] * 4
               + [pl.BlockSpec((NB, AUXW), lambda i: (i, 0))]
               + [full(a) for a in n_in[8:]])
    h_up, x_up, v_up = pl.pallas_call(
        _node_kernel,
        grid=(n_atoms // NB,),
        in_specs=n_specs,
        out_specs=[pl.BlockSpec((NB, 128), lambda i: (i, 0)),
                   pl.BlockSpec((NB, 3), lambda i: (i, 0)),
                   pl.BlockSpec((NB, 3), lambda i: (i, 0))],
        out_shape=(_f32((n_atoms, 128)), _f32((n_atoms, 3)),
                   _f32((n_atoms, 3))),
    )(*n_in)

    return (h_up, x_up, v_up)

# --- scband reference (transcript-rebuilt; emitter-appended) ---
"""Pipeline reference for scband-sakeinteraction-layer-61168924230230 (READ-ONLY COPY).

The authoritative reference and input builder live on the scoring server;
editing this copy changes nothing except your own understanding.
"""

import jax, jax.numpy as jnp
import numpy as np

N_ATOMS = 10000
N_EDGES = 320000
NR_ATOM_BASIS = 128
NR_EDGE_BASIS = 64
NR_EDGE_BASIS_HIDDEN = 128
NR_ATOM_BASIS_HIDDEN = 128
NR_SPATIAL_HIDDEN = 64
NR_SPATIAL = 32
NR_VELOCITY = 64
NR_COEFFICIENTS = 32
NR_HEADS = 4
NUM_RBF = 32
MAX_RADIUS = 5.0
EPSILON = 1e-08
SCALE_FACTOR = 1.0


def physnet_rbf(d):
    # PhysNet radial basis: exp(-beta * (exp(-d) - mu_k)^2)
    mu = jnp.linspace(np.exp(-MAX_RADIUS), 1.0, NUM_RBF).astype(jnp.float32)
    beta = ((2.0 / NUM_RBF) * (1.0 - np.exp(-MAX_RADIUS))) ** (-2)
    return jnp.exp(-beta * (jnp.exp(-d[:, None]) - mu[None, :]) ** 2)


def layer_norm(x):
    m = jnp.mean(x, axis=-1, keepdims=True)
    var = jnp.var(x, axis=-1, keepdims=True)
    return (x - m) / jnp.sqrt(var + 1e-05)


def _init_params(key):
    ks = jax.random.split(key, 13)
    def w(k, shape):
        return jax.random.normal(k, shape, dtype=jnp.float32) * 0.02
    p = {}
    p['W_edge_in'] = w(ks[0], (2 * NR_ATOM_BASIS, NUM_RBF))
    p['b_edge_in'] = jnp.zeros((NUM_RBF,), jnp.float32)
    p['W_eo1'] = w(ks[1], (2 * NR_ATOM_BASIS + NUM_RBF + 1, NR_EDGE_BASIS_HIDDEN))
    p['b_eo1'] = jnp.zeros((NR_EDGE_BASIS_HIDDEN,), jnp.float32)
    p['W_eo2'] = w(ks[2], (NR_EDGE_BASIS_HIDDEN, NR_EDGE_BASIS))
    p['b_eo2'] = jnp.zeros((NR_EDGE_BASIS,), jnp.float32)
    p['W_sem'] = w(ks[3], (NR_EDGE_BASIS, NR_HEADS))
    p['b_sem'] = jnp.zeros((NR_HEADS,), jnp.float32)
    p['W_xm'] = w(ks[4], (NR_HEADS * NR_EDGE_BASIS, NR_COEFFICIENTS))
    p['W_n1'] = w(ks[5], (NR_ATOM_BASIS + NR_HEADS * NR_EDGE_BASIS + NR_SPATIAL, NR_ATOM_BASIS_HIDDEN))
    p['b_n1'] = jnp.zeros((NR_ATOM_BASIS_HIDDEN,), jnp.float32)
    p['W_n2'] = w(ks[6], (NR_ATOM_BASIS_HIDDEN, NR_ATOM_BASIS))
    p['b_n2'] = jnp.zeros((NR_ATOM_BASIS,), jnp.float32)
    p['W_pn1'] = w(ks[7], (NR_COEFFICIENTS, NR_SPATIAL_HIDDEN))
    p['b_pn1'] = jnp.zeros((NR_SPATIAL_HIDDEN,), jnp.float32)
    p['W_pn2'] = w(ks[8], (NR_SPATIAL_HIDDEN, NR_SPATIAL))
    p['b_pn2'] = jnp.zeros((NR_SPATIAL,), jnp.float32)
    p['W_vm1'] = w(ks[9], (NR_ATOM_BASIS, NR_VELOCITY))
    p['b_vm1'] = jnp.zeros((NR_VELOCITY,), jnp.float32)
    p['W_vm2'] = w(ks[10], (NR_VELOCITY, 1))
    p['W_vmix'] = w(ks[11], (NR_COEFFICIENTS, 1))
    return p


def setup_inputs(seed: int = 0):
    key = jax.random.key(seed)
    k1, k2, k3, k4, k5 = jax.random.split(key, 5)
    h = jax.random.normal(k1, (N_ATOMS, NR_ATOM_BASIS), dtype=jnp.float32)
    x = jax.random.normal(k2, (N_ATOMS, 3), dtype=jnp.float32)
    v = jax.random.normal(k3, (N_ATOMS, 3), dtype=jnp.float32)
    pairlist = jax.random.randint(k4, (2, N_EDGES), 0, N_ATOMS, dtype=jnp.int32)
    params = _init_params(k5)
    return {'h': h, 'x': x, 'v': v, 'pairlist': pairlist, 'params': params}


def _forward(h, x, v, params, pairlist):
    idx_i = pairlist[0]
    idx_j = pairlist[1]
    n_atoms = x.shape[0]
    n_edges = idx_i.shape[0]
    # geometry
    r_ij = x[idx_j] - x[idx_i]
    d_ij = jnp.sqrt(jnp.sum(r_ij ** 2, axis=1) + EPSILON)
    dir_ij = r_ij / (d_ij[:, None] + EPSILON)
    # update_edge: cat([h_i_by_pair=h[idx_j], h_j_by_pair=h[idx_i]])
    h_ij_cat = jnp.concatenate([h[idx_j], h[idx_i]], axis=-1)
    h_ij_filtered = physnet_rbf(d_ij) * (h_ij_cat @ params['W_edge_in'] + params['b_edge_in'])
    e_in = jnp.concatenate([h_ij_cat, h_ij_filtered, (d_ij / SCALE_FACTOR)[:, None]], axis=-1)
    e_hidden = layer_norm(jax.nn.silu(e_in @ params['W_eo1'] + params['b_eo1']))
    h_ij_edge = layer_norm(e_hidden @ params['W_eo2'] + params['b_eo2'])
    # semantic attention (scatter softmax over idx_i)
    att_w = jax.nn.celu(h_ij_edge @ params['W_sem'] + params['b_sem'], alpha=2.0)
    att_w = att_w - (idx_i == idx_j).astype(att_w.dtype)[:, None] * 100000.0
    seg_max = jax.ops.segment_max(att_w, idx_i, num_segments=n_atoms)
    seg_max = jnp.where(jnp.isfinite(seg_max), seg_max, 0.0)
    w_exp = jnp.exp(att_w - seg_max[idx_i])
    denom = jax.ops.segment_sum(w_exp, idx_i, num_segments=n_atoms)
    att = w_exp / denom[idx_i]
    h_ij_semantic = (h_ij_edge[:, :, None] * att[:, None, :]).reshape(n_edges, NR_EDGE_BASIS * NR_HEADS)
    # aggregate (scatter_add)
    h_i_semantic = jax.ops.segment_sum(h_ij_semantic, idx_i, num_segments=n_atoms)
    # combinations + spatial attention (scatter mean)
    mix = layer_norm(jnp.tanh(h_ij_semantic @ params['W_xm']))
    combinations = mix[:, :, None] * dir_ij[:, None, :]
    counts = jax.ops.segment_sum(jnp.ones((n_edges,), dtype=h.dtype), idx_i, num_segments=n_atoms)
    safe_counts = jnp.maximum(counts, 1.0)
    comb_mean = jax.ops.segment_sum(combinations, idx_i, num_segments=n_atoms) / safe_counts[:, None, None]
    comb_norm_sq = jnp.sum(comb_mean ** 2, axis=-1)
    s_hidden = layer_norm(jax.nn.silu(comb_norm_sq @ params['W_pn1'] + params['b_pn1']))
    h_i_spatial = layer_norm(jax.nn.silu(s_hidden @ params['W_pn2'] + params['b_pn2']))
    # update_node (residual)
    node_in = jnp.concatenate([h, h_i_semantic, h_i_spatial], axis=-1)
    n_hidden = layer_norm(jax.nn.silu(node_in @ params['W_n1'] + params['b_n1']))
    h_updated = h + layer_norm(jax.nn.silu(n_hidden @ params['W_n2'] + params['b_n2']))
    # update_velocity
    v_ij = jnp.squeeze(jnp.swapaxes(combinations, -1, -2) @ params['W_vmix'], axis=-1)
    dv = jax.ops.segment_sum(v_ij, idx_i, num_segments=n_atoms) / safe_counts[:, None]
    vm_hidden = layer_norm(jax.nn.silu(h_updated @ params['W_vm1'] + params['b_vm1']))
    v_scale = 2.0 * jax.nn.sigmoid(vm_hidden @ params['W_vm2'])
    v_updated = v_scale * v + dv
    x_updated = x + v_updated
    return (h_updated, x_updated, v_updated)


def reference(h, x, v, pairlist, params):
    return _forward(h, x, v, params, pairlist)

if __name__ == "__main__":
    import jax
    _d = setup_inputs()
    print(jax.jit(kernel)(*tuple(_d.values())))

</pallas_src>

<mosaic_0001>
#map = affine_map<(d0, d1) -> (0, 0)>
module attributes {stable_mosaic.version = 14 : i64} {
  func.func @_sc_seg_payload(%arg0: i32, %arg1: i32, %arg2: memref<320000x96xf32, #tpu.memory_space<hbm>>, %arg3: memref<320000x96xf32, #tpu.memory_space<hbm>>, %arg4: memref<320000x96xf32, #tpu.memory_space<hbm>>, %arg5: memref<320000x96xf32, #tpu.memory_space<hbm>>, %arg6: memref<2500x128xi32, #tpu.memory_space<hbm>>, %arg7: memref<10000x96xf32, #tpu.memory_space<hbm>>, %arg8: memref<10000x96xf32, #tpu.memory_space<hbm>>, %arg9: memref<10000x96xf32, #tpu.memory_space<hbm>>, %arg10: memref<10000x96xf32, #tpu.memory_space<hbm>>, %arg11: memref<10000x96xf32, #tpu.memory_space<hbm>>, %arg12: memref<2x2x128xi32, #tpu.memory_space<vmem>>, %arg13: memref<2x256x96xf32, #tpu.memory_space<vmem>>, %arg14: memref<10000x96xf32, #tpu.memory_space<vmem_shared>>, %arg15: memref<!tpu.dma_semaphore, #tpu.memory_space<semaphore_mem>>, %arg16: memref<!tpu.dma_semaphore, #tpu.memory_space<semaphore_mem>>) attributes {dimension_semantics = [#tpu.dimension_semantics<core_parallel>, #tpu.dimension_semantics<subcore_parallel>], iteration_bounds = array<i64: 2, 16>, scalar_prefetch = 0 : i64, scratch_operands = 5 : i64, tpu.core_type = #tpu.core_type<sc_vector_subcore>, window_params = [{transform_indices = #map}, {transform_indices = #map}, {transform_indices = #map}, {transform_indices = #map}, {transform_indices = #map}, {transform_indices = #map}, {transform_indices = #map}, {transform_indices = #map}, {transform_indices = #map}, {transform_indices = #map}]} {
    %eq3A = arith.constant 0 : i32
    %eq3A_0 = arith.cmpi eq, %arg0, %eq3A : i32
    %lt3A = arith.constant 10 : i32
    %lt3A_1 = arith.cmpi slt, %arg1, %lt3A : i32
    %and3A = arith.andi %eq3A_0, %lt3A_1 : i1
    %convert_element_type3A = arith.extui %and3A : i1 to i32
    %cond3A = arith.constant 0 : i32
    %cond3A_2 = arith.cmpi ne, %convert_element_type3A, %cond3A : i32
    scf.if %cond3A_2 {
      %mul3A = arith.constant 1000 : i32
      %mul3A_144 = arith.muli %arg1, %mul3A : i32
      %mul3A_145 = arith.constant 1000 : i32
      %mul3A_146 = arith.muli %arg1, %mul3A_145 : i32
      "tpu.region"() ({
        %run_scoped3A = tpu.sem_alloc : memref<!tpu.dma_semaphore, #tpu.memory_space<semaphore_mem>>
        %dma_start3A = arith.constant 0 : i32
        %dma_start3A_147 = tpu.memref_slice %arg14[%mul3A_146, %dma_start3A] : memref<10000x96xf32, #tpu.memory_space<vmem_shared>> -> memref<1000x96xf32, #tpu.memory_space<vmem_shared>>
        %dma_start3A_148 = arith.constant 0 : i32
        %dma_start3A_149 = tpu.memref_slice %arg7[%mul3A_144, %dma_start3A_148] : memref<10000x96xf32, #tpu.memory_space<hbm>> -> memref<1000x96xf32, #tpu.memory_space<hbm>>
        tpu.enqueue_dma source(%dma_start3A_149 : memref<1000x96xf32, #tpu.memory_space<hbm>>) target(%dma_start3A_147 : memref<1000x96xf32, #tpu.memory_space<vmem_shared>>) target_semaphore(%run_scoped3A : memref<!tpu.dma_semaphore, #tpu.memory_space<semaphore_mem>>)
        %dma_wait3A = arith.constant 0 : i32
        %dma_wait3A_150 = tpu.memref_slice %arg14[%mul3A_146, %dma_wait3A] : memref<10000x96xf32, #tpu.memory_space<vmem_shared>> -> memref<1000x96xf32, #tpu.memory_space<vmem_shared>>
        %dma_wait3A_151 = arith.constant 0 : i32
        %dma_wait3A_152 = tpu.memref_slice %arg7[%mul3A_144, %dma_wait3A_151] : memref<10000x96xf32, #tpu.memory_space<hbm>> -> memref<1000x96xf32, #tpu.memory_space<hbm>>
        tpu.wait_dma2 semaphore(%run_scoped3A : memref<!tpu.dma_semaphore, #tpu.memory_space<semaphore_mem>>) src(%dma_wait3A_152 : memref<1000x96xf32, #tpu.memory_space<hbm>>) dst(%dma_wait3A_150 : memref<1000x96xf32, #tpu.memory_space<vmem_shared>>)
        tpu.yield
      }) : () -> ()
    } else {
    }
    %barrier3A = arith.constant 0 : index
    tpu.barrier barrier_id(%barrier3A)
    %add3A = arith.constant 0 : i32
    %add3A_3 = arith.addi %arg1, %add3A : i32
    %lt3A_4 = arith.constant 1250 : i32
    %lt3A_5 = arith.cmpi slt, %add3A_3, %lt3A_4 : i32
    %and3A_6 = arith.andi %eq3A_0, %lt3A_5 : i1
    %convert_element_type3A_7 = arith.extui %and3A_6 : i1 to i32
    %cond3A_8 = arith.constant 0 : i32
    %cond3A_9 = arith.cmpi ne, %convert_element_type3A_7, %cond3A_8 : i32
    scf.if %cond3A_9 {
      %mul3A = arith.constant 2 : i32
      %mul3A_144 = arith.muli %add3A_3, %mul3A : i32
      %dma_start3A = arith.constant 0 : i32
      %dma_start3A_145 = arith.constant 0 : i32
      %dma_start3A_146 = arith.constant 0 : i32
      %dma_start3A_147 = tpu.memref_slice %arg12[%dma_start3A, %dma_start3A_145, %dma_start3A_146] : memref<2x2x128xi32, #tpu.memory_space<vmem>> -> memref<1x2x128xi32, #tpu.memory_space<vmem>>
      %dma_start3A_148 = tpu.memref_squeeze %dma_start3A_147 : memref<1x2x128xi32, #tpu.memory_space<vmem>> -> memref<2x128xi32, #tpu.memory_space<vmem>>
      %dma_start3A_149 = arith.constant 0 : i32
      %dma_start3A_150 = tpu.memref_slice %arg6[%mul3A_144, %dma_start3A_149] : memref<2500x128xi32, #tpu.memory_space<hbm>> -> memref<2x128xi32, #tpu.memory_space<hbm>>
      %dma_start3A_151 = arith.constant 0 : i32
      %dma_start3A_152 = arith.constant 0 : i32
      %dma_start3A_153 = tpu.memref_slice %arg12[%dma_start3A, %dma_start3A_151, %dma_start3A_152] : memref<2x2x128xi32, #tpu.memory_space<vmem>> -> memref<1x2x128xi32, #tpu.memory_space<vmem>>
      %dma_start3A_154 = tpu.memref_squeeze %dma_start3A_153 : memref<1x2x128xi32, #tpu.memory_space<vmem>> -> memref<2x128xi32, #tpu.memory_space<vmem>>
      %dma_start3A_155 = arith.constant 0 : i32
      %dma_start3A_156 = tpu.memref_slice %arg6[%mul3A_144, %dma_start3A_155] : memref<2500x128xi32, #tpu.memory_space<hbm>> -> memref<2x128xi32, #tpu.memory_space<hbm>>
      tpu.enqueue_dma source(%dma_start3A_156 : memref<2x128xi32, #tpu.memory_space<hbm>>) target(%dma_start3A_154 : memref<2x128xi32, #tpu.memory_space<vmem>>) target_semaphore(%arg15 : memref<!tpu.dma_semaphore, #tpu.memory_space<semaphore_mem>>)
      %mul3A_157 = arith.constant 256 : i32
      %mul3A_158 = arith.muli %add3A_3, %mul3A_157 : i32
      %dma_start3A_159 = arith.constant 0 : i32
      %dma_start3A_160 = arith.constant 0 : i32
      %dma_start3A_161 = arith.constant 0 : i32
      %dma_start3A_162 = tpu.memref_slice %arg13[%dma_start3A_159, %dma_start3A_160, %dma_start3A_161] : memref<2x256x96xf32, #tpu.memory_space<vmem>> -> memref<1x256x96xf32, #tpu.memory_space<vmem>>
      %dma_start3A_163 = tpu.memref_squeeze %dma_start3A_162 : memref<1x256x96xf32, #tpu.memory_space<vmem>> -> memref<256x96xf32, #tpu.memory_space<vmem>>
      %dma_start3A_164 = arith.constant 0 : i32
      %dma_start3A_165 = tpu.memref_slice %arg2[%mul3A_158, %dma_start3A_164] : memref<320000x96xf32, #tpu.memory_space<hbm>> -> memref<256x96xf32, #tpu.memory_space<hbm>>
      %dma_start3A_166 = arith.constant 0 : i32
      %dma_start3A_167 = arith.constant 0 : i32
      %dma_start3A_168 = tpu.memref_slice %arg13[%dma_start3A_159, %dma_start3A_166, %dma_start3A_167] : memref<2x256x96xf32, #tpu.memory_space<vmem>> -> memref<1x256x96xf32, #tpu.memory_space<vmem>>
      %dma_start3A_169 = tpu.memref_squeeze %dma_start3A_168 : memref<1x256x96xf32, #tpu.memory_space<vmem>> -> memref<256x96xf32, #tpu.memory_space<vmem>>
      %dma_start3A_170 = arith.constant 0 : i32
      %dma_start3A_171 = tpu.memref_slice %arg2[%mul3A_158, %dma_start3A_170] : memref<320000x96xf32, #tpu.memory_space<hbm>> -> memref<256x96xf32, #tpu.memory_space<hbm>>
      tpu.enqueue_dma source(%dma_start3A_171 : memref<256x96xf32, #tpu.memory_space<hbm>>) target(%dma_start3A_169 : memref<256x96xf32, #tpu.memory_space<vmem>>) target_semaphore(%arg15 : memref<!tpu.dma_semaphore, #tpu.memory_space<semaphore_mem>>)
    } else {
    }
    %add3A_10 = arith.constant 16 : i32
    %add3A_11 = arith.addi %arg1, %add3A_10 : i32
    %lt3A_12 = arith.constant 1250 : i32
    %lt3A_13 = arith.cmpi slt, %add3A_11, %lt3A_12 : i32
    %and3A_14 = arith.andi %eq3A_0, %lt3A_13 : i1
    %convert_element_type3A_15 = arith.extui %and3A_14 : i1 to i32
    %cond3A_16 = arith.constant 0 : i32
    %cond3A_17 = arith.cmpi ne, %convert_element_type3A_15, %cond3A_16 : i32
    scf.if %cond3A_17 {
      %mul3A = arith.constant 2 : i32
      %mul3A_144 = arith.muli %add3A_11, %mul3A : i32
      %dma_start3A = arith.constant 1 : i32
      %dma_start3A_145 = arith.constant 0 : i32
      %dma_start3A_146 = arith.constant 0 : i32
      %dma_start3A_147 = tpu.memref_slice %arg12[%dma_start3A, %dma_start3A_145, %dma_start3A_146] : memref<2x2x128xi32, #tpu.memory_space<vmem>> -> memref<1x2x128xi32, #tpu.memory_space<vmem>>
      %dma_start3A_148 = tpu.memref_squeeze %dma_start3A_147 : memref<1x2x128xi32, #tpu.memory_space<vmem>> -> memref<2x128xi32, #tpu.memory_space<vmem>>
      %dma_start3A_149 = arith.constant 0 : i32
      %dma_start3A_150 = tpu.memref_slice %arg6[%mul3A_144, %dma_start3A_149] : memref<2500x128xi32, #tpu.memory_space<hbm>> -> memref<2x128xi32, #tpu.memory_space<hbm>>
      %dma_start3A_151 = arith.constant 0 : i32
      %dma_start3A_152 = arith.constant 0 : i32
      %dma_start3A_153 = tpu.memref_slice %arg12[%dma_start3A, %dma_start3A_151, %dma_start3A_152] : memref<2x2x128xi32, #tpu.memory_space<vmem>> -> memref<1x2x128xi32, #tpu.memory_space<vmem>>
      %dma_start3A_154 = tpu.memref_squeeze %dma_start3A_153 : memref<1x2x128xi32, #tpu.memory_space<vmem>> -> memref<2x128xi32, #tpu.memory_space<vmem>>
      %dma_start3A_155 = arith.constant 0 : i32
      %dma_start3A_156 = tpu.memref_slice %arg6[%mul3A_144, %dma_start3A_155] : memref<2500x128xi32, #tpu.memory_space<hbm>> -> memref<2x128xi32, #tpu.memory_space<hbm>>
      tpu.enqueue_dma source(%dma_start3A_156 : memref<2x128xi32, #tpu.memory_space<hbm>>) target(%dma_start3A_154 : memref<2x128xi32, #tpu.memory_space<vmem>>) target_semaphore(%arg16 : memref<!tpu.dma_semaphore, #tpu.memory_space<semaphore_mem>>)
      %mul3A_157 = arith.constant 256 : i32
      %mul3A_158 = arith.muli %add3A_11, %mul3A_157 : i32
      %dma_start3A_159 = arith.constant 1 : i32
      %dma_start3A_160 = arith.constant 0 : i32
      %dma_start3A_161 = arith.constant 0 : i32
      %dma_start3A_162 = tpu.memref_slice %arg13[%dma_start3A_159, %dma_start3A_160, %dma_start3A_161] : memref<2x256x96xf32, #tpu.memory_space<vmem>> -> memref<1x256x96xf32, #tpu.memory_space<vmem>>
      %dma_start3A_163 = tpu.memref_squeeze %dma_start3A_162 : memref<1x256x96xf32, #tpu.memory_space<vmem>> -> memref<256x96xf32, #tpu.memory_space<vmem>>
      %dma_start3A_164 = arith.constant 0 : i32
      %dma_start3A_165 = tpu.memref_slice %arg2[%mul3A_158, %dma_start3A_164] : memref<320000x96xf32, #tpu.memory_space<hbm>> -> memref<256x96xf32, #tpu.memory_space<hbm>>
      %dma_start3A_166 = arith.constant 0 : i32
      %dma_start3A_167 = arith.constant 0 : i32
      %dma_start3A_168 = tpu.memref_slice %arg13[%dma_start3A_159, %dma_start3A_166, %dma_start3A_167] : memref<2x256x96xf32, #tpu.memory_space<vmem>> -> memref<1x256x96xf32, #tpu.memory_space<vmem>>
      %dma_start3A_169 = tpu.memref_squeeze %dma_start3A_168 : memref<1x256x96xf32, #tpu.memory_space<vmem>> -> memref<256x96xf32, #tpu.memory_space<vmem>>
      %dma_start3A_170 = arith.constant 0 : i32
      %dma_start3A_171 = tpu.memref_slice %arg2[%mul3A_158, %dma_start3A_170] : memref<320000x96xf32, #tpu.memory_space<hbm>> -> memref<256x96xf32, #tpu.memory_space<hbm>>
      tpu.enqueue_dma source(%dma_start3A_171 : memref<256x96xf32, #tpu.memory_space<hbm>>) target(%dma_start3A_169 : memref<256x96xf32, #tpu.memory_space<vmem>>) target_semaphore(%arg16 : memref<!tpu.dma_semaphore, #tpu.memory_space<semaphore_mem>>)
    } else {
    }
    %scan3A = arith.constant 0 : i32
    %scan3A_18 = arith.constant 40 : i32
    %scan3A_19 = arith.addi %scan3A, %scan3A_18 : i32
    %scan3A_20 = arith.constant 1 : i32
    scf.for %scan3A_144 = %scan3A to %scan3A_19 step %scan3A_20  : i32 {
      %mul3A = arith.constant 1 : i32
      %mul3A_145 = arith.muli %scan3A_144, %mul3A : i32
      %add3A_146 = arith.constant 0 : i32
      %add3A_147 = arith.addi %add3A_146, %mul3A_145 : i32
      %mul3A_148 = arith.constant 2 : i32
      %mul3A_149 = arith.muli %mul3A_148, %add3A_147 : i32
      %mul3A_150 = arith.constant 16 : i32
      %mul3A_151 = arith.muli %mul3A_150, %mul3A_149 : i32
      %add3A_152 = arith.addi %arg1, %mul3A_151 : i32
      %lt3A_153 = arith.constant 1250 : i32
      %lt3A_154 = arith.cmpi slt, %add3A_152, %lt3A_153 : i32
      %and3A_155 = arith.andi %eq3A_0, %lt3A_154 : i1
      %convert_element_type3A_156 = arith.extui %and3A_155 : i1 to i32
      %cond3A_157 = arith.constant 0 : i32
      %cond3A_158 = arith.cmpi ne, %convert_element_type3A_156, %cond3A_157 : i32
      scf.if %cond3A_158 {
        %dma_wait3A = arith.constant 0 : i32
        %dma_wait3A_198 = arith.constant 0 : i32
        %dma_wait3A_199 = arith.constant 0 : i32
        %dma_wait3A_200 = tpu.memref_slice %arg12[%dma_wait3A, %dma_wait3A_198, %dma_wait3A_199] : memref<2x2x128xi32, #tpu.memory_space<vmem>> -> memref<1x2x128xi32, #tpu.memory_space<vmem>>
        %dma_wait3A_201 = tpu.memref_squeeze %dma_wait3A_200 : memref<1x2x128xi32, #tpu.memory_space<vmem>> -> memref<2x128xi32, #tpu.memory_space<vmem>>
        %dma_wait3A_202 = arith.constant 0 : i32
        %dma_wait3A_203 = arith.constant 0 : i32
        %dma_wait3A_204 = tpu.memref_slice %arg6[%dma_wait3A_202, %dma_wait3A_203] : memref<2500x128xi32, #tpu.memory_space<hbm>> -> memref<2x128xi32, #tpu.memory_space<hbm>>
        %dma_wait3A_205 = arith.constant 0 : i32
        %dma_wait3A_206 = arith.constant 0 : i32
        %dma_wait3A_207 = tpu.memref_slice %arg12[%dma_wait3A, %dma_wait3A_205, %dma_wait3A_206] : memref<2x2x128xi32, #tpu.memory_space<vmem>> -> memref<1x2x128xi32, #tpu.memory_space<vmem>>
        %dma_wait3A_208 = tpu.memref_squeeze %dma_wait3A_207 : memref<1x2x128xi32, #tpu.memory_space<vmem>> -> memref<2x128xi32, #tpu.memory_space<vmem>>
        %dma_wait3A_209 = arith.constant 0 : i32
        %dma_wait3A_210 = arith.constant 0 : i32
        %dma_wait3A_211 = tpu.memref_slice %arg6[%dma_wait3A_209, %dma_wait3A_210] : memref<2500x128xi32, #tpu.memory_space<hbm>> -> memref<2x128xi32, #tpu.memory_space<hbm>>
        tpu.wait_dma2 semaphore(%arg15 : memref<!tpu.dma_semaphore, #tpu.memory_space<semaphore_mem>>) src(%dma_wait3A_211 : memref<2x128xi32, #tpu.memory_space<hbm>>) dst(%dma_wait3A_208 : memref<2x128xi32, #tpu.memory_space<vmem>>)
        %dma_wait3A_212 = arith.constant 0 : i32
        %dma_wait3A_213 = arith.constant 0 : i32
        %dma_wait3A_214 = arith.constant 0 : i32
        %dma_wait3A_215 = tpu.memref_slice %arg13[%dma_wait3A_212, %dma_wait3A_213, %dma_wait3A_214] : memref<2x256x96xf32, #tpu.memory_space<vmem>> -> memref<1x256x96xf32, #tpu.memory_space<vmem>>
        %dma_wait3A_216 = tpu.memref_squeeze %dma_wait3A_215 : memref<1x256x96xf32, #tpu.memory_space<vmem>> -> memref<256x96xf32, #tpu.memory_space<vmem>>
        %dma_wait3A_217 = arith.constant 0 : i32
        %dma_wait3A_218 = arith.constant 0 : i32
        %dma_wait3A_219 = tpu.memref_slice %arg2[%dma_wait3A_217, %dma_wait3A_218] : memref<320000x96xf32, #tpu.memory_space<hbm>> -> memref<256x96xf32, #tpu.memory_space<hbm>>
        %dma_wait3A_220 = arith.constant 0 : i32
        %dma_wait3A_221 = arith.constant 0 : i32
        %dma_wait3A_222 = tpu.memref_slice %arg13[%dma_wait3A_212, %dma_wait3A_220, %dma_wait3A_221] : memref<2x256x96xf32, #tpu.memory_space<vmem>> -> memref<1x256x96xf32, #tpu.memory_space<vmem>>
        %dma_wait3A_223 = tpu.memref_squeeze %dma_wait3A_222 : memref<1x256x96xf32, #tpu.memory_space<vmem>> -> memref<256x96xf32, #tpu.memory_space<vmem>>
        %dma_wait3A_224 = arith.constant 0 : i32
        %dma_wait3A_225 = arith.constant 0 : i32
        %dma_wait3A_226 = tpu.memref_slice %arg2[%dma_wait3A_224, %dma_wait3A_225] : memref<320000x96xf32, #tpu.memory_space<hbm>> -> memref<256x96xf32, #tpu.memory_space<hbm>>
        tpu.wait_dma2 semaphore(%arg15 : memref<!tpu.dma_semaphore, #tpu.memory_space<semaphore_mem>>) src(%dma_wait3A_226 : memref<256x96xf32, #tpu.memory_space<hbm>>) dst(%dma_wait3A_223 : memref<256x96xf32, #tpu.memory_space<vmem>>)
        %run_scoped3A = arith.constant 0 : i32
        %run_scoped3A_227 = arith.constant 0 : i32
        %run_scoped3A_228 = arith.constant 0 : i32
        "tpu.region"() ({
          %run_scoped3A_232 = tpu.sem_alloc : memref<!tpu.dma_semaphore, #tpu.memory_space<semaphore_mem>>
          %dma_start3A = arith.constant 0 : i32
          %dma_start3A_233 = arith.constant 0 : i32
          %dma_start3A_234 = tpu.memref_slice %arg13[%run_scoped3A, %dma_start3A, %dma_start3A_233] : memref<2x256x96xf32, #tpu.memory_space<vmem>> -> memref<1x128x96xf32, #tpu.memory_space<vmem>>
          %dma_start3A_235 = tpu.memref_squeeze %dma_start3A_234 : memref<1x128x96xf32, #tpu.memory_space<vmem>> -> memref<128x96xf32, #tpu.memory_space<vmem>>
          %dma_start3A_236 = arith.constant 0 : i32
          %dma_start3A_237 = tpu.memref_slice %arg12[%run_scoped3A_227, %run_scoped3A_228, %dma_start3A_236] : memref<2x2x128xi32, #tpu.memory_space<vmem>> -> memref<1x1x128xi32, #tpu.memory_space<vmem>>
          %dma_start3A_238 = tpu.memref_squeeze %dma_start3A_237 : memref<1x1x128xi32, #tpu.memory_space<vmem>> -> memref<128xi32, #tpu.memory_space<vmem>>
          %dma_start3A_239 = arith.constant 0 : i32
          %dma_start3A_240 = arith.constant 0 : i32
          %dma_start3A_241 = tpu.memref_slice %arg14[%dma_start3A_239, %dma_start3A_240] : memref<10000x96xf32, #tpu.memory_space<vmem_shared>> -> memref<10000x96xf32, #tpu.memory_space<vmem_shared>>
          tpu.enqueue_indirect_dma source(%dma_start3A_235 : memref<128x96xf32, #tpu.memory_space<vmem>>) target(%dma_start3A_241 : memref<10000x96xf32, #tpu.memory_space<vmem_shared>>) offsets(%dma_start3A_238 : memref<128xi32, #tpu.memory_space<vmem>>) semaphore(%run_scoped3A_232 : memref<!tpu.dma_semaphore, #tpu.memory_space<semaphore_mem>>) {add = true}
          %dma_wait3A_242 = arith.constant 0 : i32
          %dma_wait3A_243 = arith.constant 0 : i32
          %dma_wait3A_244 = tpu.memref_slice %arg13[%run_scoped3A, %dma_wait3A_242, %dma_wait3A_243] : memref<2x256x96xf32, #tpu.memory_space<vmem>> -> memref<1x128x96xf32, #tpu.memory_space<vmem>>
          %dma_wait3A_245 = tpu.memref_squeeze %dma_wait3A_244 : memref<1x128x96xf32, #tpu.memory_space<vmem>> -> memref<128x96xf32, #tpu.memory_space<vmem>>
          %dma_wait3A_246 = arith.constant 0 : i32
          %dma_wait3A_247 = tpu.memref_slice %arg12[%run_scoped3A_227, %run_scoped3A_228, %dma_wait3A_246] : memref<2x2x128xi32, #tpu.memory_space<vmem>> -> memref<1x1x128xi32, #tpu.memory_space<vmem>>
          %dma_wait3A_248 = tpu.memref_squeeze %dma_wait3A_247 : memref<1x1x128xi32, #tpu.memory_space<vmem>> -> memref<128xi32, #tpu.memory_space<vmem>>
          %dma_wait3A_249 = arith.constant 0 : i32
          %dma_wait3A_250 = arith.constant 0 : i32
          %dma_wait3A_251 = tpu.memref_slice %arg14[%dma_wait3A_249, %dma_wait3A_250] : memref<10000x96xf32, #tpu.memory_space<vmem_shared>> -> memref<10000x96xf32, #tpu.memory_space<vmem_shared>>
          tpu.wait_indirect_dma semaphore(%run_scoped3A_232 : memref<!tpu.dma_semaphore, #tpu.memory_space<semaphore_mem>>) src(%dma_wait3A_245 : memref<128x96xf32, #tpu.memory_space<vmem>>) dst(%dma_wait3A_251 : memref<10000x96xf32, #tpu.memory_space<vmem_shared>>)
          tpu.yield
        }) : () -> ()
        %run_scoped3A_229 = arith.constant 0 : i32
        %run_scoped3A_230 = arith.constant 0 : i32
        %run_scoped3A_231 = arith.constant 1 : i32
        "tpu.region"() ({
          %run_scoped3A_232 = tpu.sem_alloc : memref<!tpu.dma_semaphore, #tpu.memory_space<semaphore_mem>>
          %dma_start3A = arith.constant 128 : i32
          %dma_start3A_233 = arith.constant 0 : i32
          %dma_start3A_234 = tpu.memref_slice %arg13[%run_scoped3A_229, %dma_start3A, %dma_start3A_233] : memref<2x256x96xf32, #tpu.memory_space<vmem>> -> memref<1x128x96xf32, #tpu.memory_space<vmem>>
          %dma_start3A_235 = tpu.memref_squeeze %dma_start3A_234 : memref<1x128x96xf32, #tpu.memory_space<vmem>> -> memref<128x96xf32, #tpu.memory_space<vmem>>
          %dma_start3A_236 = arith.constant 0 : i32
          %dma_start3A_237 = tpu.memref_slice %arg12[%run_scoped3A_230, %run_scoped3A_231, %dma_start3A_236] : memref<2x2x128xi32, #tpu.memory_space<vmem>> -> memref<1x1x128xi32, #tpu.memory_space<vmem>>
          %dma_start3A_238 = tpu.memref_squeeze %dma_start3A_237 : memref<1x1x128xi32, #tpu.memory_space<vmem>> -> memref<128xi32, #tpu.memory_space<vmem>>
          %dma_start3A_239 = arith.constant 0 : i32
          %dma_start3A_240 = arith.constant 0 : i32
          %dma_start3A_241 = tpu.memref_slice %arg14[%dma_start3A_239, %dma_start3A_240] : memref<10000x96xf32, #tpu.memory_space<vmem_shared>> -> memref<10000x96xf32, #tpu.memory_space<vmem_shared>>
          tpu.enqueue_indirect_dma source(%dma_start3A_235 : memref<128x96xf32, #tpu.memory_space<vmem>>) target(%dma_start3A_241 : memref<10000x96xf32, #tpu.memory_space<vmem_shared>>) offsets(%dma_start3A_238 : memref<128xi32, #tpu.memory_space<vmem>>) semaphore(%run_scoped3A_232 : memref<!tpu.dma_semaphore, #tpu.memory_space<semaphore_mem>>) {add = true}
          %dma_wait3A_242 = arith.constant 128 : i32
          %dma_wait3A_243 = arith.constant 0 : i32
          %dma_wait3A_244 = tpu.memref_slice %arg13[%run_scoped3A_229, %dma_wait3A_242, %dma_wait3A_243] : memref<2x256x96xf32, #tpu.memory_space<vmem>> -> memref<1x128x96xf32, #tpu.memory_space<vmem>>
          %dma_wait3A_245 = tpu.memref_squeeze %dma_wait3A_244 : memref<1x128x96xf32, #tpu.memory_space<vmem>> -> memref<128x96xf32, #tpu.memory_space<vmem>>
          %dma_wait3A_246 = arith.constant 0 : i32
          %dma_wait3A_247 = tpu.memref_slice %arg12[%run_scoped3A_230, %run_scoped3A_231, %dma_wait3A_246] : memref<2x2x128xi32, #tpu.memory_space<vmem>> -> memref<1x1x128xi32, #tpu.memory_space<vmem>>
          %dma_wait3A_248 = tpu.memref_squeeze %dma_wait3A_247 : memref<1x1x128xi32, #tpu.memory_space<vmem>> -> memref<128xi32, #tpu.memory_space<vmem>>
          %dma_wait3A_249 = arith.constant 0 : i32
          %dma_wait3A_250 = arith.constant 0 : i32
          %dma_wait3A_251 = tpu.memref_slice %arg14[%dma_wait3A_249, %dma_wait3A_250] : memref<10000x96xf32, #tpu.memory_space<vmem_shared>> -> memref<10000x96xf32, #tpu.memory_space<vmem_shared>>
          tpu.wait_indirect_dma semaphore(%run_scoped3A_232 : memref<!tpu.dma_semaphore, #tpu.memory_space<semaphore_mem>>) src(%dma_wait3A_245 : memref<128x96xf32, #tpu.memory_space<vmem>>) dst(%dma_wait3A_251 : memref<10000x96xf32, #tpu.memory_space<vmem_shared>>)
          tpu.yield
        }) : () -> ()
      } else {
      }
      %mul3A_159 = arith.constant 2 : i32
      %mul3A_160 = arith.muli %mul3A_159, %add3A_147 : i32
      %add3A_161 = arith.constant 2 : i32
      %add3A_162 = arith.addi %mul3A_160, %add3A_161 : i32
      %mul3A_163 = arith.constant 16 : i32
      %mul3A_164 = arith.muli %mul3A_163, %add3A_162 : i32
      %add3A_165 = arith.addi %arg1, %mul3A_164 : i32
      %lt3A_166 = arith.constant 1250 : i32
      %lt3A_167 = arith.cmpi slt, %add3A_165, %lt3A_166 : i32
      %and3A_168 = arith.andi %eq3A_0, %lt3A_167 : i1
      %convert_element_type3A_169 = arith.extui %and3A_168 : i1 to i32
      %cond3A_170 = arith.constant 0 : i32
      %cond3A_171 = arith.cmpi ne, %convert_element_type3A_169, %cond3A_170 : i32
      scf.if %cond3A_171 {
        %mul3A_198 = arith.constant 2 : i32
        %mul3A_199 = arith.muli %add3A_165, %mul3A_198 : i32
        %dma_start3A = arith.constant 0 : i32
        %dma_start3A_200 = arith.constant 0 : i32
        %dma_start3A_201 = arith.constant 0 : i32
        %dma_start3A_202 = tpu.memref_slice %arg12[%dma_start3A, %dma_start3A_200, %dma_start3A_201] : memref<2x2x128xi32, #tpu.memory_space<vmem>> -> memref<1x2x128xi32, #tpu.memory_space<vmem>>
        %dma_start3A_203 = tpu.memref_squeeze %dma_start3A_202 : memref<1x2x128xi32, #tpu.memory_space<vmem>> -> memref<2x128xi32, #tpu.memory_space<vmem>>
        %dma_start3A_204 = arith.constant 0 : i32
        %dma_start3A_205 = tpu.memref_slice %arg6[%mul3A_199, %dma_start3A_204] : memref<2500x128xi32, #tpu.memory_space<hbm>> -> memref<2x128xi32, #tpu.memory_space<hbm>>
        %dma_start3A_206 = arith.constant 0 : i32
        %dma_start3A_207 = arith.constant 0 : i32
        %dma_start3A_208 = tpu.memref_slice %arg12[%dma_start3A, %dma_start3A_206, %dma_start3A_207] : memref<2x2x128xi32, #tpu.memory_space<vmem>> -> memref<1x2x128xi32, #tpu.memory_space<vmem>>
        %dma_start3A_209 = tpu.memref_squeeze %dma_start3A_208 : memref<1x2x128xi32, #tpu.memory_space<vmem>> -> memref<2x128xi32, #tpu.memory_space<vmem>>
        %dma_start3A_210 = arith.constant 0 : i32
        %dma_start3A_211 = tpu.memref_slice %arg6[%mul3A_199, %dma_start3A_210] : memref<2500x128xi32, #tpu.memory_space<hbm>> -> memref<2x128xi32, #tpu.memory_space<hbm>>
        tpu.enqueue_dma source(%dma_start3A_211 : memref<2x128xi32, #tpu.memory_space<hbm>>) target(%dma_start3A_209 : memref<2x128xi32, #tpu.memory_space<vmem>>) target_semaphore(%arg15 : memref<!tpu.dma_semaphore, #tpu.memory_space<semaphore_mem>>)
        %mul3A_212 = arith.constant 256 : i32
        %mul3A_213 = arith.muli %add3A_165, %mul3A_212 : i32
        %dma_start3A_214 = arith.constant 0 : i32
        %dma_start3A_215 = arith.constant 0 : i32
        %dma_start3A_216 = arith.constant 0 : i32
        %dma_start3A_217 = tpu.memref_slice %arg13[%dma_start3A_214, %dma_start3A_215, %dma_start3A_216] : memref<2x256x96xf32, #tpu.memory_space<vmem>> -> memref<1x256x96xf32, #tpu.memory_space<vmem>>
        %dma_start3A_218 = tpu.memref_squeeze %dma_start3A_217 : memref<1x256x96xf32, #tpu.memory_space<vmem>> -> memref<256x96xf32, #tpu.memory_space<vmem>>
        %dma_start3A_219 = arith.constant 0 : i32
        %dma_start3A_220 = tpu.memref_slice %arg2[%mul3A_213, %dma_start3A_219] : memref<320000x96xf32, #tpu.memory_space<hbm>> -> memref<256x96xf32, #tpu.memory_space<hbm>>
        %dma_start3A_221 = arith.constant 0 : i32
        %dma_start3A_222 = arith.constant 0 : i32
        %dma_start3A_223 = tpu.memref_slice %arg13[%dma_start3A_214, %dma_start3A_221, %dma_start3A_222] : memref<2x256x96xf32, #tpu.memory_space<vmem>> -> memref<1x256x96xf32, #tpu.memory_space<vmem>>
        %dma_start3A_224 = tpu.memref_squeeze %dma_start3A_223 : memref<1x256x96xf32, #tpu.memory_space<vmem>> -> memref<256x96xf32, #tpu.memory_space<vmem>>
        %dma_start3A_225 = arith.constant 0 : i32
        %dma_start3A_226 = tpu.memref_slice %arg2[%mul3A_213, %dma_start3A_225] : memref<320000x96xf32, #tpu.memory_space<hbm>> -> memref<256x96xf32, #tpu.memory_space<hbm>>
        tpu.enqueue_dma source(%dma_start3A_226 : memref<256x96xf32, #tpu.memory_space<hbm>>) target(%dma_start3A_224 : memref<256x96xf32, #tpu.memory_space<vmem>>) target_semaphore(%arg15 : memref<!tpu.dma_semaphore, #tpu.memory_space<semaphore_mem>>)
      } else {
      }
      %mul3A_172 = arith.constant 2 : i32
      %mul3A_173 = arith.muli %mul3A_172, %add3A_147 : i32
      %add3A_174 = arith.constant 1 : i32
      %add3A_175 = arith.addi %mul3A_173, %add3A_174 : i32
      %mul3A_176 = arith.constant 16 : i32
      %mul3A_177 = arith.muli %mul3A_176, %add3A_175 : i32
      %add3A_178 = arith.addi %arg1, %mul3A_177 : i32
      %lt3A_179 = arith.constant 1250 : i32
      %lt3A_180 = arith.cmpi slt, %add3A_178, %lt3A_179 : i32
      %and3A_181 = arith.andi %eq3A_0, %lt3A_180 : i1
      %convert_element_type3A_182 = arith.extui %and3A_181 : i1 to i32
      %cond3A_183 = arith.constant 0 : i32
      %cond3A_184 = arith.cmpi ne, %convert_element_type3A_182, %cond3A_183 : i32
      scf.if %cond3A_184 {
        %dma_wait3A = arith.constant 1 : i32
        %dma_wait3A_198 = arith.constant 0 : i32
        %dma_wait3A_199 = arith.constant 0 : i32
        %dma_wait3A_200 = tpu.memref_slice %arg12[%dma_wait3A, %dma_wait3A_198, %dma_wait3A_199] : memref<2x2x128xi32, #tpu.memory_space<vmem>> -> memref<1x2x128xi32, #tpu.memory_space<vmem>>
        %dma_wait3A_201 = tpu.memref_squeeze %dma_wait3A_200 : memref<1x2x128xi32, #tpu.memory_space<vmem>> -> memref<2x128xi32, #tpu.memory_space<vmem>>
        %dma_wait3A_202 = arith.constant 0 : i32
        %dma_wait3A_203 = arith.constant 0 : i32
        %dma_wait3A_204 = tpu.memref_slice %arg6[%dma_wait3A_202, %dma_wait3A_203] : memref<2500x128xi32, #tpu.memory_space<hbm>> -> memref<2x128xi32, #tpu.memory_space<hbm>>
        %dma_wait3A_205 = arith.constant 0 : i32
        %dma_wait3A_206 = arith.constant 0 : i32
        %dma_wait3A_207 = tpu.memref_slice %arg12[%dma_wait3A, %dma_wait3A_205, %dma_wait3A_206] : memref<2x2x128xi32, #tpu.memory_space<vmem>> -> memref<1x2x128xi32, #tpu.memory_space<vmem>>
        %dma_wait3A_208 = tpu.memref_squeeze %dma_wait3A_207 : memref<1x2x128xi32, #tpu.memory_space<vmem>> -> memref<2x128xi32, #tpu.memory_space<vmem>>
        %dma_wait3A_209 = arith.constant 0 : i32
        %dma_wait3A_210 = arith.constant 0 : i32
        %dma_wait3A_211 = tpu.memref_slice %arg6[%dma_wait3A_209, %dma_wait3A_210] : memref<2500x128xi32, #tpu.memory_space<hbm>> -> memref<2x128xi32, #tpu.memory_space<hbm>>
        tpu.wait_dma2 semaphore(%arg16 : memref<!tpu.dma_semaphore, #tpu.memory_space<semaphore_mem>>) src(%dma_wait3A_211 : memref<2x128xi32, #tpu.memory_space<hbm>>) dst(%dma_wait3A_208 : memref<2x128xi32, #tpu.memory_space<vmem>>)
        %dma_wait3A_212 = arith.constant 1 : i32
        %dma_wait3A_213 = arith.constant 0 : i32
        %dma_wait3A_214 = arith.constant 0 : i32
        %dma_wait3A_215 = tpu.memref_slice %arg13[%dma_wait3A_212, %dma_wait3A_213, %dma_wait3A_214] : memref<2x256x96xf32, #tpu.memory_space<vmem>> -> memref<1x256x96xf32, #tpu.memory_space<vmem>>
        %dma_wait3A_216 = tpu.memref_squeeze %dma_wait3A_215 : memref<1x256x96xf32, #tpu.memory_space<vmem>> -> memref<256x96xf32, #tpu.memory_space<vmem>>
        %dma_wait3A_217 = arith.constant 0 : i32
        %dma_wait3A_218 = arith.constant 0 : i32
        %dma_wait3A_219 = tpu.memref_slice %arg2[%dma_wait3A_217, %dma_wait3A_218] : memref<320000x96xf32, #tpu.memory_space<hbm>> -> memref<256x96xf32, #tpu.memory_space<hbm>>
        %dma_wait3A_220 = arith.constant 0 : i32
        %dma_wait3A_221 = arith.constant 0 : i32
        %dma_wait3A_222 = tpu.memref_slice %arg13[%dma_wait3A_212, %dma_wait3A_220, %dma_wait3A_221] : memref<2x256x96xf32, #tpu.memory_space<vmem>> -> memref<1x256x96xf32, #tpu.memory_space<vmem>>
        %dma_wait3A_223 = tpu.memref_squeeze %dma_wait3A_222 : memref<1x256x96xf32, #tpu.memory_space<vmem>> -> memref<256x96xf32, #tpu.memory_space<vmem>>
        %dma_wait3A_224 = arith.constant 0 : i32
        %dma_wait3A_225 = arith.constant 0 : i32
        %dma_wait3A_226 = tpu.memref_slice %arg2[%dma_wait3A_224, %dma_wait3A_225] : memref<320000x96xf32, #tpu.memory_space<hbm>> -> memref<256x96xf32, #tpu.memory_space<hbm>>
        tpu.wait_dma2 semaphore(%arg16 : memref<!tpu.dma_semaphore, #tpu.memory_space<semaphore_mem>>) src(%dma_wait3A_226 : memref<256x96xf32, #tpu.memory_space<hbm>>) dst(%dma_wait3A_223 : memref<256x96xf32, #tpu.memory_space<vmem>>)
        %run_scoped3A = arith.constant 1 : i32
        %run_scoped3A_227 = arith.constant 1 : i32
        %run_scoped3A_228 = arith.constant 0 : i32
        "tpu.region"() ({
          %run_scoped3A_232 = tpu.sem_alloc : memref<!tpu.dma_semaphore, #tpu.memory_space<semaphore_mem>>
          %dma_start3A = arith.constant 0 : i32
          %dma_start3A_233 = arith.constant 0 : i32
          %dma_start3A_234 = tpu.memref_slice %arg13[%run_scoped3A, %dma_start3A, %dma_start3A_233] : memref<2x256x96xf32, #tpu.memory_space<vmem>> -> memref<1x128x96xf32, #tpu.memory_space<vmem>>
          %dma_start3A_235 = tpu.memref_squeeze %dma_start3A_234 : memref<1x128x96xf32, #tpu.memory_space<vmem>> -> memref<128x96xf32, #tpu.memory_space<vmem>>
          %dma_start3A_236 = arith.constant 0 : i32
          %dma_start3A_237 = tpu.memref_slice %arg12[%run_scoped3A_227, %run_scoped3A_228, %dma_start3A_236] : memref<2x2x128xi32, #tpu.memory_space<vmem>> -> memref<1x1x128xi32, #tpu.memory_space<vmem>>
          %dma_start3A_238 = tpu.memref_squeeze %dma_start3A_237 : memref<1x1x128xi32, #tpu.memory_space<vmem>> -> memref<128xi32, #tpu.memory_space<vmem>>
          %dma_start3A_239 = arith.constant 0 : i32
          %dma_start3A_240 = arith.constant 0 : i32
          %dma_start3A_241 = tpu.memref_slice %arg14[%dma_start3A_239, %dma_start3A_240] : memref<10000x96xf32, #tpu.memory_space<vmem_shared>> -> memref<10000x96xf32, #tpu.memory_space<vmem_shared>>
          tpu.enqueue_indirect_dma source(%dma_start3A_235 : memref<128x96xf32, #tpu.memory_space<vmem>>) target(%dma_start3A_241 : memref<10000x96xf32, #tpu.memory_space<vmem_shared>>) offsets(%dma_start3A_238 : memref<128xi32, #tpu.memory_space<vmem>>) semaphore(%run_scoped3A_232 : memref<!tpu.dma_semaphore, #tpu.memory_space<semaphore_mem>>) {add = true}
          %dma_wait3A_242 = arith.constant 0 : i32
          %dma_wait3A_243 = arith.constant 0 : i32
          %dma_wait3A_244 = tpu.memref_slice %arg13[%run_scoped3A, %dma_wait3A_242, %dma_wait3A_243] : memref<2x256x96xf32, #tpu.memory_space<vmem>> -> memref<1x128x96xf32, #tpu.memory_space<vmem>>
          %dma_wait3A_245 = tpu.memref_squeeze %dma_wait3A_244 : memref<1x128x96xf32, #tpu.memory_space<vmem>> -> memref<128x96xf32, #tpu.memory_space<vmem>>
          %dma_wait3A_246 = arith.constant 0 : i32
          %dma_wait3A_247 = tpu.memref_slice %arg12[%run_scoped3A_227, %run_scoped3A_228, %dma_wait3A_246] : memref<2x2x128xi32, #tpu.memory_space<vmem>> -> memref<1x1x128xi32, #tpu.memory_space<vmem>>
          %dma_wait3A_248 = tpu.memref_squeeze %dma_wait3A_247 : memref<1x1x128xi32, #tpu.memory_space<vmem>> -> memref<128xi32, #tpu.memory_space<vmem>>
          %dma_wait3A_249 = arith.constant 0 : i32
          %dma_wait3A_250 = arith.constant 0 : i32
          %dma_wait3A_251 = tpu.memref_slice %arg14[%dma_wait3A_249, %dma_wait3A_250] : memref<10000x96xf32, #tpu.memory_space<vmem_shared>> -> memref<10000x96xf32, #tpu.memory_space<vmem_shared>>
          tpu.wait_indirect_dma semaphore(%run_scoped3A_232 : memref<!tpu.dma_semaphore, #tpu.memory_space<semaphore_mem>>) src(%dma_wait3A_245 : memref<128x96xf32, #tpu.memory_space<vmem>>) dst(%dma_wait3A_251 : memref<10000x96xf32, #tpu.memory_space<vmem_shared>>)
          tpu.yield
        }) : () -> ()
        %run_scoped3A_229 = arith.constant 1 : i32
        %run_scoped3A_230 = arith.constant 1 : i32
        %run_scoped3A_231 = arith.constant 1 : i32
        "tpu.region"() ({
          %run_scoped3A_232 = tpu.sem_alloc : memref<!tpu.dma_semaphore, #tpu.memory_space<semaphore_mem>>
          %dma_start3A = arith.constant 128 : i32
          %dma_start3A_233 = arith.constant 0 : i32
          %dma_start3A_234 = tpu.memref_slice %arg13[%run_scoped3A_229, %dma_start3A, %dma_start3A_233] : memref<2x256x96xf32, #tpu.memory_space<vmem>> -> memref<1x128x96xf32, #tpu.memory_space<vmem>>
          %dma_start3A_235 = tpu.memref_squeeze %dma_start3A_234 : memref<1x128x96xf32, #tpu.memory_space<vmem>> -> memref<128x96xf32, #tpu.memory_space<vmem>>
          %dma_start3A_236 = arith.constant 0 : i32
          %dma_start3A_237 = tpu.memref_slice %arg12[%run_scoped3A_230, %run_scoped3A_231, %dma_start3A_236] : memref<2x2x128xi32, #tpu.memory_space<vmem>> -> memref<1x1x128xi32, #tpu.memory_space<vmem>>
          %dma_start3A_238 = tpu.memref_squeeze %dma_start3A_237 : memref<1x1x128xi32, #tpu.memory_space<vmem>> -> memref<128xi32, #tpu.memory_space<vmem>>
          %dma_start3A_239 = arith.constant 0 : i32
          %dma_start3A_240 = arith.constant 0 : i32
          %dma_start3A_241 = tpu.memref_slice %arg14[%dma_start3A_239, %dma_start3A_240] : memref<10000x96xf32, #tpu.memory_space<vmem_shared>> -> memref<10000x96xf32, #tpu.memory_space<vmem_shared>>
          tpu.enqueue_indirect_dma source(%dma_start3A_235 : memref<128x96xf32, #tpu.memory_space<vmem>>) target(%dma_start3A_241 : memref<10000x96xf32, #tpu.memory_space<vmem_shared>>) offsets(%dma_start3A_238 : memref<128xi32, #tpu.memory_space<vmem>>) semaphore(%run_scoped3A_232 : memref<!tpu.dma_semaphore, #tpu.memory_space<semaphore_mem>>) {add = true}
          %dma_wait3A_242 = arith.constant 128 : i32
          %dma_wait3A_243 = arith.constant 0 : i32
          %dma_wait3A_244 = tpu.memref_slice %arg13[%run_scoped3A_229, %dma_wait3A_242, %dma_wait3A_243] : memref<2x256x96xf32, #tpu.memory_space<vmem>> -> memref<1x128x96xf32, #tpu.memory_space<vmem>>
          %dma_wait3A_245 = tpu.memref_squeeze %dma_wait3A_244 : memref<1x128x96xf32, #tpu.memory_space<vmem>> -> memref<128x96xf32, #tpu.memory_space<vmem>>
          %dma_wait3A_246 = arith.constant 0 : i32
          %dma_wait3A_247 = tpu.memref_slice %arg12[%run_scoped3A_230, %run_scoped3A_231, %dma_wait3A_246] : memref<2x2x128xi32, #tpu.memory_space<vmem>> -> memref<1x1x128xi32, #tpu.memory_space<vmem>>
          %dma_wait3A_248 = tpu.memref_squeeze %dma_wait3A_247 : memref<1x1x128xi32, #tpu.memory_space<vmem>> -> memref<128xi32, #tpu.memory_space<vmem>>
          %dma_wait3A_249 = arith.constant 0 : i32
          %dma_wait3A_250 = arith.constant 0 : i32
          %dma_wait3A_251 = tpu.memref_slice %arg14[%dma_wait3A_249, %dma_wait3A_250] : memref<10000x96xf32, #tpu.memory_space<vmem_shared>> -> memref<10000x96xf32, #tpu.memory_space<vmem_shared>>
          tpu.wait_indirect_dma semaphore(%run_scoped3A_232 : memref<!tpu.dma_semaphore, #tpu.memory_space<semaphore_mem>>) src(%dma_wait3A_245 : memref<128x96xf32, #tpu.memory_space<vmem>>) dst(%dma_wait3A_251 : memref<10000x96xf32, #tpu.memory_space<vmem_shared>>)
          tpu.yield
        }) : () -> ()
      } else {
      }
      %mul3A_185 = arith.constant 2 : i32
      %mul3A_186 = arith.muli %mul3A_185, %add3A_147 : i32
      %add3A_187 = arith.constant 3 : i32
      %add3A_188 = arith.addi %mul3A_186, %add3A_187 : i32
      %mul3A_189 = arith.constant 16 : i32
      %mul3A_190 = arith.muli %mul3A_189, %add3A_188 : i32
      %add3A_191 = arith.addi %arg1, %mul3A_190 : i32
      %lt3A_192 = arith.constant 1250 : i32
      %lt3A_193 = arith.cmpi slt, %add3A_191, %lt3A_192 : i32
      %and3A_194 = arith.andi %eq3A_0, %lt3A_193 : i1
      %convert_element_type3A_195 = arith.extui %and3A_194 : i1 to i32
      %cond3A_196 = arith.constant 0 : i32
      %cond3A_197 = arith.cmpi ne, %convert_element_type3A_195, %cond3A_196 : i32
      scf.if %cond3A_197 {
        %mul3A_198 = arith.constant 2 : i32
        %mul3A_199 = arith.muli %add3A_191, %mul3A_198 : i32
        %dma_start3A = arith.constant 1 : i32
        %dma_start3A_200 = arith.constant 0 : i32
        %dma_start3A_201 = arith.constant 0 : i32
        %dma_start3A_202 = tpu.memref_slice %arg12[%dma_start3A, %dma_start3A_200, %dma_start3A_201] : memref<2x2x128xi32, #tpu.memory_space<vmem>> -> memref<1x2x128xi32, #tpu.memory_space<vmem>>
        %dma_start3A_203 = tpu.memref_squeeze %dma_start3A_202 : memref<1x2x128xi32, #tpu.memory_space<vmem>> -> memref<2x128xi32, #tpu.memory_space<vmem>>
        %dma_start3A_204 = arith.constant 0 : i32
        %dma_start3A_205 = tpu.memref_slice %arg6[%mul3A_199, %dma_start3A_204] : memref<2500x128xi32, #tpu.memory_space<hbm>> -> memref<2x128xi32, #tpu.memory_space<hbm>>
        %dma_start3A_206 = arith.constant 0 : i32
        %dma_start3A_207 = arith.constant 0 : i32
        %dma_start3A_208 = tpu.memref_slice %arg12[%dma_start3A, %dma_start3A_206, %dma_start3A_207] : memref<2x2x128xi32, #tpu.memory_space<vmem>> -> memref<1x2x128xi32, #tpu.memory_space<vmem>>
        %dma_start3A_209 = tpu.memref_squeeze %dma_start3A_208 : memref<1x2x128xi32, #tpu.memory_space<vmem>> -> memref<2x128xi32, #tpu.memory_space<vmem>>
        %dma_start3A_210 = arith.constant 0 : i32
        %dma_start3A_211 = tpu.memref_slice %arg6[%mul3A_199, %dma_start3A_210] : memref<2500x128xi32, #tpu.memory_space<hbm>> -> memref<2x128xi32, #tpu.memory_space<hbm>>
        tpu.enqueue_dma source(%dma_start3A_211 : memref<2x128xi32, #tpu.memory_space<hbm>>) target(%dma_start3A_209 : memref<2x128xi32, #tpu.memory_space<vmem>>) target_semaphore(%arg16 : memref<!tpu.dma_semaphore, #tpu.memory_space<semaphore_mem>>)
        %mul3A_212 = arith.constant 256 : i32
        %mul3A_213 = arith.muli %add3A_191, %mul3A_212 : i32
        %dma_start3A_214 = arith.constant 1 : i32
        %dma_start3A_215 = arith.constant 0 : i32
        %dma_start3A_216 = arith.constant 0 : i32
        %dma_start3A_217 = tpu.memref_slice %arg13[%dma_start3A_214, %dma_start3A_215, %dma_start3A_216] : memref<2x256x96xf32, #tpu.memory_space<vmem>> -> memref<1x256x96xf32, #tpu.memory_space<vmem>>
        %dma_start3A_218 = tpu.memref_squeeze %dma_start3A_217 : memref<1x256x96xf32, #tpu.memory_space<vmem>> -> memref<256x96xf32, #tpu.memory_space<vmem>>
        %dma_start3A_219 = arith.constant 0 : i32
        %dma_start3A_220 = tpu.memref_slice %arg2[%mul3A_213, %dma_start3A_219] : memref<320000x96xf32, #tpu.memory_space<hbm>> -> memref<256x96xf32, #tpu.memory_space<hbm>>
        %dma_start3A_221 = arith.constant 0 : i32
        %dma_start3A_222 = arith.constant 0 : i32
        %dma_start3A_223 = tpu.memref_slice %arg13[%dma_start3A_214, %dma_start3A_221, %dma_start3A_222] : memref<2x256x96xf32, #tpu.memory_space<vmem>> -> memref<1x256x96xf32, #tpu.memory_space<vmem>>
        %dma_start3A_224 = tpu.memref_squeeze %dma_start3A_223 : memref<1x256x96xf32, #tpu.memory_space<vmem>> -> memref<256x96xf32, #tpu.memory_space<vmem>>
        %dma_start3A_225 = arith.constant 0 : i32
        %dma_start3A_226 = tpu.memref_slice %arg2[%mul3A_213, %dma_start3A_225] : memref<320000x96xf32, #tpu.memory_space<hbm>> -> memref<256x96xf32, #tpu.memory_space<hbm>>
        tpu.enqueue_dma source(%dma_start3A_226 : memref<256x96xf32, #tpu.memory_space<hbm>>) target(%dma_start3A_224 : memref<256x96xf32, #tpu.memory_space<vmem>>) target_semaphore(%arg16 : memref<!tpu.dma_semaphore, #tpu.memory_space<semaphore_mem>>)
      } else {
      }
    }
    %scan3A_21 = arith.constant 40 : i32
    %barrier3A_22 = arith.constant 0 : index
    tpu.barrier barrier_id(%barrier3A_22)
    %lt3A_23 = arith.constant 10 : i32
    %lt3A_24 = arith.cmpi slt, %arg1, %lt3A_23 : i32
    %and3A_25 = arith.andi %eq3A_0, %lt3A_24 : i1
    %convert_element_type3A_26 = arith.extui %and3A_25 : i1 to i32
    %cond3A_27 = arith.constant 0 : i32
    %cond3A_28 = arith.cmpi ne, %convert_element_type3A_26, %cond3A_27 : i32
    scf.if %cond3A_28 {
      %mul3A = arith.constant 1000 : i32
      %mul3A_144 = arith.muli %arg1, %mul3A : i32
      %mul3A_145 = arith.constant 1000 : i32
      %mul3A_146 = arith.muli %arg1, %mul3A_145 : i32
      "tpu.region"() ({
        %run_scoped3A = tpu.sem_alloc : memref<!tpu.dma_semaphore, #tpu.memory_space<semaphore_mem>>
        %dma_start3A = arith.constant 0 : i32
        %dma_start3A_147 = tpu.memref_slice %arg8[%mul3A_146, %dma_start3A] : memref<10000x96xf32, #tpu.memory_space<hbm>> -> memref<1000x96xf32, #tpu.memory_space<hbm>>
        %dma_start3A_148 = arith.constant 0 : i32
        %dma_start3A_149 = tpu.memref_slice %arg14[%mul3A_144, %dma_start3A_148] : memref<10000x96xf32, #tpu.memory_space<vmem_shared>> -> memref<1000x96xf32, #tpu.memory_space<vmem_shared>>
        tpu.enqueue_dma source(%dma_start3A_149 : memref<1000x96xf32, #tpu.memory_space<vmem_shared>>) target(%dma_start3A_147 : memref<1000x96xf32, #tpu.memory_space<hbm>>) target_semaphore(%run_scoped3A : memref<!tpu.dma_semaphore, #tpu.memory_space<semaphore_mem>>)
        %dma_wait3A = arith.constant 0 : i32
        %dma_wait3A_150 = tpu.memref_slice %arg8[%mul3A_146, %dma_wait3A] : memref<10000x96xf32, #tpu.memory_space<hbm>> -> memref<1000x96xf32, #tpu.memory_space<hbm>>
        %dma_wait3A_151 = arith.constant 0 : i32
        %dma_wait3A_152 = tpu.memref_slice %arg14[%mul3A_144, %dma_wait3A_151] : memref<10000x96xf32, #tpu.memory_space<vmem_shared>> -> memref<1000x96xf32, #tpu.memory_space<vmem_shared>>
        tpu.wait_dma2 semaphore(%run_scoped3A : memref<!tpu.dma_semaphore, #tpu.memory_space<semaphore_mem>>) src(%dma_wait3A_152 : memref<1000x96xf32, #tpu.memory_space<vmem_shared>>) dst(%dma_wait3A_150 : memref<1000x96xf32, #tpu.memory_space<hbm>>)
        tpu.yield
      }) : () -> ()
    } else {
    }
    %barrier3A_29 = arith.constant 0 : index
    tpu.barrier barrier_id(%barrier3A_29)
    %eq3A_30 = arith.constant 0 : i32
    %eq3A_31 = arith.cmpi eq, %arg0, %eq3A_30 : i32
    %lt3A_32 = arith.constant 10 : i32
    %lt3A_33 = arith.cmpi slt, %arg1, %lt3A_32 : i32
    %and3A_34 = arith.andi %eq3A_31, %lt3A_33 : i1
    %convert_element_type3A_35 = arith.extui %and3A_34 : i1 to i32
    %cond3A_36 = arith.constant 0 : i32
    %cond3A_37 = arith.cmpi ne, %convert_element_type3A_35, %cond3A_36 : i32
    scf.if %cond3A_37 {
      %mul3A = arith.constant 1000 : i32
      %mul3A_144 = arith.muli %arg1, %mul3A : i32
      %mul3A_145 = arith.constant 1000 : i32
      %mul3A_146 = arith.muli %arg1, %mul3A_145 : i32
      "tpu.region"() ({
        %run_scoped3A = tpu.sem_alloc : memref<!tpu.dma_semaphore, #tpu.memory_space<semaphore_mem>>
        %dma_start3A = arith.constant 0 : i32
        %dma_start3A_147 = tpu.memref_slice %arg14[%mul3A_146, %dma_start3A] : memref<10000x96xf32, #tpu.memory_space<vmem_shared>> -> memref<1000x96xf32, #tpu.memory_space<vmem_shared>>
        %dma_start3A_148 = arith.constant 0 : i32
        %dma_start3A_149 = tpu.memref_slice %arg7[%mul3A_144, %dma_start3A_148] : memref<10000x96xf32, #tpu.memory_space<hbm>> -> memref<1000x96xf32, #tpu.memory_space<hbm>>
        tpu.enqueue_dma source(%dma_start3A_149 : memref<1000x96xf32, #tpu.memory_space<hbm>>) target(%dma_start3A_147 : memref<1000x96xf32, #tpu.memory_space<vmem_shared>>) target_semaphore(%run_scoped3A : memref<!tpu.dma_semaphore, #tpu.memory_space<semaphore_mem>>)
        %dma_wait3A = arith.constant 0 : i32
        %dma_wait3A_150 = tpu.memref_slice %arg14[%mul3A_146, %dma_wait3A] : memref<10000x96xf32, #tpu.memory_space<vmem_shared>> -> memref<1000x96xf32, #tpu.memory_space<vmem_shared>>
        %dma_wait3A_151 = arith.constant 0 : i32
        %dma_wait3A_152 = tpu.memref_slice %arg7[%mul3A_144, %dma_wait3A_151] : memref<10000x96xf32, #tpu.memory_space<hbm>> -> memref<1000x96xf32, #tpu.memory_space<hbm>>
        tpu.wait_dma2 semaphore(%run_scoped3A : memref<!tpu.dma_semaphore, #tpu.memory_space<semaphore_mem>>) src(%dma_wait3A_152 : memref<1000x96xf32, #tpu.memory_space<hbm>>) dst(%dma_wait3A_150 : memref<1000x96xf32, #tpu.memory_space<vmem_shared>>)
        tpu.yield
      }) : () -> ()
    } else {
    }
    %barrier3A_38 = arith.constant 0 : index
    tpu.barrier barrier_id(%barrier3A_38)
    %add3A_39 = arith.constant 0 : i32
    %add3A_40 = arith.addi %arg1, %add3A_39 : i32
    %lt3A_41 = arith.constant 1250 : i32
    %lt3A_42 = arith.cmpi slt, %add3A_40, %lt3A_41 : i32
    %and3A_43 = arith.andi %eq3A_31, %lt3A_42 : i1
    %convert_element_type3A_44 = arith.extui %and3A_43 : i1 to i32
    %cond3A_45 = arith.constant 0 : i32
    %cond3A_46 = arith.cmpi ne, %convert_element_type3A_44, %cond3A_45 : i32
    scf.if %cond3A_46 {
      %mul3A = arith.constant 2 : i32
      %mul3A_144 = arith.muli %add3A_40, %mul3A : i32
      %dma_start3A = arith.constant 0 : i32
      %dma_start3A_145 = arith.constant 0 : i32
      %dma_start3A_146 = arith.constant 0 : i32
      %dma_start3A_147 = tpu.memref_slice %arg12[%dma_start3A, %dma_start3A_145, %dma_start3A_146] : memref<2x2x128xi32, #tpu.memory_space<vmem>> -> memref<1x2x128xi32, #tpu.memory_space<vmem>>
      %dma_start3A_148 = tpu.memref_squeeze %dma_start3A_147 : memref<1x2x128xi32, #tpu.memory_space<vmem>> -> memref<2x128xi32, #tpu.memory_space<vmem>>
      %dma_start3A_149 = arith.constant 0 : i32
      %dma_start3A_150 = tpu.memref_slice %arg6[%mul3A_144, %dma_start3A_149] : memref<2500x128xi32, #tpu.memory_space<hbm>> -> memref<2x128xi32, #tpu.memory_space<hbm>>
      %dma_start3A_151 = arith.constant 0 : i32
      %dma_start3A_152 = arith.constant 0 : i32
      %dma_start3A_153 = tpu.memref_slice %arg12[%dma_start3A, %dma_start3A_151, %dma_start3A_152] : memref<2x2x128xi32, #tpu.memory_space<vmem>> -> memref<1x2x128xi32, #tpu.memory_space<vmem>>
      %dma_start3A_154 = tpu.memref_squeeze %dma_start3A_153 : memref<1x2x128xi32, #tpu.memory_space<vmem>> -> memref<2x128xi32, #tpu.memory_space<vmem>>
      %dma_start3A_155 = arith.constant 0 : i32
      %dma_start3A_156 = tpu.memref_slice %arg6[%mul3A_144, %dma_start3A_155] : memref<2500x128xi32, #tpu.memory_space<hbm>> -> memref<2x128xi32, #tpu.memory_space<hbm>>
      tpu.enqueue_dma source(%dma_start3A_156 : memref<2x128xi32, #tpu.memory_space<hbm>>) target(%dma_start3A_154 : memref<2x128xi32, #tpu.memory_space<vmem>>) target_semaphore(%arg15 : memref<!tpu.dma_semaphore, #tpu.memory_space<semaphore_mem>>)
      %mul3A_157 = arith.constant 256 : i32
      %mul3A_158 = arith.muli %add3A_40, %mul3A_157 : i32
      %dma_start3A_159 = arith.constant 0 : i32
      %dma_start3A_160 = arith.constant 0 : i32
      %dma_start3A_161 = arith.constant 0 : i32
      %dma_start3A_162 = tpu.memref_slice %arg13[%dma_start3A_159, %dma_start3A_160, %dma_start3A_161] : memref<2x256x96xf32, #tpu.memory_space<vmem>> -> memref<1x256x96xf32, #tpu.memory_space<vmem>>
      %dma_start3A_163 = tpu.memref_squeeze %dma_start3A_162 : memref<1x256x96xf32, #tpu.memory_space<vmem>> -> memref<256x96xf32, #tpu.memory_space<vmem>>
      %dma_start3A_164 = arith.constant 0 : i32
      %dma_start3A_165 = tpu.memref_slice %arg3[%mul3A_158, %dma_start3A_164] : memref<320000x96xf32, #tpu.memory_space<hbm>> -> memref<256x96xf32, #tpu.memory_space<hbm>>
      %dma_start3A_166 = arith.constant 0 : i32
      %dma_start3A_167 = arith.constant 0 : i32
      %dma_start3A_168 = tpu.memref_slice %arg13[%dma_start3A_159, %dma_start3A_166, %dma_start3A_167] : memref<2x256x96xf32, #tpu.memory_space<vmem>> -> memref<1x256x96xf32, #tpu.memory_space<vmem>>
      %dma_start3A_169 = tpu.memref_squeeze %dma_start3A_168 : memref<1x256x96xf32, #tpu.memory_space<vmem>> -> memref<256x96xf32, #tpu.memory_space<vmem>>
      %dma_start3A_170 = arith.constant 0 : i32
      %dma_start3A_171 = tpu.memref_slice %arg3[%mul3A_158, %dma_start3A_170] : memref<320000x96xf32, #tpu.memory_space<hbm>> -> memref<256x96xf32, #tpu.memory_space<hbm>>
      tpu.enqueue_dma source(%dma_start3A_171 : memref<256x96xf32, #tpu.memory_space<hbm>>) target(%dma_start3A_169 : memref<256x96xf32, #tpu.memory_space<vmem>>) target_semaphore(%arg15 : memref<!tpu.dma_semaphore, #tpu.memory_space<semaphore_mem>>)
    } else {
    }
    %add3A_47 = arith.constant 16 : i32
    %add3A_48 = arith.addi %arg1, %add3A_47 : i32
    %lt3A_49 = arith.constant 1250 : i32
    %lt3A_50 = arith.cmpi slt, %add3A_48, %lt3A_49 : i32
    %and3A_51 = arith.andi %eq3A_31, %lt3A_50 : i1
    %convert_element_type3A_52 = arith.extui %and3A_51 : i1 to i32
    %cond3A_53 = arith.constant 0 : i32
    %cond3A_54 = arith.cmpi ne, %convert_element_type3A_52, %cond3A_53 : i32
    scf.if %cond3A_54 {
      %mul3A = arith.constant 2 : i32
      %mul3A_144 = arith.muli %add3A_48, %mul3A : i32
      %dma_start3A = arith.constant 1 : i32
      %dma_start3A_145 = arith.constant 0 : i32
      %dma_start3A_146 = arith.constant 0 : i32
      %dma_start3A_147 = tpu.memref_slice %arg12[%dma_start3A, %dma_start3A_145, %dma_start3A_146] : memref<2x2x128xi32, #tpu.memory_space<vmem>> -> memref<1x2x128xi32, #tpu.memory_space<vmem>>
      %dma_start3A_148 = tpu.memref_squeeze %dma_start3A_147 : memref<1x2x128xi32, #tpu.memory_space<vmem>> -> memref<2x128xi32, #tpu.memory_space<vmem>>
      %dma_start3A_149 = arith.constant 0 : i32
      %dma_start3A_150 = tpu.memref_slice %arg6[%mul3A_144, %dma_start3A_149] : memref<2500x128xi32, #tpu.memory_space<hbm>> -> memref<2x128xi32, #tpu.memory_space<hbm>>
      %dma_start3A_151 = arith.constant 0 : i32
      %dma_start3A_152 = arith.constant 0 : i32
      %dma_start3A_153 = tpu.memref_slice %arg12[%dma_start3A, %dma_start3A_151, %dma_start3A_152] : memref<2x2x128xi32, #tpu.memory_space<vmem>> -> memref<1x2x128xi32, #tpu.memory_space<vmem>>
      %dma_start3A_154 = tpu.memref_squeeze %dma_start3A_153 : memref<1x2x128xi32, #tpu.memory_space<vmem>> -> memref<2x128xi32, #tpu.memory_space<vmem>>
      %dma_start3A_155 = arith.constant 0 : i32
      %dma_start3A_156 = tpu.memref_slice %arg6[%mul3A_144, %dma_start3A_155] : memref<2500x128xi32, #tpu.memory_space<hbm>> -> memref<2x128xi32, #tpu.memory_space<hbm>>
      tpu.enqueue_dma source(%dma_start3A_156 : memref<2x128xi32, #tpu.memory_space<hbm>>) target(%dma_start3A_154 : memref<2x128xi32, #tpu.memory_space<vmem>>) target_semaphore(%arg16 : memref<!tpu.dma_semaphore, #tpu.memory_space<semaphore_mem>>)
      %mul3A_157 = arith.constant 256 : i32
      %mul3A_158 = arith.muli %add3A_48, %mul3A_157 : i32
      %dma_start3A_159 = arith.constant 1 : i32
      %dma_start3A_160 = arith.constant 0 : i32
      %dma_start3A_161 = arith.constant 0 : i32
      %dma_start3A_162 = tpu.memref_slice %arg13[%dma_start3A_159, %dma_start3A_160, %dma_start3A_161] : memref<2x256x96xf32, #tpu.memory_space<vmem>> -> memref<1x256x96xf32, #tpu.memory_space<vmem>>
      %dma_start3A_163 = tpu.memref_squeeze %dma_start3A_162 : memref<1x256x96xf32, #tpu.memory_space<vmem>> -> memref<256x96xf32, #tpu.memory_space<vmem>>
      %dma_start3A_164 = arith.constant 0 : i32
      %dma_start3A_165 = tpu.memref_slice %arg3[%mul3A_158, %dma_start3A_164] : memref<320000x96xf32, #tpu.memory_space<hbm>> -> memref<256x96xf32, #tpu.memory_space<hbm>>
      %dma_start3A_166 = arith.constant 0 : i32
      %dma_start3A_167 = arith.constant 0 : i32
      %dma_start3A_168 = tpu.memref_slice %arg13[%dma_start3A_159, %dma_start3A_166, %dma_start3A_167] : memref<2x256x96xf32, #tpu.memory_space<vmem>> -> memref<1x256x96xf32, #tpu.memory_space<vmem>>
      %dma_start3A_169 = tpu.memref_squeeze %dma_start3A_168 : memref<1x256x96xf32, #tpu.memory_space<vmem>> -> memref<256x96xf32, #tpu.memory_space<vmem>>
      %dma_start3A_170 = arith.constant 0 : i32
      %dma_start3A_171 = tpu.memref_slice %arg3[%mul3A_158, %dma_start3A_170] : memref<320000x96xf32, #tpu.memory_space<hbm>> -> memref<256x96xf32, #tpu.memory_space<hbm>>
      tpu.enqueue_dma source(%dma_start3A_171 : memref<256x96xf32, #tpu.memory_space<hbm>>) target(%dma_start3A_169 : memref<256x96xf32, #tpu.memory_space<vmem>>) target_semaphore(%arg16 : memref<!tpu.dma_semaphore, #tpu.memory_space<semaphore_mem>>)
    } else {
    }
    %scan3A_55 = arith.constant 0 : i32
    %scan3A_56 = arith.constant 40 : i32
    %scan3A_57 = arith.addi %scan3A_55, %scan3A_56 : i32
    %scan3A_58 = arith.constant 1 : i32
    scf.for %scan3A_144 = %scan3A_55 to %scan3A_57 step %scan3A_58  : i32 {
      %mul3A = arith.constant 1 : i32
      %mul3A_145 = arith.muli %scan3A_144, %mul3A : i32
      %add3A_146 = arith.constant 0 : i32
      %add3A_147 = arith.addi %add3A_146, %mul3A_145 : i32
      %mul3A_148 = arith.constant 2 : i32
      %mul3A_149 = arith.muli %mul3A_148, %add3A_147 : i32
      %mul3A_150 = arith.constant 16 : i32
      %mul3A_151 = arith.muli %mul3A_150, %mul3A_149 : i32
      %add3A_152 = arith.addi %arg1, %mul3A_151 : i32
      %lt3A_153 = arith.constant 1250 : i32
      %lt3A_154 = arith.cmpi slt, %add3A_152, %lt3A_153 : i32
      %and3A_155 = arith.andi %eq3A_31, %lt3A_154 : i1
      %convert_element_type3A_156 = arith.extui %and3A_155 : i1 to i32
      %cond3A_157 = arith.constant 0 : i32
      %cond3A_158 = arith.cmpi ne, %convert_element_type3A_156, %cond3A_157 : i32
      scf.if %cond3A_158 {
        %dma_wait3A = arith.constant 0 : i32
        %dma_wait3A_198 = arith.constant 0 : i32
        %dma_wait3A_199 = arith.constant 0 : i32
        %dma_wait3A_200 = tpu.memref_slice %arg12[%dma_wait3A, %dma_wait3A_198, %dma_wait3A_199] : memref<2x2x128xi32, #tpu.memory_space<vmem>> -> memref<1x2x128xi32, #tpu.memory_space<vmem>>
        %dma_wait3A_201 = tpu.memref_squeeze %dma_wait3A_200 : memref<1x2x128xi32, #tpu.memory_space<vmem>> -> memref<2x128xi32, #tpu.memory_space<vmem>>
        %dma_wait3A_202 = arith.constant 0 : i32
        %dma_wait3A_203 = arith.constant 0 : i32
        %dma_wait3A_204 = tpu.memref_slice %arg6[%dma_wait3A_202, %dma_wait3A_203] : memref<2500x128xi32, #tpu.memory_space<hbm>> -> memref<2x128xi32, #tpu.memory_space<hbm>>
        %dma_wait3A_205 = arith.constant 0 : i32
        %dma_wait3A_206 = arith.constant 0 : i32
        %dma_wait3A_207 = tpu.memref_slice %arg12[%dma_wait3A, %dma_wait3A_205, %dma_wait3A_206] : memref<2x2x128xi32, #tpu.memory_space<vmem>> -> memref<1x2x128xi32, #tpu.memory_space<vmem>>
        %dma_wait3A_208 = tpu.memref_squeeze %dma_wait3A_207 : memref<1x2x128xi32, #tpu.memory_space<vmem>> -> memref<2x128xi32, #tpu.memory_space<vmem>>
        %dma_wait3A_209 = arith.constant 0 : i32
        %dma_wait3A_210 = arith.constant 0 : i32
        %dma_wait3A_211 = tpu.memref_slice %arg6[%dma_wait3A_209, %dma_wait3A_210] : memref<2500x128xi32, #tpu.memory_space<hbm>> -> memref<2x128xi32, #tpu.memory_space<hbm>>
        tpu.wait_dma2 semaphore(%arg15 : memref<!tpu.dma_semaphore, #tpu.memory_space<semaphore_mem>>) src(%dma_wait3A_211 : memref<2x128xi32, #tpu.memory_space<hbm>>) dst(%dma_wait3A_208 : memref<2x128xi32, #tpu.memory_space<vmem>>)
        %dma_wait3A_212 = arith.constant 0 : i32
        %dma_wait3A_213 = arith.constant 0 : i32
        %dma_wait3A_214 = arith.constant 0 : i32
        %dma_wait3A_215 = tpu.memref_slice %arg13[%dma_wait3A_212, %dma_wait3A_213, %dma_wait3A_214] : memref<2x256x96xf32, #tpu.memory_space<vmem>> -> memref<1x256x96xf32, #tpu.memory_space<vmem>>
        %dma_wait3A_216 = tpu.memref_squeeze %dma_wait3A_215 : memref<1x256x96xf32, #tpu.memory_space<vmem>> -> memref<256x96xf32, #tpu.memory_space<vmem>>
        %dma_wait3A_217 = arith.constant 0 : i32
        %dma_wait3A_218 = arith.constant 0 : i32
        %dma_wait3A_219 = tpu.memref_slice %arg3[%dma_wait3A_217, %dma_wait3A_218] : memref<320000x96xf32, #tpu.memory_space<hbm>> -> memref<256x96xf32, #tpu.memory_space<hbm>>
        %dma_wait3A_220 = arith.constant 0 : i32
        %dma_wait3A_221 = arith.constant 0 : i32
        %dma_wait3A_222 = tpu.memref_slice %arg13[%dma_wait3A_212, %dma_wait3A_220, %dma_wait3A_221] : memref<2x256x96xf32, #tpu.memory_space<vmem>> -> memref<1x256x96xf32, #tpu.memory_space<vmem>>
        %dma_wait3A_223 = tpu.memref_squeeze %dma_wait3A_222 : memref<1x256x96xf32, #tpu.memory_space<vmem>> -> memref<256x96xf32, #tpu.memory_space<vmem>>
        %dma_wait3A_224 = arith.constant 0 : i32
        %dma_wait3A_225 = arith.constant 0 : i32
        %dma_wait3A_226 = tpu.memref_slice %arg3[%dma_wait3A_224, %dma_wait3A_225] : memref<320000x96xf32, #tpu.memory_space<hbm>> -> memref<256x96xf32, #tpu.memory_space<hbm>>
        tpu.wait_dma2 semaphore(%arg15 : memref<!tpu.dma_semaphore, #tpu.memory_space<semaphore_mem>>) src(%dma_wait3A_226 : memref<256x96xf32, #tpu.memory_space<hbm>>) dst(%dma_wait3A_223 : memref<256x96xf32, #tpu.memory_space<vmem>>)
        %run_scoped3A = arith.constant 0 : i32
        %run_scoped3A_227 = arith.constant 0 : i32
        %run_scoped3A_228 = arith.constant 0 : i32
        "tpu.region"() ({
          %run_scoped3A_232 = tpu.sem_alloc : memref<!tpu.dma_semaphore, #tpu.memory_space<semaphore_mem>>
          %dma_start3A = arith.constant 0 : i32
          %dma_start3A_233 = arith.constant 0 : i32
          %dma_start3A_234 = tpu.memref_slice %arg13[%run_scoped3A, %dma_start3A, %dma_start3A_233] : memref<2x256x96xf32, #tpu.memory_space<vmem>> -> memref<1x128x96xf32, #tpu.memory_space<vmem>>
          %dma_start3A_235 = tpu.memref_squeeze %dma_start3A_234 : memref<1x128x96xf32, #tpu.memory_space<vmem>> -> memref<128x96xf32, #tpu.memory_space<vmem>>
          %dma_start3A_236 = arith.constant 0 : i32
          %dma_start3A_237 = tpu.memref_slice %arg12[%run_scoped3A_227, %run_scoped3A_228, %dma_start3A_236] : memref<2x2x128xi32, #tpu.memory_space<vmem>> -> memref<1x1x128xi32, #tpu.memory_space<vmem>>
          %dma_start3A_238 = tpu.memref_squeeze %dma_start3A_237 : memref<1x1x128xi32, #tpu.memory_space<vmem>> -> memref<128xi32, #tpu.memory_space<vmem>>
          %dma_start3A_239 = arith.constant 0 : i32
          %dma_start3A_240 = arith.constant 0 : i32
          %dma_start3A_241 = tpu.memref_slice %arg14[%dma_start3A_239, %dma_start3A_240] : memref<10000x96xf32, #tpu.memory_space<vmem_shared>> -> memref<10000x96xf32, #tpu.memory_space<vmem_shared>>
          tpu.enqueue_indirect_dma source(%dma_start3A_235 : memref<128x96xf32, #tpu.memory_space<vmem>>) target(%dma_start3A_241 : memref<10000x96xf32, #tpu.memory_space<vmem_shared>>) offsets(%dma_start3A_238 : memref<128xi32, #tpu.memory_space<vmem>>) semaphore(%run_scoped3A_232 : memref<!tpu.dma_semaphore, #tpu.memory_space<semaphore_mem>>) {add = true}
          %dma_wait3A_242 = arith.constant 0 : i32
          %dma_wait3A_243 = arith.constant 0 : i32
          %dma_wait3A_244 = tpu.memref_slice %arg13[%run_scoped3A, %dma_wait3A_242, %dma_wait3A_243] : memref<2x256x96xf32, #tpu.memory_space<vmem>> -> memref<1x128x96xf32, #tpu.memory_space<vmem>>
          %dma_wait3A_245 = tpu.memref_squeeze %dma_wait3A_244 : memref<1x128x96xf32, #tpu.memory_space<vmem>> -> memref<128x96xf32, #tpu.memory_space<vmem>>
          %dma_wait3A_246 = arith.constant 0 : i32
          %dma_wait3A_247 = tpu.memref_slice %arg12[%run_scoped3A_227, %run_scoped3A_228, %dma_wait3A_246] : memref<2x2x128xi32, #tpu.memory_space<vmem>> -> memref<1x1x128xi32, #tpu.memory_space<vmem>>
          %dma_wait3A_248 = tpu.memref_squeeze %dma_wait3A_247 : memref<1x1x128xi32, #tpu.memory_space<vmem>> -> memref<128xi32, #tpu.memory_space<vmem>>
          %dma_wait3A_249 = arith.constant 0 : i32
          %dma_wait3A_250 = arith.constant 0 : i32
          %dma_wait3A_251 = tpu.memref_slice %arg14[%dma_wait3A_249, %dma_wait3A_250] : memref<10000x96xf32, #tpu.memory_space<vmem_shared>> -> memref<10000x96xf32, #tpu.memory_space<vmem_shared>>
          tpu.wait_indirect_dma semaphore(%run_scoped3A_232 : memref<!tpu.dma_semaphore, #tpu.memory_space<semaphore_mem>>) src(%dma_wait3A_245 : memref<128x96xf32, #tpu.memory_space<vmem>>) dst(%dma_wait3A_251 : memref<10000x96xf32, #tpu.memory_space<vmem_shared>>)
          tpu.yield
        }) : () -> ()
        %run_scoped3A_229 = arith.constant 0 : i32
        %run_scoped3A_230 = arith.constant 0 : i32
        %run_scoped3A_231 = arith.constant 1 : i32
        "tpu.region"() ({
          %run_scoped3A_232 = tpu.sem_alloc : memref<!tpu.dma_semaphore, #tpu.memory_space<semaphore_mem>>
          %dma_start3A = arith.constant 128 : i32
          %dma_start3A_233 = arith.constant 0 : i32
          %dma_start3A_234 = tpu.memref_slice %arg13[%run_scoped3A_229, %dma_start3A, %dma_start3A_233] : memref<2x256x96xf32, #tpu.memory_space<vmem>> -> memref<1x128x96xf32, #tpu.memory_space<vmem>>
          %dma_start3A_235 = tpu.memref_squeeze %dma_start3A_234 : memref<1x128x96xf32, #tpu.memory_space<vmem>> -> memref<128x96xf32, #tpu.memory_space<vmem>>
          %dma_start3A_236 = arith.constant 0 : i32
          %dma_start3A_237 = tpu.memref_slice %arg12[%run_scoped3A_230, %run_scoped3A_231, %dma_start3A_236] : memref<2x2x128xi32, #tpu.memory_space<vmem>> -> memref<1x1x128xi32, #tpu.memory_space<vmem>>
          %dma_start3A_238 = tpu.memref_squeeze %dma_start3A_237 : memref<1x1x128xi32, #tpu.memory_space<vmem>> -> memref<128xi32, #tpu.memory_space<vmem>>
          %dma_start3A_239 = arith.constant 0 : i32
          %dma_start3A_240 = arith.constant 0 : i32
          %dma_start3A_241 = tpu.memref_slice %arg14[%dma_start3A_239, %dma_start3A_240] : memref<10000x96xf32, #tpu.memory_space<vmem_shared>> -> memref<10000x96xf32, #tpu.memory_space<vmem_shared>>
          tpu.enqueue_indirect_dma source(%dma_start3A_235 : memref<128x96xf32, #tpu.memory_space<vmem>>) target(%dma_start3A_241 : memref<10000x96xf32, #tpu.memory_space<vmem_shared>>) offsets(%dma_start3A_238 : memref<128xi32, #tpu.memory_space<vmem>>) semaphore(%run_scoped3A_232 : memref<!tpu.dma_semaphore, #tpu.memory_space<semaphore_mem>>) {add = true}
          %dma_wait3A_242 = arith.constant 128 : i32
          %dma_wait3A_243 = arith.constant 0 : i32
          %dma_wait3A_244 = tpu.memref_slice %arg13[%run_scoped3A_229, %dma_wait3A_242, %dma_wait3A_243] : memref<2x256x96xf32, #tpu.memory_space<vmem>> -> memref<1x128x96xf32, #tpu.memory_space<vmem>>
          %dma_wait3A_245 = tpu.memref_squeeze %dma_wait3A_244 : memref<1x128x96xf32, #tpu.memory_space<vmem>> -> memref<128x96xf32, #tpu.memory_space<vmem>>
          %dma_wait3A_246 = arith.constant 0 : i32
          %dma_wait3A_247 = tpu.memref_slice %arg12[%run_scoped3A_230, %run_scoped3A_231, %dma_wait3A_246] : memref<2x2x128xi32, #tpu.memory_space<vmem>> -> memref<1x1x128xi32, #tpu.memory_space<vmem>>
          %dma_wait3A_248 = tpu.memref_squeeze %dma_wait3A_247 : memref<1x1x128xi32, #tpu.memory_space<vmem>> -> memref<128xi32, #tpu.memory_space<vmem>>
          %dma_wait3A_249 = arith.constant 0 : i32
          %dma_wait3A_250 = arith.constant 0 : i32
          %dma_wait3A_251 = tpu.memref_slice %arg14[%dma_wait3A_249, %dma_wait3A_250] : memref<10000x96xf32, #tpu.memory_space<vmem_shared>> -> memref<10000x96xf32, #tpu.memory_space<vmem_shared>>
          tpu.wait_indirect_dma semaphore(%run_scoped3A_232 : memref<!tpu.dma_semaphore, #tpu.memory_space<semaphore_mem>>) src(%dma_wait3A_245 : memref<128x96xf32, #tpu.memory_space<vmem>>) dst(%dma_wait3A_251 : memref<10000x96xf32, #tpu.memory_space<vmem_shared>>)
          tpu.yield
        }) : () -> ()
      } else {
      }
      %mul3A_159 = arith.constant 2 : i32
      %mul3A_160 = arith.muli %mul3A_159, %add3A_147 : i32
      %add3A_161 = arith.constant 2 : i32
      %add3A_162 = arith.addi %mul3A_160, %add3A_161 : i32
      %mul3A_163 = arith.constant 16 : i32
      %mul3A_164 = arith.muli %mul3A_163, %add3A_162 : i32
      %add3A_165 = arith.addi %arg1, %mul3A_164 : i32
      %lt3A_166 = arith.constant 1250 : i32
      %lt3A_167 = arith.cmpi slt, %add3A_165, %lt3A_166 : i32
      %and3A_168 = arith.andi %eq3A_31, %lt3A_167 : i1
      %convert_element_type3A_169 = arith.extui %and3A_168 : i1 to i32
      %cond3A_170 = arith.constant 0 : i32
      %cond3A_171 = arith.cmpi ne, %convert_element_type3A_169, %cond3A_170 : i32
      scf.if %cond3A_171 {
        %mul3A_198 = arith.constant 2 : i32
        %mul3A_199 = arith.muli %add3A_165, %mul3A_198 : i32
        %dma_start3A = arith.constant 0 : i32
        %dma_start3A_200 = arith.constant 0 : i32
        %dma_start3A_201 = arith.constant 0 : i32
        %dma_start3A_202 = tpu.memref_slice %arg12[%dma_start3A, %dma_start3A_200, %dma_start3A_201] : memref<2x2x128xi32, #tpu.memory_space<vmem>> -> memref<1x2x128xi32, #tpu.memory_space<vmem>>
        %dma_start3A_203 = tpu.memref_squeeze %dma_start3A_202 : memref<1x2x128xi32, #tpu.memory_space<vmem>> -> memref<2x128xi32, #tpu.memory_space<vmem>>
        %dma_start3A_204 = arith.constant 0 : i32
        %dma_start3A_205 = tpu.memref_slice %arg6[%mul3A_199, %dma_start3A_204] : memref<2500x128xi32, #tpu.memory_space<hbm>> -> memref<2x128xi32, #tpu.memory_space<hbm>>
        %dma_start3A_206 = arith.constant 0 : i32
        %dma_start3A_207 = arith.constant 0 : i32
        %dma_start3A_208 = tpu.memref_slice %arg12[%dma_start3A, %dma_start3A_206, %dma_start3A_207] : memref<2x2x128xi32, #tpu.memory_space<vmem>> -> memref<1x2x128xi32, #tpu.memory_space<vmem>>
        %dma_start3A_209 = tpu.memref_squeeze %dma_start3A_208 : memref<1x2x128xi32, #tpu.memory_space<vmem>> -> memref<2x128xi32, #tpu.memory_space<vmem>>
        %dma_start3A_210 = arith.constant 0 : i32
        %dma_start3A_211 = tpu.memref_slice %arg6[%mul3A_199, %dma_start3A_210] : memref<2500x128xi32, #tpu.memory_space<hbm>> -> memref<2x128xi32, #tpu.memory_space<hbm>>
        tpu.enqueue_dma source(%dma_start3A_211 : memref<2x128xi32, #tpu.memory_space<hbm>>) target(%dma_start3A_209 : memref<2x128xi32, #tpu.memory_space<vmem>>) target_semaphore(%arg15 : memref<!tpu.dma_semaphore, #tpu.memory_space<semaphore_mem>>)
        %mul3A_212 = arith.constant 256 : i32
        %mul3A_213 = arith.muli %add3A_165, %mul3A_212 : i32
        %dma_start3A_214 = arith.constant 0 : i32
        %dma_start3A_215 = arith.constant 0 : i32
        %dma_start3A_216 = arith.constant 0 : i32
        %dma_start3A_217 = tpu.memref_slice %arg13[%dma_start3A_214, %dma_start3A_215, %dma_start3A_216] : memref<2x256x96xf32, #tpu.memory_space<vmem>> -> memref<1x256x96xf32, #tpu.memory_space<vmem>>
        %dma_start3A_218 = tpu.memref_squeeze %dma_start3A_217 : memref<1x256x96xf32, #tpu.memory_space<vmem>> -> memref<256x96xf32, #tpu.memory_space<vmem>>
        %dma_start3A_219 = arith.constant 0 : i32
        %dma_start3A_220 = tpu.memref_slice %arg3[%mul3A_213, %dma_start3A_219] : memref<320000x96xf32, #tpu.memory_space<hbm>> -> memref<256x96xf32, #tpu.memory_space<hbm>>
        %dma_start3A_221 = arith.constant 0 : i32
        %dma_start3A_222 = arith.constant 0 : i32
        %dma_start3A_223 = tpu.memref_slice %arg13[%dma_start3A_214, %dma_start3A_221, %dma_start3A_222] : memref<2x256x96xf32, #tpu.memory_space<vmem>> -> memref<1x256x96xf32, #tpu.memory_space<vmem>>
        %dma_start3A_224 = tpu.memref_squeeze %dma_start3A_223 : memref<1x256x96xf32, #tpu.memory_space<vmem>> -> memref<256x96xf32, #tpu.memory_space<vmem>>
        %dma_start3A_225 = arith.constant 0 : i32
        %dma_start3A_226 = tpu.memref_slice %arg3[%mul3A_213, %dma_start3A_225] : memref<320000x96xf32, #tpu.memory_space<hbm>> -> memref<256x96xf32, #tpu.memory_space<hbm>>
        tpu.enqueue_dma source(%dma_start3A_226 : memref<256x96xf32, #tpu.memory_space<hbm>>) target(%dma_start3A_224 : memref<256x96xf32, #tpu.memory_space<vmem>>) target_semaphore(%arg15 : memref<!tpu.dma_semaphore, #tpu.memory_space<semaphore_mem>>)
      } else {
      }
      %mul3A_172 = arith.constant 2 : i32
      %mul3A_173 = arith.muli %mul3A_172, %add3A_147 : i32
      %add3A_174 = arith.constant 1 : i32
      %add3A_175 = arith.addi %mul3A_173, %add3A_174 : i32
      %mul3A_176 = arith.constant 16 : i32
      %mul3A_177 = arith.muli %mul3A_176, %add3A_175 : i32
      %add3A_178 = arith.addi %arg1, %mul3A_177 : i32
      %lt3A_179 = arith.constant 1250 : i32
      %lt3A_180 = arith.cmpi slt, %add3A_178, %lt3A_179 : i32
      %and3A_181 = arith.andi %eq3A_31, %lt3A_180 : i1
      %convert_element_type3A_182 = arith.extui %and3A_181 : i1 to i32
      %cond3A_183 = arith.constant 0 : i32
      %cond3A_184 = arith.cmpi ne, %convert_element_type3A_182, %cond3A_183 : i32
      scf.if %cond3A_184 {
        %dma_wait3A = arith.constant 1 : i32
        %dma_wait3A_198 = arith.constant 0 : i32
        %dma_wait3A_199 = arith.constant 0 : i32
        %dma_wait3A_200 = tpu.memref_slice %arg12[%dma_wait3A, %dma_wait3A_198, %dma_wait3A_199] : memref<2x2x128xi32, #tpu.memory_space<vmem>> -> memref<1x2x128xi32, #tpu.memory_space<vmem>>
        %dma_wait3A_201 = tpu.memref_squeeze %dma_wait3A_200 : memref<1x2x128xi32, #tpu.memory_space<vmem>> -> memref<2x128xi32, #tpu.memory_space<vmem>>
        %dma_wait3A_202 = arith.constant 0 : i32
        %dma_wait3A_203 = arith.constant 0 : i32
        %dma_wait3A_204 = tpu.memref_slice %arg6[%dma_wait3A_202, %dma_wait3A_203] : memref<2500x128xi32, #tpu.memory_space<hbm>> -> memref<2x128xi32, #tpu.memory_space<hbm>>
        %dma_wait3A_205 = arith.constant 0 : i32
        %dma_wait3A_206 = arith.constant 0 : i32
        %dma_wait3A_207 = tpu.memref_slice %arg12[%dma_wait3A, %dma_wait3A_205, %dma_wait3A_206] : memref<2x2x128xi32, #tpu.memory_space<vmem>> -> memref<1x2x128xi32, #tpu.memory_space<vmem>>
        %dma_wait3A_208 = tpu.memref_squeeze %dma_wait3A_207 : memref<1x2x128xi32, #tpu.memory_space<vmem>> -> memref<2x128xi32, #tpu.memory_space<vmem>>
        %dma_wait3A_209 = arith.constant 0 : i32
        %dma_wait3A_210 = arith.constant 0 : i32
        %dma_wait3A_211 = tpu.memref_slice %arg6[%dma_wait3A_209, %dma_wait3A_210] : memref<2500x128xi32, #tpu.memory_space<hbm>> -> memref<2x128xi32, #tpu.memory_space<hbm>>
        tpu.wait_dma2 semaphore(%arg16 : memref<!tpu.dma_semaphore, #tpu.memory_space<semaphore_mem>>) src(%dma_wait3A_211 : memref<2x128xi32, #tpu.memory_space<hbm>>) dst(%dma_wait3A_208 : memref<2x128xi32, #tpu.memory_space<vmem>>)
        %dma_wait3A_212 = arith.constant 1 : i32
        %dma_wait3A_213 = arith.constant 0 : i32
        %dma_wait3A_214 = arith.constant 0 : i32
        %dma_wait3A_215 = tpu.memref_slice %arg13[%dma_wait3A_212, %dma_wait3A_213, %dma_wait3A_214] : memref<2x256x96xf32, #tpu.memory_space<vmem>> -> memref<1x256x96xf32, #tpu.memory_space<vmem>>
        %dma_wait3A_216 = tpu.memref_squeeze %dma_wait3A_215 : memref<1x256x96xf32, #tpu.memory_space<vmem>> -> memref<256x96xf32, #tpu.memory_space<vmem>>
        %dma_wait3A_217 = arith.constant 0 : i32
        %dma_wait3A_218 = arith.constant 0 : i32
        %dma_wait3A_219 = tpu.memref_slice %arg3[%dma_wait3A_217, %dma_wait3A_218] : memref<320000x96xf32, #tpu.memory_space<hbm>> -> memref<256x96xf32, #tpu.memory_space<hbm>>
        %dma_wait3A_220 = arith.constant 0 : i32
        %dma_wait3A_221 = arith.constant 0 : i32
        %dma_wait3A_222 = tpu.memref_slice %arg13[%dma_wait3A_212, %dma_wait3A_220, %dma_wait3A_221] : memref<2x256x96xf32, #tpu.memory_space<vmem>> -> memref<1x256x96xf32, #tpu.memory_space<vmem>>
        %dma_wait3A_223 = tpu.memref_squeeze %dma_wait3A_222 : memref<1x256x96xf32, #tpu.memory_space<vmem>> -> memref<256x96xf32, #tpu.memory_space<vmem>>
        %dma_wait3A_224 = arith.constant 0 : i32
        %dma_wait3A_225 = arith.constant 0 : i32
        %dma_wait3A_226 = tpu.memref_slice %arg3[%dma_wait3A_224, %dma_wait3A_225] : memref<320000x96xf32, #tpu.memory_space<hbm>> -> memref<256x96xf32, #tpu.memory_space<hbm>>
        tpu.wait_dma2 semaphore(%arg16 : memref<!tpu.dma_semaphore, #tpu.memory_space<semaphore_mem>>) src(%dma_wait3A_226 : memref<256x96xf32, #tpu.memory_space<hbm>>) dst(%dma_wait3A_223 : memref<256x96xf32, #tpu.memory_space<vmem>>)
        %run_scoped3A = arith.constant 1 : i32
        %run_scoped3A_227 = arith.constant 1 : i32
        %run_scoped3A_228 = arith.constant 0 : i32
        "tpu.region"() ({
          %run_scoped3A_232 = tpu.sem_alloc : memref<!tpu.dma_semaphore, #tpu.memory_space<semaphore_mem>>
          %dma_start3A = arith.constant 0 : i32
          %dma_start3A_233 = arith.constant 0 : i32
          %dma_start3A_234 = tpu.memref_slice %arg13[%run_scoped3A, %dma_start3A, %dma_start3A_233] : memref<2x256x96xf32, #tpu.memory_space<vmem>> -> memref<1x128x96xf32, #tpu.memory_space<vmem>>
          %dma_start3A_235 = tpu.memref_squeeze %dma_start3A_234 : memref<1x128x96xf32, #tpu.memory_space<vmem>> -> memref<128x96xf32, #tpu.memory_space<vmem>>
          %dma_start3A_236 = arith.constant 0 : i32
          %dma_start3A_237 = tpu.memref_slice %arg12[%run_scoped3A_227, %run_scoped3A_228, %dma_start3A_236] : memref<2x2x128xi32, #tpu.memory_space<vmem>> -> memref<1x1x128xi32, #tpu.memory_space<vmem>>
          %dma_start3A_238 = tpu.memref_squeeze %dma_start3A_237 : memref<1x1x128xi32, #tpu.memory_space<vmem>> -> memref<128xi32, #tpu.memory_space<vmem>>
          %dma_start3A_239 = arith.constant 0 : i32
          %dma_start3A_240 = arith.constant 0 : i32
          %dma_start3A_241 = tpu.memref_slice %arg14[%dma_start3A_239, %dma_start3A_240] : memref<10000x96xf32, #tpu.memory_space<vmem_shared>> -> memref<10000x96xf32, #tpu.memory_space<vmem_shared>>
          tpu.enqueue_indirect_dma source(%dma_start3A_235 : memref<128x96xf32, #tpu.memory_space<vmem>>) target(%dma_start3A_241 : memref<10000x96xf32, #tpu.memory_space<vmem_shared>>) offsets(%dma_start3A_238 : memref<128xi32, #tpu.memory_space<vmem>>) semaphore(%run_scoped3A_232 : memref<!tpu.dma_semaphore, #tpu.memory_space<semaphore_mem>>) {add = true}
          %dma_wait3A_242 = arith.constant 0 : i32
          %dma_wait3A_243 = arith.constant 0 : i32
          %dma_wait3A_244 = tpu.memref_slice %arg13[%run_scoped3A, %dma_wait3A_242, %dma_wait3A_243] : memref<2x256x96xf32, #tpu.memory_space<vmem>> -> memref<1x128x96xf32, #tpu.memory_space<vmem>>
          %dma_wait3A_245 = tpu.memref_squeeze %dma_wait3A_244 : memref<1x128x96xf32, #tpu.memory_space<vmem>> -> memref<128x96xf32, #tpu.memory_space<vmem>>
          %dma_wait3A_246 = arith.constant 0 : i32
          %dma_wait3A_247 = tpu.memref_slice %arg12[%run_scoped3A_227, %run_scoped3A_228, %dma_wait3A_246] : memref<2x2x128xi32, #tpu.memory_space<vmem>> -> memref<1x1x128xi32, #tpu.memory_space<vmem>>
          %dma_wait3A_248 = tpu.memref_squeeze %dma_wait3A_247 : memref<1x1x128xi32, #tpu.memory_space<vmem>> -> memref<128xi32, #tpu.memory_space<vmem>>
          %dma_wait3A_249 = arith.constant 0 : i32
          %dma_wait3A_250 = arith.constant 0 : i32
          %dma_wait3A_251 = tpu.memref_slice %arg14[%dma_wait3A_249, %dma_wait3A_250] : memref<10000x96xf32, #tpu.memory_space<vmem_shared>> -> memref<10000x96xf32, #tpu.memory_space<vmem_shared>>
          tpu.wait_indirect_dma semaphore(%run_scoped3A_232 : memref<!tpu.dma_semaphore, #tpu.memory_space<semaphore_mem>>) src(%dma_wait3A_245 : memref<128x96xf32, #tpu.memory_space<vmem>>) dst(%dma_wait3A_251 : memref<10000x96xf32, #tpu.memory_space<vmem_shared>>)
          tpu.yield
        }) : () -> ()
        %run_scoped3A_229 = arith.constant 1 : i32
        %run_scoped3A_230 = arith.constant 1 : i32
        %run_scoped3A_231 = arith.constant 1 : i32
        "tpu.region"() ({
          %run_scoped3A_232 = tpu.sem_alloc : memref<!tpu.dma_semaphore, #tpu.memory_space<semaphore_mem>>
          %dma_start3A = arith.constant 128 : i32
          %dma_start3A_233 = arith.constant 0 : i32
          %dma_start3A_234 = tpu.memref_slice %arg13[%run_scoped3A_229, %dma_start3A, %dma_start3A_233] : memref<2x256x96xf32, #tpu.memory_space<vmem>> -> memref<1x128x96xf32, #tpu.memory_space<vmem>>
          %dma_start3A_235 = tpu.memref_squeeze %dma_start3A_234 : memref<1x128x96xf32, #tpu.memory_space<vmem>> -> memref<128x96xf32, #tpu.memory_space<vmem>>
          %dma_start3A_236 = arith.constant 0 : i32
          %dma_start3A_237 = tpu.memref_slice %arg12[%run_scoped3A_230, %run_scoped3A_231, %dma_start3A_236] : memref<2x2x128xi32, #tpu.memory_space<vmem>> -> memref<1x1x128xi32, #tpu.memory_space<vmem>>
          %dma_start3A_238 = tpu.memref_squeeze %dma_start3A_237 : memref<1x1x128xi32, #tpu.memory_space<vmem>> -> memref<128xi32, #tpu.memory_space<vmem>>
          %dma_start3A_239 = arith.constant 0 : i32
          %dma_start3A_240 = arith.constant 0 : i32
          %dma_start3A_241 = tpu.memref_slice %arg14[%dma_start3A_239, %dma_start3A_240] : memref<10000x96xf32, #tpu.memory_space<vmem_shared>> -> memref<10000x96xf32, #tpu.memory_space<vmem_shared>>
          tpu.enqueue_indirect_dma source(%dma_start3A_235 : memref<128x96xf32, #tpu.memory_space<vmem>>) target(%dma_start3A_241 : memref<10000x96xf32, #tpu.memory_space<vmem_shared>>) offsets(%dma_start3A_238 : memref<128xi32, #tpu.memory_space<vmem>>) semaphore(%run_scoped3A_232 : memref<!tpu.dma_semaphore, #tpu.memory_space<semaphore_mem>>) {add = true}
          %dma_wait3A_242 = arith.constant 128 : i32
          %dma_wait3A_243 = arith.constant 0 : i32
          %dma_wait3A_244 = tpu.memref_slice %arg13[%run_scoped3A_229, %dma_wait3A_242, %dma_wait3A_243] : memref<2x256x96xf32, #tpu.memory_space<vmem>> -> memref<1x128x96xf32, #tpu.memory_space<vmem>>
          %dma_wait3A_245 = tpu.memref_squeeze %dma_wait3A_244 : memref<1x128x96xf32, #tpu.memory_space<vmem>> -> memref<128x96xf32, #tpu.memory_space<vmem>>
          %dma_wait3A_246 = arith.constant 0 : i32
          %dma_wait3A_247 = tpu.memref_slice %arg12[%run_scoped3A_230, %run_scoped3A_231, %dma_wait3A_246] : memref<2x2x128xi32, #tpu.memory_space<vmem>> -> memref<1x1x128xi32, #tpu.memory_space<vmem>>
          %dma_wait3A_248 = tpu.memref_squeeze %dma_wait3A_247 : memref<1x1x128xi32, #tpu.memory_space<vmem>> -> memref<128xi32, #tpu.memory_space<vmem>>
          %dma_wait3A_249 = arith.constant 0 : i32
          %dma_wait3A_250 = arith.constant 0 : i32
          %dma_wait3A_251 = tpu.memref_slice %arg14[%dma_wait3A_249, %dma_wait3A_250] : memref<10000x96xf32, #tpu.memory_space<vmem_shared>> -> memref<10000x96xf32, #tpu.memory_space<vmem_shared>>
          tpu.wait_indirect_dma semaphore(%run_scoped3A_232 : memref<!tpu.dma_semaphore, #tpu.memory_space<semaphore_mem>>) src(%dma_wait3A_245 : memref<128x96xf32, #tpu.memory_space<vmem>>) dst(%dma_wait3A_251 : memref<10000x96xf32, #tpu.memory_space<vmem_shared>>)
          tpu.yield
        }) : () -> ()
      } else {
      }
      %mul3A_185 = arith.constant 2 : i32
      %mul3A_186 = arith.muli %mul3A_185, %add3A_147 : i32
      %add3A_187 = arith.constant 3 : i32
      %add3A_188 = arith.addi %mul3A_186, %add3A_187 : i32
      %mul3A_189 = arith.constant 16 : i32
      %mul3A_190 = arith.muli %mul3A_189, %add3A_188 : i32
      %add3A_191 = arith.addi %arg1, %mul3A_190 : i32
      %lt3A_192 = arith.constant 1250 : i32
      %lt3A_193 = arith.cmpi slt, %add3A_191, %lt3A_192 : i32
      %and3A_194 = arith.andi %eq3A_31, %lt3A_193 : i1
      %convert_element_type3A_195 = arith.extui %and3A_194 : i1 to i32
      %cond3A_196 = arith.constant 0 : i32
      %cond3A_197 = arith.cmpi ne, %convert_element_type3A_195, %cond3A_196 : i32
      scf.if %cond3A_197 {
        %mul3A_198 = arith.constant 2 : i32
        %mul3A_199 = arith.muli %add3A_191, %mul3A_198 : i32
        %dma_start3A = arith.constant 1 : i32
        %dma_start3A_200 = arith.constant 0 : i32
        %dma_start3A_201 = arith.constant 0 : i32
        %dma_start3A_202 = tpu.memref_slice %arg12[%dma_start3A, %dma_start3A_200, %dma_start3A_201] : memref<2x2x128xi32, #tpu.memory_space<vmem>> -> memref<1x2x128xi32, #tpu.memory_space<vmem>>
        %dma_start3A_203 = tpu.memref_squeeze %dma_start3A_202 : memref<1x2x128xi32, #tpu.memory_space<vmem>> -> memref<2x128xi32, #tpu.memory_space<vmem>>
        %dma_start3A_204 = arith.constant 0 : i32
        %dma_start3A_205 = tpu.memref_slice %arg6[%mul3A_199, %dma_start3A_204] : memref<2500x128xi32, #tpu.memory_space<hbm>> -> memref<2x128xi32, #tpu.memory_space<hbm>>
        %dma_start3A_206 = arith.constant 0 : i32
        %dma_start3A_207 = arith.constant 0 : i32
        %dma_start3A_208 = tpu.memref_slice %arg12[%dma_start3A, %dma_start3A_206, %dma_start3A_207] : memref<2x2x128xi32, #tpu.memory_space<vmem>> -> memref<1x2x128xi32, #tpu.memory_space<vmem>>
        %dma_start3A_209 = tpu.memref_squeeze %dma_start3A_208 : memref<1x2x128xi32, #tpu.memory_space<vmem>> -> memref<2x128xi32, #tpu.memory_space<vmem>>
        %dma_start3A_210 = arith.constant 0 : i32
        %dma_start3A_211 = tpu.memref_slice %arg6[%mul3A_199, %dma_start3A_210] : memref<2500x128xi32, #tpu.memory_space<hbm>> -> memref<2x128xi32, #tpu.memory_space<hbm>>
        tpu.enqueue_dma source(%dma_start3A_211 : memref<2x128xi32, #tpu.memory_space<hbm>>) target(%dma_start3A_209 : memref<2x128xi32, #tpu.memory_space<vmem>>) target_semaphore(%arg16 : memref<!tpu.dma_semaphore, #tpu.memory_space<semaphore_mem>>)
        %mul3A_212 = arith.constant 256 : i32
        %mul3A_213 = arith.muli %add3A_191, %mul3A_212 : i32
        %dma_start3A_214 = arith.constant 1 : i32
        %dma_start3A_215 = arith.constant 0 : i32
        %dma_start3A_216 = arith.constant 0 : i32
        %dma_start3A_217 = tpu.memref_slice %arg13[%dma_start3A_214, %dma_start3A_215, %dma_start3A_216] : memref<2x256x96xf32, #tpu.memory_space<vmem>> -> memref<1x256x96xf32, #tpu.memory_space<vmem>>
        %dma_start3A_218 = tpu.memref_squeeze %dma_start3A_217 : memref<1x256x96xf32, #tpu.memory_space<vmem>> -> memref<256x96xf32, #tpu.memory_space<vmem>>
        %dma_start3A_219 = arith.constant 0 : i32
        %dma_start3A_220 = tpu.memref_slice %arg3[%mul3A_213, %dma_start3A_219] : memref<320000x96xf32, #tpu.memory_space<hbm>> -> memref<256x96xf32, #tpu.memory_space<hbm>>
        %dma_start3A_221 = arith.constant 0 : i32
        %dma_start3A_222 = arith.constant 0 : i32
        %dma_start3A_223 = tpu.memref_slice %arg13[%dma_start3A_214, %dma_start3A_221, %dma_start3A_222] : memref<2x256x96xf32, #tpu.memory_space<vmem>> -> memref<1x256x96xf32, #tpu.memory_space<vmem>>
        %dma_start3A_224 = tpu.memref_squeeze %dma_start3A_223 : memref<1x256x96xf32, #tpu.memory_space<vmem>> -> memref<256x96xf32, #tpu.memory_space<vmem>>
        %dma_start3A_225 = arith.constant 0 : i32
        %dma_start3A_226 = tpu.memref_slice %arg3[%mul3A_213, %dma_start3A_225] : memref<320000x96xf32, #tpu.memory_space<hbm>> -> memref<256x96xf32, #tpu.memory_space<hbm>>
        tpu.enqueue_dma source(%dma_start3A_226 : memref<256x96xf32, #tpu.memory_space<hbm>>) target(%dma_start3A_224 : memref<256x96xf32, #tpu.memory_space<vmem>>) target_semaphore(%arg16 : memref<!tpu.dma_semaphore, #tpu.memory_space<semaphore_mem>>)
      } else {
      }
    }
    %scan3A_59 = arith.constant 40 : i32
    %barrier3A_60 = arith.constant 0 : index
    tpu.barrier barrier_id(%barrier3A_60)
    %lt3A_61 = arith.constant 10 : i32
    %lt3A_62 = arith.cmpi slt, %arg1, %lt3A_61 : i32
    %and3A_63 = arith.andi %eq3A_31, %lt3A_62 : i1
    %convert_element_type3A_64 = arith.extui %and3A_63 : i1 to i32
    %cond3A_65 = arith.constant 0 : i32
    %cond3A_66 = arith.cmpi ne, %convert_element_type3A_64, %cond3A_65 : i32
    scf.if %cond3A_66 {
      %mul3A = arith.constant 1000 : i32
      %mul3A_144 = arith.muli %arg1, %mul3A : i32
      %mul3A_145 = arith.constant 1000 : i32
      %mul3A_146 = arith.muli %arg1, %mul3A_145 : i32
      "tpu.region"() ({
        %run_scoped3A = tpu.sem_alloc : memref<!tpu.dma_semaphore, #tpu.memory_space<semaphore_mem>>
        %dma_start3A = arith.constant 0 : i32
        %dma_start3A_147 = tpu.memref_slice %arg9[%mul3A_146, %dma_start3A] : memref<10000x96xf32, #tpu.memory_space<hbm>> -> memref<1000x96xf32, #tpu.memory_space<hbm>>
        %dma_start3A_148 = arith.constant 0 : i32
        %dma_start3A_149 = tpu.memref_slice %arg14[%mul3A_144, %dma_start3A_148] : memref<10000x96xf32, #tpu.memory_space<vmem_shared>> -> memref<1000x96xf32, #tpu.memory_space<vmem_shared>>
        tpu.enqueue_dma source(%dma_start3A_149 : memref<1000x96xf32, #tpu.memory_space<vmem_shared>>) target(%dma_start3A_147 : memref<1000x96xf32, #tpu.memory_space<hbm>>) target_semaphore(%run_scoped3A : memref<!tpu.dma_semaphore, #tpu.memory_space<semaphore_mem>>)
        %dma_wait3A = arith.constant 0 : i32
        %dma_wait3A_150 = tpu.memref_slice %arg9[%mul3A_146, %dma_wait3A] : memref<10000x96xf32, #tpu.memory_space<hbm>> -> memref<1000x96xf32, #tpu.memory_space<hbm>>
        %dma_wait3A_151 = arith.constant 0 : i32
        %dma_wait3A_152 = tpu.memref_slice %arg14[%mul3A_144, %dma_wait3A_151] : memref<10000x96xf32, #tpu.memory_space<vmem_shared>> -> memref<1000x96xf32, #tpu.memory_space<vmem_shared>>
        tpu.wait_dma2 semaphore(%run_scoped3A : memref<!tpu.dma_semaphore, #tpu.memory_space<semaphore_mem>>) src(%dma_wait3A_152 : memref<1000x96xf32, #tpu.memory_space<vmem_shared>>) dst(%dma_wait3A_150 : memref<1000x96xf32, #tpu.memory_space<hbm>>)
        tpu.yield
      }) : () -> ()
    } else {
    }
    %barrier3A_67 = arith.constant 0 : index
    tpu.barrier barrier_id(%barrier3A_67)
    %eq3A_68 = arith.constant 1 : i32
    %eq3A_69 = arith.cmpi eq, %arg0, %eq3A_68 : i32
    %lt3A_70 = arith.constant 10 : i32
    %lt3A_71 = arith.cmpi slt, %arg1, %lt3A_70 : i32
    %and3A_72 = arith.andi %eq3A_69, %lt3A_71 : i1
    %convert_element_type3A_73 = arith.extui %and3A_72 : i1 to i32
    %cond3A_74 = arith.constant 0 : i32
    %cond3A_75 = arith.cmpi ne, %convert_element_type3A_73, %cond3A_74 : i32
    scf.if %cond3A_75 {
      %mul3A = arith.constant 1000 : i32
      %mul3A_144 = arith.muli %arg1, %mul3A : i32
      %mul3A_145 = arith.constant 1000 : i32
      %mul3A_146 = arith.muli %arg1, %mul3A_145 : i32
      "tpu.region"() ({
        %run_scoped3A = tpu.sem_alloc : memref<!tpu.dma_semaphore, #tpu.memory_space<semaphore_mem>>
        %dma_start3A = arith.constant 0 : i32
        %dma_start3A_147 = tpu.memref_slice %arg14[%mul3A_146, %dma_start3A] : memref<10000x96xf32, #tpu.memory_space<vmem_shared>> -> memref<1000x96xf32, #tpu.memory_space<vmem_shared>>
        %dma_start3A_148 = arith.constant 0 : i32
        %dma_start3A_149 = tpu.memref_slice %arg7[%mul3A_144, %dma_start3A_148] : memref<10000x96xf32, #tpu.memory_space<hbm>> -> memref<1000x96xf32, #tpu.memory_space<hbm>>
        tpu.enqueue_dma source(%dma_start3A_149 : memref<1000x96xf32, #tpu.memory_space<hbm>>) target(%dma_start3A_147 : memref<1000x96xf32, #tpu.memory_space<vmem_shared>>) target_semaphore(%run_scoped3A : memref<!tpu.dma_semaphore, #tpu.memory_space<semaphore_mem>>)
        %dma_wait3A = arith.constant 0 : i32
        %dma_wait3A_150 = tpu.memref_slice %arg14[%mul3A_146, %dma_wait3A] : memref<10000x96xf32, #tpu.memory_space<vmem_shared>> -> memref<1000x96xf32, #tpu.memory_space<vmem_shared>>
        %dma_wait3A_151 = arith.constant 0 : i32
        %dma_wait3A_152 = tpu.memref_slice %arg7[%mul3A_144, %dma_wait3A_151] : memref<10000x96xf32, #tpu.memory_space<hbm>> -> memref<1000x96xf32, #tpu.memory_space<hbm>>
        tpu.wait_dma2 semaphore(%run_scoped3A : memref<!tpu.dma_semaphore, #tpu.memory_space<semaphore_mem>>) src(%dma_wait3A_152 : memref<1000x96xf32, #tpu.memory_space<hbm>>) dst(%dma_wait3A_150 : memref<1000x96xf32, #tpu.memory_space<vmem_shared>>)
        tpu.yield
      }) : () -> ()
    } else {
    }
    %barrier3A_76 = arith.constant 0 : index
    tpu.barrier barrier_id(%barrier3A_76)
    %add3A_77 = arith.constant 0 : i32
    %add3A_78 = arith.addi %arg1, %add3A_77 : i32
    %lt3A_79 = arith.constant 1250 : i32
    %lt3A_80 = arith.cmpi slt, %add3A_78, %lt3A_79 : i32
    %and3A_81 = arith.andi %eq3A_69, %lt3A_80 : i1
    %convert_element_type3A_82 = arith.extui %and3A_81 : i1 to i32
    %cond3A_83 = arith.constant 0 : i32
    %cond3A_84 = arith.cmpi ne, %convert_element_type3A_82, %cond3A_83 : i32
    scf.if %cond3A_84 {
      %mul3A = arith.constant 2 : i32
      %mul3A_144 = arith.muli %add3A_78, %mul3A : i32
      %dma_start3A = arith.constant 0 : i32
      %dma_start3A_145 = arith.constant 0 : i32
      %dma_start3A_146 = arith.constant 0 : i32
      %dma_start3A_147 = tpu.memref_slice %arg12[%dma_start3A, %dma_start3A_145, %dma_start3A_146] : memref<2x2x128xi32, #tpu.memory_space<vmem>> -> memref<1x2x128xi32, #tpu.memory_space<vmem>>
      %dma_start3A_148 = tpu.memref_squeeze %dma_start3A_147 : memref<1x2x128xi32, #tpu.memory_space<vmem>> -> memref<2x128xi32, #tpu.memory_space<vmem>>
      %dma_start3A_149 = arith.constant 0 : i32
      %dma_start3A_150 = tpu.memref_slice %arg6[%mul3A_144, %dma_start3A_149] : memref<2500x128xi32, #tpu.memory_space<hbm>> -> memref<2x128xi32, #tpu.memory_space<hbm>>
      %dma_start3A_151 = arith.constant 0 : i32
      %dma_start3A_152 = arith.constant 0 : i32
      %dma_start3A_153 = tpu.memref_slice %arg12[%dma_start3A, %dma_start3A_151, %dma_start3A_152] : memref<2x2x128xi32, #tpu.memory_space<vmem>> -> memref<1x2x128xi32, #tpu.memory_space<vmem>>
      %dma_start3A_154 = tpu.memref_squeeze %dma_start3A_153 : memref<1x2x128xi32, #tpu.memory_space<vmem>> -> memref<2x128xi32, #tpu.memory_space<vmem>>
      %dma_start3A_155 = arith.constant 0 : i32
      %dma_start3A_156 = tpu.memref_slice %arg6[%mul3A_144, %dma_start3A_155] : memref<2500x128xi32, #tpu.memory_space<hbm>> -> memref<2x128xi32, #tpu.memory_space<hbm>>
      tpu.enqueue_dma source(%dma_start3A_156 : memref<2x128xi32, #tpu.memory_space<hbm>>) target(%dma_start3A_154 : memref<2x128xi32, #tpu.memory_space<vmem>>) target_semaphore(%arg15 : memref<!tpu.dma_semaphore, #tpu.memory_space<semaphore_mem>>)
      %mul3A_157 = arith.constant 256 : i32
      %mul3A_158 = arith.muli %add3A_78, %mul3A_157 : i32
      %dma_start3A_159 = arith.constant 0 : i32
      %dma_start3A_160 = arith.constant 0 : i32
      %dma_start3A_161 = arith.constant 0 : i32
      %dma_start3A_162 = tpu.memref_slice %arg13[%dma_start3A_159, %dma_start3A_160, %dma_start3A_161] : memref<2x256x96xf32, #tpu.memory_space<vmem>> -> memref<1x256x96xf32, #tpu.memory_space<vmem>>
      %dma_start3A_163 = tpu.memref_squeeze %dma_start3A_162 : memref<1x256x96xf32, #tpu.memory_space<vmem>> -> memref<256x96xf32, #tpu.memory_space<vmem>>
      %dma_start3A_164 = arith.constant 0 : i32
      %dma_start3A_165 = tpu.memref_slice %arg4[%mul3A_158, %dma_start3A_164] : memref<320000x96xf32, #tpu.memory_space<hbm>> -> memref<256x96xf32, #tpu.memory_space<hbm>>
      %dma_start3A_166 = arith.constant 0 : i32
      %dma_start3A_167 = arith.constant 0 : i32
      %dma_start3A_168 = tpu.memref_slice %arg13[%dma_start3A_159, %dma_start3A_166, %dma_start3A_167] : memref<2x256x96xf32, #tpu.memory_space<vmem>> -> memref<1x256x96xf32, #tpu.memory_space<vmem>>
      %dma_start3A_169 = tpu.memref_squeeze %dma_start3A_168 : memref<1x256x96xf32, #tpu.memory_space<vmem>> -> memref<256x96xf32, #tpu.memory_space<vmem>>
      %dma_start3A_170 = arith.constant 0 : i32
      %dma_start3A_171 = tpu.memref_slice %arg4[%mul3A_158, %dma_start3A_170] : memref<320000x96xf32, #tpu.memory_space<hbm>> -> memref<256x96xf32, #tpu.memory_space<hbm>>
      tpu.enqueue_dma source(%dma_start3A_171 : memref<256x96xf32, #tpu.memory_space<hbm>>) target(%dma_start3A_169 : memref<256x96xf32, #tpu.memory_space<vmem>>) target_semaphore(%arg15 : memref<!tpu.dma_semaphore, #tpu.memory_space<semaphore_mem>>)
    } else {
    }
    %add3A_85 = arith.constant 16 : i32
    %add3A_86 = arith.addi %arg1, %add3A_85 : i32
    %lt3A_87 = arith.constant 1250 : i32
    %lt3A_88 = arith.cmpi slt, %add3A_86, %lt3A_87 : i32
    %and3A_89 = arith.andi %eq3A_69, %lt3A_88 : i1
    %convert_element_type3A_90 = arith.extui %and3A_89 : i1 to i32
    %cond3A_91 = arith.constant 0 : i32
    %cond3A_92 = arith.cmpi ne, %convert_element_type3A_90, %cond3A_91 : i32
    scf.if %cond3A_92 {
      %mul3A = arith.constant 2 : i32
      %mul3A_144 = arith.muli %add3A_86, %mul3A : i32
      %dma_start3A = arith.constant 1 : i32
      %dma_start3A_145 = arith.constant 0 : i32
      %dma_start3A_146 = arith.constant 0 : i32
      %dma_start3A_147 = tpu.memref_slice %arg12[%dma_start3A, %dma_start3A_145, %dma_start3A_146] : memref<2x2x128xi32, #tpu.memory_space<vmem>> -> memref<1x2x128xi32, #tpu.memory_space<vmem>>
      %dma_start3A_148 = tpu.memref_squeeze %dma_start3A_147 : memref<1x2x128xi32, #tpu.memory_space<vmem>> -> memref<2x128xi32, #tpu.memory_space<vmem>>
      %dma_start3A_149 = arith.constant 0 : i32
      %dma_start3A_150 = tpu.memref_slice %arg6[%mul3A_144, %dma_start3A_149] : memref<2500x128xi32, #tpu.memory_space<hbm>> -> memref<2x128xi32, #tpu.memory_space<hbm>>
      %dma_start3A_151 = arith.constant 0 : i32
      %dma_start3A_152 = arith.constant 0 : i32
      %dma_start3A_153 = tpu.memref_slice %arg12[%dma_start3A, %dma_start3A_151, %dma_start3A_152] : memref<2x2x128xi32, #tpu.memory_space<vmem>> -> memref<1x2x128xi32, #tpu.memory_space<vmem>>
      %dma_start3A_154 = tpu.memref_squeeze %dma_start3A_153 : memref<1x2x128xi32, #tpu.memory_space<vmem>> -> memref<2x128xi32, #tpu.memory_space<vmem>>
      %dma_start3A_155 = arith.constant 0 : i32
      %dma_start3A_156 = tpu.memref_slice %arg6[%mul3A_144, %dma_start3A_155] : memref<2500x128xi32, #tpu.memory_space<hbm>> -> memref<2x128xi32, #tpu.memory_space<hbm>>
      tpu.enqueue_dma source(%dma_start3A_156 : memref<2x128xi32, #tpu.memory_space<hbm>>) target(%dma_start3A_154 : memref<2x128xi32, #tpu.memory_space<vmem>>) target_semaphore(%arg16 : memref<!tpu.dma_semaphore, #tpu.memory_space<semaphore_mem>>)
      %mul3A_157 = arith.constant 256 : i32
      %mul3A_158 = arith.muli %add3A_86, %mul3A_157 : i32
      %dma_start3A_159 = arith.constant 1 : i32
      %dma_start3A_160 = arith.constant 0 : i32
      %dma_start3A_161 = arith.constant 0 : i32
      %dma_start3A_162 = tpu.memref_slice %arg13[%dma_start3A_159, %dma_start3A_160, %dma_start3A_161] : memref<2x256x96xf32, #tpu.memory_space<vmem>> -> memref<1x256x96xf32, #tpu.memory_space<vmem>>
      %dma_start3A_163 = tpu.memref_squeeze %dma_start3A_162 : memref<1x256x96xf32, #tpu.memory_space<vmem>> -> memref<256x96xf32, #tpu.memory_space<vmem>>
      %dma_start3A_164 = arith.constant 0 : i32
      %dma_start3A_165 = tpu.memref_slice %arg4[%mul3A_158, %dma_start3A_164] : memref<320000x96xf32, #tpu.memory_space<hbm>> -> memref<256x96xf32, #tpu.memory_space<hbm>>
      %dma_start3A_166 = arith.constant 0 : i32
      %dma_start3A_167 = arith.constant 0 : i32
      %dma_start3A_168 = tpu.memref_slice %arg13[%dma_start3A_159, %dma_start3A_166, %dma_start3A_167] : memref<2x256x96xf32, #tpu.memory_space<vmem>> -> memref<1x256x96xf32, #tpu.memory_space<vmem>>
      %dma_start3A_169 = tpu.memref_squeeze %dma_start3A_168 : memref<1x256x96xf32, #tpu.memory_space<vmem>> -> memref<256x96xf32, #tpu.memory_space<vmem>>
      %dma_start3A_170 = arith.constant 0 : i32
      %dma_start3A_171 = tpu.memref_slice %arg4[%mul3A_158, %dma_start3A_170] : memref<320000x96xf32, #tpu.memory_space<hbm>> -> memref<256x96xf32, #tpu.memory_space<hbm>>
      tpu.enqueue_dma source(%dma_start3A_171 : memref<256x96xf32, #tpu.memory_space<hbm>>) target(%dma_start3A_169 : memref<256x96xf32, #tpu.memory_space<vmem>>) target_semaphore(%arg16 : memref<!tpu.dma_semaphore, #tpu.memory_space<semaphore_mem>>)
    } else {
    }
    %scan3A_93 = arith.constant 0 : i32
    %scan3A_94 = arith.constant 40 : i32
    %scan3A_95 = arith.addi %scan3A_93, %scan3A_94 : i32
    %scan3A_96 = arith.constant 1 : i32
    scf.for %scan3A_144 = %scan3A_93 to %scan3A_95 step %scan3A_96  : i32 {
      %mul3A = arith.constant 1 : i32
      %mul3A_145 = arith.muli %scan3A_144, %mul3A : i32
      %add3A_146 = arith.constant 0 : i32
      %add3A_147 = arith.addi %add3A_146, %mul3A_145 : i32
      %mul3A_148 = arith.constant 2 : i32
      %mul3A_149 = arith.muli %mul3A_148, %add3A_147 : i32
      %mul3A_150 = arith.constant 16 : i32
      %mul3A_151 = arith.muli %mul3A_150, %mul3A_149 : i32
      %add3A_152 = arith.addi %arg1, %mul3A_151 : i32
      %lt3A_153 = arith.constant 1250 : i32
      %lt3A_154 = arith.cmpi slt, %add3A_152, %lt3A_153 : i32
      %and3A_155 = arith.andi %eq3A_69, %lt3A_154 : i1
      %convert_element_type3A_156 = arith.extui %and3A_155 : i1 to i32
      %cond3A_157 = arith.constant 0 : i32
      %cond3A_158 = arith.cmpi ne, %convert_element_type3A_156, %cond3A_157 : i32
      scf.if %cond3A_158 {
        %dma_wait3A = arith.constant 0 : i32
        %dma_wait3A_198 = arith.constant 0 : i32
        %dma_wait3A_199 = arith.constant 0 : i32
        %dma_wait3A_200 = tpu.memref_slice %arg12[%dma_wait3A, %dma_wait3A_198, %dma_wait3A_199] : memref<2x2x128xi32, #tpu.memory_space<vmem>> -> memref<1x2x128xi32, #tpu.memory_space<vmem>>
        %dma_wait3A_201 = tpu.memref_squeeze %dma_wait3A_200 : memref<1x2x128xi32, #tpu.memory_space<vmem>> -> memref<2x128xi32, #tpu.memory_space<vmem>>
        %dma_wait3A_202 = arith.constant 0 : i32
        %dma_wait3A_203 = arith.constant 0 : i32
        %dma_wait3A_204 = tpu.memref_slice %arg6[%dma_wait3A_202, %dma_wait3A_203] : memref<2500x128xi32, #tpu.memory_space<hbm>> -> memref<2x128xi32, #tpu.memory_space<hbm>>
        %dma_wait3A_205 = arith.constant 0 : i32
        %dma_wait3A_206 = arith.constant 0 : i32
        %dma_wait3A_207 = tpu.memref_slice %arg12[%dma_wait3A, %dma_wait3A_205, %dma_wait3A_206] : memref<2x2x128xi32, #tpu.memory_space<vmem>> -> memref<1x2x128xi32, #tpu.memory_space<vmem>>
        %dma_wait3A_208 = tpu.memref_squeeze %dma_wait3A_207 : memref<1x2x128xi32, #tpu.memory_space<vmem>> -> memref<2x128xi32, #tpu.memory_space<vmem>>
        %dma_wait3A_209 = arith.constant 0 : i32
        %dma_wait3A_210 = arith.constant 0 : i32
        %dma_wait3A_211 = tpu.memref_slice %arg6[%dma_wait3A_209, %dma_wait3A_210] : memref<2500x128xi32, #tpu.memory_space<hbm>> -> memref<2x128xi32, #tpu.memory_space<hbm>>
        tpu.wait_dma2 semaphore(%arg15 : memref<!tpu.dma_semaphore, #tpu.memory_space<semaphore_mem>>) src(%dma_wait3A_211 : memref<2x128xi32, #tpu.memory_space<hbm>>) dst(%dma_wait3A_208 : memref<2x128xi32, #tpu.memory_space<vmem>>)
        %dma_wait3A_212 = arith.constant 0 : i32
        %dma_wait3A_213 = arith.constant 0 : i32
        %dma_wait3A_214 = arith.constant 0 : i32
        %dma_wait3A_215 = tpu.memref_slice %arg13[%dma_wait3A_212, %dma_wait3A_213, %dma_wait3A_214] : memref<2x256x96xf32, #tpu.memory_space<vmem>> -> memref<1x256x96xf32, #tpu.memory_space<vmem>>
        %dma_wait3A_216 = tpu.memref_squeeze %dma_wait3A_215 : memref<1x256x96xf32, #tpu.memory_space<vmem>> -> memref<256x96xf32, #tpu.memory_space<vmem>>
        %dma_wait3A_217 = arith.constant 0 : i32
        %dma_wait3A_218 = arith.constant 0 : i32
        %dma_wait3A_219 = tpu.memref_slice %arg4[%dma_wait3A_217, %dma_wait3A_218] : memref<320000x96xf32, #tpu.memory_space<hbm>> -> memref<256x96xf32, #tpu.memory_space<hbm>>
        %dma_wait3A_220 = arith.constant 0 : i32
        %dma_wait3A_221 = arith.constant 0 : i32
        %dma_wait3A_222 = tpu.memref_slice %arg13[%dma_wait3A_212, %dma_wait3A_220, %dma_wait3A_221] : memref<2x256x96xf32, #tpu.memory_space<vmem>> -> memref<1x256x96xf32, #tpu.memory_space<vmem>>
        %dma_wait3A_223 = tpu.memref_squeeze %dma_wait3A_222 : memref<1x256x96xf32, #tpu.memory_space<vmem>> -> memref<256x96xf32, #tpu.memory_space<vmem>>
        %dma_wait3A_224 = arith.constant 0 : i32
        %dma_wait3A_225 = arith.constant 0 : i32
        %dma_wait3A_226 = tpu.memref_slice %arg4[%dma_wait3A_224, %dma_wait3A_225] : memref<320000x96xf32, #tpu.memory_space<hbm>> -> memref<256x96xf32, #tpu.memory_space<hbm>>
        tpu.wait_dma2 semaphore(%arg15 : memref<!tpu.dma_semaphore, #tpu.memory_space<semaphore_mem>>) src(%dma_wait3A_226 : memref<256x96xf32, #tpu.memory_space<hbm>>) dst(%dma_wait3A_223 : memref<256x96xf32, #tpu.memory_space<vmem>>)
        %run_scoped3A = arith.constant 0 : i32
        %run_scoped3A_227 = arith.constant 0 : i32
        %run_scoped3A_228 = arith.constant 0 : i32
        "tpu.region"() ({
          %run_scoped3A_232 = tpu.sem_alloc : memref<!tpu.dma_semaphore, #tpu.memory_space<semaphore_mem>>
          %dma_start3A = arith.constant 0 : i32
          %dma_start3A_233 = arith.constant 0 : i32
          %dma_start3A_234 = tpu.memref_slice %arg13[%run_scoped3A, %dma_start3A, %dma_start3A_233] : memref<2x256x96xf32, #tpu.memory_space<vmem>> -> memref<1x128x96xf32, #tpu.memory_space<vmem>>
          %dma_start3A_235 = tpu.memref_squeeze %dma_start3A_234 : memref<1x128x96xf32, #tpu.memory_space<vmem>> -> memref<128x96xf32, #tpu.memory_space<vmem>>
          %dma_start3A_236 = arith.constant 0 : i32
          %dma_start3A_237 = tpu.memref_slice %arg12[%run_scoped3A_227, %run_scoped3A_228, %dma_start3A_236] : memref<2x2x128xi32, #tpu.memory_space<vmem>> -> memref<1x1x128xi32, #tpu.memory_space<vmem>>
          %dma_start3A_238 = tpu.memref_squeeze %dma_start3A_237 : memref<1x1x128xi32, #tpu.memory_space<vmem>> -> memref<128xi32, #tpu.memory_space<vmem>>
          %dma_start3A_239 = arith.constant 0 : i32
          %dma_start3A_240 = arith.constant 0 : i32
          %dma_start3A_241 = tpu.memref_slice %arg14[%dma_start3A_239, %dma_start3A_240] : memref<10000x96xf32, #tpu.memory_space<vmem_shared>> -> memref<10000x96xf32, #tpu.memory_space<vmem_shared>>
          tpu.enqueue_indirect_dma source(%dma_start3A_235 : memref<128x96xf32, #tpu.memory_space<vmem>>) target(%dma_start3A_241 : memref<10000x96xf32, #tpu.memory_space<vmem_shared>>) offsets(%dma_start3A_238 : memref<128xi32, #tpu.memory_space<vmem>>) semaphore(%run_scoped3A_232 : memref<!tpu.dma_semaphore, #tpu.memory_space<semaphore_mem>>) {add = true}
          %dma_wait3A_242 = arith.constant 0 : i32
          %dma_wait3A_243 = arith.constant 0 : i32
          %dma_wait3A_244 = tpu.memref_slice %arg13[%run_scoped3A, %dma_wait3A_242, %dma_wait3A_243] : memref<2x256x96xf32, #tpu.memory_space<vmem>> -> memref<1x128x96xf32, #tpu.memory_space<vmem>>
          %dma_wait3A_245 = tpu.memref_squeeze %dma_wait3A_244 : memref<1x128x96xf32, #tpu.memory_space<vmem>> -> memref<128x96xf32, #tpu.memory_space<vmem>>
          %dma_wait3A_246 = arith.constant 0 : i32
          %dma_wait3A_247 = tpu.memref_slice %arg12[%run_scoped3A_227, %run_scoped3A_228, %dma_wait3A_246] : memref<2x2x128xi32, #tpu.memory_space<vmem>> -> memref<1x1x128xi32, #tpu.memory_space<vmem>>
          %dma_wait3A_248 = tpu.memref_squeeze %dma_wait3A_247 : memref<1x1x128xi32, #tpu.memory_space<vmem>> -> memref<128xi32, #tpu.memory_space<vmem>>
          %dma_wait3A_249 = arith.constant 0 : i32
          %dma_wait3A_250 = arith.constant 0 : i32
          %dma_wait3A_251 = tpu.memref_slice %arg14[%dma_wait3A_249, %dma_wait3A_250] : memref<10000x96xf32, #tpu.memory_space<vmem_shared>> -> memref<10000x96xf32, #tpu.memory_space<vmem_shared>>
          tpu.wait_indirect_dma semaphore(%run_scoped3A_232 : memref<!tpu.dma_semaphore, #tpu.memory_space<semaphore_mem>>) src(%dma_wait3A_245 : memref<128x96xf32, #tpu.memory_space<vmem>>) dst(%dma_wait3A_251 : memref<10000x96xf32, #tpu.memory_space<vmem_shared>>)
          tpu.yield
        }) : () -> ()
        %run_scoped3A_229 = arith.constant 0 : i32
        %run_scoped3A_230 = arith.constant 0 : i32
        %run_scoped3A_231 = arith.constant 1 : i32
        "tpu.region"() ({
          %run_scoped3A_232 = tpu.sem_alloc : memref<!tpu.dma_semaphore, #tpu.memory_space<semaphore_mem>>
          %dma_start3A = arith.constant 128 : i32
          %dma_start3A_233 = arith.constant 0 : i32
          %dma_start3A_234 = tpu.memref_slice %arg13[%run_scoped3A_229, %dma_start3A, %dma_start3A_233] : memref<2x256x96xf32, #tpu.memory_space<vmem>> -> memref<1x128x96xf32, #tpu.memory_space<vmem>>
          %dma_start3A_235 = tpu.memref_squeeze %dma_start3A_234 : memref<1x128x96xf32, #tpu.memory_space<vmem>> -> memref<128x96xf32, #tpu.memory_space<vmem>>
          %dma_start3A_236 = arith.constant 0 : i32
          %dma_start3A_237 = tpu.memref_slice %arg12[%run_scoped3A_230, %run_scoped3A_231, %dma_start3A_236] : memref<2x2x128xi32, #tpu.memory_space<vmem>> -> memref<1x1x128xi32, #tpu.memory_space<vmem>>
          %dma_start3A_238 = tpu.memref_squeeze %dma_start3A_237 : memref<1x1x128xi32, #tpu.memory_space<vmem>> -> memref<128xi32, #tpu.memory_space<vmem>>
          %dma_start3A_239 = arith.constant 0 : i32
          %dma_start3A_240 = arith.constant 0 : i32
          %dma_start3A_241 = tpu.memref_slice %arg14[%dma_start3A_239, %dma_start3A_240] : memref<10000x96xf32, #tpu.memory_space<vmem_shared>> -> memref<10000x96xf32, #tpu.memory_space<vmem_shared>>
          tpu.enqueue_indirect_dma source(%dma_start3A_235 : memref<128x96xf32, #tpu.memory_space<vmem>>) target(%dma_start3A_241 : memref<10000x96xf32, #tpu.memory_space<vmem_shared>>) offsets(%dma_start3A_238 : memref<128xi32, #tpu.memory_space<vmem>>) semaphore(%run_scoped3A_232 : memref<!tpu.dma_semaphore, #tpu.memory_space<semaphore_mem>>) {add = true}
          %dma_wait3A_242 = arith.constant 128 : i32
          %dma_wait3A_243 = arith.constant 0 : i32
          %dma_wait3A_244 = tpu.memref_slice %arg13[%run_scoped3A_229, %dma_wait3A_242, %dma_wait3A_243] : memref<2x256x96xf32, #tpu.memory_space<vmem>> -> memref<1x128x96xf32, #tpu.memory_space<vmem>>
          %dma_wait3A_245 = tpu.memref_squeeze %dma_wait3A_244 : memref<1x128x96xf32, #tpu.memory_space<vmem>> -> memref<128x96xf32, #tpu.memory_space<vmem>>
          %dma_wait3A_246 = arith.constant 0 : i32
          %dma_wait3A_247 = tpu.memref_slice %arg12[%run_scoped3A_230, %run_scoped3A_231, %dma_wait3A_246] : memref<2x2x128xi32, #tpu.memory_space<vmem>> -> memref<1x1x128xi32, #tpu.memory_space<vmem>>
          %dma_wait3A_248 = tpu.memref_squeeze %dma_wait3A_247 : memref<1x1x128xi32, #tpu.memory_space<vmem>> -> memref<128xi32, #tpu.memory_space<vmem>>
          %dma_wait3A_249 = arith.constant 0 : i32
          %dma_wait3A_250 = arith.constant 0 : i32
          %dma_wait3A_251 = tpu.memref_slice %arg14[%dma_wait3A_249, %dma_wait3A_250] : memref<10000x96xf32, #tpu.memory_space<vmem_shared>> -> memref<10000x96xf32, #tpu.memory_space<vmem_shared>>
          tpu.wait_indirect_dma semaphore(%run_scoped3A_232 : memref<!tpu.dma_semaphore, #tpu.memory_space<semaphore_mem>>) src(%dma_wait3A_245 : memref<128x96xf32, #tpu.memory_space<vmem>>) dst(%dma_wait3A_251 : memref<10000x96xf32, #tpu.memory_space<vmem_shared>>)
          tpu.yield
        }) : () -> ()
      } else {
      }
      %mul3A_159 = arith.constant 2 : i32
      %mul3A_160 = arith.muli %mul3A_159, %add3A_147 : i32
      %add3A_161 = arith.constant 2 : i32
      %add3A_162 = arith.addi %mul3A_160, %add3A_161 : i32
      %mul3A_163 = arith.constant 16 : i32
      %mul3A_164 = arith.muli %mul3A_163, %add3A_162 : i32
      %add3A_165 = arith.addi %arg1, %mul3A_164 : i32
      %lt3A_166 = arith.constant 1250 : i32
      %lt3A_167 = arith.cmpi slt, %add3A_165, %lt3A_166 : i32
      %and3A_168 = arith.andi %eq3A_69, %lt3A_167 : i1
      %convert_element_type3A_169 = arith.extui %and3A_168 : i1 to i32
      %cond3A_170 = arith.constant 0 : i32
      %cond3A_171 = arith.cmpi ne, %convert_element_type3A_169, %cond3A_170 : i32
      scf.if %cond3A_171 {
        %mul3A_198 = arith.constant 2 : i32
        %mul3A_199 = arith.muli %add3A_165, %mul3A_198 : i32
        %dma_start3A = arith.constant 0 : i32
        %dma_start3A_200 = arith.constant 0 : i32
        %dma_start3A_201 = arith.constant 0 : i32
        %dma_start3A_202 = tpu.memref_slice %arg12[%dma_start3A, %dma_start3A_200, %dma_start3A_201] : memref<2x2x128xi32, #tpu.memory_space<vmem>> -> memref<1x2x128xi32, #tpu.memory_space<vmem>>
        %dma_start3A_203 = tpu.memref_squeeze %dma_start3A_202 : memref<1x2x128xi32, #tpu.memory_space<vmem>> -> memref<2x128xi32, #tpu.memory_space<vmem>>
        %dma_start3A_204 = arith.constant 0 : i32
        %dma_start3A_205 = tpu.memref_slice %arg6[%mul3A_199, %dma_start3A_204] : memref<2500x128xi32, #tpu.memory_space<hbm>> -> memref<2x128xi32, #tpu.memory_space<hbm>>
        %dma_start3A_206 = arith.constant 0 : i32
        %dma_start3A_207 = arith.constant 0 : i32
        %dma_start3A_208 = tpu.memref_slice %arg12[%dma_start3A, %dma_start3A_206, %dma_start3A_207] : memref<2x2x128xi32, #tpu.memory_space<vmem>> -> memref<1x2x128xi32, #tpu.memory_space<vmem>>
        %dma_start3A_209 = tpu.memref_squeeze %dma_start3A_208 : memref<1x2x128xi32, #tpu.memory_space<vmem>> -> memref<2x128xi32, #tpu.memory_space<vmem>>
        %dma_start3A_210 = arith.constant 0 : i32
        %dma_start3A_211 = tpu.memref_slice %arg6[%mul3A_199, %dma_start3A_210] : memref<2500x128xi32, #tpu.memory_space<hbm>> -> memref<2x128xi32, #tpu.memory_space<hbm>>
        tpu.enqueue_dma source(%dma_start3A_211 : memref<2x128xi32, #tpu.memory_space<hbm>>) target(%dma_start3A_209 : memref<2x128xi32, #tpu.memory_space<vmem>>) target_semaphore(%arg15 : memref<!tpu.dma_semaphore, #tpu.memory_space<semaphore_mem>>)
        %mul3A_212 = arith.constant 256 : i32
        %mul3A_213 = arith.muli %add3A_165, %mul3A_212 : i32
        %dma_start3A_214 = arith.constant 0 : i32
        %dma_start3A_215 = arith.constant 0 : i32
        %dma_start3A_216 = arith.constant 0 : i32
        %dma_start3A_217 = tpu.memref_slice %arg13[%dma_start3A_214, %dma_start3A_215, %dma_start3A_216] : memref<2x256x96xf32, #tpu.memory_space<vmem>> -> memref<1x256x96xf32, #tpu.memory_space<vmem>>
        %dma_start3A_218 = tpu.memref_squeeze %dma_start3A_217 : memref<1x256x96xf32, #tpu.memory_space<vmem>> -> memref<256x96xf32, #tpu.memory_space<vmem>>
        %dma_start3A_219 = arith.constant 0 : i32
        %dma_start3A_220 = tpu.memref_slice %arg4[%mul3A_213, %dma_start3A_219] : memref<320000x96xf32, #tpu.memory_space<hbm>> -> memref<256x96xf32, #tpu.memory_space<hbm>>
        %dma_start3A_221 = arith.constant 0 : i32
        %dma_start3A_222 = arith.constant 0 : i32
        %dma_start3A_223 = tpu.memref_slice %arg13[%dma_start3A_214, %dma_start3A_221, %dma_start3A_222] : memref<2x256x96xf32, #tpu.memory_space<vmem>> -> memref<1x256x96xf32, #tpu.memory_space<vmem>>
        %dma_start3A_224 = tpu.memref_squeeze %dma_start3A_223 : memref<1x256x96xf32, #tpu.memory_space<vmem>> -> memref<256x96xf32, #tpu.memory_space<vmem>>
        %dma_start3A_225 = arith.constant 0 : i32
        %dma_start3A_226 = tpu.memref_slice %arg4[%mul3A_213, %dma_start3A_225] : memref<320000x96xf32, #tpu.memory_space<hbm>> -> memref<256x96xf32, #tpu.memory_space<hbm>>
        tpu.enqueue_dma source(%dma_start3A_226 : memref<256x96xf32, #tpu.memory_space<hbm>>) target(%dma_start3A_224 : memref<256x96xf32, #tpu.memory_space<vmem>>) target_semaphore(%arg15 : memref<!tpu.dma_semaphore, #tpu.memory_space<semaphore_mem>>)
      } else {
      }
      %mul3A_172 = arith.constant 2 : i32
      %mul3A_173 = arith.muli %mul3A_172, %add3A_147 : i32
      %add3A_174 = arith.constant 1 : i32
      %add3A_175 = arith.addi %mul3A_173, %add3A_174 : i32
      %mul3A_176 = arith.constant 16 : i32
      %mul3A_177 = arith.muli %mul3A_176, %add3A_175 : i32
      %add3A_178 = arith.addi %arg1, %mul3A_177 : i32
      %lt3A_179 = arith.constant 1250 : i32
      %lt3A_180 = arith.cmpi slt, %add3A_178, %lt3A_179 : i32
      %and3A_181 = arith.andi %eq3A_69, %lt3A_180 : i1
      %convert_element_type3A_182 = arith.extui %and3A_181 : i1 to i32
      %cond3A_183 = arith.constant 0 : i32
      %cond3A_184 = arith.cmpi ne, %convert_element_type3A_182, %cond3A_183 : i32
      scf.if %cond3A_184 {
        %dma_wait3A = arith.constant 1 : i32
        %dma_wait3A_198 = arith.constant 0 : i32
        %dma_wait3A_199 = arith.constant 0 : i32
        %dma_wait3A_200 = tpu.memref_slice %arg12[%dma_wait3A, %dma_wait3A_198, %dma_wait3A_199] : memref<2x2x128xi32, #tpu.memory_space<vmem>> -> memref<1x2x128xi32, #tpu.memory_space<vmem>>
        %dma_wait3A_201 = tpu.memref_squeeze %dma_wait3A_200 : memref<1x2x128xi32, #tpu.memory_space<vmem>> -> memref<2x128xi32, #tpu.memory_space<vmem>>
        %dma_wait3A_202 = arith.constant 0 : i32
        %dma_wait3A_203 = arith.constant 0 : i32
        %dma_wait3A_204 = tpu.memref_slice %arg6[%dma_wait3A_202, %dma_wait3A_203] : memref<2500x128xi32, #tpu.memory_space<hbm>> -> memref<2x128xi32, #tpu.memory_space<hbm>>
        %dma_wait3A_205 = arith.constant 0 : i32
        %dma_wait3A_206 = arith.constant 0 : i32
        %dma_wait3A_207 = tpu.memref_slice %arg12[%dma_wait3A, %dma_wait3A_205, %dma_wait3A_206] : memref<2x2x128xi32, #tpu.memory_space<vmem>> -> memref<1x2x128xi32, #tpu.memory_space<vmem>>
        %dma_wait3A_208 = tpu.memref_squeeze %dma_wait3A_207 : memref<1x2x128xi32, #tpu.memory_space<vmem>> -> memref<2x128xi32, #tpu.memory_space<vmem>>
        %dma_wait3A_209 = arith.constant 0 : i32
        %dma_wait3A_210 = arith.constant 0 : i32
        %dma_wait3A_211 = tpu.memref_slice %arg6[%dma_wait3A_209, %dma_wait3A_210] : memref<2500x128xi32, #tpu.memory_space<hbm>> -> memref<2x128xi32, #tpu.memory_space<hbm>>
        tpu.wait_dma2 semaphore(%arg16 : memref<!tpu.dma_semaphore, #tpu.memory_space<semaphore_mem>>) src(%dma_wait3A_211 : memref<2x128xi32, #tpu.memory_space<hbm>>) dst(%dma_wait3A_208 : memref<2x128xi32, #tpu.memory_space<vmem>>)
        %dma_wait3A_212 = arith.constant 1 : i32
        %dma_wait3A_213 = arith.constant 0 : i32
        %dma_wait3A_214 = arith.constant 0 : i32
        %dma_wait3A_215 = tpu.memref_slice %arg13[%dma_wait3A_212, %dma_wait3A_213, %dma_wait3A_214] : memref<2x256x96xf32, #tpu.memory_space<vmem>> -> memref<1x256x96xf32, #tpu.memory_space<vmem>>
        %dma_wait3A_216 = tpu.memref_squeeze %dma_wait3A_215 : memref<1x256x96xf32, #tpu.memory_space<vmem>> -> memref<256x96xf32, #tpu.memory_space<vmem>>
        %dma_wait3A_217 = arith.constant 0 : i32
        %dma_wait3A_218 = arith.constant 0 : i32
        %dma_wait3A_219 = tpu.memref_slice %arg4[%dma_wait3A_217, %dma_wait3A_218] : memref<320000x96xf32, #tpu.memory_space<hbm>> -> memref<256x96xf32, #tpu.memory_space<hbm>>
        %dma_wait3A_220 = arith.constant 0 : i32
        %dma_wait3A_221 = arith.constant 0 : i32
        %dma_wait3A_222 = tpu.memref_slice %arg13[%dma_wait3A_212, %dma_wait3A_220, %dma_wait3A_221] : memref<2x256x96xf32, #tpu.memory_space<vmem>> -> memref<1x256x96xf32, #tpu.memory_space<vmem>>
        %dma_wait3A_223 = tpu.memref_squeeze %dma_wait3A_222 : memref<1x256x96xf32, #tpu.memory_space<vmem>> -> memref<256x96xf32, #tpu.memory_space<vmem>>
        %dma_wait3A_224 = arith.constant 0 : i32
        %dma_wait3A_225 = arith.constant 0 : i32
        %dma_wait3A_226 = tpu.memref_slice %arg4[%dma_wait3A_224, %dma_wait3A_225] : memref<320000x96xf32, #tpu.memory_space<hbm>> -> memref<256x96xf32, #tpu.memory_space<hbm>>
        tpu.wait_dma2 semaphore(%arg16 : memref<!tpu.dma_semaphore, #tpu.memory_space<semaphore_mem>>) src(%dma_wait3A_226 : memref<256x96xf32, #tpu.memory_space<hbm>>) dst(%dma_wait3A_223 : memref<256x96xf32, #tpu.memory_space<vmem>>)
        %run_scoped3A = arith.constant 1 : i32
        %run_scoped3A_227 = arith.constant 1 : i32
        %run_scoped3A_228 = arith.constant 0 : i32
        "tpu.region"() ({
          %run_scoped3A_232 = tpu.sem_alloc : memref<!tpu.dma_semaphore, #tpu.memory_space<semaphore_mem>>
          %dma_start3A = arith.constant 0 : i32
          %dma_start3A_233 = arith.constant 0 : i32
          %dma_start3A_234 = tpu.memref_slice %arg13[%run_scoped3A, %dma_start3A, %dma_start3A_233] : memref<2x256x96xf32, #tpu.memory_space<vmem>> -> memref<1x128x96xf32, #tpu.memory_space<vmem>>
          %dma_start3A_235 = tpu.memref_squeeze %dma_start3A_234 : memref<1x128x96xf32, #tpu.memory_space<vmem>> -> memref<128x96xf32, #tpu.memory_space<vmem>>
          %dma_start3A_236 = arith.constant 0 : i32
          %dma_start3A_237 = tpu.memref_slice %arg12[%run_scoped3A_227, %run_scoped3A_228, %dma_start3A_236] : memref<2x2x128xi32, #tpu.memory_space<vmem>> -> memref<1x1x128xi32, #tpu.memory_space<vmem>>
          %dma_start3A_238 = tpu.memref_squeeze %dma_start3A_237 : memref<1x1x128xi32, #tpu.memory_space<vmem>> -> memref<128xi32, #tpu.memory_space<vmem>>
          %dma_start3A_239 = arith.constant 0 : i32
          %dma_start3A_240 = arith.constant 0 : i32
          %dma_start3A_241 = tpu.memref_slice %arg14[%dma_start3A_239, %dma_start3A_240] : memref<10000x96xf32, #tpu.memory_space<vmem_shared>> -> memref<10000x96xf32, #tpu.memory_space<vmem_shared>>
          tpu.enqueue_indirect_dma source(%dma_start3A_235 : memref<128x96xf32, #tpu.memory_space<vmem>>) target(%dma_start3A_241 : memref<10000x96xf32, #tpu.memory_space<vmem_shared>>) offsets(%dma_start3A_238 : memref<128xi32, #tpu.memory_space<vmem>>) semaphore(%run_scoped3A_232 : memref<!tpu.dma_semaphore, #tpu.memory_space<semaphore_mem>>) {add = true}
          %dma_wait3A_242 = arith.constant 0 : i32
          %dma_wait3A_243 = arith.constant 0 : i32
          %dma_wait3A_244 = tpu.memref_slice %arg13[%run_scoped3A, %dma_wait3A_242, %dma_wait3A_243] : memref<2x256x96xf32, #tpu.memory_space<vmem>> -> memref<1x128x96xf32, #tpu.memory_space<vmem>>
          %dma_wait3A_245 = tpu.memref_squeeze %dma_wait3A_244 : memref<1x128x96xf32, #tpu.memory_space<vmem>> -> memref<128x96xf32, #tpu.memory_space<vmem>>
          %dma_wait3A_246 = arith.constant 0 : i32
          %dma_wait3A_247 = tpu.memref_slice %arg12[%run_scoped3A_227, %run_scoped3A_228, %dma_wait3A_246] : memref<2x2x128xi32, #tpu.memory_space<vmem>> -> memref<1x1x128xi32, #tpu.memory_space<vmem>>
          %dma_wait3A_248 = tpu.memref_squeeze %dma_wait3A_247 : memref<1x1x128xi32, #tpu.memory_space<vmem>> -> memref<128xi32, #tpu.memory_space<vmem>>
          %dma_wait3A_249 = arith.constant 0 : i32
          %dma_wait3A_250 = arith.constant 0 : i32
          %dma_wait3A_251 = tpu.memref_slice %arg14[%dma_wait3A_249, %dma_wait3A_250] : memref<10000x96xf32, #tpu.memory_space<vmem_shared>> -> memref<10000x96xf32, #tpu.memory_space<vmem_shared>>
          tpu.wait_indirect_dma semaphore(%run_scoped3A_232 : memref<!tpu.dma_semaphore, #tpu.memory_space<semaphore_mem>>) src(%dma_wait3A_245 : memref<128x96xf32, #tpu.memory_space<vmem>>) dst(%dma_wait3A_251 : memref<10000x96xf32, #tpu.memory_space<vmem_shared>>)
          tpu.yield
        }) : () -> ()
        %run_scoped3A_229 = arith.constant 1 : i32
        %run_scoped3A_230 = arith.constant 1 : i32
        %run_scoped3A_231 = arith.constant 1 : i32
        "tpu.region"() ({
          %run_scoped3A_232 = tpu.sem_alloc : memref<!tpu.dma_semaphore, #tpu.memory_space<semaphore_mem>>
          %dma_start3A = arith.constant 128 : i32
          %dma_start3A_233 = arith.constant 0 : i32
          %dma_start3A_234 = tpu.memref_slice %arg13[%run_scoped3A_229, %dma_start3A, %dma_start3A_233] : memref<2x256x96xf32, #tpu.memory_space<vmem>> -> memref<1x128x96xf32, #tpu.memory_space<vmem>>
          %dma_start3A_235 = tpu.memref_squeeze %dma_start3A_234 : memref<1x128x96xf32, #tpu.memory_space<vmem>> -> memref<128x96xf32, #tpu.memory_space<vmem>>
          %dma_start3A_236 = arith.constant 0 : i32
          %dma_start3A_237 = tpu.memref_slice %arg12[%run_scoped3A_230, %run_scoped3A_231, %dma_start3A_236] : memref<2x2x128xi32, #tpu.memory_space<vmem>> -> memref<1x1x128xi32, #tpu.memory_space<vmem>>
          %dma_start3A_238 = tpu.memref_squeeze %dma_start3A_237 : memref<1x1x128xi32, #tpu.memory_space<vmem>> -> memref<128xi32, #tpu.memory_space<vmem>>
          %dma_start3A_239 = arith.constant 0 : i32
          %dma_start3A_240 = arith.constant 0 : i32
          %dma_start3A_241 = tpu.memref_slice %arg14[%dma_start3A_239, %dma_start3A_240] : memref<10000x96xf32, #tpu.memory_space<vmem_shared>> -> memref<10000x96xf32, #tpu.memory_space<vmem_shared>>
          tpu.enqueue_indirect_dma source(%dma_start3A_235 : memref<128x96xf32, #tpu.memory_space<vmem>>) target(%dma_start3A_241 : memref<10000x96xf32, #tpu.memory_space<vmem_shared>>) offsets(%dma_start3A_238 : memref<128xi32, #tpu.memory_space<vmem>>) semaphore(%run_scoped3A_232 : memref<!tpu.dma_semaphore, #tpu.memory_space<semaphore_mem>>) {add = true}
          %dma_wait3A_242 = arith.constant 128 : i32
          %dma_wait3A_243 = arith.constant 0 : i32
          %dma_wait3A_244 = tpu.memref_slice %arg13[%run_scoped3A_229, %dma_wait3A_242, %dma_wait3A_243] : memref<2x256x96xf32, #tpu.memory_space<vmem>> -> memref<1x128x96xf32, #tpu.memory_space<vmem>>
          %dma_wait3A_245 = tpu.memref_squeeze %dma_wait3A_244 : memref<1x128x96xf32, #tpu.memory_space<vmem>> -> memref<128x96xf32, #tpu.memory_space<vmem>>
          %dma_wait3A_246 = arith.constant 0 : i32
          %dma_wait3A_247 = tpu.memref_slice %arg12[%run_scoped3A_230, %run_scoped3A_231, %dma_wait3A_246] : memref<2x2x128xi32, #tpu.memory_space<vmem>> -> memref<1x1x128xi32, #tpu.memory_space<vmem>>
          %dma_wait3A_248 = tpu.memref_squeeze %dma_wait3A_247 : memref<1x1x128xi32, #tpu.memory_space<vmem>> -> memref<128xi32, #tpu.memory_space<vmem>>
          %dma_wait3A_249 = arith.constant 0 : i32
          %dma_wait3A_250 = arith.constant 0 : i32
          %dma_wait3A_251 = tpu.memref_slice %arg14[%dma_wait3A_249, %dma_wait3A_250] : memref<10000x96xf32, #tpu.memory_space<vmem_shared>> -> memref<10000x96xf32, #tpu.memory_space<vmem_shared>>
          tpu.wait_indirect_dma semaphore(%run_scoped3A_232 : memref<!tpu.dma_semaphore, #tpu.memory_space<semaphore_mem>>) src(%dma_wait3A_245 : memref<128x96xf32, #tpu.memory_space<vmem>>) dst(%dma_wait3A_251 : memref<10000x96xf32, #tpu.memory_space<vmem_shared>>)
          tpu.yield
        }) : () -> ()
      } else {
      }
      %mul3A_185 = arith.constant 2 : i32
      %mul3A_186 = arith.muli %mul3A_185, %add3A_147 : i32
      %add3A_187 = arith.constant 3 : i32
      %add3A_188 = arith.addi %mul3A_186, %add3A_187 : i32
      %mul3A_189 = arith.constant 16 : i32
      %mul3A_190 = arith.muli %mul3A_189, %add3A_188 : i32
      %add3A_191 = arith.addi %arg1, %mul3A_190 : i32
      %lt3A_192 = arith.constant 1250 : i32
      %lt3A_193 = arith.cmpi slt, %add3A_191, %lt3A_192 : i32
      %and3A_194 = arith.andi %eq3A_69, %lt3A_193 : i1
      %convert_element_type3A_195 = arith.extui %and3A_194 : i1 to i32
      %cond3A_196 = arith.constant 0 : i32
      %cond3A_197 = arith.cmpi ne, %convert_element_type3A_195, %cond3A_196 : i32
      scf.if %cond3A_197 {
        %mul3A_198 = arith.constant 2 : i32
        %mul3A_199 = arith.muli %add3A_191, %mul3A_198 : i32
        %dma_start3A = arith.constant 1 : i32
        %dma_start3A_200 = arith.constant 0 : i32
        %dma_start3A_201 = arith.constant 0 : i32
        %dma_start3A_202 = tpu.memref_slice %arg12[%dma_start3A, %dma_start3A_200, %dma_start3A_201] : memref<2x2x128xi32, #tpu.memory_space<vmem>> -> memref<1x2x128xi32, #tpu.memory_space<vmem>>
        %dma_start3A_203 = tpu.memref_squeeze %dma_start3A_202 : memref<1x2x128xi32, #tpu.memory_space<vmem>> -> memref<2x128xi32, #tpu.memory_space<vmem>>
        %dma_start3A_204 = arith.constant 0 : i32
        %dma_start3A_205 = tpu.memref_slice %arg6[%mul3A_199, %dma_start3A_204] : memref<2500x128xi32, #tpu.memory_space<hbm>> -> memref<2x128xi32, #tpu.memory_space<hbm>>
        %dma_start3A_206 = arith.constant 0 : i32
        %dma_start3A_207 = arith.constant 0 : i32
        %dma_start3A_208 = tpu.memref_slice %arg12[%dma_start3A, %dma_start3A_206, %dma_start3A_207] : memref<2x2x128xi32, #tpu.memory_space<vmem>> -> memref<1x2x128xi32, #tpu.memory_space<vmem>>
        %dma_start3A_209 = tpu.memref_squeeze %dma_start3A_208 : memref<1x2x128xi32, #tpu.memory_space<vmem>> -> memref<2x128xi32, #tpu.memory_space<vmem>>
        %dma_start3A_210 = arith.constant 0 : i32
        %dma_start3A_211 = tpu.memref_slice %arg6[%mul3A_199, %dma_start3A_210] : memref<2500x128xi32, #tpu.memory_space<hbm>> -> memref<2x128xi32, #tpu.memory_space<hbm>>
        tpu.enqueue_dma source(%dma_start3A_211 : memref<2x128xi32, #tpu.memory_space<hbm>>) target(%dma_start3A_209 : memref<2x128xi32, #tpu.memory_space<vmem>>) target_semaphore(%arg16 : memref<!tpu.dma_semaphore, #tpu.memory_space<semaphore_mem>>)
        %mul3A_212 = arith.constant 256 : i32
        %mul3A_213 = arith.muli %add3A_191, %mul3A_212 : i32
        %dma_start3A_214 = arith.constant 1 : i32
        %dma_start3A_215 = arith.constant 0 : i32
        %dma_start3A_216 = arith.constant 0 : i32
        %dma_start3A_217 = tpu.memref_slice %arg13[%dma_start3A_214, %dma_start3A_215, %dma_start3A_216] : memref<2x256x96xf32, #tpu.memory_space<vmem>> -> memref<1x256x96xf32, #tpu.memory_space<vmem>>
        %dma_start3A_218 = tpu.memref_squeeze %dma_start3A_217 : memref<1x256x96xf32, #tpu.memory_space<vmem>> -> memref<256x96xf32, #tpu.memory_space<vmem>>
        %dma_start3A_219 = arith.constant 0 : i32
        %dma_start3A_220 = tpu.memref_slice %arg4[%mul3A_213, %dma_start3A_219] : memref<320000x96xf32, #tpu.memory_space<hbm>> -> memref<256x96xf32, #tpu.memory_space<hbm>>
        %dma_start3A_221 = arith.constant 0 : i32
        %dma_start3A_222 = arith.constant 0 : i32
        %dma_start3A_223 = tpu.memref_slice %arg13[%dma_start3A_214, %dma_start3A_221, %dma_start3A_222] : memref<2x256x96xf32, #tpu.memory_space<vmem>> -> memref<1x256x96xf32, #tpu.memory_space<vmem>>
        %dma_start3A_224 = tpu.memref_squeeze %dma_start3A_223 : memref<1x256x96xf32, #tpu.memory_space<vmem>> -> memref<256x96xf32, #tpu.memory_space<vmem>>
        %dma_start3A_225 = arith.constant 0 : i32
        %dma_start3A_226 = tpu.memref_slice %arg4[%mul3A_213, %dma_start3A_225] : memref<320000x96xf32, #tpu.memory_space<hbm>> -> memref<256x96xf32, #tpu.memory_space<hbm>>
        tpu.enqueue_dma source(%dma_start3A_226 : memref<256x96xf32, #tpu.memory_space<hbm>>) target(%dma_start3A_224 : memref<256x96xf32, #tpu.memory_space<vmem>>) target_semaphore(%arg16 : memref<!tpu.dma_semaphore, #tpu.memory_space<semaphore_mem>>)
      } else {
      }
    }
    %scan3A_97 = arith.constant 40 : i32
    %barrier3A_98 = arith.constant 0 : index
    tpu.barrier barrier_id(%barrier3A_98)
    %lt3A_99 = arith.constant 10 : i32
    %lt3A_100 = arith.cmpi slt, %arg1, %lt3A_99 : i32
    %and3A_101 = arith.andi %eq3A_69, %lt3A_100 : i1
    %convert_element_type3A_102 = arith.extui %and3A_101 : i1 to i32
    %cond3A_103 = arith.constant 0 : i32
    %cond3A_104 = arith.cmpi ne, %convert_element_type3A_102, %cond3A_103 : i32
    scf.if %cond3A_104 {
      %mul3A = arith.constant 1000 : i32
      %mul3A_144 = arith.muli %arg1, %mul3A : i32
      %mul3A_145 = arith.constant 1000 : i32
      %mul3A_146 = arith.muli %arg1, %mul3A_145 : i32
      "tpu.region"() ({
        %run_scoped3A = tpu.sem_alloc : memref<!tpu.dma_semaphore, #tpu.memory_space<semaphore_mem>>
        %dma_start3A = arith.constant 0 : i32
        %dma_start3A_147 = tpu.memref_slice %arg10[%mul3A_146, %dma_start3A] : memref<10000x96xf32, #tpu.memory_space<hbm>> -> memref<1000x96xf32, #tpu.memory_space<hbm>>
        %dma_start3A_148 = arith.constant 0 : i32
        %dma_start3A_149 = tpu.memref_slice %arg14[%mul3A_144, %dma_start3A_148] : memref<10000x96xf32, #tpu.memory_space<vmem_shared>> -> memref<1000x96xf32, #tpu.memory_space<vmem_shared>>
        tpu.enqueue_dma source(%dma_start3A_149 : memref<1000x96xf32, #tpu.memory_space<vmem_shared>>) target(%dma_start3A_147 : memref<1000x96xf32, #tpu.memory_space<hbm>>) target_semaphore(%run_scoped3A : memref<!tpu.dma_semaphore, #tpu.memory_space<semaphore_mem>>)
        %dma_wait3A = arith.constant 0 : i32
        %dma_wait3A_150 = tpu.memref_slice %arg10[%mul3A_146, %dma_wait3A] : memref<10000x96xf32, #tpu.memory_space<hbm>> -> memref<1000x96xf32, #tpu.memory_space<hbm>>
        %dma_wait3A_151 = arith.constant 0 : i32
        %dma_wait3A_152 = tpu.memref_slice %arg14[%mul3A_144, %dma_wait3A_151] : memref<10000x96xf32, #tpu.memory_space<vmem_shared>> -> memref<1000x96xf32, #tpu.memory_space<vmem_shared>>
        tpu.wait_dma2 semaphore(%run_scoped3A : memref<!tpu.dma_semaphore, #tpu.memory_space<semaphore_mem>>) src(%dma_wait3A_152 : memref<1000x96xf32, #tpu.memory_space<vmem_shared>>) dst(%dma_wait3A_150 : memref<1000x96xf32, #tpu.memory_space<hbm>>)
        tpu.yield
      }) : () -> ()
    } else {
    }
    %barrier3A_105 = arith.constant 0 : index
    tpu.barrier barrier_id(%barrier3A_105)
    %eq3A_106 = arith.constant 1 : i32
    %eq3A_107 = arith.cmpi eq, %arg0, %eq3A_106 : i32
    %lt3A_108 = arith.constant 10 : i32
    %lt3A_109 = arith.cmpi slt, %arg1, %lt3A_108 : i32
    %and3A_110 = arith.andi %eq3A_107, %lt3A_109 : i1
    %convert_element_type3A_111 = arith.extui %and3A_110 : i1 to i32
    %cond3A_112 = arith.constant 0 : i32
    %cond3A_113 = arith.cmpi ne, %convert_element_type3A_111, %cond3A_112 : i32
    scf.if %cond3A_113 {
      %mul3A = arith.constant 1000 : i32
      %mul3A_144 = arith.muli %arg1, %mul3A : i32
      %mul3A_145 = arith.constant 1000 : i32
      %mul3A_146 = arith.muli %arg1, %mul3A_145 : i32
      "tpu.region"() ({
        %run_scoped3A = tpu.sem_alloc : memref<!tpu.dma_semaphore, #tpu.memory_space<semaphore_mem>>
        %dma_start3A = arith.constant 0 : i32
        %dma_start3A_147 = tpu.memref_slice %arg14[%mul3A_146, %dma_start3A] : memref<10000x96xf32, #tpu.memory_space<vmem_shared>> -> memref<1000x96xf32, #tpu.memory_space<vmem_shared>>
        %dma_start3A_148 = arith.constant 0 : i32
        %dma_start3A_149 = tpu.memref_slice %arg7[%mul3A_144, %dma_start3A_148] : memref<10000x96xf32, #tpu.memory_space<hbm>> -> memref<1000x96xf32, #tpu.memory_space<hbm>>
        tpu.enqueue_dma source(%dma_start3A_149 : memref<1000x96xf32, #tpu.memory_space<hbm>>) target(%dma_start3A_147 : memref<1000x96xf32, #tpu.memory_space<vmem_shared>>) target_semaphore(%run_scoped3A : memref<!tpu.dma_semaphore, #tpu.memory_space<semaphore_mem>>)
        %dma_wait3A = arith.constant 0 : i32
        %dma_wait3A_150 = tpu.memref_slice %arg14[%mul3A_146, %dma_wait3A] : memref<10000x96xf32, #tpu.memory_space<vmem_shared>> -> memref<1000x96xf32, #tpu.memory_space<vmem_shared>>
        %dma_wait3A_151 = arith.constant 0 : i32
        %dma_wait3A_152 = tpu.memref_slice %arg7[%mul3A_144, %dma_wait3A_151] : memref<10000x96xf32, #tpu.memory_space<hbm>> -> memref<1000x96xf32, #tpu.memory_space<hbm>>
        tpu.wait_dma2 semaphore(%run_scoped3A : memref<!tpu.dma_semaphore, #tpu.memory_space<semaphore_mem>>) src(%dma_wait3A_152 : memref<1000x96xf32, #tpu.memory_space<hbm>>) dst(%dma_wait3A_150 : memref<1000x96xf32, #tpu.memory_space<vmem_shared>>)
        tpu.yield
      }) : () -> ()
    } else {
    }
    %barrier3A_114 = arith.constant 0 : index
    tpu.barrier barrier_id(%barrier3A_114)
    %add3A_115 = arith.constant 0 : i32
    %add3A_116 = arith.addi %arg1, %add3A_115 : i32
    %lt3A_117 = arith.constant 1250 : i32
    %lt3A_118 = arith.cmpi slt, %add3A_116, %lt3A_117 : i32
    %and3A_119 = arith.andi %eq3A_107, %lt3A_118 : i1
    %convert_element_type3A_120 = arith.extui %and3A_119 : i1 to i32
    %cond3A_121 = arith.constant 0 : i32
    %cond3A_122 = arith.cmpi ne, %convert_element_type3A_120, %cond3A_121 : i32
    scf.if %cond3A_122 {
      %mul3A = arith.constant 2 : i32
      %mul3A_144 = arith.muli %add3A_116, %mul3A : i32
      %dma_start3A = arith.constant 0 : i32
      %dma_start3A_145 = arith.constant 0 : i32
      %dma_start3A_146 = arith.constant 0 : i32
      %dma_start3A_147 = tpu.memref_slice %arg12[%dma_start3A, %dma_start3A_145, %dma_start3A_146] : memref<2x2x128xi32, #tpu.memory_space<vmem>> -> memref<1x2x128xi32, #tpu.memory_space<vmem>>
      %dma_start3A_148 = tpu.memref_squeeze %dma_start3A_147 : memref<1x2x128xi32, #tpu.memory_space<vmem>> -> memref<2x128xi32, #tpu.memory_space<vmem>>
      %dma_start3A_149 = arith.constant 0 : i32
      %dma_start3A_150 = tpu.memref_slice %arg6[%mul3A_144, %dma_start3A_149] : memref<2500x128xi32, #tpu.memory_space<hbm>> -> memref<2x128xi32, #tpu.memory_space<hbm>>
      %dma_start3A_151 = arith.constant 0 : i32
      %dma_start3A_152 = arith.constant 0 : i32
      %dma_start3A_153 = tpu.memref_slice %arg12[%dma_start3A, %dma_start3A_151, %dma_start3A_152] : memref<2x2x128xi32, #tpu.memory_space<vmem>> -> memref<1x2x128xi32, #tpu.memory_space<vmem>>
      %dma_start3A_154 = tpu.memref_squeeze %dma_start3A_153 : memref<1x2x128xi32, #tpu.memory_space<vmem>> -> memref<2x128xi32, #tpu.memory_space<vmem>>
      %dma_start3A_155 = arith.constant 0 : i32
      %dma_start3A_156 = tpu.memref_slice %arg6[%mul3A_144, %dma_start3A_155] : memref<2500x128xi32, #tpu.memory_space<hbm>> -> memref<2x128xi32, #tpu.memory_space<hbm>>
      tpu.enqueue_dma source(%dma_start3A_156 : memref<2x128xi32, #tpu.memory_space<hbm>>) target(%dma_start3A_154 : memref<2x128xi32, #tpu.memory_space<vmem>>) target_semaphore(%arg15 : memref<!tpu.dma_semaphore, #tpu.memory_space<semaphore_mem>>)
      %mul3A_157 = arith.constant 256 : i32
      %mul3A_158 = arith.muli %add3A_116, %mul3A_157 : i32
      %dma_start3A_159 = arith.constant 0 : i32
      %dma_start3A_160 = arith.constant 0 : i32
      %dma_start3A_161 = arith.constant 0 : i32
      %dma_start3A_162 = tpu.memref_slice %arg13[%dma_start3A_159, %dma_start3A_160, %dma_start3A_161] : memref<2x256x96xf32, #tpu.memory_space<vmem>> -> memref<1x256x96xf32, #tpu.memory_space<vmem>>
      %dma_start3A_163 = tpu.memref_squeeze %dma_start3A_162 : memref<1x256x96xf32, #tpu.memory_space<vmem>> -> memref<256x96xf32, #tpu.memory_space<vmem>>
      %dma_start3A_164 = arith.constant 0 : i32
      %dma_start3A_165 = tpu.memref_slice %arg5[%mul3A_158, %dma_start3A_164] : memref<320000x96xf32, #tpu.memory_space<hbm>> -> memref<256x96xf32, #tpu.memory_space<hbm>>
      %dma_start3A_166 = arith.constant 0 : i32
      %dma_start3A_167 = arith.constant 0 : i32
      %dma_start3A_168 = tpu.memref_slice %arg13[%dma_start3A_159, %dma_start3A_166, %dma_start3A_167] : memref<2x256x96xf32, #tpu.memory_space<vmem>> -> memref<1x256x96xf32, #tpu.memory_space<vmem>>
      %dma_start3A_169 = tpu.memref_squeeze %dma_start3A_168 : memref<1x256x96xf32, #tpu.memory_space<vmem>> -> memref<256x96xf32, #tpu.memory_space<vmem>>
      %dma_start3A_170 = arith.constant 0 : i32
      %dma_start3A_171 = tpu.memref_slice %arg5[%mul3A_158, %dma_start3A_170] : memref<320000x96xf32, #tpu.memory_space<hbm>> -> memref<256x96xf32, #tpu.memory_space<hbm>>
      tpu.enqueue_dma source(%dma_start3A_171 : memref<256x96xf32, #tpu.memory_space<hbm>>) target(%dma_start3A_169 : memref<256x96xf32, #tpu.memory_space<vmem>>) target_semaphore(%arg15 : memref<!tpu.dma_semaphore, #tpu.memory_space<semaphore_mem>>)
    } else {
    }
    %add3A_123 = arith.constant 16 : i32
    %add3A_124 = arith.addi %arg1, %add3A_123 : i32
    %lt3A_125 = arith.constant 1250 : i32
    %lt3A_126 = arith.cmpi slt, %add3A_124, %lt3A_125 : i32
    %and3A_127 = arith.andi %eq3A_107, %lt3A_126 : i1
    %convert_element_type3A_128 = arith.extui %and3A_127 : i1 to i32
    %cond3A_129 = arith.constant 0 : i32
    %cond3A_130 = arith.cmpi ne, %convert_element_type3A_128, %cond3A_129 : i32
    scf.if %cond3A_130 {
      %mul3A = arith.constant 2 : i32
      %mul3A_144 = arith.muli %add3A_124, %mul3A : i32
      %dma_start3A = arith.constant 1 : i32
      %dma_start3A_145 = arith.constant 0 : i32
      %dma_start3A_146 = arith.constant 0 : i32
      %dma_start3A_147 = tpu.memref_slice %arg12[%dma_start3A, %dma_start3A_145, %dma_start3A_146] : memref<2x2x128xi32, #tpu.memory_space<vmem>> -> memref<1x2x128xi32, #tpu.memory_space<vmem>>
      %dma_start3A_148 = tpu.memref_squeeze %dma_start3A_147 : memref<1x2x128xi32, #tpu.memory_space<vmem>> -> memref<2x128xi32, #tpu.memory_space<vmem>>
      %dma_start3A_149 = arith.constant 0 : i32
      %dma_start3A_150 = tpu.memref_slice %arg6[%mul3A_144, %dma_start3A_149] : memref<2500x128xi32, #tpu.memory_space<hbm>> -> memref<2x128xi32, #tpu.memory_space<hbm>>
      %dma_start3A_151 = arith.constant 0 : i32
      %dma_start3A_152 = arith.constant 0 : i32
      %dma_start3A_153 = tpu.memref_slice %arg12[%dma_start3A, %dma_start3A_151, %dma_start3A_152] : memref<2x2x128xi32, #tpu.memory_space<vmem>> -> memref<1x2x128xi32, #tpu.memory_space<vmem>>
      %dma_start3A_154 = tpu.memref_squeeze %dma_start3A_153 : memref<1x2x128xi32, #tpu.memory_space<vmem>> -> memref<2x128xi32, #tpu.memory_space<vmem>>
      %dma_start3A_155 = arith.constant 0 : i32
      %dma_start3A_156 = tpu.memref_slice %arg6[%mul3A_144, %dma_start3A_155] : memref<2500x128xi32, #tpu.memory_space<hbm>> -> memref<2x128xi32, #tpu.memory_space<hbm>>
      tpu.enqueue_dma source(%dma_start3A_156 : memref<2x128xi32, #tpu.memory_space<hbm>>) target(%dma_start3A_154 : memref<2x128xi32, #tpu.memory_space<vmem>>) target_semaphore(%arg16 : memref<!tpu.dma_semaphore, #tpu.memory_space<semaphore_mem>>)
      %mul3A_157 = arith.constant 256 : i32
      %mul3A_158 = arith.muli %add3A_124, %mul3A_157 : i32
      %dma_start3A_159 = arith.constant 1 : i32
      %dma_start3A_160 = arith.constant 0 : i32
      %dma_start3A_161 = arith.constant 0 : i32
      %dma_start3A_162 = tpu.memref_slice %arg13[%dma_start3A_159, %dma_start3A_160, %dma_start3A_161] : memref<2x256x96xf32, #tpu.memory_space<vmem>> -> memref<1x256x96xf32, #tpu.memory_space<vmem>>
      %dma_start3A_163 = tpu.memref_squeeze %dma_start3A_162 : memref<1x256x96xf32, #tpu.memory_space<vmem>> -> memref<256x96xf32, #tpu.memory_space<vmem>>
      %dma_start3A_164 = arith.constant 0 : i32
      %dma_start3A_165 = tpu.memref_slice %arg5[%mul3A_158, %dma_start3A_164] : memref<320000x96xf32, #tpu.memory_space<hbm>> -> memref<256x96xf32, #tpu.memory_space<hbm>>
      %dma_start3A_166 = arith.constant 0 : i32
      %dma_start3A_167 = arith.constant 0 : i32
      %dma_start3A_168 = tpu.memref_slice %arg13[%dma_start3A_159, %dma_start3A_166, %dma_start3A_167] : memref<2x256x96xf32, #tpu.memory_space<vmem>> -> memref<1x256x96xf32, #tpu.memory_space<vmem>>
      %dma_start3A_169 = tpu.memref_squeeze %dma_start3A_168 : memref<1x256x96xf32, #tpu.memory_space<vmem>> -> memref<256x96xf32, #tpu.memory_space<vmem>>
      %dma_start3A_170 = arith.constant 0 : i32
      %dma_start3A_171 = tpu.memref_slice %arg5[%mul3A_158, %dma_start3A_170] : memref<320000x96xf32, #tpu.memory_space<hbm>> -> memref<256x96xf32, #tpu.memory_space<hbm>>
      tpu.enqueue_dma source(%dma_start3A_171 : memref<256x96xf32, #tpu.memory_space<hbm>>) target(%dma_start3A_169 : memref<256x96xf32, #tpu.memory_space<vmem>>) target_semaphore(%arg16 : memref<!tpu.dma_semaphore, #tpu.memory_space<semaphore_mem>>)
    } else {
    }
    %scan3A_131 = arith.constant 0 : i32
    %scan3A_132 = arith.constant 40 : i32
    %scan3A_133 = arith.addi %scan3A_131, %scan3A_132 : i32
    %scan3A_134 = arith.constant 1 : i32
    scf.for %scan3A_144 = %scan3A_131 to %scan3A_133 step %scan3A_134  : i32 {
      %mul3A = arith.constant 1 : i32
      %mul3A_145 = arith.muli %scan3A_144, %mul3A : i32
      %add3A_146 = arith.constant 0 : i32
      %add3A_147 = arith.addi %add3A_146, %mul3A_145 : i32
      %mul3A_148 = arith.constant 2 : i32
      %mul3A_149 = arith.muli %mul3A_148, %add3A_147 : i32
      %mul3A_150 = arith.constant 16 : i32
      %mul3A_151 = arith.muli %mul3A_150, %mul3A_149 : i32
      %add3A_152 = arith.addi %arg1, %mul3A_151 : i32
      %lt3A_153 = arith.constant 1250 : i32
      %lt3A_154 = arith.cmpi slt, %add3A_152, %lt3A_153 : i32
      %and3A_155 = arith.andi %eq3A_107, %lt3A_154 : i1
      %convert_element_type3A_156 = arith.extui %and3A_155 : i1 to i32
      %cond3A_157 = arith.constant 0 : i32
      %cond3A_158 = arith.cmpi ne, %convert_element_type3A_156, %cond3A_157 : i32
      scf.if %cond3A_158 {
        %dma_wait3A = arith.constant 0 : i32
        %dma_wait3A_198 = arith.constant 0 : i32
        %dma_wait3A_199 = arith.constant 0 : i32
        %dma_wait3A_200 = tpu.memref_slice %arg12[%dma_wait3A, %dma_wait3A_198, %dma_wait3A_199] : memref<2x2x128xi32, #tpu.memory_space<vmem>> -> memref<1x2x128xi32, #tpu.memory_space<vmem>>
        %dma_wait3A_201 = tpu.memref_squeeze %dma_wait3A_200 : memref<1x2x128xi32, #tpu.memory_space<vmem>> -> memref<2x128xi32, #tpu.memory_space<vmem>>
        %dma_wait3A_202 = arith.constant 0 : i32
        %dma_wait3A_203 = arith.constant 0 : i32
        %dma_wait3A_204 = tpu.memref_slice %arg6[%dma_wait3A_202, %dma_wait3A_203] : memref<2500x128xi32, #tpu.memory_space<hbm>> -> memref<2x128xi32, #tpu.memory_space<hbm>>
        %dma_wait3A_205 = arith.constant 0 : i32
        %dma_wait3A_206 = arith.constant 0 : i32
        %dma_wait3A_207 = tpu.memref_slice %arg12[%dma_wait3A, %dma_wait3A_205, %dma_wait3A_206] : memref<2x2x128xi32, #tpu.memory_space<vmem>> -> memref<1x2x128xi32, #tpu.memory_space<vmem>>
        %dma_wait3A_208 = tpu.memref_squeeze %dma_wait3A_207 : memref<1x2x128xi32, #tpu.memory_space<vmem>> -> memref<2x128xi32, #tpu.memory_space<vmem>>
        %dma_wait3A_209 = arith.constant 0 : i32
        %dma_wait3A_210 = arith.constant 0 : i32
        %dma_wait3A_211 = tpu.memref_slice %arg6[%dma_wait3A_209, %dma_wait3A_210] : memref<2500x128xi32, #tpu.memory_space<hbm>> -> memref<2x128xi32, #tpu.memory_space<hbm>>
        tpu.wait_dma2 semaphore(%arg15 : memref<!tpu.dma_semaphore, #tpu.memory_space<semaphore_mem>>) src(%dma_wait3A_211 : memref<2x128xi32, #tpu.memory_space<hbm>>) dst(%dma_wait3A_208 : memref<2x128xi32, #tpu.memory_space<vmem>>)
        %dma_wait3A_212 = arith.constant 0 : i32
        %dma_wait3A_213 = arith.constant 0 : i32
        %dma_wait3A_214 = arith.constant 0 : i32
        %dma_wait3A_215 = tpu.memref_slice %arg13[%dma_wait3A_212, %dma_wait3A_213, %dma_wait3A_214] : memref<2x256x96xf32, #tpu.memory_space<vmem>> -> memref<1x256x96xf32, #tpu.memory_space<vmem>>
        %dma_wait3A_216 = tpu.memref_squeeze %dma_wait3A_215 : memref<1x256x96xf32, #tpu.memory_space<vmem>> -> memref<256x96xf32, #tpu.memory_space<vmem>>
        %dma_wait3A_217 = arith.constant 0 : i32
        %dma_wait3A_218 = arith.constant 0 : i32
        %dma_wait3A_219 = tpu.memref_slice %arg5[%dma_wait3A_217, %dma_wait3A_218] : memref<320000x96xf32, #tpu.memory_space<hbm>> -> memref<256x96xf32, #tpu.memory_space<hbm>>
        %dma_wait3A_220 = arith.constant 0 : i32
        %dma_wait3A_221 = arith.constant 0 : i32
        %dma_wait3A_222 = tpu.memref_slice %arg13[%dma_wait3A_212, %dma_wait3A_220, %dma_wait3A_221] : memref<2x256x96xf32, #tpu.memory_space<vmem>> -> memref<1x256x96xf32, #tpu.memory_space<vmem>>
        %dma_wait3A_223 = tpu.memref_squeeze %dma_wait3A_222 : memref<1x256x96xf32, #tpu.memory_space<vmem>> -> memref<256x96xf32, #tpu.memory_space<vmem>>
        %dma_wait3A_224 = arith.constant 0 : i32
        %dma_wait3A_225 = arith.constant 0 : i32
        %dma_wait3A_226 = tpu.memref_slice %arg5[%dma_wait3A_224, %dma_wait3A_225] : memref<320000x96xf32, #tpu.memory_space<hbm>> -> memref<256x96xf32, #tpu.memory_space<hbm>>
        tpu.wait_dma2 semaphore(%arg15 : memref<!tpu.dma_semaphore, #tpu.memory_space<semaphore_mem>>) src(%dma_wait3A_226 : memref<256x96xf32, #tpu.memory_space<hbm>>) dst(%dma_wait3A_223 : memref<256x96xf32, #tpu.memory_space<vmem>>)
        %run_scoped3A = arith.constant 0 : i32
        %run_scoped3A_227 = arith.constant 0 : i32
        %run_scoped3A_228 = arith.constant 0 : i32
        "tpu.region"() ({
          %run_scoped3A_232 = tpu.sem_alloc : memref<!tpu.dma_semaphore, #tpu.memory_space<semaphore_mem>>
          %dma_start3A = arith.constant 0 : i32
          %dma_start3A_233 = arith.constant 0 : i32
          %dma_start3A_234 = tpu.memref_slice %arg13[%run_scoped3A, %dma_start3A, %dma_start3A_233] : memref<2x256x96xf32, #tpu.memory_space<vmem>> -> memref<1x128x96xf32, #tpu.memory_space<vmem>>
          %dma_start3A_235 = tpu.memref_squeeze %dma_start3A_234 : memref<1x128x96xf32, #tpu.memory_space<vmem>> -> memref<128x96xf32, #tpu.memory_space<vmem>>
          %dma_start3A_236 = arith.constant 0 : i32
          %dma_start3A_237 = tpu.memref_slice %arg12[%run_scoped3A_227, %run_scoped3A_228, %dma_start3A_236] : memref<2x2x128xi32, #tpu.memory_space<vmem>> -> memref<1x1x128xi32, #tpu.memory_space<vmem>>
          %dma_start3A_238 = tpu.memref_squeeze %dma_start3A_237 : memref<1x1x128xi32, #tpu.memory_space<vmem>> -> memref<128xi32, #tpu.memory_space<vmem>>
          %dma_start3A_239 = arith.constant 0 : i32
          %dma_start3A_240 = arith.constant 0 : i32
          %dma_start3A_241 = tpu.memref_slice %arg14[%dma_start3A_239, %dma_start3A_240] : memref<10000x96xf32, #tpu.memory_space<vmem_shared>> -> memref<10000x96xf32, #tpu.memory_space<vmem_shared>>
          tpu.enqueue_indirect_dma source(%dma_start3A_235 : memref<128x96xf32, #tpu.memory_space<vmem>>) target(%dma_start3A_241 : memref<10000x96xf32, #tpu.memory_space<vmem_shared>>) offsets(%dma_start3A_238 : memref<128xi32, #tpu.memory_space<vmem>>) semaphore(%run_scoped3A_232 : memref<!tpu.dma_semaphore, #tpu.memory_space<semaphore_mem>>) {add = true}
          %dma_wait3A_242 = arith.constant 0 : i32
          %dma_wait3A_243 = arith.constant 0 : i32
          %dma_wait3A_244 = tpu.memref_slice %arg13[%run_scoped3A, %dma_wait3A_242, %dma_wait3A_243] : memref<2x256x96xf32, #tpu.memory_space<vmem>> -> memref<1x128x96xf32, #tpu.memory_space<vmem>>
          %dma_wait3A_245 = tpu.memref_squeeze %dma_wait3A_244 : memref<1x128x96xf32, #tpu.memory_space<vmem>> -> memref<128x96xf32, #tpu.memory_space<vmem>>
          %dma_wait3A_246 = arith.constant 0 : i32
          %dma_wait3A_247 = tpu.memref_slice %arg12[%run_scoped3A_227, %run_scoped3A_228, %dma_wait3A_246] : memref<2x2x128xi32, #tpu.memory_space<vmem>> -> memref<1x1x128xi32, #tpu.memory_space<vmem>>
          %dma_wait3A_248 = tpu.memref_squeeze %dma_wait3A_247 : memref<1x1x128xi32, #tpu.memory_space<vmem>> -> memref<128xi32, #tpu.memory_space<vmem>>
          %dma_wait3A_249 = arith.constant 0 : i32
          %dma_wait3A_250 = arith.constant 0 : i32
          %dma_wait3A_251 = tpu.memref_slice %arg14[%dma_wait3A_249, %dma_wait3A_250] : memref<10000x96xf32, #tpu.memory_space<vmem_shared>> -> memref<10000x96xf32, #tpu.memory_space<vmem_shared>>
          tpu.wait_indirect_dma semaphore(%run_scoped3A_232 : memref<!tpu.dma_semaphore, #tpu.memory_space<semaphore_mem>>) src(%dma_wait3A_245 : memref<128x96xf32, #tpu.memory_space<vmem>>) dst(%dma_wait3A_251 : memref<10000x96xf32, #tpu.memory_space<vmem_shared>>)
          tpu.yield
        }) : () -> ()
        %run_scoped3A_229 = arith.constant 0 : i32
        %run_scoped3A_230 = arith.constant 0 : i32
        %run_scoped3A_231 = arith.constant 1 : i32
        "tpu.region"() ({
          %run_scoped3A_232 = tpu.sem_alloc : memref<!tpu.dma_semaphore, #tpu.memory_space<semaphore_mem>>
          %dma_start3A = arith.constant 128 : i32
          %dma_start3A_233 = arith.constant 0 : i32
          %dma_start3A_234 = tpu.memref_slice %arg13[%run_scoped3A_229, %dma_start3A, %dma_start3A_233] : memref<2x256x96xf32, #tpu.memory_space<vmem>> -> memref<1x128x96xf32, #tpu.memory_space<vmem>>
          %dma_start3A_235 = tpu.memref_squeeze %dma_start3A_234 : memref<1x128x96xf32, #tpu.memory_space<vmem>> -> memref<128x96xf32, #tpu.memory_space<vmem>>
          %dma_start3A_236 = arith.constant 0 : i32
          %dma_start3A_237 = tpu.memref_slice %arg12[%run_scoped3A_230, %run_scoped3A_231, %dma_start3A_236] : memref<2x2x128xi32, #tpu.memory_space<vmem>> -> memref<1x1x128xi32, #tpu.memory_space<vmem>>
          %dma_start3A_238 = tpu.memref_squeeze %dma_start3A_237 : memref<1x1x128xi32, #tpu.memory_space<vmem>> -> memref<128xi32, #tpu.memory_space<vmem>>
          %dma_start3A_239 = arith.constant 0 : i32
          %dma_start3A_240 = arith.constant 0 : i32
          %dma_start3A_241 = tpu.memref_slice %arg14[%dma_start3A_239, %dma_start3A_240] : memref<10000x96xf32, #tpu.memory_space<vmem_shared>> -> memref<10000x96xf32, #tpu.memory_space<vmem_shared>>
          tpu.enqueue_indirect_dma source(%dma_start3A_235 : memref<128x96xf32, #tpu.memory_space<vmem>>) target(%dma_start3A_241 : memref<10000x96xf32, #tpu.memory_space<vmem_shared>>) offsets(%dma_start3A_238 : memref<128xi32, #tpu.memory_space<vmem>>) semaphore(%run_scoped3A_232 : memref<!tpu.dma_semaphore, #tpu.memory_space<semaphore_mem>>) {add = true}
          %dma_wait3A_242 = arith.constant 128 : i32
          %dma_wait3A_243 = arith.constant 0 : i32
          %dma_wait3A_244 = tpu.memref_slice %arg13[%run_scoped3A_229, %dma_wait3A_242, %dma_wait3A_243] : memref<2x256x96xf32, #tpu.memory_space<vmem>> -> memref<1x128x96xf32, #tpu.memory_space<vmem>>
          %dma_wait3A_245 = tpu.memref_squeeze %dma_wait3A_244 : memref<1x128x96xf32, #tpu.memory_space<vmem>> -> memref<128x96xf32, #tpu.memory_space<vmem>>
          %dma_wait3A_246 = arith.constant 0 : i32
          %dma_wait3A_247 = tpu.memref_slice %arg12[%run_scoped3A_230, %run_scoped3A_231, %dma_wait3A_246] : memref<2x2x128xi32, #tpu.memory_space<vmem>> -> memref<1x1x128xi32, #tpu.memory_space<vmem>>
          %dma_wait3A_248 = tpu.memref_squeeze %dma_wait3A_247 : memref<1x1x128xi32, #tpu.memory_space<vmem>> -> memref<128xi32, #tpu.memory_space<vmem>>
          %dma_wait3A_249 = arith.constant 0 : i32
          %dma_wait3A_250 = arith.constant 0 : i32
          %dma_wait3A_251 = tpu.memref_slice %arg14[%dma_wait3A_249, %dma_wait3A_250] : memref<10000x96xf32, #tpu.memory_space<vmem_shared>> -> memref<10000x96xf32, #tpu.memory_space<vmem_shared>>
          tpu.wait_indirect_dma semaphore(%run_scoped3A_232 : memref<!tpu.dma_semaphore, #tpu.memory_space<semaphore_mem>>) src(%dma_wait3A_245 : memref<128x96xf32, #tpu.memory_space<vmem>>) dst(%dma_wait3A_251 : memref<10000x96xf32, #tpu.memory_space<vmem_shared>>)
          tpu.yield
        }) : () -> ()
      } else {
      }
      %mul3A_159 = arith.constant 2 : i32
      %mul3A_160 = arith.muli %mul3A_159, %add3A_147 : i32
      %add3A_161 = arith.constant 2 : i32
      %add3A_162 = arith.addi %mul3A_160, %add3A_161 : i32
      %mul3A_163 = arith.constant 16 : i32
      %mul3A_164 = arith.muli %mul3A_163, %add3A_162 : i32
      %add3A_165 = arith.addi %arg1, %mul3A_164 : i32
      %lt3A_166 = arith.constant 1250 : i32
      %lt3A_167 = arith.cmpi slt, %add3A_165, %lt3A_166 : i32
      %and3A_168 = arith.andi %eq3A_107, %lt3A_167 : i1
      %convert_element_type3A_169 = arith.extui %and3A_168 : i1 to i32
      %cond3A_170 = arith.constant 0 : i32
      %cond3A_171 = arith.cmpi ne, %convert_element_type3A_169, %cond3A_170 : i32
      scf.if %cond3A_171 {
        %mul3A_198 = arith.constant 2 : i32
        %mul3A_199 = arith.muli %add3A_165, %mul3A_198 : i32
        %dma_start3A = arith.constant 0 : i32
        %dma_start3A_200 = arith.constant 0 : i32
        %dma_start3A_201 = arith.constant 0 : i32
        %dma_start3A_202 = tpu.memref_slice %arg12[%dma_start3A, %dma_start3A_200, %dma_start3A_201] : memref<2x2x128xi32, #tpu.memory_space<vmem>> -> memref<1x2x128xi32, #tpu.memory_space<vmem>>
        %dma_start3A_203 = tpu.memref_squeeze %dma_start3A_202 : memref<1x2x128xi32, #tpu.memory_space<vmem>> -> memref<2x128xi32, #tpu.memory_space<vmem>>
        %dma_start3A_204 = arith.constant 0 : i32
        %dma_start3A_205 = tpu.memref_slice %arg6[%mul3A_199, %dma_start3A_204] : memref<2500x128xi32, #tpu.memory_space<hbm>> -> memref<2x128xi32, #tpu.memory_space<hbm>>
        %dma_start3A_206 = arith.constant 0 : i32
        %dma_start3A_207 = arith.constant 0 : i32
        %dma_start3A_208 = tpu.memref_slice %arg12[%dma_start3A, %dma_start3A_206, %dma_start3A_207] : memref<2x2x128xi32, #tpu.memory_space<vmem>> -> memref<1x2x128xi32, #tpu.memory_space<vmem>>
        %dma_start3A_209 = tpu.memref_squeeze %dma_start3A_208 : memref<1x2x128xi32, #tpu.memory_space<vmem>> -> memref<2x128xi32, #tpu.memory_space<vmem>>
        %dma_start3A_210 = arith.constant 0 : i32
        %dma_start3A_211 = tpu.memref_slice %arg6[%mul3A_199, %dma_start3A_210] : memref<2500x128xi32, #tpu.memory_space<hbm>> -> memref<2x128xi32, #tpu.memory_space<hbm>>
        tpu.enqueue_dma source(%dma_start3A_211 : memref<2x128xi32, #tpu.memory_space<hbm>>) target(%dma_start3A_209 : memref<2x128xi32, #tpu.memory_space<vmem>>) target_semaphore(%arg15 : memref<!tpu.dma_semaphore, #tpu.memory_space<semaphore_mem>>)
        %mul3A_212 = arith.constant 256 : i32
        %mul3A_213 = arith.muli %add3A_165, %mul3A_212 : i32
        %dma_start3A_214 = arith.constant 0 : i32
        %dma_start3A_215 = arith.constant 0 : i32
        %dma_start3A_216 = arith.constant 0 : i32
        %dma_start3A_217 = tpu.memref_slice %arg13[%dma_start3A_214, %dma_start3A_215, %dma_start3A_216] : memref<2x256x96xf32, #tpu.memory_space<vmem>> -> memref<1x256x96xf32, #tpu.memory_space<vmem>>
        %dma_start3A_218 = tpu.memref_squeeze %dma_start3A_217 : memref<1x256x96xf32, #tpu.memory_space<vmem>> -> memref<256x96xf32, #tpu.memory_space<vmem>>
        %dma_start3A_219 = arith.constant 0 : i32
        %dma_start3A_220 = tpu.memref_slice %arg5[%mul3A_213, %dma_start3A_219] : memref<320000x96xf32, #tpu.memory_space<hbm>> -> memref<256x96xf32, #tpu.memory_space<hbm>>
        %dma_start3A_221 = arith.constant 0 : i32
        %dma_start3A_222 = arith.constant 0 : i32
        %dma_start3A_223 = tpu.memref_slice %arg13[%dma_start3A_214, %dma_start3A_221, %dma_start3A_222] : memref<2x256x96xf32, #tpu.memory_space<vmem>> -> memref<1x256x96xf32, #tpu.memory_space<vmem>>
        %dma_start3A_224 = tpu.memref_squeeze %dma_start3A_223 : memref<1x256x96xf32, #tpu.memory_space<vmem>> -> memref<256x96xf32, #tpu.memory_space<vmem>>
        %dma_start3A_225 = arith.constant 0 : i32
        %dma_start3A_226 = tpu.memref_slice %arg5[%mul3A_213, %dma_start3A_225] : memref<320000x96xf32, #tpu.memory_space<hbm>> -> memref<256x96xf32, #tpu.memory_space<hbm>>
        tpu.enqueue_dma source(%dma_start3A_226 : memref<256x96xf32, #tpu.memory_space<hbm>>) target(%dma_start3A_224 : memref<256x96xf32, #tpu.memory_space<vmem>>) target_semaphore(%arg15 : memref<!tpu.dma_semaphore, #tpu.memory_space<semaphore_mem>>)
      } else {
      }
      %mul3A_172 = arith.constant 2 : i32
      %mul3A_173 = arith.muli %mul3A_172, %add3A_147 : i32
      %add3A_174 = arith.constant 1 : i32
      %add3A_175 = arith.addi %mul3A_173, %add3A_174 : i32
      %mul3A_176 = arith.constant 16 : i32
      %mul3A_177 = arith.muli %mul3A_176, %add3A_175 : i32
      %add3A_178 = arith.addi %arg1, %mul3A_177 : i32
      %lt3A_179 = arith.constant 1250 : i32
      %lt3A_180 = arith.cmpi slt, %add3A_178, %lt3A_179 : i32
      %and3A_181 = arith.andi %eq3A_107, %lt3A_180 : i1
      %convert_element_type3A_182 = arith.extui %and3A_181 : i1 to i32
      %cond3A_183 = arith.constant 0 : i32
      %cond3A_184 = arith.cmpi ne, %convert_element_type3A_182, %cond3A_183 : i32
      scf.if %cond3A_184 {
        %dma_wait3A = arith.constant 1 : i32
        %dma_wait3A_198 = arith.constant 0 : i32
        %dma_wait3A_199 = arith.constant 0 : i32
        %dma_wait3A_200 = tpu.memref_slice %arg12[%dma_wait3A, %dma_wait3A_198, %dma_wait3A_199] : memref<2x2x128xi32, #tpu.memory_space<vmem>> -> memref<1x2x128xi32, #tpu.memory_space<vmem>>
        %dma_wait3A_201 = tpu.memref_squeeze %dma_wait3A_200 : memref<1x2x128xi32, #tpu.memory_space<vmem>> -> memref<2x128xi32, #tpu.memory_space<vmem>>
        %dma_wait3A_202 = arith.constant 0 : i32
        %dma_wait3A_203 = arith.constant 0 : i32
        %dma_wait3A_204 = tpu.memref_slice %arg6[%dma_wait3A_202, %dma_wait3A_203] : memref<2500x128xi32, #tpu.memory_space<hbm>> -> memref<2x128xi32, #tpu.memory_space<hbm>>
        %dma_wait3A_205 = arith.constant 0 : i32
        %dma_wait3A_206 = arith.constant 0 : i32
        %dma_wait3A_207 = tpu.memref_slice %arg12[%dma_wait3A, %dma_wait3A_205, %dma_wait3A_206] : memref<2x2x128xi32, #tpu.memory_space<vmem>> -> memref<1x2x128xi32, #tpu.memory_space<vmem>>
        %dma_wait3A_208 = tpu.memref_squeeze %dma_wait3A_207 : memref<1x2x128xi32, #tpu.memory_space<vmem>> -> memref<2x128xi32, #tpu.memory_space<vmem>>
        %dma_wait3A_209 = arith.constant 0 : i32
        %dma_wait3A_210 = arith.constant 0 : i32
        %dma_wait3A_211 = tpu.memref_slice %arg6[%dma_wait3A_209, %dma_wait3A_210] : memref<2500x128xi32, #tpu.memory_space<hbm>> -> memref<2x128xi32, #tpu.memory_space<hbm>>
        tpu.wait_dma2 semaphore(%arg16 : memref<!tpu.dma_semaphore, #tpu.memory_space<semaphore_mem>>) src(%dma_wait3A_211 : memref<2x128xi32, #tpu.memory_space<hbm>>) dst(%dma_wait3A_208 : memref<2x128xi32, #tpu.memory_space<vmem>>)
        %dma_wait3A_212 = arith.constant 1 : i32
        %dma_wait3A_213 = arith.constant 0 : i32
        %dma_wait3A_214 = arith.constant 0 : i32
        %dma_wait3A_215 = tpu.memref_slice %arg13[%dma_wait3A_212, %dma_wait3A_213, %dma_wait3A_214] : memref<2x256x96xf32, #tpu.memory_space<vmem>> -> memref<1x256x96xf32, #tpu.memory_space<vmem>>
        %dma_wait3A_216 = tpu.memref_squeeze %dma_wait3A_215 : memref<1x256x96xf32, #tpu.memory_space<vmem>> -> memref<256x96xf32, #tpu.memory_space<vmem>>
        %dma_wait3A_217 = arith.constant 0 : i32
        %dma_wait3A_218 = arith.constant 0 : i32
        %dma_wait3A_219 = tpu.memref_slice %arg5[%dma_wait3A_217, %dma_wait3A_218] : memref<320000x96xf32, #tpu.memory_space<hbm>> -> memref<256x96xf32, #tpu.memory_space<hbm>>
        %dma_wait3A_220 = arith.constant 0 : i32
        %dma_wait3A_221 = arith.constant 0 : i32
        %dma_wait3A_222 = tpu.memref_slice %arg13[%dma_wait3A_212, %dma_wait3A_220, %dma_wait3A_221] : memref<2x256x96xf32, #tpu.memory_space<vmem>> -> memref<1x256x96xf32, #tpu.memory_space<vmem>>
        %dma_wait3A_223 = tpu.memref_squeeze %dma_wait3A_222 : memref<1x256x96xf32, #tpu.memory_space<vmem>> -> memref<256x96xf32, #tpu.memory_space<vmem>>
        %dma_wait3A_224 = arith.constant 0 : i32
        %dma_wait3A_225 = arith.constant 0 : i32
        %dma_wait3A_226 = tpu.memref_slice %arg5[%dma_wait3A_224, %dma_wait3A_225] : memref<320000x96xf32, #tpu.memory_space<hbm>> -> memref<256x96xf32, #tpu.memory_space<hbm>>
        tpu.wait_dma2 semaphore(%arg16 : memref<!tpu.dma_semaphore, #tpu.memory_space<semaphore_mem>>) src(%dma_wait3A_226 : memref<256x96xf32, #tpu.memory_space<hbm>>) dst(%dma_wait3A_223 : memref<256x96xf32, #tpu.memory_space<vmem>>)
        %run_scoped3A = arith.constant 1 : i32
        %run_scoped3A_227 = arith.constant 1 : i32
        %run_scoped3A_228 = arith.constant 0 : i32
        "tpu.region"() ({
          %run_scoped3A_232 = tpu.sem_alloc : memref<!tpu.dma_semaphore, #tpu.memory_space<semaphore_mem>>
          %dma_start3A = arith.constant 0 : i32
          %dma_start3A_233 = arith.constant 0 : i32
          %dma_start3A_234 = tpu.memref_slice %arg13[%run_scoped3A, %dma_start3A, %dma_start3A_233] : memref<2x256x96xf32, #tpu.memory_space<vmem>> -> memref<1x128x96xf32, #tpu.memory_space<vmem>>
          %dma_start3A_235 = tpu.memref_squeeze %dma_start3A_234 : memref<1x128x96xf32, #tpu.memory_space<vmem>> -> memref<128x96xf32, #tpu.memory_space<vmem>>
          %dma_start3A_236 = arith.constant 0 : i32
          %dma_start3A_237 = tpu.memref_slice %arg12[%run_scoped3A_227, %run_scoped3A_228, %dma_start3A_236] : memref<2x2x128xi32, #tpu.memory_space<vmem>> -> memref<1x1x128xi32, #tpu.memory_space<vmem>>
          %dma_start3A_238 = tpu.memref_squeeze %dma_start3A_237 : memref<1x1x128xi32, #tpu.memory_space<vmem>> -> memref<128xi32, #tpu.memory_space<vmem>>
          %dma_start3A_239 = arith.constant 0 : i32
          %dma_start3A_240 = arith.constant 0 : i32
          %dma_start3A_241 = tpu.memref_slice %arg14[%dma_start3A_239, %dma_start3A_240] : memref<10000x96xf32, #tpu.memory_space<vmem_shared>> -> memref<10000x96xf32, #tpu.memory_space<vmem_shared>>
          tpu.enqueue_indirect_dma source(%dma_start3A_235 : memref<128x96xf32, #tpu.memory_space<vmem>>) target(%dma_start3A_241 : memref<10000x96xf32, #tpu.memory_space<vmem_shared>>) offsets(%dma_start3A_238 : memref<128xi32, #tpu.memory_space<vmem>>) semaphore(%run_scoped3A_232 : memref<!tpu.dma_semaphore, #tpu.memory_space<semaphore_mem>>) {add = true}
          %dma_wait3A_242 = arith.constant 0 : i32
          %dma_wait3A_243 = arith.constant 0 : i32
          %dma_wait3A_244 = tpu.memref_slice %arg13[%run_scoped3A, %dma_wait3A_242, %dma_wait3A_243] : memref<2x256x96xf32, #tpu.memory_space<vmem>> -> memref<1x128x96xf32, #tpu.memory_space<vmem>>
          %dma_wait3A_245 = tpu.memref_squeeze %dma_wait3A_244 : memref<1x128x96xf32, #tpu.memory_space<vmem>> -> memref<128x96xf32, #tpu.memory_space<vmem>>
          %dma_wait3A_246 = arith.constant 0 : i32
          %dma_wait3A_247 = tpu.memref_slice %arg12[%run_scoped3A_227, %run_scoped3A_228, %dma_wait3A_246] : memref<2x2x128xi32, #tpu.memory_space<vmem>> -> memref<1x1x128xi32, #tpu.memory_space<vmem>>
          %dma_wait3A_248 = tpu.memref_squeeze %dma_wait3A_247 : memref<1x1x128xi32, #tpu.memory_space<vmem>> -> memref<128xi32, #tpu.memory_space<vmem>>
          %dma_wait3A_249 = arith.constant 0 : i32
          %dma_wait3A_250 = arith.constant 0 : i32
          %dma_wait3A_251 = tpu.memref_slice %arg14[%dma_wait3A_249, %dma_wait3A_250] : memref<10000x96xf32, #tpu.memory_space<vmem_shared>> -> memref<10000x96xf32, #tpu.memory_space<vmem_shared>>
          tpu.wait_indirect_dma semaphore(%run_scoped3A_232 : memref<!tpu.dma_semaphore, #tpu.memory_space<semaphore_mem>>) src(%dma_wait3A_245 : memref<128x96xf32, #tpu.memory_space<vmem>>) dst(%dma_wait3A_251 : memref<10000x96xf32, #tpu.memory_space<vmem_shared>>)
          tpu.yield
        }) : () -> ()
        %run_scoped3A_229 = arith.constant 1 : i32
        %run_scoped3A_230 = arith.constant 1 : i32
        %run_scoped3A_231 = arith.constant 1 : i32
        "tpu.region"() ({
          %run_scoped3A_232 = tpu.sem_alloc : memref<!tpu.dma_semaphore, #tpu.memory_space<semaphore_mem>>
          %dma_start3A = arith.constant 128 : i32
          %dma_start3A_233 = arith.constant 0 : i32
          %dma_start3A_234 = tpu.memref_slice %arg13[%run_scoped3A_229, %dma_start3A, %dma_start3A_233] : memref<2x256x96xf32, #tpu.memory_space<vmem>> -> memref<1x128x96xf32, #tpu.memory_space<vmem>>
          %dma_start3A_235 = tpu.memref_squeeze %dma_start3A_234 : memref<1x128x96xf32, #tpu.memory_space<vmem>> -> memref<128x96xf32, #tpu.memory_space<vmem>>
          %dma_start3A_236 = arith.constant 0 : i32
          %dma_start3A_237 = tpu.memref_slice %arg12[%run_scoped3A_230, %run_scoped3A_231, %dma_start3A_236] : memref<2x2x128xi32, #tpu.memory_space<vmem>> -> memref<1x1x128xi32, #tpu.memory_space<vmem>>
          %dma_start3A_238 = tpu.memref_squeeze %dma_start3A_237 : memref<1x1x128xi32, #tpu.memory_space<vmem>> -> memref<128xi32, #tpu.memory_space<vmem>>
          %dma_start3A_239 = arith.constant 0 : i32
          %dma_start3A_240 = arith.constant 0 : i32
          %dma_start3A_241 = tpu.memref_slice %arg14[%dma_start3A_239, %dma_start3A_240] : memref<10000x96xf32, #tpu.memory_space<vmem_shared>> -> memref<10000x96xf32, #tpu.memory_space<vmem_shared>>
          tpu.enqueue_indirect_dma source(%dma_start3A_235 : memref<128x96xf32, #tpu.memory_space<vmem>>) target(%dma_start3A_241 : memref<10000x96xf32, #tpu.memory_space<vmem_shared>>) offsets(%dma_start3A_238 : memref<128xi32, #tpu.memory_space<vmem>>) semaphore(%run_scoped3A_232 : memref<!tpu.dma_semaphore, #tpu.memory_space<semaphore_mem>>) {add = true}
          %dma_wait3A_242 = arith.constant 128 : i32
          %dma_wait3A_243 = arith.constant 0 : i32
          %dma_wait3A_244 = tpu.memref_slice %arg13[%run_scoped3A_229, %dma_wait3A_242, %dma_wait3A_243] : memref<2x256x96xf32, #tpu.memory_space<vmem>> -> memref<1x128x96xf32, #tpu.memory_space<vmem>>
          %dma_wait3A_245 = tpu.memref_squeeze %dma_wait3A_244 : memref<1x128x96xf32, #tpu.memory_space<vmem>> -> memref<128x96xf32, #tpu.memory_space<vmem>>
          %dma_wait3A_246 = arith.constant 0 : i32
          %dma_wait3A_247 = tpu.memref_slice %arg12[%run_scoped3A_230, %run_scoped3A_231, %dma_wait3A_246] : memref<2x2x128xi32, #tpu.memory_space<vmem>> -> memref<1x1x128xi32, #tpu.memory_space<vmem>>
          %dma_wait3A_248 = tpu.memref_squeeze %dma_wait3A_247 : memref<1x1x128xi32, #tpu.memory_space<vmem>> -> memref<128xi32, #tpu.memory_space<vmem>>
          %dma_wait3A_249 = arith.constant 0 : i32
          %dma_wait3A_250 = arith.constant 0 : i32
          %dma_wait3A_251 = tpu.memref_slice %arg14[%dma_wait3A_249, %dma_wait3A_250] : memref<10000x96xf32, #tpu.memory_space<vmem_shared>> -> memref<10000x96xf32, #tpu.memory_space<vmem_shared>>
          tpu.wait_indirect_dma semaphore(%run_scoped3A_232 : memref<!tpu.dma_semaphore, #tpu.memory_space<semaphore_mem>>) src(%dma_wait3A_245 : memref<128x96xf32, #tpu.memory_space<vmem>>) dst(%dma_wait3A_251 : memref<10000x96xf32, #tpu.memory_space<vmem_shared>>)
          tpu.yield
        }) : () -> ()
      } else {
      }
      %mul3A_185 = arith.constant 2 : i32
      %mul3A_186 = arith.muli %mul3A_185, %add3A_147 : i32
      %add3A_187 = arith.constant 3 : i32
      %add3A_188 = arith.addi %mul3A_186, %add3A_187 : i32
      %mul3A_189 = arith.constant 16 : i32
      %mul3A_190 = arith.muli %mul3A_189, %add3A_188 : i32
      %add3A_191 = arith.addi %arg1, %mul3A_190 : i32
      %lt3A_192 = arith.constant 1250 : i32
      %lt3A_193 = arith.cmpi slt, %add3A_191, %lt3A_192 : i32
      %and3A_194 = arith.andi %eq3A_107, %lt3A_193 : i1
      %convert_element_type3A_195 = arith.extui %and3A_194 : i1 to i32
      %cond3A_196 = arith.constant 0 : i32
      %cond3A_197 = arith.cmpi ne, %convert_element_type3A_195, %cond3A_196 : i32
      scf.if %cond3A_197 {
        %mul3A_198 = arith.constant 2 : i32
        %mul3A_199 = arith.muli %add3A_191, %mul3A_198 : i32
        %dma_start3A = arith.constant 1 : i32
        %dma_start3A_200 = arith.constant 0 : i32
        %dma_start3A_201 = arith.constant 0 : i32
        %dma_start3A_202 = tpu.memref_slice %arg12[%dma_start3A, %dma_start3A_200, %dma_start3A_201] : memref<2x2x128xi32, #tpu.memory_space<vmem>> -> memref<1x2x128xi32, #tpu.memory_space<vmem>>
        %dma_start3A_203 = tpu.memref_squeeze %dma_start3A_202 : memref<1x2x128xi32, #tpu.memory_space<vmem>> -> memref<2x128xi32, #tpu.memory_space<vmem>>
        %dma_start3A_204 = arith.constant 0 : i32
        %dma_start3A_205 = tpu.memref_slice %arg6[%mul3A_199, %dma_start3A_204] : memref<2500x128xi32, #tpu.memory_space<hbm>> -> memref<2x128xi32, #tpu.memory_space<hbm>>
        %dma_start3A_206 = arith.constant 0 : i32
        %dma_start3A_207 = arith.constant 0 : i32
        %dma_start3A_208 = tpu.memref_slice %arg12[%dma_start3A, %dma_start3A_206, %dma_start3A_207] : memref<2x2x128xi32, #tpu.memory_space<vmem>> -> memref<1x2x128xi32, #tpu.memory_space<vmem>>
        %dma_start3A_209 = tpu.memref_squeeze %dma_start3A_208 : memref<1x2x128xi32, #tpu.memory_space<vmem>> -> memref<2x128xi32, #tpu.memory_space<vmem>>
        %dma_start3A_210 = arith.constant 0 : i32
        %dma_start3A_211 = tpu.memref_slice %arg6[%mul3A_199, %dma_start3A_210] : memref<2500x128xi32, #tpu.memory_space<hbm>> -> memref<2x128xi32, #tpu.memory_space<hbm>>
        tpu.enqueue_dma source(%dma_start3A_211 : memref<2x128xi32, #tpu.memory_space<hbm>>) target(%dma_start3A_209 : memref<2x128xi32, #tpu.memory_space<vmem>>) target_semaphore(%arg16 : memref<!tpu.dma_semaphore, #tpu.memory_space<semaphore_mem>>)
        %mul3A_212 = arith.constant 256 : i32
        %mul3A_213 = arith.muli %add3A_191, %mul3A_212 : i32
        %dma_start3A_214 = arith.constant 1 : i32
        %dma_start3A_215 = arith.constant 0 : i32
        %dma_start3A_216 = arith.constant 0 : i32
        %dma_start3A_217 = tpu.memref_slice %arg13[%dma_start3A_214, %dma_start3A_215, %dma_start3A_216] : memref<2x256x96xf32, #tpu.memory_space<vmem>> -> memref<1x256x96xf32, #tpu.memory_space<vmem>>
        %dma_start3A_218 = tpu.memref_squeeze %dma_start3A_217 : memref<1x256x96xf32, #tpu.memory_space<vmem>> -> memref<256x96xf32, #tpu.memory_space<vmem>>
        %dma_start3A_219 = arith.constant 0 : i32
        %dma_start3A_220 = tpu.memref_slice %arg5[%mul3A_213, %dma_start3A_219] : memref<320000x96xf32, #tpu.memory_space<hbm>> -> memref<256x96xf32, #tpu.memory_space<hbm>>
        %dma_start3A_221 = arith.constant 0 : i32
        %dma_start3A_222 = arith.constant 0 : i32
        %dma_start3A_223 = tpu.memref_slice %arg13[%dma_start3A_214, %dma_start3A_221, %dma_start3A_222] : memref<2x256x96xf32, #tpu.memory_space<vmem>> -> memref<1x256x96xf32, #tpu.memory_space<vmem>>
        %dma_start3A_224 = tpu.memref_squeeze %dma_start3A_223 : memref<1x256x96xf32, #tpu.memory_space<vmem>> -> memref<256x96xf32, #tpu.memory_space<vmem>>
        %dma_start3A_225 = arith.constant 0 : i32
        %dma_start3A_226 = tpu.memref_slice %arg5[%mul3A_213, %dma_start3A_225] : memref<320000x96xf32, #tpu.memory_space<hbm>> -> memref<256x96xf32, #tpu.memory_space<hbm>>
        tpu.enqueue_dma source(%dma_start3A_226 : memref<256x96xf32, #tpu.memory_space<hbm>>) target(%dma_start3A_224 : memref<256x96xf32, #tpu.memory_space<vmem>>) target_semaphore(%arg16 : memref<!tpu.dma_semaphore, #tpu.memory_space<semaphore_mem>>)
      } else {
      }
    }
    %scan3A_135 = arith.constant 40 : i32
    %barrier3A_136 = arith.constant 0 : index
    tpu.barrier barrier_id(%barrier3A_136)
    %lt3A_137 = arith.constant 10 : i32
    %lt3A_138 = arith.cmpi slt, %arg1, %lt3A_137 : i32
    %and3A_139 = arith.andi %eq3A_107, %lt3A_138 : i1
    %convert_element_type3A_140 = arith.extui %and3A_139 : i1 to i32
    %cond3A_141 = arith.constant 0 : i32
    %cond3A_142 = arith.cmpi ne, %convert_element_type3A_140, %cond3A_141 : i32
    scf.if %cond3A_142 {
      %mul3A = arith.constant 1000 : i32
      %mul3A_144 = arith.muli %arg1, %mul3A : i32
      %mul3A_145 = arith.constant 1000 : i32
      %mul3A_146 = arith.muli %arg1, %mul3A_145 : i32
      "tpu.region"() ({
        %run_scoped3A = tpu.sem_alloc : memref<!tpu.dma_semaphore, #tpu.memory_space<semaphore_mem>>
        %dma_start3A = arith.constant 0 : i32
        %dma_start3A_147 = tpu.memref_slice %arg11[%mul3A_146, %dma_start3A] : memref<10000x96xf32, #tpu.memory_space<hbm>> -> memref<1000x96xf32, #tpu.memory_space<hbm>>
        %dma_start3A_148 = arith.constant 0 : i32
        %dma_start3A_149 = tpu.memref_slice %arg14[%mul3A_144, %dma_start3A_148] : memref<10000x96xf32, #tpu.memory_space<vmem_shared>> -> memref<1000x96xf32, #tpu.memory_space<vmem_shared>>
        tpu.enqueue_dma source(%dma_start3A_149 : memref<1000x96xf32, #tpu.memory_space<vmem_shared>>) target(%dma_start3A_147 : memref<1000x96xf32, #tpu.memory_space<hbm>>) target_semaphore(%run_scoped3A : memref<!tpu.dma_semaphore, #tpu.memory_space<semaphore_mem>>)
        %dma_wait3A = arith.constant 0 : i32
        %dma_wait3A_150 = tpu.memref_slice %arg11[%mul3A_146, %dma_wait3A] : memref<10000x96xf32, #tpu.memory_space<hbm>> -> memref<1000x96xf32, #tpu.memory_space<hbm>>
        %dma_wait3A_151 = arith.constant 0 : i32
        %dma_wait3A_152 = tpu.memref_slice %arg14[%mul3A_144, %dma_wait3A_151] : memref<10000x96xf32, #tpu.memory_space<vmem_shared>> -> memref<1000x96xf32, #tpu.memory_space<vmem_shared>>
        tpu.wait_dma2 semaphore(%run_scoped3A : memref<!tpu.dma_semaphore, #tpu.memory_space<semaphore_mem>>) src(%dma_wait3A_152 : memref<1000x96xf32, #tpu.memory_space<vmem_shared>>) dst(%dma_wait3A_150 : memref<1000x96xf32, #tpu.memory_space<hbm>>)
        tpu.yield
      }) : () -> ()
    } else {
    }
    %barrier3A_143 = arith.constant 0 : index
    tpu.barrier barrier_id(%barrier3A_143)
    return
  }
}

#map = affine_map<(d0, d1) -> (0, 0)>
module attributes {stable_mosaic.version = 14 : i64} {
  func.func @_sc_denom_fused(%arg0: i32, %arg1: i32, %arg2: memref<320000x16xf32, #tpu.memory_space<hbm>>, %arg3: memref<2500x128xi32, #tpu.memory_space<hbm>>, %arg4: memref<10000x16xf32, #tpu.memory_space<hbm>>, %arg5: memref<10000x16xf32, #tpu.memory_space<hbm>>, %arg6: memref<320000x16xf32, #tpu.memory_space<hbm>>, %arg7: memref<2x128xi32, #tpu.memory_space<vmem>>, %arg8: memref<256x16xf32, #tpu.memory_space<vmem>>, %arg9: memref<10000x16xf32, #tpu.memory_space<vmem_shared>>) attributes {dimension_semantics = [#tpu.dimension_semantics<core_parallel>, #tpu.dimension_semantics<subcore_parallel>], iteration_bounds = array<i64: 2, 16>, scalar_prefetch = 0 : i64, scratch_operands = 3 : i64, tpu.core_type = #tpu.core_type<sc_vector_subcore>, window_params = [{transform_indices = #map}, {transform_indices = #map}, {transform_indices = #map}, {transform_indices = #map}, {transform_indices = #map}]} {
    %lt3A = arith.constant 10 : i32
    %lt3A_0 = arith.cmpi slt, %arg1, %lt3A : i32
    %convert_element_type3A = arith.extui %lt3A_0 : i1 to i32
    %cond3A = arith.constant 0 : i32
    %cond3A_1 = arith.cmpi ne, %convert_element_type3A, %cond3A : i32
    scf.if %cond3A_1 {
      %mul3A = arith.constant 1000 : i32
      %mul3A_18 = arith.muli %arg1, %mul3A : i32
      %mul3A_19 = arith.constant 1000 : i32
      %mul3A_20 = arith.muli %arg1, %mul3A_19 : i32
      "tpu.region"() ({
        %run_scoped3A = tpu.sem_alloc : memref<!tpu.dma_semaphore, #tpu.memory_space<semaphore_mem>>
        %dma_start3A = arith.constant 0 : i32
        %dma_start3A_21 = tpu.memref_slice %arg9[%mul3A_20, %dma_start3A] : memref<10000x16xf32, #tpu.memory_space<vmem_shared>> -> memref<1000x16xf32, #tpu.memory_space<vmem_shared>>
        %dma_start3A_22 = arith.constant 0 : i32
        %dma_start3A_23 = tpu.memref_slice %arg4[%mul3A_18, %dma_start3A_22] : memref<10000x16xf32, #tpu.memory_space<hbm>> -> memref<1000x16xf32, #tpu.memory_space<hbm>>
        tpu.enqueue_dma source(%dma_start3A_23 : memref<1000x16xf32, #tpu.memory_space<hbm>>) target(%dma_start3A_21 : memref<1000x16xf32, #tpu.memory_space<vmem_shared>>) target_semaphore(%run_scoped3A : memref<!tpu.dma_semaphore, #tpu.memory_space<semaphore_mem>>)
        %dma_wait3A = arith.constant 0 : i32
        %dma_wait3A_24 = tpu.memref_slice %arg9[%mul3A_20, %dma_wait3A] : memref<10000x16xf32, #tpu.memory_space<vmem_shared>> -> memref<1000x16xf32, #tpu.memory_space<vmem_shared>>
        %dma_wait3A_25 = arith.constant 0 : i32
        %dma_wait3A_26 = tpu.memref_slice %arg4[%mul3A_18, %dma_wait3A_25] : memref<10000x16xf32, #tpu.memory_space<hbm>> -> memref<1000x16xf32, #tpu.memory_space<hbm>>
        tpu.wait_dma2 semaphore(%run_scoped3A : memref<!tpu.dma_semaphore, #tpu.memory_space<semaphore_mem>>) src(%dma_wait3A_26 : memref<1000x16xf32, #tpu.memory_space<hbm>>) dst(%dma_wait3A_24 : memref<1000x16xf32, #tpu.memory_space<vmem_shared>>)
        tpu.yield
      }) : () -> ()
    } else {
    }
    %barrier3A = arith.constant 0 : index
    tpu.barrier barrier_id(%barrier3A)
    %scan3A = arith.constant 0 : i32
    %scan3A_2 = arith.constant 79 : i32
    %scan3A_3 = arith.addi %scan3A, %scan3A_2 : i32
    %scan3A_4 = arith.constant 1 : i32
    scf.for %scan3A_18 = %scan3A to %scan3A_3 step %scan3A_4  : i32 {
      %mul3A = arith.constant 1 : i32
      %mul3A_19 = arith.muli %scan3A_18, %mul3A : i32
      %add3A = arith.constant 0 : i32
      %add3A_20 = arith.addi %add3A, %mul3A_19 : i32
      %mul3A_21 = arith.constant 16 : i32
      %mul3A_22 = arith.muli %add3A_20, %mul3A_21 : i32
      %add3A_23 = arith.addi %arg1, %mul3A_22 : i32
      %lt3A_24 = arith.constant 1250 : i32
      %lt3A_25 = arith.cmpi slt, %add3A_23, %lt3A_24 : i32
      %convert_element_type3A_26 = arith.extui %lt3A_25 : i1 to i32
      %cond3A_27 = arith.constant 0 : i32
      %cond3A_28 = arith.cmpi ne, %convert_element_type3A_26, %cond3A_27 : i32
      scf.if %cond3A_28 {
        %mul3A_29 = arith.constant 2 : i32
        %mul3A_30 = arith.muli %add3A_23, %mul3A_29 : i32
        "tpu.region"() ({
          %run_scoped3A_34 = tpu.sem_alloc : memref<!tpu.dma_semaphore, #tpu.memory_space<semaphore_mem>>
          %dma_start3A = arith.constant 0 : i32
          %dma_start3A_35 = tpu.memref_slice %arg3[%mul3A_30, %dma_start3A] : memref<2500x128xi32, #tpu.memory_space<hbm>> -> memref<2x128xi32, #tpu.memory_space<hbm>>
          %dma_start3A_36 = arith.constant 0 : i32
          %dma_start3A_37 = tpu.memref_slice %arg3[%mul3A_30, %dma_start3A_36] : memref<2500x128xi32, #tpu.memory_space<hbm>> -> memref<2x128xi32, #tpu.memory_space<hbm>>
          tpu.enqueue_dma source(%dma_start3A_37 : memref<2x128xi32, #tpu.memory_space<hbm>>) target(%arg7 : memref<2x128xi32, #tpu.memory_space<vmem>>) target_semaphore(%run_scoped3A_34 : memref<!tpu.dma_semaphore, #tpu.memory_space<semaphore_mem>>)
          %dma_wait3A = arith.constant 0 : i32
          %dma_wait3A_38 = tpu.memref_slice %arg3[%mul3A_30, %dma_wait3A] : memref<2500x128xi32, #tpu.memory_space<hbm>> -> memref<2x128xi32, #tpu.memory_space<hbm>>
          %dma_wait3A_39 = arith.constant 0 : i32
          %dma_wait3A_40 = tpu.memref_slice %arg3[%mul3A_30, %dma_wait3A_39] : memref<2500x128xi32, #tpu.memory_space<hbm>> -> memref<2x128xi32, #tpu.memory_space<hbm>>
          tpu.wait_dma2 semaphore(%run_scoped3A_34 : memref<!tpu.dma_semaphore, #tpu.memory_space<semaphore_mem>>) src(%dma_wait3A_40 : memref<2x128xi32, #tpu.memory_space<hbm>>) dst(%arg7 : memref<2x128xi32, #tpu.memory_space<vmem>>)
          tpu.yield
        }) : () -> ()
        %mul3A_31 = arith.constant 256 : i32
        %mul3A_32 = arith.muli %add3A_23, %mul3A_31 : i32
        "tpu.region"() ({
          %run_scoped3A_34 = tpu.sem_alloc : memref<!tpu.dma_semaphore, #tpu.memory_space<semaphore_mem>>
          %dma_start3A = arith.constant 0 : i32
          %dma_start3A_35 = tpu.memref_slice %arg2[%mul3A_32, %dma_start3A] : memref<320000x16xf32, #tpu.memory_space<hbm>> -> memref<256x16xf32, #tpu.memory_space<hbm>>
          %dma_start3A_36 = arith.constant 0 : i32
          %dma_start3A_37 = tpu.memref_slice %arg2[%mul3A_32, %dma_start3A_36] : memref<320000x16xf32, #tpu.memory_space<hbm>> -> memref<256x16xf32, #tpu.memory_space<hbm>>
          tpu.enqueue_dma source(%dma_start3A_37 : memref<256x16xf32, #tpu.memory_space<hbm>>) target(%arg8 : memref<256x16xf32, #tpu.memory_space<vmem>>) target_semaphore(%run_scoped3A_34 : memref<!tpu.dma_semaphore, #tpu.memory_space<semaphore_mem>>)
          %dma_wait3A = arith.constant 0 : i32
          %dma_wait3A_38 = tpu.memref_slice %arg2[%mul3A_32, %dma_wait3A] : memref<320000x16xf32, #tpu.memory_space<hbm>> -> memref<256x16xf32, #tpu.memory_space<hbm>>
          %dma_wait3A_39 = arith.constant 0 : i32
          %dma_wait3A_40 = tpu.memref_slice %arg2[%mul3A_32, %dma_wait3A_39] : memref<320000x16xf32, #tpu.memory_space<hbm>> -> memref<256x16xf32, #tpu.memory_space<hbm>>
          tpu.wait_dma2 semaphore(%run_scoped3A_34 : memref<!tpu.dma_semaphore, #tpu.memory_space<semaphore_mem>>) src(%dma_wait3A_40 : memref<256x16xf32, #tpu.memory_space<hbm>>) dst(%arg8 : memref<256x16xf32, #tpu.memory_space<vmem>>)
          tpu.yield
        }) : () -> ()
        %run_scoped3A = arith.constant 0 : i32
        "tpu.region"() ({
          %run_scoped3A_34 = tpu.sem_alloc : memref<!tpu.dma_semaphore, #tpu.memory_space<semaphore_mem>>
          %dma_start3A = arith.constant 0 : i32
          %dma_start3A_35 = arith.constant 0 : i32
          %dma_start3A_36 = tpu.memref_slice %arg8[%dma_start3A, %dma_start3A_35] : memref<256x16xf32, #tpu.memory_space<vmem>> -> memref<128x16xf32, #tpu.memory_space<vmem>>
          %dma_start3A_37 = arith.constant 0 : i32
          %dma_start3A_38 = tpu.memref_slice %arg7[%run_scoped3A, %dma_start3A_37] : memref<2x128xi32, #tpu.memory_space<vmem>> -> memref<1x128xi32, #tpu.memory_space<vmem>>
          %dma_start3A_39 = tpu.memref_squeeze %dma_start3A_38 : memref<1x128xi32, #tpu.memory_space<vmem>> -> memref<128xi32, #tpu.memory_space<vmem>>
          %dma_start3A_40 = arith.constant 0 : i32
          %dma_start3A_41 = arith.constant 0 : i32
          %dma_start3A_42 = tpu.memref_slice %arg9[%dma_start3A_40, %dma_start3A_41] : memref<10000x16xf32, #tpu.memory_space<vmem_shared>> -> memref<10000x16xf32, #tpu.memory_space<vmem_shared>>
          tpu.enqueue_indirect_dma source(%dma_start3A_36 : memref<128x16xf32, #tpu.memory_space<vmem>>) target(%dma_start3A_42 : memref<10000x16xf32, #tpu.memory_space<vmem_shared>>) offsets(%dma_start3A_39 : memref<128xi32, #tpu.memory_space<vmem>>) semaphore(%run_scoped3A_34 : memref<!tpu.dma_semaphore, #tpu.memory_space<semaphore_mem>>) {add = true}
          %dma_wait3A = arith.constant 0 : i32
          %dma_wait3A_43 = arith.constant 0 : i32
          %dma_wait3A_44 = tpu.memref_slice %arg8[%dma_wait3A, %dma_wait3A_43] : memref<256x16xf32, #tpu.memory_space<vmem>> -> memref<128x16xf32, #tpu.memory_space<vmem>>
          %dma_wait3A_45 = arith.constant 0 : i32
          %dma_wait3A_46 = tpu.memref_slice %arg7[%run_scoped3A, %dma_wait3A_45] : memref<2x128xi32, #tpu.memory_space<vmem>> -> memref<1x128xi32, #tpu.memory_space<vmem>>
          %dma_wait3A_47 = tpu.memref_squeeze %dma_wait3A_46 : memref<1x128xi32, #tpu.memory_space<vmem>> -> memref<128xi32, #tpu.memory_space<vmem>>
          %dma_wait3A_48 = arith.constant 0 : i32
          %dma_wait3A_49 = arith.constant 0 : i32
          %dma_wait3A_50 = tpu.memref_slice %arg9[%dma_wait3A_48, %dma_wait3A_49] : memref<10000x16xf32, #tpu.memory_space<vmem_shared>> -> memref<10000x16xf32, #tpu.memory_space<vmem_shared>>
          tpu.wait_indirect_dma semaphore(%run_scoped3A_34 : memref<!tpu.dma_semaphore, #tpu.memory_space<semaphore_mem>>) src(%dma_wait3A_44 : memref<128x16xf32, #tpu.memory_space<vmem>>) dst(%dma_wait3A_50 : memref<10000x16xf32, #tpu.memory_space<vmem_shared>>)
          tpu.yield
        }) : () -> ()
        %run_scoped3A_33 = arith.constant 1 : i32
        "tpu.region"() ({
          %run_scoped3A_34 = tpu.sem_alloc : memref<!tpu.dma_semaphore, #tpu.memory_space<semaphore_mem>>
          %dma_start3A = arith.constant 128 : i32
          %dma_start3A_35 = arith.constant 0 : i32
          %dma_start3A_36 = tpu.memref_slice %arg8[%dma_start3A, %dma_start3A_35] : memref<256x16xf32, #tpu.memory_space<vmem>> -> memref<128x16xf32, #tpu.memory_space<vmem>>
          %dma_start3A_37 = arith.constant 0 : i32
          %dma_start3A_38 = tpu.memref_slice %arg7[%run_scoped3A_33, %dma_start3A_37] : memref<2x128xi32, #tpu.memory_space<vmem>> -> memref<1x128xi32, #tpu.memory_space<vmem>>
          %dma_start3A_39 = tpu.memref_squeeze %dma_start3A_38 : memref<1x128xi32, #tpu.memory_space<vmem>> -> memref<128xi32, #tpu.memory_space<vmem>>
          %dma_start3A_40 = arith.constant 0 : i32
          %dma_start3A_41 = arith.constant 0 : i32
          %dma_start3A_42 = tpu.memref_slice %arg9[%dma_start3A_40, %dma_start3A_41] : memref<10000x16xf32, #tpu.memory_space<vmem_shared>> -> memref<10000x16xf32, #tpu.memory_space<vmem_shared>>
          tpu.enqueue_indirect_dma source(%dma_start3A_36 : memref<128x16xf32, #tpu.memory_space<vmem>>) target(%dma_start3A_42 : memref<10000x16xf32, #tpu.memory_space<vmem_shared>>) offsets(%dma_start3A_39 : memref<128xi32, #tpu.memory_space<vmem>>) semaphore(%run_scoped3A_34 : memref<!tpu.dma_semaphore, #tpu.memory_space<semaphore_mem>>) {add = true}
          %dma_wait3A = arith.constant 128 : i32
          %dma_wait3A_43 = arith.constant 0 : i32
          %dma_wait3A_44 = tpu.memref_slice %arg8[%dma_wait3A, %dma_wait3A_43] : memref<256x16xf32, #tpu.memory_space<vmem>> -> memref<128x16xf32, #tpu.memory_space<vmem>>
          %dma_wait3A_45 = arith.constant 0 : i32
          %dma_wait3A_46 = tpu.memref_slice %arg7[%run_scoped3A_33, %dma_wait3A_45] : memref<2x128xi32, #tpu.memory_space<vmem>> -> memref<1x128xi32, #tpu.memory_space<vmem>>
          %dma_wait3A_47 = tpu.memref_squeeze %dma_wait3A_46 : memref<1x128xi32, #tpu.memory_space<vmem>> -> memref<128xi32, #tpu.memory_space<vmem>>
          %dma_wait3A_48 = arith.constant 0 : i32
          %dma_wait3A_49 = arith.constant 0 : i32
          %dma_wait3A_50 = tpu.memref_slice %arg9[%dma_wait3A_48, %dma_wait3A_49] : memref<10000x16xf32, #tpu.memory_space<vmem_shared>> -> memref<10000x16xf32, #tpu.memory_space<vmem_shared>>
          tpu.wait_indirect_dma semaphore(%run_scoped3A_34 : memref<!tpu.dma_semaphore, #tpu.memory_space<semaphore_mem>>) src(%dma_wait3A_44 : memref<128x16xf32, #tpu.memory_space<vmem>>) dst(%dma_wait3A_50 : memref<10000x16xf32, #tpu.memory_space<vmem_shared>>)
          tpu.yield
        }) : () -> ()
      } else {
      }
    }
    %scan3A_5 = arith.constant 79 : i32
    %barrier3A_6 = arith.constant 0 : index
    tpu.barrier barrier_id(%barrier3A_6)
    %eq3A = arith.constant 0 : i32
    %eq3A_7 = arith.cmpi eq, %arg0, %eq3A : i32
    %lt3A_8 = arith.constant 10 : i32
    %lt3A_9 = arith.cmpi slt, %arg1, %lt3A_8 : i32
    %and3A = arith.andi %eq3A_7, %lt3A_9 : i1
    %convert_element_type3A_10 = arith.extui %and3A : i1 to i32
    %cond3A_11 = arith.constant 0 : i32
    %cond3A_12 = arith.cmpi ne, %convert_element_type3A_10, %cond3A_11 : i32
    scf.if %cond3A_12 {
      %mul3A = arith.constant 1000 : i32
      %mul3A_18 = arith.muli %arg1, %mul3A : i32
      %mul3A_19 = arith.constant 1000 : i32
      %mul3A_20 = arith.muli %arg1, %mul3A_19 : i32
      "tpu.region"() ({
        %run_scoped3A = tpu.sem_alloc : memref<!tpu.dma_semaphore, #tpu.memory_space<semaphore_mem>>
        %dma_start3A = arith.constant 0 : i32
        %dma_start3A_21 = tpu.memref_slice %arg5[%mul3A_20, %dma_start3A] : memref<10000x16xf32, #tpu.memory_space<hbm>> -> memref<1000x16xf32, #tpu.memory_space<hbm>>
        %dma_start3A_22 = arith.constant 0 : i32
        %dma_start3A_23 = tpu.memref_slice %arg9[%mul3A_18, %dma_start3A_22] : memref<10000x16xf32, #tpu.memory_space<vmem_shared>> -> memref<1000x16xf32, #tpu.memory_space<vmem_shared>>
        tpu.enqueue_dma source(%dma_start3A_23 : memref<1000x16xf32, #tpu.memory_space<vmem_shared>>) target(%dma_start3A_21 : memref<1000x16xf32, #tpu.memory_space<hbm>>) target_semaphore(%run_scoped3A : memref<!tpu.dma_semaphore, #tpu.memory_space<semaphore_mem>>)
        %dma_wait3A = arith.constant 0 : i32
        %dma_wait3A_24 = tpu.memref_slice %arg5[%mul3A_20, %dma_wait3A] : memref<10000x16xf32, #tpu.memory_space<hbm>> -> memref<1000x16xf32, #tpu.memory_space<hbm>>
        %dma_wait3A_25 = arith.constant 0 : i32
        %dma_wait3A_26 = tpu.memref_slice %arg9[%mul3A_18, %dma_wait3A_25] : memref<10000x16xf32, #tpu.memory_space<vmem_shared>> -> memref<1000x16xf32, #tpu.memory_space<vmem_shared>>
        tpu.wait_dma2 semaphore(%run_scoped3A : memref<!tpu.dma_semaphore, #tpu.memory_space<semaphore_mem>>) src(%dma_wait3A_26 : memref<1000x16xf32, #tpu.memory_space<vmem_shared>>) dst(%dma_wait3A_24 : memref<1000x16xf32, #tpu.memory_space<hbm>>)
        tpu.yield
      }) : () -> ()
    } else {
    }
    %scan3A_13 = arith.constant 0 : i32
    %scan3A_14 = arith.constant 40 : i32
    %scan3A_15 = arith.addi %scan3A_13, %scan3A_14 : i32
    %scan3A_16 = arith.constant 1 : i32
    scf.for %scan3A_18 = %scan3A_13 to %scan3A_15 step %scan3A_16  : i32 {
      %mul3A = arith.constant 1 : i32
      %mul3A_19 = arith.muli %scan3A_18, %mul3A : i32
      %add3A = arith.constant 0 : i32
      %add3A_20 = arith.addi %add3A, %mul3A_19 : i32
      %mul3A_21 = arith.constant 16 : i32
      %mul3A_22 = arith.muli %add3A_20, %mul3A_21 : i32
      %add3A_23 = arith.addi %arg1, %mul3A_22 : i32
      %lt3A_24 = arith.constant 625 : i32
      %lt3A_25 = arith.cmpi slt, %add3A_23, %lt3A_24 : i32
      %convert_element_type3A_26 = arith.extui %lt3A_25 : i1 to i32
      %cond3A_27 = arith.constant 0 : i32
      %cond3A_28 = arith.cmpi ne, %convert_element_type3A_26, %cond3A_27 : i32
      scf.if %cond3A_28 {
        %mul3A_29 = arith.constant 625 : i32
        %mul3A_30 = arith.muli %arg0, %mul3A_29 : i32
        %add3A_31 = arith.addi %mul3A_30, %add3A_23 : i32
        %mul3A_32 = arith.constant 2 : i32
        %mul3A_33 = arith.muli %add3A_31, %mul3A_32 : i32
        "tpu.region"() ({
          %run_scoped3A_37 = tpu.sem_alloc : memref<!tpu.dma_semaphore, #tpu.memory_space<semaphore_mem>>
          %dma_start3A = arith.constant 0 : i32
          %dma_start3A_38 = tpu.memref_slice %arg3[%mul3A_33, %dma_start3A] : memref<2500x128xi32, #tpu.memory_space<hbm>> -> memref<2x128xi32, #tpu.memory_space<hbm>>
          %dma_start3A_39 = arith.constant 0 : i32
          %dma_start3A_40 = tpu.memref_slice %arg3[%mul3A_33, %dma_start3A_39] : memref<2500x128xi32, #tpu.memory_space<hbm>> -> memref<2x128xi32, #tpu.memory_space<hbm>>
          tpu.enqueue_dma source(%dma_start3A_40 : memref<2x128xi32, #tpu.memory_space<hbm>>) target(%arg7 : memref<2x128xi32, #tpu.memory_space<vmem>>) target_semaphore(%run_scoped3A_37 : memref<!tpu.dma_semaphore, #tpu.memory_space<semaphore_mem>>)
          %dma_wait3A = arith.constant 0 : i32
          %dma_wait3A_41 = tpu.memref_slice %arg3[%mul3A_33, %dma_wait3A] : memref<2500x128xi32, #tpu.memory_space<hbm>> -> memref<2x128xi32, #tpu.memory_space<hbm>>
          %dma_wait3A_42 = arith.constant 0 : i32
          %dma_wait3A_43 = tpu.memref_slice %arg3[%mul3A_33, %dma_wait3A_42] : memref<2500x128xi32, #tpu.memory_space<hbm>> -> memref<2x128xi32, #tpu.memory_space<hbm>>
          tpu.wait_dma2 semaphore(%run_scoped3A_37 : memref<!tpu.dma_semaphore, #tpu.memory_space<semaphore_mem>>) src(%dma_wait3A_43 : memref<2x128xi32, #tpu.memory_space<hbm>>) dst(%arg7 : memref<2x128xi32, #tpu.memory_space<vmem>>)
          tpu.yield
        }) : () -> ()
        %run_scoped3A = arith.constant 0 : i32
        "tpu.region"() ({
          %run_scoped3A_37 = tpu.sem_alloc : memref<!tpu.dma_semaphore, #tpu.memory_space<semaphore_mem>>
          %dma_start3A = arith.constant 0 : i32
          %dma_start3A_38 = arith.constant 0 : i32
          %dma_start3A_39 = tpu.memref_slice %arg8[%dma_start3A, %dma_start3A_38] : memref<256x16xf32, #tpu.memory_space<vmem>> -> memref<128x16xf32, #tpu.memory_space<vmem>>
          %dma_start3A_40 = arith.constant 0 : i32
          %dma_start3A_41 = tpu.memref_slice %arg7[%run_scoped3A, %dma_start3A_40] : memref<2x128xi32, #tpu.memory_space<vmem>> -> memref<1x128xi32, #tpu.memory_space<vmem>>
          %dma_start3A_42 = tpu.memref_squeeze %dma_start3A_41 : memref<1x128xi32, #tpu.memory_space<vmem>> -> memref<128xi32, #tpu.memory_space<vmem>>
          %dma_start3A_43 = arith.constant 0 : i32
          %dma_start3A_44 = arith.constant 0 : i32
          %dma_start3A_45 = tpu.memref_slice %arg9[%dma_start3A_43, %dma_start3A_44] : memref<10000x16xf32, #tpu.memory_space<vmem_shared>> -> memref<10000x16xf32, #tpu.memory_space<vmem_shared>>
          tpu.enqueue_indirect_dma source(%dma_start3A_45 : memref<10000x16xf32, #tpu.memory_space<vmem_shared>>) target(%dma_start3A_39 : memref<128x16xf32, #tpu.memory_space<vmem>>) offsets(%dma_start3A_42 : memref<128xi32, #tpu.memory_space<vmem>>) semaphore(%run_scoped3A_37 : memref<!tpu.dma_semaphore, #tpu.memory_space<semaphore_mem>>)
          %dma_wait3A = arith.constant 0 : i32
          %dma_wait3A_46 = arith.constant 0 : i32
          %dma_wait3A_47 = tpu.memref_slice %arg8[%dma_wait3A, %dma_wait3A_46] : memref<256x16xf32, #tpu.memory_space<vmem>> -> memref<128x16xf32, #tpu.memory_space<vmem>>
          %dma_wait3A_48 = arith.constant 0 : i32
          %dma_wait3A_49 = tpu.memref_slice %arg7[%run_scoped3A, %dma_wait3A_48] : memref<2x128xi32, #tpu.memory_space<vmem>> -> memref<1x128xi32, #tpu.memory_space<vmem>>
          %dma_wait3A_50 = tpu.memref_squeeze %dma_wait3A_49 : memref<1x128xi32, #tpu.memory_space<vmem>> -> memref<128xi32, #tpu.memory_space<vmem>>
          %dma_wait3A_51 = arith.constant 0 : i32
          %dma_wait3A_52 = arith.constant 0 : i32
          %dma_wait3A_53 = tpu.memref_slice %arg9[%dma_wait3A_51, %dma_wait3A_52] : memref<10000x16xf32, #tpu.memory_space<vmem_shared>> -> memref<10000x16xf32, #tpu.memory_space<vmem_shared>>
          tpu.wait_indirect_dma semaphore(%run_scoped3A_37 : memref<!tpu.dma_semaphore, #tpu.memory_space<semaphore_mem>>) src(%dma_wait3A_53 : memref<10000x16xf32, #tpu.memory_space<vmem_shared>>) dst(%dma_wait3A_47 : memref<128x16xf32, #tpu.memory_space<vmem>>)
          tpu.yield
        }) : () -> ()
        %run_scoped3A_34 = arith.constant 1 : i32
        "tpu.region"() ({
          %run_scoped3A_37 = tpu.sem_alloc : memref<!tpu.dma_semaphore, #tpu.memory_space<semaphore_mem>>
          %dma_start3A = arith.constant 128 : i32
          %dma_start3A_38 = arith.constant 0 : i32
          %dma_start3A_39 = tpu.memref_slice %arg8[%dma_start3A, %dma_start3A_38] : memref<256x16xf32, #tpu.memory_space<vmem>> -> memref<128x16xf32, #tpu.memory_space<vmem>>
          %dma_start3A_40 = arith.constant 0 : i32
          %dma_start3A_41 = tpu.memref_slice %arg7[%run_scoped3A_34, %dma_start3A_40] : memref<2x128xi32, #tpu.memory_space<vmem>> -> memref<1x128xi32, #tpu.memory_space<vmem>>
          %dma_start3A_42 = tpu.memref_squeeze %dma_start3A_41 : memref<1x128xi32, #tpu.memory_space<vmem>> -> memref<128xi32, #tpu.memory_space<vmem>>
          %dma_start3A_43 = arith.constant 0 : i32
          %dma_start3A_44 = arith.constant 0 : i32
          %dma_start3A_45 = tpu.memref_slice %arg9[%dma_start3A_43, %dma_start3A_44] : memref<10000x16xf32, #tpu.memory_space<vmem_shared>> -> memref<10000x16xf32, #tpu.memory_space<vmem_shared>>
          tpu.enqueue_indirect_dma source(%dma_start3A_45 : memref<10000x16xf32, #tpu.memory_space<vmem_shared>>) target(%dma_start3A_39 : memref<128x16xf32, #tpu.memory_space<vmem>>) offsets(%dma_start3A_42 : memref<128xi32, #tpu.memory_space<vmem>>) semaphore(%run_scoped3A_37 : memref<!tpu.dma_semaphore, #tpu.memory_space<semaphore_mem>>)
          %dma_wait3A = arith.constant 128 : i32
          %dma_wait3A_46 = arith.constant 0 : i32
          %dma_wait3A_47 = tpu.memref_slice %arg8[%dma_wait3A, %dma_wait3A_46] : memref<256x16xf32, #tpu.memory_space<vmem>> -> memref<128x16xf32, #tpu.memory_space<vmem>>
          %dma_wait3A_48 = arith.constant 0 : i32
          %dma_wait3A_49 = tpu.memref_slice %arg7[%run_scoped3A_34, %dma_wait3A_48] : memref<2x128xi32, #tpu.memory_space<vmem>> -> memref<1x128xi32, #tpu.memory_space<vmem>>
          %dma_wait3A_50 = tpu.memref_squeeze %dma_wait3A_49 : memref<1x128xi32, #tpu.memory_space<vmem>> -> memref<128xi32, #tpu.memory_space<vmem>>
          %dma_wait3A_51 = arith.constant 0 : i32
          %dma_wait3A_52 = arith.constant 0 : i32
          %dma_wait3A_53 = tpu.memref_slice %arg9[%dma_wait3A_51, %dma_wait3A_52] : memref<10000x16xf32, #tpu.memory_space<vmem_shared>> -> memref<10000x16xf32, #tpu.memory_space<vmem_shared>>
          tpu.wait_indirect_dma semaphore(%run_scoped3A_37 : memref<!tpu.dma_semaphore, #tpu.memory_space<semaphore_mem>>) src(%dma_wait3A_53 : memref<10000x16xf32, #tpu.memory_space<vmem_shared>>) dst(%dma_wait3A_47 : memref<128x16xf32, #tpu.memory_space<vmem>>)
          tpu.yield
        }) : () -> ()
        %mul3A_35 = arith.constant 256 : i32
        %mul3A_36 = arith.muli %add3A_31, %mul3A_35 : i32
        "tpu.region"() ({
          %run_scoped3A_37 = tpu.sem_alloc : memref<!tpu.dma_semaphore, #tpu.memory_space<semaphore_mem>>
          %dma_start3A = arith.constant 0 : i32
          %dma_start3A_38 = tpu.memref_slice %arg6[%mul3A_36, %dma_start3A] : memref<320000x16xf32, #tpu.memory_space<hbm>> -> memref<256x16xf32, #tpu.memory_space<hbm>>
          %dma_start3A_39 = arith.constant 0 : i32
          %dma_start3A_40 = tpu.memref_slice %arg6[%mul3A_36, %dma_start3A_39] : memref<320000x16xf32, #tpu.memory_space<hbm>> -> memref<256x16xf32, #tpu.memory_space<hbm>>
          tpu.enqueue_dma source(%arg8 : memref<256x16xf32, #tpu.memory_space<vmem>>) target(%dma_start3A_40 : memref<256x16xf32, #tpu.memory_space<hbm>>) target_semaphore(%run_scoped3A_37 : memref<!tpu.dma_semaphore, #tpu.memory_space<semaphore_mem>>)
          %dma_wait3A = arith.constant 0 : i32
          %dma_wait3A_41 = tpu.memref_slice %arg6[%mul3A_36, %dma_wait3A] : memref<320000x16xf32, #tpu.memory_space<hbm>> -> memref<256x16xf32, #tpu.memory_space<hbm>>
          %dma_wait3A_42 = arith.constant 0 : i32
          %dma_wait3A_43 = tpu.memref_slice %arg6[%mul3A_36, %dma_wait3A_42] : memref<320000x16xf32, #tpu.memory_space<hbm>> -> memref<256x16xf32, #tpu.memory_space<hbm>>
          tpu.wait_dma2 semaphore(%run_scoped3A_37 : memref<!tpu.dma_semaphore, #tpu.memory_space<semaphore_mem>>) src(%arg8 : memref<256x16xf32, #tpu.memory_space<vmem>>) dst(%dma_wait3A_43 : memref<256x16xf32, #tpu.memory_space<hbm>>)
          tpu.yield
        }) : () -> ()
      } else {
      }
    }
    %scan3A_17 = arith.constant 40 : i32
    return
  }
}

#map = affine_map<(d0, d1) -> (0, 0)>
module attributes {stable_mosaic.version = 14 : i64} {
  func.func @_sc_gather_hx(%arg0: i32, %arg1: i32, %arg2: memref<10000x144xf32, #tpu.memory_space<hbm>>, %arg3: memref<1x320000xi32, #tpu.memory_space<hbm>>, %arg4: memref<1x320000xi32, #tpu.memory_space<hbm>>, %arg5: memref<320000x144xf32, #tpu.memory_space<hbm>>, %arg6: memref<320000x144xf32, #tpu.memory_space<hbm>>) attributes {dimension_semantics = [#tpu.dimension_semantics<core_parallel>, #tpu.dimension_semantics<subcore_parallel>], iteration_bounds = array<i64: 2, 16>, scalar_prefetch = 0 : i64, scratch_operands = 0 : i64, tpu.core_type = #tpu.core_type<sc_vector_subcore>, window_params = [{transform_indices = #map}, {transform_indices = #map}, {transform_indices = #map}, {transform_indices = #map}, {transform_indices = #map}]} {
    %mul3A = arith.constant 1 : i32
    %mul3A_0 = arith.muli %arg1, %mul3A : i32
    %add3A = arith.constant 0 : i32
    %add3A_1 = arith.addi %add3A, %mul3A_0 : i32
    %mul3A_2 = arith.constant 16 : i32
    %mul3A_3 = arith.muli %arg0, %mul3A_2 : i32
    %add3A_4 = arith.addi %add3A_1, %mul3A_3 : i32
    %lt3A = arith.constant 4 : i32
    %lt3A_5 = arith.cmpi slt, %add3A_4, %lt3A : i32
    %jit3A = arith.constant 79 : i32
    %jit3A_6 = arith.constant 78 : i32
    %select_n3A = arith.select %lt3A_5, %jit3A, %jit3A_6 : i32
    %lt3A_7 = arith.constant 4 : i32
    %lt3A_8 = arith.cmpi slt, %add3A_4, %lt3A_7 : i32
    %mul3A_9 = arith.muli %add3A_4, %select_n3A : i32
    %mul3A_10 = arith.constant 78 : i32
    %mul3A_11 = arith.muli %add3A_4, %mul3A_10 : i32
    %add3A_12 = arith.constant 4 : i32
    %add3A_13 = arith.addi %mul3A_11, %add3A_12 : i32
    %select_n3A_14 = arith.select %lt3A_8, %mul3A_9, %add3A_13 : i32
    %mul3A_15 = arith.constant 1 : i32
    %mul3A_16 = arith.muli %mul3A_15, %select_n3A : i32
    "tpu.region"() ({
      %run_scoped3A = memref.alloca() : memref<2x1x128xi32, #tpu.memory_space<vmem>>
      %run_scoped3A_17 = tpu.sem_alloc : memref<2x!tpu.dma_semaphore, #tpu.memory_space<semaphore_mem>>
      %run_scoped3A_18 = memref.alloca() : memref<2x1x128xi32, #tpu.memory_space<vmem>>
      %run_scoped3A_19 = tpu.sem_alloc : memref<2x!tpu.dma_semaphore, #tpu.memory_space<semaphore_mem>>
      %run_scoped3A_20 = memref.alloca() : memref<2x128x144xf32, #tpu.memory_space<vmem>>
      %run_scoped3A_21 = tpu.sem_alloc : memref<2x!tpu.dma_semaphore, #tpu.memory_space<semaphore_mem>>
      %run_scoped3A_22 = memref.alloca() : memref<2x128x144xf32, #tpu.memory_space<vmem>>
      %run_scoped3A_23 = tpu.sem_alloc : memref<2x!tpu.dma_semaphore, #tpu.memory_space<semaphore_mem>>
      %gt3A = arith.constant 0 : i32
      %gt3A_24 = arith.cmpi sgt, %mul3A_16, %gt3A : i32
      %convert_element_type3A = arith.extui %gt3A_24 : i1 to i32
      %cond3A = arith.constant 0 : i32
      %cond3A_25 = arith.cmpi ne, %convert_element_type3A, %cond3A : i32
      scf.if %cond3A_25 {
        %mul3A_26 = arith.constant 1 : i32
        %mul3A_27 = arith.muli %mul3A_26, %select_n3A : i32
        %sub3A = arith.constant 1 : i32
        %sub3A_28 = arith.subi %mul3A_27, %sub3A : i32
        %eq3A = arith.constant 0 : i32
        %eq3A_29 = arith.cmpi eq, %sub3A_28, %eq3A : i32
        %add3A_30 = arith.constant 0 : i32
        %add3A_31 = arith.addi %add3A_30, %select_n3A_14 : i32
        %select_n3A_32 = arith.constant true
        %select_n3A_33 = arith.constant 0 : i32
        %select_n3A_34 = arith.constant -1 : i32
        %select_n3A_35 = arith.select %select_n3A_32, %select_n3A_34, %select_n3A_33 : i32
        %eq3A_36 = arith.constant -1 : i32
        %eq3A_37 = arith.cmpi eq, %select_n3A_35, %eq3A_36 : i32
        %sub3A_38 = arith.constant 1 : i32
        %sub3A_39 = arith.subi %select_n3A, %sub3A_38 : i32
        %select_n3A_40 = arith.select %eq3A_37, %sub3A_39, %select_n3A_35 : i32
        %add3A_41 = arith.addi %select_n3A_40, %select_n3A_14 : i32
        %select_n3A_42 = arith.constant true
        %select_n3A_43 = arith.constant 0 : i32
        %select_n3A_44 = arith.constant 1 : i32
        %select_n3A_45 = arith.select %select_n3A_42, %select_n3A_44, %select_n3A_43 : i32
        %eq3A_46 = arith.cmpi eq, %select_n3A_45, %select_n3A : i32
        %select_n3A_47 = arith.constant 0 : i32
        %select_n3A_48 = arith.select %eq3A_46, %select_n3A_47, %select_n3A_45 : i32
        %add3A_49 = arith.addi %select_n3A_48, %select_n3A_14 : i32
        %add3A_50 = arith.constant 1 : i32
        %add3A_51 = arith.addi %select_n3A_48, %add3A_50 : i32
        %select_n3A_52 = arith.constant true
        %select_n3A_53 = arith.select %select_n3A_52, %add3A_51, %select_n3A_48 : i32
        %eq3A_54 = arith.cmpi eq, %select_n3A_53, %select_n3A : i32
        %select_n3A_55 = arith.constant 0 : i32
        %select_n3A_56 = arith.select %eq3A_54, %select_n3A_55, %select_n3A_53 : i32
        %add3A_57 = arith.addi %select_n3A_56, %select_n3A_14 : i32
        "tpu.trace_start"() <{level = 10 : i32, message = "ep_initialize_0"}> : () -> ()
        %rem3A = arith.constant 0 : i32
        %rem3A_58 = arith.constant 2 : i32
        %rem3A_59 = arith.remui %rem3A, %rem3A_58 : i32
        %mul3A_60 = arith.constant 128 : i32
        %mul3A_61 = arith.muli %mul3A_60, %add3A_31 : i32
        %dma_start3A = arith.constant 0 : i32
        %dma_start3A_62 = arith.constant 0 : i32
        %dma_start3A_63 = tpu.memref_slice %run_scoped3A[%rem3A_59, %dma_start3A, %dma_start3A_62] : memref<2x1x128xi32, #tpu.memory_space<vmem>> -> memref<1x1x128xi32, #tpu.memory_space<vmem>>
        %dma_start3A_64 = tpu.memref_squeeze %dma_start3A_63 : memref<1x1x128xi32, #tpu.memory_space<vmem>> -> memref<1x128xi32, #tpu.memory_space<vmem>>
        %dma_start3A_65 = arith.constant 0 : i32
        %dma_start3A_66 = tpu.memref_slice %arg3[%dma_start3A_65, %mul3A_61] : memref<1x320000xi32, #tpu.memory_space<hbm>> -> memref<1x128xi32, #tpu.memory_space<hbm>>
        %dma_start3A_67 = tpu.memref_slice %run_scoped3A_17[%rem3A_59] : memref<2x!tpu.dma_semaphore, #tpu.memory_space<semaphore_mem>> -> memref<1x!tpu.dma_semaphore, #tpu.memory_space<semaphore_mem>>
        %dma_start3A_68 = tpu.memref_squeeze %dma_start3A_67 : memref<1x!tpu.dma_semaphore, #tpu.memory_space<semaphore_mem>> -> memref<!tpu.dma_semaphore, #tpu.memory_space<semaphore_mem>>
        %dma_start3A_69 = arith.constant 0 : i32
        %dma_start3A_70 = arith.constant 0 : i32
        %dma_start3A_71 = tpu.memref_slice %run_scoped3A[%rem3A_59, %dma_start3A_69, %dma_start3A_70] : memref<2x1x128xi32, #tpu.memory_space<vmem>> -> memref<1x1x128xi32, #tpu.memory_space<vmem>>
        %dma_start3A_72 = tpu.memref_squeeze %dma_start3A_71 : memref<1x1x128xi32, #tpu.memory_space<vmem>> -> memref<1x128xi32, #tpu.memory_space<vmem>>
        %dma_start3A_73 = arith.constant 0 : i32
        %dma_start3A_74 = tpu.memref_slice %arg3[%dma_start3A_73, %mul3A_61] : memref<1x320000xi32, #tpu.memory_space<hbm>> -> memref<1x128xi32, #tpu.memory_space<hbm>>
        tpu.enqueue_dma source(%dma_start3A_74 : memref<1x128xi32, #tpu.memory_space<hbm>>) target(%dma_start3A_72 : memref<1x128xi32, #tpu.memory_space<vmem>>) target_semaphore(%dma_start3A_68 : memref<!tpu.dma_semaphore, #tpu.memory_space<semaphore_mem>>)
        %add3A_75 = arith.constant 0 : i32
        %add3A_76 = arith.constant 1 : i32
        %add3A_77 = arith.addi %add3A_75, %add3A_76 : i32
        %select_n3A_78 = arith.constant true
        %select_n3A_79 = arith.constant 0 : i32
        %select_n3A_80 = arith.select %select_n3A_78, %add3A_77, %select_n3A_79 : i32
        %rem3A_81 = arith.constant 0 : i32
        %rem3A_82 = arith.constant 2 : i32
        %rem3A_83 = arith.remui %rem3A_81, %rem3A_82 : i32
        %mul3A_84 = arith.constant 128 : i32
        %mul3A_85 = arith.muli %mul3A_84, %add3A_31 : i32
        %dma_start3A_86 = arith.constant 0 : i32
        %dma_start3A_87 = arith.constant 0 : i32
        %dma_start3A_88 = tpu.memref_slice %run_scoped3A_18[%rem3A_83, %dma_start3A_86, %dma_start3A_87] : memref<2x1x128xi32, #tpu.memory_space<vmem>> -> memref<1x1x128xi32, #tpu.memory_space<vmem>>
        %dma_start3A_89 = tpu.memref_squeeze %dma_start3A_88 : memref<1x1x128xi32, #tpu.memory_space<vmem>> -> memref<1x128xi32, #tpu.memory_space<vmem>>
        %dma_start3A_90 = arith.constant 0 : i32
        %dma_start3A_91 = tpu.memref_slice %arg4[%dma_start3A_90, %mul3A_85] : memref<1x320000xi32, #tpu.memory_space<hbm>> -> memref<1x128xi32, #tpu.memory_space<hbm>>
        %dma_start3A_92 = tpu.memref_slice %run_scoped3A_19[%rem3A_83] : memref<2x!tpu.dma_semaphore, #tpu.memory_space<semaphore_mem>> -> memref<1x!tpu.dma_semaphore, #tpu.memory_space<semaphore_mem>>
        %dma_start3A_93 = tpu.memref_squeeze %dma_start3A_92 : memref<1x!tpu.dma_semaphore, #tpu.memory_space<semaphore_mem>> -> memref<!tpu.dma_semaphore, #tpu.memory_space<semaphore_mem>>
        %dma_start3A_94 = arith.constant 0 : i32
        %dma_start3A_95 = arith.constant 0 : i32
        %dma_start3A_96 = tpu.memref_slice %run_scoped3A_18[%rem3A_83, %dma_start3A_94, %dma_start3A_95] : memref<2x1x128xi32, #tpu.memory_space<vmem>> -> memref<1x1x128xi32, #tpu.memory_space<vmem>>
        %dma_start3A_97 = tpu.memref_squeeze %dma_start3A_96 : memref<1x1x128xi32, #tpu.memory_space<vmem>> -> memref<1x128xi32, #tpu.memory_space<vmem>>
        %dma_start3A_98 = arith.constant 0 : i32
        %dma_start3A_99 = tpu.memref_slice %arg4[%dma_start3A_98, %mul3A_85] : memref<1x320000xi32, #tpu.memory_space<hbm>> -> memref<1x128xi32, #tpu.memory_space<hbm>>
        tpu.enqueue_dma source(%dma_start3A_99 : memref<1x128xi32, #tpu.memory_space<hbm>>) target(%dma_start3A_97 : memref<1x128xi32, #tpu.memory_space<vmem>>) target_semaphore(%dma_start3A_93 : memref<!tpu.dma_semaphore, #tpu.memory_space<semaphore_mem>>)
        %add3A_100 = arith.constant 0 : i32
        %add3A_101 = arith.constant 1 : i32
        %add3A_102 = arith.addi %add3A_100, %add3A_101 : i32
        %select_n3A_103 = arith.constant true
        %select_n3A_104 = arith.constant 0 : i32
        %select_n3A_105 = arith.select %select_n3A_103, %add3A_102, %select_n3A_104 : i32
        %while3A = arith.constant 0 : i32
        %while3A_106 = arith.constant 0 : i32
        %while3A_107 = arith.constant 0 : i32
        %while3A_108 = arith.constant 0 : i32
        %while3A_109 = arith.constant 0 : i32
        %while3A_110 = arith.constant 0 : i32
        %while3A_111 = arith.constant 0 : i32
        %while3A_112 = arith.constant 0 : i32
        "tpu.trace_stop"() : () -> ()
        %while3A_113 = arith.subi %mul3A_16, %while3A : i32
        %while3A_114 = arith.addi %while3A, %while3A_113 : i32
        %while3A_115 = arith.constant 1 : i32
        %while3A_116 = arith.divsi %while3A_113, %while3A_115 : i32
        %while3A_117 = arith.muli %while3A_116, %while3A_115 : i32
        %while3A_118 = arith.addi %while3A, %while3A_117 : i32
        %while3A_119 = arith.constant 1 : i32
        %while3A_120:9 = scf.for %while3A_180 = %while3A to %while3A_118 step %while3A_119 iter_args(%while3A_181 = %select_n3A_80, %while3A_182 = %while3A_106, %while3A_183 = %select_n3A_105, %while3A_184 = %while3A_107, %while3A_185 = %while3A_108, %while3A_186 = %while3A_109, %while3A_187 = %while3A_110, %while3A_188 = %while3A_111, %while3A_189 = %while3A_112) -> (i32, i32, i32, i32, i32, i32, i32, i32, i32)  : i32 {
          %mul3A_190 = arith.constant 1 : i32
          %mul3A_191 = arith.muli %mul3A_190, %select_n3A : i32
          %eq3A_192 = arith.constant 0 : i32
          %eq3A_193 = arith.cmpi eq, %while3A_180, %eq3A_192 : i32
          %sub3A_194 = arith.constant 1 : i32
          %sub3A_195 = arith.subi %mul3A_191, %sub3A_194 : i32
          %eq3A_196 = arith.cmpi eq, %while3A_180, %sub3A_195 : i32
          %add3A_197 = arith.addi %while3A_189, %select_n3A_14 : i32
          %sub3A_198 = arith.constant 1 : i32
          %sub3A_199 = arith.subi %while3A_189, %sub3A_198 : i32
          %select_n3A_200 = arith.constant true
          %select_n3A_201 = arith.select %select_n3A_200, %sub3A_199, %while3A_189 : i32
          %eq3A_202 = arith.constant -1 : i32
          %eq3A_203 = arith.cmpi eq, %select_n3A_201, %eq3A_202 : i32
          %sub3A_204 = arith.constant 1 : i32
          %sub3A_205 = arith.subi %select_n3A, %sub3A_204 : i32
          %select_n3A_206 = arith.select %eq3A_203, %sub3A_205, %select_n3A_201 : i32
          %add3A_207 = arith.addi %select_n3A_206, %select_n3A_14 : i32
          %add3A_208 = arith.constant 1 : i32
          %add3A_209 = arith.addi %while3A_189, %add3A_208 : i32
          %select_n3A_210 = arith.constant true
          %select_n3A_211 = arith.select %select_n3A_210, %add3A_209, %while3A_189 : i32
          %eq3A_212 = arith.cmpi eq, %select_n3A_211, %select_n3A : i32
          %select_n3A_213 = arith.constant 0 : i32
          %select_n3A_214 = arith.select %eq3A_212, %select_n3A_213, %select_n3A_211 : i32
          %add3A_215 = arith.addi %select_n3A_214, %select_n3A_14 : i32
          %add3A_216 = arith.constant 1 : i32
          %add3A_217 = arith.addi %select_n3A_214, %add3A_216 : i32
          %select_n3A_218 = arith.constant true
          %select_n3A_219 = arith.select %select_n3A_218, %add3A_217, %select_n3A_214 : i32
          %eq3A_220 = arith.cmpi eq, %select_n3A_219, %select_n3A : i32
          %select_n3A_221 = arith.constant 0 : i32
          %select_n3A_222 = arith.select %eq3A_220, %select_n3A_221, %select_n3A_219 : i32
          %add3A_223 = arith.addi %select_n3A_222, %select_n3A_14 : i32
          %ne3A = arith.cmpi ne, %add3A_197, %add3A_215 : i32
          %or3A = arith.constant false
          %or3A_224 = arith.ori %or3A, %ne3A : i1
          %sub3A_225 = arith.constant 2 : i32
          %sub3A_226 = arith.subi %mul3A_191, %sub3A_225 : i32
          %add3A_227 = arith.constant 1 : i32
          %add3A_228 = arith.addi %sub3A_226, %add3A_227 : i32
          %ge3A = arith.cmpi sge, %while3A_180, %add3A_228 : i32
          %not3A = arith.constant true
          %not3A_229 = arith.xori %ge3A, %not3A : i1
          %and3A = arith.andi %or3A_224, %not3A_229 : i1
          %convert_element_type3A_230 = arith.extui %and3A : i1 to i32
          %cond3A_231 = arith.constant 0 : i32
          %cond3A_232 = arith.cmpi ne, %convert_element_type3A_230, %cond3A_231 : i32
          scf.if %cond3A_232 {
            "tpu.trace_start"() <{level = 10 : i32, message = "ep_copy_in"}> : () -> ()
            %rem3A_446 = arith.constant 2 : i32
            %rem3A_447 = arith.remui %while3A_181, %rem3A_446 : i32
            %mul3A_448 = arith.constant 128 : i32
            %mul3A_449 = arith.muli %mul3A_448, %add3A_215 : i32
            %dma_start3A_450 = arith.constant 0 : i32
            %dma_start3A_451 = arith.constant 0 : i32
            %dma_start3A_452 = tpu.memref_slice %run_scoped3A[%rem3A_447, %dma_start3A_450, %dma_start3A_451] : memref<2x1x128xi32, #tpu.memory_space<vmem>> -> memref<1x1x128xi32, #tpu.memory_space<vmem>>
            %dma_start3A_453 = tpu.memref_squeeze %dma_start3A_452 : memref<1x1x128xi32, #tpu.memory_space<vmem>> -> memref<1x128xi32, #tpu.memory_space<vmem>>
            %dma_start3A_454 = arith.constant 0 : i32
            %dma_start3A_455 = tpu.memref_slice %arg3[%dma_start3A_454, %mul3A_449] : memref<1x320000xi32, #tpu.memory_space<hbm>> -> memref<1x128xi32, #tpu.memory_space<hbm>>
            %dma_start3A_456 = tpu.memref_slice %run_scoped3A_17[%rem3A_447] : memref<2x!tpu.dma_semaphore, #tpu.memory_space<semaphore_mem>> -> memref<1x!tpu.dma_semaphore, #tpu.memory_space<semaphore_mem>>
            %dma_start3A_457 = tpu.memref_squeeze %dma_start3A_456 : memref<1x!tpu.dma_semaphore, #tpu.memory_space<semaphore_mem>> -> memref<!tpu.dma_semaphore, #tpu.memory_space<semaphore_mem>>
            %dma_start3A_458 = arith.constant 0 : i32
            %dma_start3A_459 = arith.constant 0 : i32
            %dma_start3A_460 = tpu.memref_slice %run_scoped3A[%rem3A_447, %dma_start3A_458, %dma_start3A_459] : memref<2x1x128xi32, #tpu.memory_space<vmem>> -> memref<1x1x128xi32, #tpu.memory_space<vmem>>
            %dma_start3A_461 = tpu.memref_squeeze %dma_start3A_460 : memref<1x1x128xi32, #tpu.memory_space<vmem>> -> memref<1x128xi32, #tpu.memory_space<vmem>>
            %dma_start3A_462 = arith.constant 0 : i32
            %dma_start3A_463 = tpu.memref_slice %arg3[%dma_start3A_462, %mul3A_449] : memref<1x320000xi32, #tpu.memory_space<hbm>> -> memref<1x128xi32, #tpu.memory_space<hbm>>
            tpu.enqueue_dma source(%dma_start3A_463 : memref<1x128xi32, #tpu.memory_space<hbm>>) target(%dma_start3A_461 : memref<1x128xi32, #tpu.memory_space<vmem>>) target_semaphore(%dma_start3A_457 : memref<!tpu.dma_semaphore, #tpu.memory_space<semaphore_mem>>)
            "tpu.trace_stop"() : () -> ()
          } else {
          }
          %and3A_233 = arith.constant true
          %and3A_234 = arith.andi %and3A, %and3A_233 : i1
          %add3A_235 = arith.constant 1 : i32
          %add3A_236 = arith.addi %while3A_181, %add3A_235 : i32
          %select_n3A_237 = arith.select %and3A_234, %add3A_236, %while3A_181 : i32
          %ne3A_238 = arith.cmpi ne, %add3A_197, %add3A_215 : i32
          %or3A_239 = arith.constant false
          %or3A_240 = arith.ori %or3A_239, %ne3A_238 : i1
          %sub3A_241 = arith.constant 2 : i32
          %sub3A_242 = arith.subi %mul3A_191, %sub3A_241 : i32
          %add3A_243 = arith.constant 1 : i32
          %add3A_244 = arith.addi %sub3A_242, %add3A_243 : i32
          %ge3A_245 = arith.cmpi sge, %while3A_180, %add3A_244 : i32
          %not3A_246 = arith.constant true
          %not3A_247 = arith.xori %ge3A_245, %not3A_246 : i1
          %and3A_248 = arith.andi %or3A_240, %not3A_247 : i1
          %convert_element_type3A_249 = arith.extui %and3A_248 : i1 to i32
          %cond3A_250 = arith.constant 0 : i32
          %cond3A_251 = arith.cmpi ne, %convert_element_type3A_249, %cond3A_250 : i32
          scf.if %cond3A_251 {
            "tpu.trace_start"() <{level = 10 : i32, message = "ep_copy_in"}> : () -> ()
            %rem3A_446 = arith.constant 2 : i32
            %rem3A_447 = arith.remui %while3A_183, %rem3A_446 : i32
            %mul3A_448 = arith.constant 128 : i32
            %mul3A_449 = arith.muli %mul3A_448, %add3A_215 : i32
            %dma_start3A_450 = arith.constant 0 : i32
            %dma_start3A_451 = arith.constant 0 : i32
            %dma_start3A_452 = tpu.memref_slice %run_scoped3A_18[%rem3A_447, %dma_start3A_450, %dma_start3A_451] : memref<2x1x128xi32, #tpu.memory_space<vmem>> -> memref<1x1x128xi32, #tpu.memory_space<vmem>>
            %dma_start3A_453 = tpu.memref_squeeze %dma_start3A_452 : memref<1x1x128xi32, #tpu.memory_space<vmem>> -> memref<1x128xi32, #tpu.memory_space<vmem>>
            %dma_start3A_454 = arith.constant 0 : i32
            %dma_start3A_455 = tpu.memref_slice %arg4[%dma_start3A_454, %mul3A_449] : memref<1x320000xi32, #tpu.memory_space<hbm>> -> memref<1x128xi32, #tpu.memory_space<hbm>>
            %dma_start3A_456 = tpu.memref_slice %run_scoped3A_19[%rem3A_447] : memref<2x!tpu.dma_semaphore, #tpu.memory_space<semaphore_mem>> -> memref<1x!tpu.dma_semaphore, #tpu.memory_space<semaphore_mem>>
            %dma_start3A_457 = tpu.memref_squeeze %dma_start3A_456 : memref<1x!tpu.dma_semaphore, #tpu.memory_space<semaphore_mem>> -> memref<!tpu.dma_semaphore, #tpu.memory_space<semaphore_mem>>
            %dma_start3A_458 = arith.constant 0 : i32
            %dma_start3A_459 = arith.constant 0 : i32
            %dma_start3A_460 = tpu.memref_slice %run_scoped3A_18[%rem3A_447, %dma_start3A_458, %dma_start3A_459] : memref<2x1x128xi32, #tpu.memory_space<vmem>> -> memref<1x1x128xi32, #tpu.memory_space<vmem>>
            %dma_start3A_461 = tpu.memref_squeeze %dma_start3A_460 : memref<1x1x128xi32, #tpu.memory_space<vmem>> -> memref<1x128xi32, #tpu.memory_space<vmem>>
            %dma_start3A_462 = arith.constant 0 : i32
            %dma_start3A_463 = tpu.memref_slice %arg4[%dma_start3A_462, %mul3A_449] : memref<1x320000xi32, #tpu.memory_space<hbm>> -> memref<1x128xi32, #tpu.memory_space<hbm>>
            tpu.enqueue_dma source(%dma_start3A_463 : memref<1x128xi32, #tpu.memory_space<hbm>>) target(%dma_start3A_461 : memref<1x128xi32, #tpu.memory_space<vmem>>) target_semaphore(%dma_start3A_457 : memref<!tpu.dma_semaphore, #tpu.memory_space<semaphore_mem>>)
            "tpu.trace_stop"() : () -> ()
          } else {
          }
          %and3A_252 = arith.constant true
          %and3A_253 = arith.andi %and3A_248, %and3A_252 : i1
          %add3A_254 = arith.constant 1 : i32
          %add3A_255 = arith.addi %while3A_183, %add3A_254 : i32
          %select_n3A_256 = arith.select %and3A_253, %add3A_255, %while3A_183 : i32
          %ne3A_257 = arith.cmpi ne, %add3A_197, %add3A_215 : i32
          %or3A_258 = arith.constant false
          %or3A_259 = arith.ori %or3A_258, %ne3A_257 : i1
          %or3A_260 = arith.constant false
          %or3A_261 = arith.ori %or3A_259, %or3A_260 : i1
          %sub3A_262 = arith.constant 2 : i32
          %sub3A_263 = arith.subi %mul3A_191, %sub3A_262 : i32
          %add3A_264 = arith.constant 1 : i32
          %add3A_265 = arith.addi %sub3A_263, %add3A_264 : i32
          %ge3A_266 = arith.cmpi sge, %while3A_180, %add3A_265 : i32
          %not3A_267 = arith.constant true
          %not3A_268 = arith.xori %ge3A_266, %not3A_267 : i1
          %and3A_269 = arith.andi %or3A_261, %not3A_268 : i1
          %ne3A_270 = arith.cmpi ne, %add3A_197, %add3A_215 : i32
          %or3A_271 = arith.constant false
          %or3A_272 = arith.ori %or3A_271, %ne3A_270 : i1
          %or3A_273 = arith.constant false
          %or3A_274 = arith.ori %or3A_272, %or3A_273 : i1
          %sub3A_275 = arith.constant 2 : i32
          %sub3A_276 = arith.subi %mul3A_191, %sub3A_275 : i32
          %add3A_277 = arith.constant 1 : i32
          %add3A_278 = arith.addi %sub3A_276, %add3A_277 : i32
          %ge3A_279 = arith.cmpi sge, %while3A_180, %add3A_278 : i32
          %not3A_280 = arith.constant true
          %not3A_281 = arith.xori %ge3A_279, %not3A_280 : i1
          %and3A_282 = arith.andi %or3A_274, %not3A_281 : i1
          %ne3A_283 = arith.cmpi ne, %add3A_197, %add3A_207 : i32
          %or3A_284 = arith.constant false
          %or3A_285 = arith.ori %or3A_284, %ne3A_283 : i1
          %or3A_286 = arith.ori %or3A_285, %eq3A_193 : i1
          %convert_element_type3A_287 = arith.extui %or3A_286 : i1 to i32
          %cond3A_288 = arith.constant 0 : i32
          %cond3A_289 = arith.cmpi ne, %convert_element_type3A_287, %cond3A_288 : i32
          scf.if %cond3A_289 {
            "tpu.trace_start"() <{level = 10 : i32, message = "ep_wait_in"}> : () -> ()
            %mul3A_446 = arith.constant 128 : i32
            %mul3A_447 = arith.muli %mul3A_446, %add3A_197 : i32
            %rem3A_448 = arith.constant 2 : i32
            %rem3A_449 = arith.remui %while3A_182, %rem3A_448 : i32
            %dma_wait3A = arith.constant 0 : i32
            %dma_wait3A_450 = arith.constant 0 : i32
            %dma_wait3A_451 = tpu.memref_slice %run_scoped3A[%rem3A_449, %dma_wait3A, %dma_wait3A_450] : memref<2x1x128xi32, #tpu.memory_space<vmem>> -> memref<1x1x128xi32, #tpu.memory_space<vmem>>
            %dma_wait3A_452 = tpu.memref_squeeze %dma_wait3A_451 : memref<1x1x128xi32, #tpu.memory_space<vmem>> -> memref<1x128xi32, #tpu.memory_space<vmem>>
            %dma_wait3A_453 = arith.constant 0 : i32
            %dma_wait3A_454 = tpu.memref_slice %arg3[%dma_wait3A_453, %mul3A_447] : memref<1x320000xi32, #tpu.memory_space<hbm>> -> memref<1x128xi32, #tpu.memory_space<hbm>>
            %dma_wait3A_455 = tpu.memref_slice %run_scoped3A_17[%rem3A_449] : memref<2x!tpu.dma_semaphore, #tpu.memory_space<semaphore_mem>> -> memref<1x!tpu.dma_semaphore, #tpu.memory_space<semaphore_mem>>
            %dma_wait3A_456 = tpu.memref_squeeze %dma_wait3A_455 : memref<1x!tpu.dma_semaphore, #tpu.memory_space<semaphore_mem>> -> memref<!tpu.dma_semaphore, #tpu.memory_space<semaphore_mem>>
            %dma_wait3A_457 = arith.constant 0 : i32
            %dma_wait3A_458 = arith.constant 0 : i32
            %dma_wait3A_459 = tpu.memref_slice %run_scoped3A[%rem3A_449, %dma_wait3A_457, %dma_wait3A_458] : memref<2x1x128xi32, #tpu.memory_space<vmem>> -> memref<1x1x128xi32, #tpu.memory_space<vmem>>
            %dma_wait3A_460 = tpu.memref_squeeze %dma_wait3A_459 : memref<1x1x128xi32, #tpu.memory_space<vmem>> -> memref<1x128xi32, #tpu.memory_space<vmem>>
            %dma_wait3A_461 = arith.constant 0 : i32
            %dma_wait3A_462 = tpu.memref_slice %arg3[%dma_wait3A_461, %mul3A_447] : memref<1x320000xi32, #tpu.memory_space<hbm>> -> memref<1x128xi32, #tpu.memory_space<hbm>>
            tpu.wait_dma2 semaphore(%dma_wait3A_456 : memref<!tpu.dma_semaphore, #tpu.memory_space<semaphore_mem>>) src(%dma_wait3A_462 : memref<1x128xi32, #tpu.memory_space<hbm>>) dst(%dma_wait3A_460 : memref<1x128xi32, #tpu.memory_space<vmem>>)
            "tpu.trace_stop"() : () -> ()
          } else {
          }
          %ne3A_290 = arith.cmpi ne, %add3A_197, %add3A_207 : i32
          %or3A_291 = arith.constant false
          %or3A_292 = arith.ori %or3A_291, %ne3A_290 : i1
          %or3A_293 = arith.ori %or3A_292, %eq3A_193 : i1
          %convert_element_type3A_294 = arith.extui %or3A_293 : i1 to i32
          %cond3A_295 = arith.constant 0 : i32
          %cond3A_296 = arith.cmpi ne, %convert_element_type3A_294, %cond3A_295 : i32
          scf.if %cond3A_296 {
            "tpu.trace_start"() <{level = 10 : i32, message = "ep_wait_in"}> : () -> ()
            %mul3A_446 = arith.constant 128 : i32
            %mul3A_447 = arith.muli %mul3A_446, %add3A_197 : i32
            %rem3A_448 = arith.constant 2 : i32
            %rem3A_449 = arith.remui %while3A_184, %rem3A_448 : i32
            %dma_wait3A = arith.constant 0 : i32
            %dma_wait3A_450 = arith.constant 0 : i32
            %dma_wait3A_451 = tpu.memref_slice %run_scoped3A_18[%rem3A_449, %dma_wait3A, %dma_wait3A_450] : memref<2x1x128xi32, #tpu.memory_space<vmem>> -> memref<1x1x128xi32, #tpu.memory_space<vmem>>
            %dma_wait3A_452 = tpu.memref_squeeze %dma_wait3A_451 : memref<1x1x128xi32, #tpu.memory_space<vmem>> -> memref<1x128xi32, #tpu.memory_space<vmem>>
            %dma_wait3A_453 = arith.constant 0 : i32
            %dma_wait3A_454 = tpu.memref_slice %arg4[%dma_wait3A_453, %mul3A_447] : memref<1x320000xi32, #tpu.memory_space<hbm>> -> memref<1x128xi32, #tpu.memory_space<hbm>>
            %dma_wait3A_455 = tpu.memref_slice %run_scoped3A_19[%rem3A_449] : memref<2x!tpu.dma_semaphore, #tpu.memory_space<semaphore_mem>> -> memref<1x!tpu.dma_semaphore, #tpu.memory_space<semaphore_mem>>
            %dma_wait3A_456 = tpu.memref_squeeze %dma_wait3A_455 : memref<1x!tpu.dma_semaphore, #tpu.memory_space<semaphore_mem>> -> memref<!tpu.dma_semaphore, #tpu.memory_space<semaphore_mem>>
            %dma_wait3A_457 = arith.constant 0 : i32
            %dma_wait3A_458 = arith.constant 0 : i32
            %dma_wait3A_459 = tpu.memref_slice %run_scoped3A_18[%rem3A_449, %dma_wait3A_457, %dma_wait3A_458] : memref<2x1x128xi32, #tpu.memory_space<vmem>> -> memref<1x1x128xi32, #tpu.memory_space<vmem>>
            %dma_wait3A_460 = tpu.memref_squeeze %dma_wait3A_459 : memref<1x1x128xi32, #tpu.memory_space<vmem>> -> memref<1x128xi32, #tpu.memory_space<vmem>>
            %dma_wait3A_461 = arith.constant 0 : i32
            %dma_wait3A_462 = tpu.memref_slice %arg4[%dma_wait3A_461, %mul3A_447] : memref<1x320000xi32, #tpu.memory_space<hbm>> -> memref<1x128xi32, #tpu.memory_space<hbm>>
            tpu.wait_dma2 semaphore(%dma_wait3A_456 : memref<!tpu.dma_semaphore, #tpu.memory_space<semaphore_mem>>) src(%dma_wait3A_462 : memref<1x128xi32, #tpu.memory_space<hbm>>) dst(%dma_wait3A_460 : memref<1x128xi32, #tpu.memory_space<vmem>>)
            "tpu.trace_stop"() : () -> ()
          } else {
          }
          %ne3A_297 = arith.cmpi ne, %add3A_197, %add3A_207 : i32
          %or3A_298 = arith.constant false
          %or3A_299 = arith.ori %or3A_298, %ne3A_297 : i1
          %or3A_300 = arith.constant false
          %or3A_301 = arith.ori %or3A_299, %or3A_300 : i1
          %or3A_302 = arith.ori %or3A_301, %eq3A_193 : i1
          %convert_element_type3A_303 = arith.extui %or3A_302 : i1 to i32
          %cond3A_304 = arith.constant 0 : i32
          %cond3A_305 = arith.cmpi ne, %convert_element_type3A_303, %cond3A_304 : i32
          scf.if %cond3A_305 {
          } else {
          }
          %ne3A_306 = arith.cmpi ne, %add3A_197, %add3A_207 : i32
          %or3A_307 = arith.constant false
          %or3A_308 = arith.ori %or3A_307, %ne3A_306 : i1
          %or3A_309 = arith.constant false
          %or3A_310 = arith.ori %or3A_308, %or3A_309 : i1
          %or3A_311 = arith.ori %or3A_310, %eq3A_193 : i1
          %convert_element_type3A_312 = arith.extui %or3A_311 : i1 to i32
          %cond3A_313 = arith.constant 0 : i32
          %cond3A_314 = arith.cmpi ne, %convert_element_type3A_312, %cond3A_313 : i32
          scf.if %cond3A_314 {
          } else {
          }
          %rem3A_315 = arith.constant 2 : i32
          %rem3A_316 = arith.remui %while3A_182, %rem3A_315 : i32
          %rem3A_317 = arith.constant 2 : i32
          %rem3A_318 = arith.remui %while3A_184, %rem3A_317 : i32
          %rem3A_319 = arith.constant 2 : i32
          %rem3A_320 = arith.remui %while3A_185, %rem3A_319 : i32
          %rem3A_321 = arith.constant 2 : i32
          %rem3A_322 = arith.remui %while3A_187, %rem3A_321 : i32
          %run_scoped3A_323 = arith.constant 0 : i32
          "tpu.trace_start"() <{level = 10 : i32, message = "ep_run_kernel"}> : () -> ()
          "tpu.region"() ({
            %run_scoped3A_446 = tpu.sem_alloc : memref<!tpu.dma_semaphore, #tpu.memory_space<semaphore_mem>>
            %dma_start3A_447 = arith.constant 0 : i32
            %dma_start3A_448 = arith.constant 0 : i32
            %dma_start3A_449 = tpu.memref_slice %run_scoped3A_20[%rem3A_320, %dma_start3A_447, %dma_start3A_448] : memref<2x128x144xf32, #tpu.memory_space<vmem>> -> memref<1x128x144xf32, #tpu.memory_space<vmem>>
            %dma_start3A_450 = tpu.memref_squeeze %dma_start3A_449 : memref<1x128x144xf32, #tpu.memory_space<vmem>> -> memref<128x144xf32, #tpu.memory_space<vmem>>
            %dma_start3A_451 = arith.constant 0 : i32
            %dma_start3A_452 = arith.constant 0 : i32
            %dma_start3A_453 = tpu.memref_slice %run_scoped3A[%rem3A_316, %dma_start3A_451, %dma_start3A_452] : memref<2x1x128xi32, #tpu.memory_space<vmem>> -> memref<1x1x128xi32, #tpu.memory_space<vmem>>
            %dma_start3A_454 = tpu.memref_squeeze %dma_start3A_453 : memref<1x1x128xi32, #tpu.memory_space<vmem>> -> memref<1x128xi32, #tpu.memory_space<vmem>>
            %dma_start3A_455 = arith.constant 0 : i32
            %dma_start3A_456 = tpu.memref_slice %dma_start3A_454[%run_scoped3A_323, %dma_start3A_455] : memref<1x128xi32, #tpu.memory_space<vmem>> -> memref<1x128xi32, #tpu.memory_space<vmem>>
            %dma_start3A_457 = tpu.memref_squeeze %dma_start3A_456 : memref<1x128xi32, #tpu.memory_space<vmem>> -> memref<128xi32, #tpu.memory_space<vmem>>
            %dma_start3A_458 = arith.constant 0 : i32
            %dma_start3A_459 = arith.constant 0 : i32
            %dma_start3A_460 = tpu.memref_slice %arg2[%dma_start3A_458, %dma_start3A_459] : memref<10000x144xf32, #tpu.memory_space<hbm>> -> memref<10000x144xf32, #tpu.memory_space<hbm>>
            tpu.enqueue_indirect_dma source(%dma_start3A_460 : memref<10000x144xf32, #tpu.memory_space<hbm>>) target(%dma_start3A_450 : memref<128x144xf32, #tpu.memory_space<vmem>>) offsets(%dma_start3A_457 : memref<128xi32, #tpu.memory_space<vmem>>) semaphore(%run_scoped3A_446 : memref<!tpu.dma_semaphore, #tpu.memory_space<semaphore_mem>>)
            %dma_wait3A = arith.constant 0 : i32
            %dma_wait3A_461 = arith.constant 0 : i32
            %dma_wait3A_462 = tpu.memref_slice %run_scoped3A_20[%rem3A_320, %dma_wait3A, %dma_wait3A_461] : memref<2x128x144xf32, #tpu.memory_space<vmem>> -> memref<1x128x144xf32, #tpu.memory_space<vmem>>
            %dma_wait3A_463 = tpu.memref_squeeze %dma_wait3A_462 : memref<1x128x144xf32, #tpu.memory_space<vmem>> -> memref<128x144xf32, #tpu.memory_space<vmem>>
            %dma_wait3A_464 = arith.constant 0 : i32
            %dma_wait3A_465 = arith.constant 0 : i32
            %dma_wait3A_466 = tpu.memref_slice %run_scoped3A[%rem3A_316, %dma_wait3A_464, %dma_wait3A_465] : memref<2x1x128xi32, #tpu.memory_space<vmem>> -> memref<1x1x128xi32, #tpu.memory_space<vmem>>
            %dma_wait3A_467 = tpu.memref_squeeze %dma_wait3A_466 : memref<1x1x128xi32, #tpu.memory_space<vmem>> -> memref<1x128xi32, #tpu.memory_space<vmem>>
            %dma_wait3A_468 = arith.constant 0 : i32
            %dma_wait3A_469 = tpu.memref_slice %dma_wait3A_467[%run_scoped3A_323, %dma_wait3A_468] : memref<1x128xi32, #tpu.memory_space<vmem>> -> memref<1x128xi32, #tpu.memory_space<vmem>>
            %dma_wait3A_470 = tpu.memref_squeeze %dma_wait3A_469 : memref<1x128xi32, #tpu.memory_space<vmem>> -> memref<128xi32, #tpu.memory_space<vmem>>
            %dma_wait3A_471 = arith.constant 0 : i32
            %dma_wait3A_472 = arith.constant 0 : i32
            %dma_wait3A_473 = tpu.memref_slice %arg2[%dma_wait3A_471, %dma_wait3A_472] : memref<10000x144xf32, #tpu.memory_space<hbm>> -> memref<10000x144xf32, #tpu.memory_space<hbm>>
            tpu.wait_indirect_dma semaphore(%run_scoped3A_446 : memref<!tpu.dma_semaphore, #tpu.memory_space<semaphore_mem>>) src(%dma_wait3A_473 : memref<10000x144xf32, #tpu.memory_space<hbm>>) dst(%dma_wait3A_463 : memref<128x144xf32, #tpu.memory_space<vmem>>)
            tpu.yield
          }) : () -> ()
          %run_scoped3A_324 = arith.constant 0 : i32
          "tpu.region"() ({
            %run_scoped3A_446 = tpu.sem_alloc : memref<!tpu.dma_semaphore, #tpu.memory_space<semaphore_mem>>
            %dma_start3A_447 = arith.constant 0 : i32
            %dma_start3A_448 = arith.constant 0 : i32
            %dma_start3A_449 = tpu.memref_slice %run_scoped3A_22[%rem3A_322, %dma_start3A_447, %dma_start3A_448] : memref<2x128x144xf32, #tpu.memory_space<vmem>> -> memref<1x128x144xf32, #tpu.memory_space<vmem>>
            %dma_start3A_450 = tpu.memref_squeeze %dma_start3A_449 : memref<1x128x144xf32, #tpu.memory_space<vmem>> -> memref<128x144xf32, #tpu.memory_space<vmem>>
            %dma_start3A_451 = arith.constant 0 : i32
            %dma_start3A_452 = arith.constant 0 : i32
            %dma_start3A_453 = tpu.memref_slice %run_scoped3A_18[%rem3A_318, %dma_start3A_451, %dma_start3A_452] : memref<2x1x128xi32, #tpu.memory_space<vmem>> -> memref<1x1x128xi32, #tpu.memory_space<vmem>>
            %dma_start3A_454 = tpu.memref_squeeze %dma_start3A_453 : memref<1x1x128xi32, #tpu.memory_space<vmem>> -> memref<1x128xi32, #tpu.memory_space<vmem>>
            %dma_start3A_455 = arith.constant 0 : i32
            %dma_start3A_456 = tpu.memref_slice %dma_start3A_454[%run_scoped3A_324, %dma_start3A_455] : memref<1x128xi32, #tpu.memory_space<vmem>> -> memref<1x128xi32, #tpu.memory_space<vmem>>
            %dma_start3A_457 = tpu.memref_squeeze %dma_start3A_456 : memref<1x128xi32, #tpu.memory_space<vmem>> -> memref<128xi32, #tpu.memory_space<vmem>>
            %dma_start3A_458 = arith.constant 0 : i32
            %dma_start3A_459 = arith.constant 0 : i32
            %dma_start3A_460 = tpu.memref_slice %arg2[%dma_start3A_458, %dma_start3A_459] : memref<10000x144xf32, #tpu.memory_space<hbm>> -> memref<10000x144xf32, #tpu.memory_space<hbm>>
            tpu.enqueue_indirect_dma source(%dma_start3A_460 : memref<10000x144xf32, #tpu.memory_space<hbm>>) target(%dma_start3A_450 : memref<128x144xf32, #tpu.memory_space<vmem>>) offsets(%dma_start3A_457 : memref<128xi32, #tpu.memory_space<vmem>>) semaphore(%run_scoped3A_446 : memref<!tpu.dma_semaphore, #tpu.memory_space<semaphore_mem>>)
            %dma_wait3A = arith.constant 0 : i32
            %dma_wait3A_461 = arith.constant 0 : i32
            %dma_wait3A_462 = tpu.memref_slice %run_scoped3A_22[%rem3A_322, %dma_wait3A, %dma_wait3A_461] : memref<2x128x144xf32, #tpu.memory_space<vmem>> -> memref<1x128x144xf32, #tpu.memory_space<vmem>>
            %dma_wait3A_463 = tpu.memref_squeeze %dma_wait3A_462 : memref<1x128x144xf32, #tpu.memory_space<vmem>> -> memref<128x144xf32, #tpu.memory_space<vmem>>
            %dma_wait3A_464 = arith.constant 0 : i32
            %dma_wait3A_465 = arith.constant 0 : i32
            %dma_wait3A_466 = tpu.memref_slice %run_scoped3A_18[%rem3A_318, %dma_wait3A_464, %dma_wait3A_465] : memref<2x1x128xi32, #tpu.memory_space<vmem>> -> memref<1x1x128xi32, #tpu.memory_space<vmem>>
            %dma_wait3A_467 = tpu.memref_squeeze %dma_wait3A_466 : memref<1x1x128xi32, #tpu.memory_space<vmem>> -> memref<1x128xi32, #tpu.memory_space<vmem>>
            %dma_wait3A_468 = arith.constant 0 : i32
            %dma_wait3A_469 = tpu.memref_slice %dma_wait3A_467[%run_scoped3A_324, %dma_wait3A_468] : memref<1x128xi32, #tpu.memory_space<vmem>> -> memref<1x128xi32, #tpu.memory_space<vmem>>
            %dma_wait3A_470 = tpu.memref_squeeze %dma_wait3A_469 : memref<1x128xi32, #tpu.memory_space<vmem>> -> memref<128xi32, #tpu.memory_space<vmem>>
            %dma_wait3A_471 = arith.constant 0 : i32
            %dma_wait3A_472 = arith.constant 0 : i32
            %dma_wait3A_473 = tpu.memref_slice %arg2[%dma_wait3A_471, %dma_wait3A_472] : memref<10000x144xf32, #tpu.memory_space<hbm>> -> memref<10000x144xf32, #tpu.memory_space<hbm>>
            tpu.wait_indirect_dma semaphore(%run_scoped3A_446 : memref<!tpu.dma_semaphore, #tpu.memory_space<semaphore_mem>>) src(%dma_wait3A_473 : memref<10000x144xf32, #tpu.memory_space<hbm>>) dst(%dma_wait3A_463 : memref<128x144xf32, #tpu.memory_space<vmem>>)
            tpu.yield
          }) : () -> ()
          "tpu.trace_stop"() : () -> ()
          %ne3A_325 = arith.cmpi ne, %add3A_197, %add3A_215 : i32
          %or3A_326 = arith.constant false
          %or3A_327 = arith.ori %or3A_326, %ne3A_325 : i1
          %or3A_328 = arith.ori %or3A_327, %eq3A_196 : i1
          %convert_element_type3A_329 = arith.extui %or3A_328 : i1 to i32
          %cond3A_330 = arith.constant 0 : i32
          %cond3A_331 = arith.cmpi ne, %convert_element_type3A_329, %cond3A_330 : i32
          scf.if %cond3A_331 {
          } else {
          }
          %and3A_332 = arith.constant false
          %and3A_333 = arith.andi %or3A_328, %and3A_332 : i1
          %ne3A_334 = arith.cmpi ne, %add3A_197, %add3A_215 : i32
          %or3A_335 = arith.constant false
          %or3A_336 = arith.ori %or3A_335, %ne3A_334 : i1
          %or3A_337 = arith.ori %or3A_336, %eq3A_196 : i1
          %convert_element_type3A_338 = arith.extui %or3A_337 : i1 to i32
          %cond3A_339 = arith.constant 0 : i32
          %cond3A_340 = arith.cmpi ne, %convert_element_type3A_338, %cond3A_339 : i32
          scf.if %cond3A_340 {
          } else {
          }
          %and3A_341 = arith.constant false
          %and3A_342 = arith.andi %or3A_337, %and3A_341 : i1
          %ne3A_343 = arith.cmpi ne, %add3A_197, %add3A_215 : i32
          %or3A_344 = arith.constant false
          %or3A_345 = arith.ori %or3A_344, %ne3A_343 : i1
          %or3A_346 = arith.constant false
          %or3A_347 = arith.ori %or3A_345, %or3A_346 : i1
          %or3A_348 = arith.ori %or3A_347, %eq3A_196 : i1
          %convert_element_type3A_349 = arith.extui %or3A_348 : i1 to i32
          %cond3A_350 = arith.constant 0 : i32
          %cond3A_351 = arith.cmpi ne, %convert_element_type3A_349, %cond3A_350 : i32
          scf.if %cond3A_351 {
            "tpu.trace_start"() <{level = 10 : i32, message = "ep_copy_out"}> : () -> ()
            %rem3A_446 = arith.constant 2 : i32
            %rem3A_447 = arith.remui %while3A_185, %rem3A_446 : i32
            %mul3A_448 = arith.constant 128 : i32
            %mul3A_449 = arith.muli %mul3A_448, %add3A_197 : i32
            %dma_start3A_450 = arith.constant 0 : i32
            %dma_start3A_451 = arith.constant 0 : i32
            %dma_start3A_452 = tpu.memref_slice %run_scoped3A_20[%rem3A_447, %dma_start3A_450, %dma_start3A_451] : memref<2x128x144xf32, #tpu.memory_space<vmem>> -> memref<1x128x144xf32, #tpu.memory_space<vmem>>
            %dma_start3A_453 = tpu.memref_squeeze %dma_start3A_452 : memref<1x128x144xf32, #tpu.memory_space<vmem>> -> memref<128x144xf32, #tpu.memory_space<vmem>>
            %dma_start3A_454 = arith.constant 0 : i32
            %dma_start3A_455 = tpu.memref_slice %arg5[%mul3A_449, %dma_start3A_454] : memref<320000x144xf32, #tpu.memory_space<hbm>> -> memref<128x144xf32, #tpu.memory_space<hbm>>
            %dma_start3A_456 = tpu.memref_slice %run_scoped3A_21[%rem3A_447] : memref<2x!tpu.dma_semaphore, #tpu.memory_space<semaphore_mem>> -> memref<1x!tpu.dma_semaphore, #tpu.memory_space<semaphore_mem>>
            %dma_start3A_457 = tpu.memref_squeeze %dma_start3A_456 : memref<1x!tpu.dma_semaphore, #tpu.memory_space<semaphore_mem>> -> memref<!tpu.dma_semaphore, #tpu.memory_space<semaphore_mem>>
            %dma_start3A_458 = arith.constant 0 : i32
            %dma_start3A_459 = tpu.memref_slice %arg5[%mul3A_449, %dma_start3A_458] : memref<320000x144xf32, #tpu.memory_space<hbm>> -> memref<128x144xf32, #tpu.memory_space<hbm>>
            %dma_start3A_460 = arith.constant 0 : i32
            %dma_start3A_461 = arith.constant 0 : i32
            %dma_start3A_462 = tpu.memref_slice %run_scoped3A_20[%rem3A_447, %dma_start3A_460, %dma_start3A_461] : memref<2x128x144xf32, #tpu.memory_space<vmem>> -> memref<1x128x144xf32, #tpu.memory_space<vmem>>
            %dma_start3A_463 = tpu.memref_squeeze %dma_start3A_462 : memref<1x128x144xf32, #tpu.memory_space<vmem>> -> memref<128x144xf32, #tpu.memory_space<vmem>>
            tpu.enqueue_dma source(%dma_start3A_463 : memref<128x144xf32, #tpu.memory_space<vmem>>) target(%dma_start3A_459 : memref<128x144xf32, #tpu.memory_space<hbm>>) target_semaphore(%dma_start3A_457 : memref<!tpu.dma_semaphore, #tpu.memory_space<semaphore_mem>>)
            "tpu.trace_stop"() : () -> ()
          } else {
          }
          %and3A_352 = arith.constant true
          %and3A_353 = arith.andi %or3A_348, %and3A_352 : i1
          %add3A_354 = arith.constant 1 : i32
          %add3A_355 = arith.addi %while3A_185, %add3A_354 : i32
          %select_n3A_356 = arith.select %and3A_353, %add3A_355, %while3A_185 : i32
          %ne3A_357 = arith.cmpi ne, %add3A_197, %add3A_215 : i32
          %or3A_358 = arith.constant false
          %or3A_359 = arith.ori %or3A_358, %ne3A_357 : i1
          %or3A_360 = arith.constant false
          %or3A_361 = arith.ori %or3A_359, %or3A_360 : i1
          %or3A_362 = arith.ori %or3A_361, %eq3A_196 : i1
          %convert_element_type3A_363 = arith.extui %or3A_362 : i1 to i32
          %cond3A_364 = arith.constant 0 : i32
          %cond3A_365 = arith.cmpi ne, %convert_element_type3A_363, %cond3A_364 : i32
          scf.if %cond3A_365 {
            "tpu.trace_start"() <{level = 10 : i32, message = "ep_copy_out"}> : () -> ()
            %rem3A_446 = arith.constant 2 : i32
            %rem3A_447 = arith.remui %while3A_187, %rem3A_446 : i32
            %mul3A_448 = arith.constant 128 : i32
            %mul3A_449 = arith.muli %mul3A_448, %add3A_197 : i32
            %dma_start3A_450 = arith.constant 0 : i32
            %dma_start3A_451 = arith.constant 0 : i32
            %dma_start3A_452 = tpu.memref_slice %run_scoped3A_22[%rem3A_447, %dma_start3A_450, %dma_start3A_451] : memref<2x128x144xf32, #tpu.memory_space<vmem>> -> memref<1x128x144xf32, #tpu.memory_space<vmem>>
            %dma_start3A_453 = tpu.memref_squeeze %dma_start3A_452 : memref<1x128x144xf32, #tpu.memory_space<vmem>> -> memref<128x144xf32, #tpu.memory_space<vmem>>
            %dma_start3A_454 = arith.constant 0 : i32
            %dma_start3A_455 = tpu.memref_slice %arg6[%mul3A_449, %dma_start3A_454] : memref<320000x144xf32, #tpu.memory_space<hbm>> -> memref<128x144xf32, #tpu.memory_space<hbm>>
            %dma_start3A_456 = tpu.memref_slice %run_scoped3A_23[%rem3A_447] : memref<2x!tpu.dma_semaphore, #tpu.memory_space<semaphore_mem>> -> memref<1x!tpu.dma_semaphore, #tpu.memory_space<semaphore_mem>>
            %dma_start3A_457 = tpu.memref_squeeze %dma_start3A_456 : memref<1x!tpu.dma_semaphore, #tpu.memory_space<semaphore_mem>> -> memref<!tpu.dma_semaphore, #tpu.memory_space<semaphore_mem>>
            %dma_start3A_458 = arith.constant 0 : i32
            %dma_start3A_459 = tpu.memref_slice %arg6[%mul3A_449, %dma_start3A_458] : memref<320000x144xf32, #tpu.memory_space<hbm>> -> memref<128x144xf32, #tpu.memory_space<hbm>>
            %dma_start3A_460 = arith.constant 0 : i32
            %dma_start3A_461 = arith.constant 0 : i32
            %dma_start3A_462 = tpu.memref_slice %run_scoped3A_22[%rem3A_447, %dma_start3A_460, %dma_start3A_461] : memref<2x128x144xf32, #tpu.memory_space<vmem>> -> memref<1x128x144xf32, #tpu.memory_space<vmem>>
            %dma_start3A_463 = tpu.memref_squeeze %dma_start3A_462 : memref<1x128x144xf32, #tpu.memory_space<vmem>> -> memref<128x144xf32, #tpu.memory_space<vmem>>
            tpu.enqueue_dma source(%dma_start3A_463 : memref<128x144xf32, #tpu.memory_space<vmem>>) target(%dma_start3A_459 : memref<128x144xf32, #tpu.memory_space<hbm>>) target_semaphore(%dma_start3A_457 : memref<!tpu.dma_semaphore, #tpu.memory_space<semaphore_mem>>)
            "tpu.trace_stop"() : () -> ()
          } else {
          }
          %and3A_366 = arith.constant true
          %and3A_367 = arith.andi %or3A_362, %and3A_366 : i1
          %add3A_368 = arith.constant 1 : i32
          %add3A_369 = arith.addi %while3A_187, %add3A_368 : i32
          %select_n3A_370 = arith.select %and3A_367, %add3A_369, %while3A_187 : i32
          %ne3A_371 = arith.cmpi ne, %add3A_197, %add3A_207 : i32
          %or3A_372 = arith.constant false
          %or3A_373 = arith.ori %or3A_372, %ne3A_371 : i1
          %not3A_374 = arith.constant true
          %not3A_375 = arith.xori %eq3A_193, %not3A_374 : i1
          %and3A_376 = arith.andi %or3A_373, %not3A_375 : i1
          %convert_element_type3A_377 = arith.extui %and3A_376 : i1 to i32
          %cond3A_378 = arith.constant 0 : i32
          %cond3A_379 = arith.cmpi ne, %convert_element_type3A_377, %cond3A_378 : i32
          scf.if %cond3A_379 {
          } else {
          }
          %and3A_380 = arith.constant false
          %and3A_381 = arith.andi %and3A_376, %and3A_380 : i1
          %ne3A_382 = arith.cmpi ne, %add3A_197, %add3A_207 : i32
          %or3A_383 = arith.constant false
          %or3A_384 = arith.ori %or3A_383, %ne3A_382 : i1
          %not3A_385 = arith.constant true
          %not3A_386 = arith.xori %eq3A_193, %not3A_385 : i1
          %and3A_387 = arith.andi %or3A_384, %not3A_386 : i1
          %convert_element_type3A_388 = arith.extui %and3A_387 : i1 to i32
          %cond3A_389 = arith.constant 0 : i32
          %cond3A_390 = arith.cmpi ne, %convert_element_type3A_388, %cond3A_389 : i32
          scf.if %cond3A_390 {
          } else {
          }
          %and3A_391 = arith.constant false
          %and3A_392 = arith.andi %and3A_387, %and3A_391 : i1
          %ne3A_393 = arith.cmpi ne, %add3A_197, %add3A_207 : i32
          %or3A_394 = arith.constant false
          %or3A_395 = arith.ori %or3A_394, %ne3A_393 : i1
          %or3A_396 = arith.constant false
          %or3A_397 = arith.ori %or3A_395, %or3A_396 : i1
          %not3A_398 = arith.constant true
          %not3A_399 = arith.xori %eq3A_193, %not3A_398 : i1
          %and3A_400 = arith.andi %or3A_397, %not3A_399 : i1
          %convert_element_type3A_401 = arith.extui %and3A_400 : i1 to i32
          %cond3A_402 = arith.constant 0 : i32
          %cond3A_403 = arith.cmpi ne, %convert_element_type3A_401, %cond3A_402 : i32
          scf.if %cond3A_403 {
            "tpu.trace_start"() <{level = 10 : i32, message = "ep_wait_out"}> : () -> ()
            %rem3A_446 = arith.constant 2 : i32
            %rem3A_447 = arith.remui %while3A_186, %rem3A_446 : i32
            %mul3A_448 = arith.constant 128 : i32
            %mul3A_449 = arith.muli %mul3A_448, %add3A_207 : i32
            %dma_wait3A = arith.constant 0 : i32
            %dma_wait3A_450 = arith.constant 0 : i32
            %dma_wait3A_451 = tpu.memref_slice %run_scoped3A_20[%rem3A_447, %dma_wait3A, %dma_wait3A_450] : memref<2x128x144xf32, #tpu.memory_space<vmem>> -> memref<1x128x144xf32, #tpu.memory_space<vmem>>
            %dma_wait3A_452 = tpu.memref_squeeze %dma_wait3A_451 : memref<1x128x144xf32, #tpu.memory_space<vmem>> -> memref<128x144xf32, #tpu.memory_space<vmem>>
            %dma_wait3A_453 = arith.constant 0 : i32
            %dma_wait3A_454 = tpu.memref_slice %arg5[%mul3A_449, %dma_wait3A_453] : memref<320000x144xf32, #tpu.memory_space<hbm>> -> memref<128x144xf32, #tpu.memory_space<hbm>>
            %dma_wait3A_455 = tpu.memref_slice %run_scoped3A_21[%rem3A_447] : memref<2x!tpu.dma_semaphore, #tpu.memory_space<semaphore_mem>> -> memref<1x!tpu.dma_semaphore, #tpu.memory_space<semaphore_mem>>
            %dma_wait3A_456 = tpu.memref_squeeze %dma_wait3A_455 : memref<1x!tpu.dma_semaphore, #tpu.memory_space<semaphore_mem>> -> memref<!tpu.dma_semaphore, #tpu.memory_space<semaphore_mem>>
            %dma_wait3A_457 = arith.constant 0 : i32
            %dma_wait3A_458 = tpu.memref_slice %arg5[%mul3A_449, %dma_wait3A_457] : memref<320000x144xf32, #tpu.memory_space<hbm>> -> memref<128x144xf32, #tpu.memory_space<hbm>>
            %dma_wait3A_459 = arith.constant 0 : i32
            %dma_wait3A_460 = arith.constant 0 : i32
            %dma_wait3A_461 = tpu.memref_slice %run_scoped3A_20[%rem3A_447, %dma_wait3A_459, %dma_wait3A_460] : memref<2x128x144xf32, #tpu.memory_space<vmem>> -> memref<1x128x144xf32, #tpu.memory_space<vmem>>
            %dma_wait3A_462 = tpu.memref_squeeze %dma_wait3A_461 : memref<1x128x144xf32, #tpu.memory_space<vmem>> -> memref<128x144xf32, #tpu.memory_space<vmem>>
            tpu.wait_dma2 semaphore(%dma_wait3A_456 : memref<!tpu.dma_semaphore, #tpu.memory_space<semaphore_mem>>) src(%dma_wait3A_462 : memref<128x144xf32, #tpu.memory_space<vmem>>) dst(%dma_wait3A_458 : memref<128x144xf32, #tpu.memory_space<hbm>>)
            "tpu.trace_stop"() : () -> ()
          } else {
          }
          %and3A_404 = arith.constant true
          %and3A_405 = arith.andi %and3A_400, %and3A_404 : i1
          %add3A_406 = arith.constant 1 : i32
          %add3A_407 = arith.addi %while3A_186, %add3A_406 : i32
          %select_n3A_408 = arith.select %and3A_405, %add3A_407, %while3A_186 : i32
          %ne3A_409 = arith.cmpi ne, %add3A_197, %add3A_207 : i32
          %or3A_410 = arith.constant false
          %or3A_411 = arith.ori %or3A_410, %ne3A_409 : i1
          %or3A_412 = arith.constant false
          %or3A_413 = arith.ori %or3A_411, %or3A_412 : i1
          %not3A_414 = arith.constant true
          %not3A_415 = arith.xori %eq3A_193, %not3A_414 : i1
          %and3A_416 = arith.andi %or3A_413, %not3A_415 : i1
          %convert_element_type3A_417 = arith.extui %and3A_416 : i1 to i32
          %cond3A_418 = arith.constant 0 : i32
          %cond3A_419 = arith.cmpi ne, %convert_element_type3A_417, %cond3A_418 : i32
          scf.if %cond3A_419 {
            "tpu.trace_start"() <{level = 10 : i32, message = "ep_wait_out"}> : () -> ()
            %rem3A_446 = arith.constant 2 : i32
            %rem3A_447 = arith.remui %while3A_188, %rem3A_446 : i32
            %mul3A_448 = arith.constant 128 : i32
            %mul3A_449 = arith.muli %mul3A_448, %add3A_207 : i32
            %dma_wait3A = arith.constant 0 : i32
            %dma_wait3A_450 = arith.constant 0 : i32
            %dma_wait3A_451 = tpu.memref_slice %run_scoped3A_22[%rem3A_447, %dma_wait3A, %dma_wait3A_450] : memref<2x128x144xf32, #tpu.memory_space<vmem>> -> memref<1x128x144xf32, #tpu.memory_space<vmem>>
            %dma_wait3A_452 = tpu.memref_squeeze %dma_wait3A_451 : memref<1x128x144xf32, #tpu.memory_space<vmem>> -> memref<128x144xf32, #tpu.memory_space<vmem>>
            %dma_wait3A_453 = arith.constant 0 : i32
            %dma_wait3A_454 = tpu.memref_slice %arg6[%mul3A_449, %dma_wait3A_453] : memref<320000x144xf32, #tpu.memory_space<hbm>> -> memref<128x144xf32, #tpu.memory_space<hbm>>
            %dma_wait3A_455 = tpu.memref_slice %run_scoped3A_23[%rem3A_447] : memref<2x!tpu.dma_semaphore, #tpu.memory_space<semaphore_mem>> -> memref<1x!tpu.dma_semaphore, #tpu.memory_space<semaphore_mem>>
            %dma_wait3A_456 = tpu.memref_squeeze %dma_wait3A_455 : memref<1x!tpu.dma_semaphore, #tpu.memory_space<semaphore_mem>> -> memref<!tpu.dma_semaphore, #tpu.memory_space<semaphore_mem>>
            %dma_wait3A_457 = arith.constant 0 : i32
            %dma_wait3A_458 = tpu.memref_slice %arg6[%mul3A_449, %dma_wait3A_457] : memref<320000x144xf32, #tpu.memory_space<hbm>> -> memref<128x144xf32, #tpu.memory_space<hbm>>
            %dma_wait3A_459 = arith.constant 0 : i32
            %dma_wait3A_460 = arith.constant 0 : i32
            %dma_wait3A_461 = tpu.memref_slice %run_scoped3A_22[%rem3A_447, %dma_wait3A_459, %dma_wait3A_460] : memref<2x128x144xf32, #tpu.memory_space<vmem>> -> memref<1x128x144xf32, #tpu.memory_space<vmem>>
            %dma_wait3A_462 = tpu.memref_squeeze %dma_wait3A_461 : memref<1x128x144xf32, #tpu.memory_space<vmem>> -> memref<128x144xf32, #tpu.memory_space<vmem>>
            tpu.wait_dma2 semaphore(%dma_wait3A_456 : memref<!tpu.dma_semaphore, #tpu.memory_space<semaphore_mem>>) src(%dma_wait3A_462 : memref<128x144xf32, #tpu.memory_space<vmem>>) dst(%dma_wait3A_458 : memref<128x144xf32, #tpu.memory_space<hbm>>)
            "tpu.trace_stop"() : () -> ()
          } else {
          }
          %and3A_420 = arith.constant true
          %and3A_421 = arith.andi %and3A_416, %and3A_420 : i1
          %add3A_422 = arith.constant 1 : i32
          %add3A_423 = arith.addi %while3A_188, %add3A_422 : i32
          %select_n3A_424 = arith.select %and3A_421, %add3A_423, %while3A_188 : i32
          %ne3A_425 = arith.cmpi ne, %add3A_197, %add3A_215 : i32
          %or3A_426 = arith.constant false
          %or3A_427 = arith.ori %or3A_426, %ne3A_425 : i1
          %or3A_428 = arith.ori %or3A_427, %eq3A_196 : i1
          %add3A_429 = arith.constant 1 : i32
          %add3A_430 = arith.addi %while3A_182, %add3A_429 : i32
          %select_n3A_431 = arith.select %or3A_428, %add3A_430, %while3A_182 : i32
          %ne3A_432 = arith.cmpi ne, %add3A_197, %add3A_215 : i32
          %or3A_433 = arith.constant false
          %or3A_434 = arith.ori %or3A_433, %ne3A_432 : i1
          %or3A_435 = arith.ori %or3A_434, %eq3A_196 : i1
          %add3A_436 = arith.constant 1 : i32
          %add3A_437 = arith.addi %while3A_184, %add3A_436 : i32
          %select_n3A_438 = arith.select %or3A_435, %add3A_437, %while3A_184 : i32
          %add3A_439 = arith.constant 1 : i32
          %add3A_440 = arith.addi %while3A_189, %add3A_439 : i32
          %select_n3A_441 = arith.constant true
          %select_n3A_442 = arith.select %select_n3A_441, %add3A_440, %while3A_189 : i32
          %eq3A_443 = arith.cmpi eq, %select_n3A_442, %select_n3A : i32
          %select_n3A_444 = arith.constant 0 : i32
          %select_n3A_445 = arith.select %eq3A_443, %select_n3A_444, %select_n3A_442 : i32
          scf.yield %select_n3A_237, %select_n3A_431, %select_n3A_256, %select_n3A_438, %select_n3A_356, %select_n3A_408, %select_n3A_370, %select_n3A_424, %select_n3A_445 : i32, i32, i32, i32, i32, i32, i32, i32, i32
        }
        %while3A_121 = arith.constant 1 : i32
        %while3A_122:9 = scf.for %while3A_180 = %while3A_118 to %while3A_114 step %while3A_121 iter_args(%while3A_181 = %while3A_120#0, %while3A_182 = %while3A_120#1, %while3A_183 = %while3A_120#2, %while3A_184 = %while3A_120#3, %while3A_185 = %while3A_120#4, %while3A_186 = %while3A_120#5, %while3A_187 = %while3A_120#6, %while3A_188 = %while3A_120#7, %while3A_189 = %while3A_120#8) -> (i32, i32, i32, i32, i32, i32, i32, i32, i32)  : i32 {
          %mul3A_190 = arith.constant 1 : i32
          %mul3A_191 = arith.muli %mul3A_190, %select_n3A : i32
          %eq3A_192 = arith.constant 0 : i32
          %eq3A_193 = arith.cmpi eq, %while3A_180, %eq3A_192 : i32
          %sub3A_194 = arith.constant 1 : i32
          %sub3A_195 = arith.subi %mul3A_191, %sub3A_194 : i32
          %eq3A_196 = arith.cmpi eq, %while3A_180, %sub3A_195 : i32
          %add3A_197 = arith.addi %while3A_189, %select_n3A_14 : i32
          %sub3A_198 = arith.constant 1 : i32
          %sub3A_199 = arith.subi %while3A_189, %sub3A_198 : i32
          %select_n3A_200 = arith.constant true
          %select_n3A_201 = arith.select %select_n3A_200, %sub3A_199, %while3A_189 : i32
          %eq3A_202 = arith.constant -1 : i32
          %eq3A_203 = arith.cmpi eq, %select_n3A_201, %eq3A_202 : i32
          %sub3A_204 = arith.constant 1 : i32
          %sub3A_205 = arith.subi %select_n3A, %sub3A_204 : i32
          %select_n3A_206 = arith.select %eq3A_203, %sub3A_205, %select_n3A_201 : i32
          %add3A_207 = arith.addi %select_n3A_206, %select_n3A_14 : i32
          %add3A_208 = arith.constant 1 : i32
          %add3A_209 = arith.addi %while3A_189, %add3A_208 : i32
          %select_n3A_210 = arith.constant true
          %select_n3A_211 = arith.select %select_n3A_210, %add3A_209, %while3A_189 : i32
          %eq3A_212 = arith.cmpi eq, %select_n3A_211, %select_n3A : i32
          %select_n3A_213 = arith.constant 0 : i32
          %select_n3A_214 = arith.select %eq3A_212, %select_n3A_213, %select_n3A_211 : i32
          %add3A_215 = arith.addi %select_n3A_214, %select_n3A_14 : i32
          %add3A_216 = arith.constant 1 : i32
          %add3A_217 = arith.addi %select_n3A_214, %add3A_216 : i32
          %select_n3A_218 = arith.constant true
          %select_n3A_219 = arith.select %select_n3A_218, %add3A_217, %select_n3A_214 : i32
          %eq3A_220 = arith.cmpi eq, %select_n3A_219, %select_n3A : i32
          %select_n3A_221 = arith.constant 0 : i32
          %select_n3A_222 = arith.select %eq3A_220, %select_n3A_221, %select_n3A_219 : i32
          %add3A_223 = arith.addi %select_n3A_222, %select_n3A_14 : i32
          %ne3A = arith.cmpi ne, %add3A_197, %add3A_215 : i32
          %or3A = arith.constant false
          %or3A_224 = arith.ori %or3A, %ne3A : i1
          %sub3A_225 = arith.constant 2 : i32
          %sub3A_226 = arith.subi %mul3A_191, %sub3A_225 : i32
          %add3A_227 = arith.constant 1 : i32
          %add3A_228 = arith.addi %sub3A_226, %add3A_227 : i32
          %ge3A = arith.cmpi sge, %while3A_180, %add3A_228 : i32
          %not3A = arith.constant true
          %not3A_229 = arith.xori %ge3A, %not3A : i1
          %and3A = arith.andi %or3A_224, %not3A_229 : i1
          %convert_element_type3A_230 = arith.extui %and3A : i1 to i32
          %cond3A_231 = arith.constant 0 : i32
          %cond3A_232 = arith.cmpi ne, %convert_element_type3A_230, %cond3A_231 : i32
          scf.if %cond3A_232 {
            "tpu.trace_start"() <{level = 10 : i32, message = "ep_copy_in"}> : () -> ()
            %rem3A_446 = arith.constant 2 : i32
            %rem3A_447 = arith.remui %while3A_181, %rem3A_446 : i32
            %mul3A_448 = arith.constant 128 : i32
            %mul3A_449 = arith.muli %mul3A_448, %add3A_215 : i32
            %dma_start3A_450 = arith.constant 0 : i32
            %dma_start3A_451 = arith.constant 0 : i32
            %dma_start3A_452 = tpu.memref_slice %run_scoped3A[%rem3A_447, %dma_start3A_450, %dma_start3A_451] : memref<2x1x128xi32, #tpu.memory_space<vmem>> -> memref<1x1x128xi32, #tpu.memory_space<vmem>>
            %dma_start3A_453 = tpu.memref_squeeze %dma_start3A_452 : memref<1x1x128xi32, #tpu.memory_space<vmem>> -> memref<1x128xi32, #tpu.memory_space<vmem>>
            %dma_start3A_454 = arith.constant 0 : i32
            %dma_start3A_455 = tpu.memref_slice %arg3[%dma_start3A_454, %mul3A_449] : memref<1x320000xi32, #tpu.memory_space<hbm>> -> memref<1x128xi32, #tpu.memory_space<hbm>>
            %dma_start3A_456 = tpu.memref_slice %run_scoped3A_17[%rem3A_447] : memref<2x!tpu.dma_semaphore, #tpu.memory_space<semaphore_mem>> -> memref<1x!tpu.dma_semaphore, #tpu.memory_space<semaphore_mem>>
            %dma_start3A_457 = tpu.memref_squeeze %dma_start3A_456 : memref<1x!tpu.dma_semaphore, #tpu.memory_space<semaphore_mem>> -> memref<!tpu.dma_semaphore, #tpu.memory_space<semaphore_mem>>
            %dma_start3A_458 = arith.constant 0 : i32
            %dma_start3A_459 = arith.constant 0 : i32
            %dma_start3A_460 = tpu.memref_slice %run_scoped3A[%rem3A_447, %dma_start3A_458, %dma_start3A_459] : memref<2x1x128xi32, #tpu.memory_space<vmem>> -> memref<1x1x128xi32, #tpu.memory_space<vmem>>
            %dma_start3A_461 = tpu.memref_squeeze %dma_start3A_460 : memref<1x1x128xi32, #tpu.memory_space<vmem>> -> memref<1x128xi32, #tpu.memory_space<vmem>>
            %dma_start3A_462 = arith.constant 0 : i32
            %dma_start3A_463 = tpu.memref_slice %arg3[%dma_start3A_462, %mul3A_449] : memref<1x320000xi32, #tpu.memory_space<hbm>> -> memref<1x128xi32, #tpu.memory_space<hbm>>
            tpu.enqueue_dma source(%dma_start3A_463 : memref<1x128xi32, #tpu.memory_space<hbm>>) target(%dma_start3A_461 : memref<1x128xi32, #tpu.memory_space<vmem>>) target_semaphore(%dma_start3A_457 : memref<!tpu.dma_semaphore, #tpu.memory_space<semaphore_mem>>)
            "tpu.trace_stop"() : () -> ()
          } else {
          }
          %and3A_233 = arith.constant true
          %and3A_234 = arith.andi %and3A, %and3A_233 : i1
          %add3A_235 = arith.constant 1 : i32
          %add3A_236 = arith.addi %while3A_181, %add3A_235 : i32
          %select_n3A_237 = arith.select %and3A_234, %add3A_236, %while3A_181 : i32
          %ne3A_238 = arith.cmpi ne, %add3A_197, %add3A_215 : i32
          %or3A_239 = arith.constant false
          %or3A_240 = arith.ori %or3A_239, %ne3A_238 : i1
          %sub3A_241 = arith.constant 2 : i32
          %sub3A_242 = arith.subi %mul3A_191, %sub3A_241 : i32
          %add3A_243 = arith.constant 1 : i32
          %add3A_244 = arith.addi %sub3A_242, %add3A_243 : i32
          %ge3A_245 = arith.cmpi sge, %while3A_180, %add3A_244 : i32
          %not3A_246 = arith.constant true
          %not3A_247 = arith.xori %ge3A_245, %not3A_246 : i1
          %and3A_248 = arith.andi %or3A_240, %not3A_247 : i1
          %convert_element_type3A_249 = arith.extui %and3A_248 : i1 to i32
          %cond3A_250 = arith.constant 0 : i32
          %cond3A_251 = arith.cmpi ne, %convert_element_type3A_249, %cond3A_250 : i32
          scf.if %cond3A_251 {
            "tpu.trace_start"() <{level = 10 : i32, message = "ep_copy_in"}> : () -> ()
            %rem3A_446 = arith.constant 2 : i32
            %rem3A_447 = arith.remui %while3A_183, %rem3A_446 : i32
            %mul3A_448 = arith.constant 128 : i32
            %mul3A_449 = arith.muli %mul3A_448, %add3A_215 : i32
            %dma_start3A_450 = arith.constant 0 : i32
            %dma_start3A_451 = arith.constant 0 : i32
            %dma_start3A_452 = tpu.memref_slice %run_scoped3A_18[%rem3A_447, %dma_start3A_450, %dma_start3A_451] : memref<2x1x128xi32, #tpu.memory_space<vmem>> -> memref<1x1x128xi32, #tpu.memory_space<vmem>>
            %dma_start3A_453 = tpu.memref_squeeze %dma_start3A_452 : memref<1x1x128xi32, #tpu.memory_space<vmem>> -> memref<1x128xi32, #tpu.memory_space<vmem>>
            %dma_start3A_454 = arith.constant 0 : i32
            %dma_start3A_455 = tpu.memref_slice %arg4[%dma_start3A_454, %mul3A_449] : memref<1x320000xi32, #tpu.memory_space<hbm>> -> memref<1x128xi32, #tpu.memory_space<hbm>>
            %dma_start3A_456 = tpu.memref_slice %run_scoped3A_19[%rem3A_447] : memref<2x!tpu.dma_semaphore, #tpu.memory_space<semaphore_mem>> -> memref<1x!tpu.dma_semaphore, #tpu.memory_space<semaphore_mem>>
            %dma_start3A_457 = tpu.memref_squeeze %dma_start3A_456 : memref<1x!tpu.dma_semaphore, #tpu.memory_space<semaphore_mem>> -> memref<!tpu.dma_semaphore, #tpu.memory_space<semaphore_mem>>
            %dma_start3A_458 = arith.constant 0 : i32
            %dma_start3A_459 = arith.constant 0 : i32
            %dma_start3A_460 = tpu.memref_slice %run_scoped3A_18[%rem3A_447, %dma_start3A_458, %dma_start3A_459] : memref<2x1x128xi32, #tpu.memory_space<vmem>> -> memref<1x1x128xi32, #tpu.memory_space<vmem>>
            %dma_start3A_461 = tpu.memref_squeeze %dma_start3A_460 : memref<1x1x128xi32, #tpu.memory_space<vmem>> -> memref<1x128xi32, #tpu.memory_space<vmem>>
            %dma_start3A_462 = arith.constant 0 : i32
            %dma_start3A_463 = tpu.memref_slice %arg4[%dma_start3A_462, %mul3A_449] : memref<1x320000xi32, #tpu.memory_space<hbm>> -> memref<1x128xi32, #tpu.memory_space<hbm>>
            tpu.enqueue_dma source(%dma_start3A_463 : memref<1x128xi32, #tpu.memory_space<hbm>>) target(%dma_start3A_461 : memref<1x128xi32, #tpu.memory_space<vmem>>) target_semaphore(%dma_start3A_457 : memref<!tpu.dma_semaphore, #tpu.memory_space<semaphore_mem>>)
            "tpu.trace_stop"() : () -> ()
          } else {
          }
          %and3A_252 = arith.constant true
          %and3A_253 = arith.andi %and3A_248, %and3A_252 : i1
          %add3A_254 = arith.constant 1 : i32
          %add3A_255 = arith.addi %while3A_183, %add3A_254 : i32
          %select_n3A_256 = arith.select %and3A_253, %add3A_255, %while3A_183 : i32
          %ne3A_257 = arith.cmpi ne, %add3A_197, %add3A_215 : i32
          %or3A_258 = arith.constant false
          %or3A_259 = arith.ori %or3A_258, %ne3A_257 : i1
          %or3A_260 = arith.constant false
          %or3A_261 = arith.ori %or3A_259, %or3A_260 : i1
          %sub3A_262 = arith.constant 2 : i32
          %sub3A_263 = arith.subi %mul3A_191, %sub3A_262 : i32
          %add3A_264 = arith.constant 1 : i32
          %add3A_265 = arith.addi %sub3A_263, %add3A_264 : i32
          %ge3A_266 = arith.cmpi sge, %while3A_180, %add3A_265 : i32
          %not3A_267 = arith.constant true
          %not3A_268 = arith.xori %ge3A_266, %not3A_267 : i1
          %and3A_269 = arith.andi %or3A_261, %not3A_268 : i1
          %ne3A_270 = arith.cmpi ne, %add3A_197, %add3A_215 : i32
          %or3A_271 = arith.constant false
          %or3A_272 = arith.ori %or3A_271, %ne3A_270 : i1
          %or3A_273 = arith.constant false
          %or3A_274 = arith.ori %or3A_272, %or3A_273 : i1
          %sub3A_275 = arith.constant 2 : i32
          %sub3A_276 = arith.subi %mul3A_191, %sub3A_275 : i32
          %add3A_277 = arith.constant 1 : i32
          %add3A_278 = arith.addi %sub3A_276, %add3A_277 : i32
          %ge3A_279 = arith.cmpi sge, %while3A_180, %add3A_278 : i32
          %not3A_280 = arith.constant true
          %not3A_281 = arith.xori %ge3A_279, %not3A_280 : i1
          %and3A_282 = arith.andi %or3A_274, %not3A_281 : i1
          %ne3A_283 = arith.cmpi ne, %add3A_197, %add3A_207 : i32
          %or3A_284 = arith.constant false
          %or3A_285 = arith.ori %or3A_284, %ne3A_283 : i1
          %or3A_286 = arith.ori %or3A_285, %eq3A_193 : i1
          %convert_element_type3A_287 = arith.extui %or3A_286 : i1 to i32
          %cond3A_288 = arith.constant 0 : i32
          %cond3A_289 = arith.cmpi ne, %convert_element_type3A_287, %cond3A_288 : i32
          scf.if %cond3A_289 {
            "tpu.trace_start"() <{level = 10 : i32, message = "ep_wait_in"}> : () -> ()
            %mul3A_446 = arith.constant 128 : i32
            %mul3A_447 = arith.muli %mul3A_446, %add3A_197 : i32
            %rem3A_448 = arith.constant 2 : i32
            %rem3A_449 = arith.remui %while3A_182, %rem3A_448 : i32
            %dma_wait3A = arith.constant 0 : i32
            %dma_wait3A_450 = arith.constant 0 : i32
            %dma_wait3A_451 = tpu.memref_slice %run_scoped3A[%rem3A_449, %dma_wait3A, %dma_wait3A_450] : memref<2x1x128xi32, #tpu.memory_space<vmem>> -> memref<1x1x128xi32, #tpu.memory_space<vmem>>
            %dma_wait3A_452 = tpu.memref_squeeze %dma_wait3A_451 : memref<1x1x128xi32, #tpu.memory_space<vmem>> -> memref<1x128xi32, #tpu.memory_space<vmem>>
            %dma_wait3A_453 = arith.constant 0 : i32
            %dma_wait3A_454 = tpu.memref_slice %arg3[%dma_wait3A_453, %mul3A_447] : memref<1x320000xi32, #tpu.memory_space<hbm>> -> memref<1x128xi32, #tpu.memory_space<hbm>>
            %dma_wait3A_455 = tpu.memref_slice %run_scoped3A_17[%rem3A_449] : memref<2x!tpu.dma_semaphore, #tpu.memory_space<semaphore_mem>> -> memref<1x!tpu.dma_semaphore, #tpu.memory_space<semaphore_mem>>
            %dma_wait3A_456 = tpu.memref_squeeze %dma_wait3A_455 : memref<1x!tpu.dma_semaphore, #tpu.memory_space<semaphore_mem>> -> memref<!tpu.dma_semaphore, #tpu.memory_space<semaphore_mem>>
            %dma_wait3A_457 = arith.constant 0 : i32
            %dma_wait3A_458 = arith.constant 0 : i32
            %dma_wait3A_459 = tpu.memref_slice %run_scoped3A[%rem3A_449, %dma_wait3A_457, %dma_wait3A_458] : memref<2x1x128xi32, #tpu.memory_space<vmem>> -> memref<1x1x128xi32, #tpu.memory_space<vmem>>
            %dma_wait3A_460 = tpu.memref_squeeze %dma_wait3A_459 : memref<1x1x128xi32, #tpu.memory_space<vmem>> -> memref<1x128xi32, #tpu.memory_space<vmem>>
            %dma_wait3A_461 = arith.constant 0 : i32
            %dma_wait3A_462 = tpu.memref_slice %arg3[%dma_wait3A_461, %mul3A_447] : memref<1x320000xi32, #tpu.memory_space<hbm>> -> memref<1x128xi32, #tpu.memory_space<hbm>>
            tpu.wait_dma2 semaphore(%dma_wait3A_456 : memref<!tpu.dma_semaphore, #tpu.memory_space<semaphore_mem>>) src(%dma_wait3A_462 : memref<1x128xi32, #tpu.memory_space<hbm>>) dst(%dma_wait3A_460 : memref<1x128xi32, #tpu.memory_space<vmem>>)
            "tpu.trace_stop"() : () -> ()
          } else {
          }
          %ne3A_290 = arith.cmpi ne, %add3A_197, %add3A_207 : i32
          %or3A_291 = arith.constant false
          %or3A_292 = arith.ori %or3A_291, %ne3A_290 : i1
          %or3A_293 = arith.ori %or3A_292, %eq3A_193 : i1
          %convert_element_type3A_294 = arith.extui %or3A_293 : i1 to i32
          %cond3A_295 = arith.constant 0 : i32
          %cond3A_296 = arith.cmpi ne, %convert_element_type3A_294, %cond3A_295 : i32
          scf.if %cond3A_296 {
            "tpu.trace_start"() <{level = 10 : i32, message = "ep_wait_in"}> : () -> ()
            %mul3A_446 = arith.constant 128 : i32
            %mul3A_447 = arith.muli %mul3A_446, %add3A_197 : i32
            %rem3A_448 = arith.constant 2 : i32
            %rem3A_449 = arith.remui %while3A_184, %rem3A_448 : i32
            %dma_wait3A = arith.constant 0 : i32
            %dma_wait3A_450 = arith.constant 0 : i32
            %dma_wait3A_451 = tpu.memref_slice %run_scoped3A_18[%rem3A_449, %dma_wait3A, %dma_wait3A_450] : memref<2x1x128xi32, #tpu.memory_space<vmem>> -> memref<1x1x128xi32, #tpu.memory_space<vmem>>
            %dma_wait3A_452 = tpu.memref_squeeze %dma_wait3A_451 : memref<1x1x128xi32, #tpu.memory_space<vmem>> -> memref<1x128xi32, #tpu.memory_space<vmem>>
            %dma_wait3A_453 = arith.constant 0 : i32
            %dma_wait3A_454 = tpu.memref_slice %arg4[%dma_wait3A_453, %mul3A_447] : memref<1x320000xi32, #tpu.memory_space<hbm>> -> memref<1x128xi32, #tpu.memory_space<hbm>>
            %dma_wait3A_455 = tpu.memref_slice %run_scoped3A_19[%rem3A_449] : memref<2x!tpu.dma_semaphore, #tpu.memory_space<semaphore_mem>> -> memref<1x!tpu.dma_semaphore, #tpu.memory_space<semaphore_mem>>
            %dma_wait3A_456 = tpu.memref_squeeze %dma_wait3A_455 : memref<1x!tpu.dma_semaphore, #tpu.memory_space<semaphore_mem>> -> memref<!tpu.dma_semaphore, #tpu.memory_space<semaphore_mem>>
            %dma_wait3A_457 = arith.constant 0 : i32
            %dma_wait3A_458 = arith.constant 0 : i32
            %dma_wait3A_459 = tpu.memref_slice %run_scoped3A_18[%rem3A_449, %dma_wait3A_457, %dma_wait3A_458] : memref<2x1x128xi32, #tpu.memory_space<vmem>> -> memref<1x1x128xi32, #tpu.memory_space<vmem>>
            %dma_wait3A_460 = tpu.memref_squeeze %dma_wait3A_459 : memref<1x1x128xi32, #tpu.memory_space<vmem>> -> memref<1x128xi32, #tpu.memory_space<vmem>>
            %dma_wait3A_461 = arith.constant 0 : i32
            %dma_wait3A_462 = tpu.memref_slice %arg4[%dma_wait3A_461, %mul3A_447] : memref<1x320000xi32, #tpu.memory_space<hbm>> -> memref<1x128xi32, #tpu.memory_space<hbm>>
            tpu.wait_dma2 semaphore(%dma_wait3A_456 : memref<!tpu.dma_semaphore, #tpu.memory_space<semaphore_mem>>) src(%dma_wait3A_462 : memref<1x128xi32, #tpu.memory_space<hbm>>) dst(%dma_wait3A_460 : memref<1x128xi32, #tpu.memory_space<vmem>>)
            "tpu.trace_stop"() : () -> ()
          } else {
          }
          %ne3A_297 = arith.cmpi ne, %add3A_197, %add3A_207 : i32
          %or3A_298 = arith.constant false
          %or3A_299 = arith.ori %or3A_298, %ne3A_297 : i1
          %or3A_300 = arith.constant false
          %or3A_301 = arith.ori %or3A_299, %or3A_300 : i1
          %or3A_302 = arith.ori %or3A_301, %eq3A_193 : i1
          %convert_element_type3A_303 = arith.extui %or3A_302 : i1 to i32
          %cond3A_304 = arith.constant 0 : i32
          %cond3A_305 = arith.cmpi ne, %convert_element_type3A_303, %cond3A_304 : i32
          scf.if %cond3A_305 {
          } else {
          }
          %ne3A_306 = arith.cmpi ne, %add3A_197, %add3A_207 : i32
          %or3A_307 = arith.constant false
          %or3A_308 = arith.ori %or3A_307, %ne3A_306 : i1
          %or3A_309 = arith.constant false
          %or3A_310 = arith.ori %or3A_308, %or3A_309 : i1
          %or3A_311 = arith.ori %or3A_310, %eq3A_193 : i1
          %convert_element_type3A_312 = arith.extui %or3A_311 : i1 to i32
          %cond3A_313 = arith.constant 0 : i32
          %cond3A_314 = arith.cmpi ne, %convert_element_type3A_312, %cond3A_313 : i32
          scf.if %cond3A_314 {
          } else {
          }
          %rem3A_315 = arith.constant 2 : i32
          %rem3A_316 = arith.remui %while3A_182, %rem3A_315 : i32
          %rem3A_317 = arith.constant 2 : i32
          %rem3A_318 = arith.remui %while3A_184, %rem3A_317 : i32
          %rem3A_319 = arith.constant 2 : i32
          %rem3A_320 = arith.remui %while3A_185, %rem3A_319 : i32
          %rem3A_321 = arith.constant 2 : i32
          %rem3A_322 = arith.remui %while3A_187, %rem3A_321 : i32
          %run_scoped3A_323 = arith.constant 0 : i32
          "tpu.trace_start"() <{level = 10 : i32, message = "ep_run_kernel"}> : () -> ()
          "tpu.region"() ({
            %run_scoped3A_446 = tpu.sem_alloc : memref<!tpu.dma_semaphore, #tpu.memory_space<semaphore_mem>>
            %dma_start3A_447 = arith.constant 0 : i32
            %dma_start3A_448 = arith.constant 0 : i32
            %dma_start3A_449 = tpu.memref_slice %run_scoped3A_20[%rem3A_320, %dma_start3A_447, %dma_start3A_448] : memref<2x128x144xf32, #tpu.memory_space<vmem>> -> memref<1x128x144xf32, #tpu.memory_space<vmem>>
            %dma_start3A_450 = tpu.memref_squeeze %dma_start3A_449 : memref<1x128x144xf32, #tpu.memory_space<vmem>> -> memref<128x144xf32, #tpu.memory_space<vmem>>
            %dma_start3A_451 = arith.constant 0 : i32
            %dma_start3A_452 = arith.constant 0 : i32
            %dma_start3A_453 = tpu.memref_slice %run_scoped3A[%rem3A_316, %dma_start3A_451, %dma_start3A_452] : memref<2x1x128xi32, #tpu.memory_space<vmem>> -> memref<1x1x128xi32, #tpu.memory_space<vmem>>
            %dma_start3A_454 = tpu.memref_squeeze %dma_start3A_453 : memref<1x1x128xi32, #tpu.memory_space<vmem>> -> memref<1x128xi32, #tpu.memory_space<vmem>>
            %dma_start3A_455 = arith.constant 0 : i32
            %dma_start3A_456 = tpu.memref_slice %dma_start3A_454[%run_scoped3A_323, %dma_start3A_455] : memref<1x128xi32, #tpu.memory_space<vmem>> -> memref<1x128xi32, #tpu.memory_space<vmem>>
            %dma_start3A_457 = tpu.memref_squeeze %dma_start3A_456 : memref<1x128xi32, #tpu.memory_space<vmem>> -> memref<128xi32, #tpu.memory_space<vmem>>
            %dma_start3A_458 = arith.constant 0 : i32
            %dma_start3A_459 = arith.constant 0 : i32
            %dma_start3A_460 = tpu.memref_slice %arg2[%dma_start3A_458, %dma_start3A_459] : memref<10000x144xf32, #tpu.memory_space<hbm>> -> memref<10000x144xf32, #tpu.memory_space<hbm>>
            tpu.enqueue_indirect_dma source(%dma_start3A_460 : memref<10000x144xf32, #tpu.memory_space<hbm>>) target(%dma_start3A_450 : memref<128x144xf32, #tpu.memory_space<vmem>>) offsets(%dma_start3A_457 : memref<128xi32, #tpu.memory_space<vmem>>) semaphore(%run_scoped3A_446 : memref<!tpu.dma_semaphore, #tpu.memory_space<semaphore_mem>>)
            %dma_wait3A = arith.constant 0 : i32
            %dma_wait3A_461 = arith.constant 0 : i32
            %dma_wait3A_462 = tpu.memref_slice %run_scoped3A_20[%rem3A_320, %dma_wait3A, %dma_wait3A_461] : memref<2x128x144xf32, #tpu.memory_space<vmem>> -> memref<1x128x144xf32, #tpu.memory_space<vmem>>
            %dma_wait3A_463 = tpu.memref_squeeze %dma_wait3A_462 : memref<1x128x144xf32, #tpu.memory_space<vmem>> -> memref<128x144xf32, #tpu.memory_space<vmem>>
            %dma_wait3A_464 = arith.constant 0 : i32
            %dma_wait3A_465 = arith.constant 0 : i32
            %dma_wait3A_466 = tpu.memref_slice %run_scoped3A[%rem3A_316, %dma_wait3A_464, %dma_wait3A_465] : memref<2x1x128xi32, #tpu.memory_space<vmem>> -> memref<1x1x128xi32, #tpu.memory_space<vmem>>
            %dma_wait3A_467 = tpu.memref_squeeze %dma_wait3A_466 : memref<1x1x128xi32, #tpu.memory_space<vmem>> -> memref<1x128xi32, #tpu.memory_space<vmem>>
            %dma_wait3A_468 = arith.constant 0 : i32
            %dma_wait3A_469 = tpu.memref_slice %dma_wait3A_467[%run_scoped3A_323, %dma_wait3A_468] : memref<1x128xi32, #tpu.memory_space<vmem>> -> memref<1x128xi32, #tpu.memory_space<vmem>>
            %dma_wait3A_470 = tpu.memref_squeeze %dma_wait3A_469 : memref<1x128xi32, #tpu.memory_space<vmem>> -> memref<128xi32, #tpu.memory_space<vmem>>
            %dma_wait3A_471 = arith.constant 0 : i32
            %dma_wait3A_472 = arith.constant 0 : i32
            %dma_wait3A_473 = tpu.memref_slice %arg2[%dma_wait3A_471, %dma_wait3A_472] : memref<10000x144xf32, #tpu.memory_space<hbm>> -> memref<10000x144xf32, #tpu.memory_space<hbm>>
            tpu.wait_indirect_dma semaphore(%run_scoped3A_446 : memref<!tpu.dma_semaphore, #tpu.memory_space<semaphore_mem>>) src(%dma_wait3A_473 : memref<10000x144xf32, #tpu.memory_space<hbm>>) dst(%dma_wait3A_463 : memref<128x144xf32, #tpu.memory_space<vmem>>)
            tpu.yield
          }) : () -> ()
          %run_scoped3A_324 = arith.constant 0 : i32
          "tpu.region"() ({
            %run_scoped3A_446 = tpu.sem_alloc : memref<!tpu.dma_semaphore, #tpu.memory_space<semaphore_mem>>
            %dma_start3A_447 = arith.constant 0 : i32
            %dma_start3A_448 = arith.constant 0 : i32
            %dma_start3A_449 = tpu.memref_slice %run_scoped3A_22[%rem3A_322, %dma_start3A_447, %dma_start3A_448] : memref<2x128x144xf32, #tpu.memory_space<vmem>> -> memref<1x128x144xf32, #tpu.memory_space<vmem>>
            %dma_start3A_450 = tpu.memref_squeeze %dma_start3A_449 : memref<1x128x144xf32, #tpu.memory_space<vmem>> -> memref<128x144xf32, #tpu.memory_space<vmem>>
            %dma_start3A_451 = arith.constant 0 : i32
            %dma_start3A_452 = arith.constant 0 : i32
            %dma_start3A_453 = tpu.memref_slice %run_scoped3A_18[%rem3A_318, %dma_start3A_451, %dma_start3A_452] : memref<2x1x128xi32, #tpu.memory_space<vmem>> -> memref<1x1x128xi32, #tpu.memory_space<vmem>>
            %dma_start3A_454 = tpu.memref_squeeze %dma_start3A_453 : memref<1x1x128xi32, #tpu.memory_space<vmem>> -> memref<1x128xi32, #tpu.memory_space<vmem>>
            %dma_start3A_455 = arith.constant 0 : i32
            %dma_start3A_456 = tpu.memref_slice %dma_start3A_454[%run_scoped3A_324, %dma_start3A_455] : memref<1x128xi32, #tpu.memory_space<vmem>> -> memref<1x128xi32, #tpu.memory_space<vmem>>
            %dma_start3A_457 = tpu.memref_squeeze %dma_start3A_456 : memref<1x128xi32, #tpu.memory_space<vmem>> -> memref<128xi32, #tpu.memory_space<vmem>>
            %dma_start3A_458 = arith.constant 0 : i32
            %dma_start3A_459 = arith.constant 0 : i32
            %dma_start3A_460 = tpu.memref_slice %arg2[%dma_start3A_458, %dma_start3A_459] : memref<10000x144xf32, #tpu.memory_space<hbm>> -> memref<10000x144xf32, #tpu.memory_space<hbm>>
            tpu.enqueue_indirect_dma source(%dma_start3A_460 : memref<10000x144xf32, #tpu.memory_space<hbm>>) target(%dma_start3A_450 : memref<128x144xf32, #tpu.memory_space<vmem>>) offsets(%dma_start3A_457 : memref<128xi32, #tpu.memory_space<vmem>>) semaphore(%run_scoped3A_446 : memref<!tpu.dma_semaphore, #tpu.memory_space<semaphore_mem>>)
            %dma_wait3A = arith.constant 0 : i32
            %dma_wait3A_461 = arith.constant 0 : i32
            %dma_wait3A_462 = tpu.memref_slice %run_scoped3A_22[%rem3A_322, %dma_wait3A, %dma_wait3A_461] : memref<2x128x144xf32, #tpu.memory_space<vmem>> -> memref<1x128x144xf32, #tpu.memory_space<vmem>>
            %dma_wait3A_463 = tpu.memref_squeeze %dma_wait3A_462 : memref<1x128x144xf32, #tpu.memory_space<vmem>> -> memref<128x144xf32, #tpu.memory_space<vmem>>
            %dma_wait3A_464 = arith.constant 0 : i32
            %dma_wait3A_465 = arith.constant 0 : i32
            %dma_wait3A_466 = tpu.memref_slice %run_scoped3A_18[%rem3A_318, %dma_wait3A_464, %dma_wait3A_465] : memref<2x1x128xi32, #tpu.memory_space<vmem>> -> memref<1x1x128xi32, #tpu.memory_space<vmem>>
            %dma_wait3A_467 = tpu.memref_squeeze %dma_wait3A_466 : memref<1x1x128xi32, #tpu.memory_space<vmem>> -> memref<1x128xi32, #tpu.memory_space<vmem>>
            %dma_wait3A_468 = arith.constant 0 : i32
            %dma_wait3A_469 = tpu.memref_slice %dma_wait3A_467[%run_scoped3A_324, %dma_wait3A_468] : memref<1x128xi32, #tpu.memory_space<vmem>> -> memref<1x128xi32, #tpu.memory_space<vmem>>
            %dma_wait3A_470 = tpu.memref_squeeze %dma_wait3A_469 : memref<1x128xi32, #tpu.memory_space<vmem>> -> memref<128xi32, #tpu.memory_space<vmem>>
            %dma_wait3A_471 = arith.constant 0 : i32
            %dma_wait3A_472 = arith.constant 0 : i32
            %dma_wait3A_473 = tpu.memref_slice %arg2[%dma_wait3A_471, %dma_wait3A_472] : memref<10000x144xf32, #tpu.memory_space<hbm>> -> memref<10000x144xf32, #tpu.memory_space<hbm>>
            tpu.wait_indirect_dma semaphore(%run_scoped3A_446 : memref<!tpu.dma_semaphore, #tpu.memory_space<semaphore_mem>>) src(%dma_wait3A_473 : memref<10000x144xf32, #tpu.memory_space<hbm>>) dst(%dma_wait3A_463 : memref<128x144xf32, #tpu.memory_space<vmem>>)
            tpu.yield
          }) : () -> ()
          "tpu.trace_stop"() : () -> ()
          %ne3A_325 = arith.cmpi ne, %add3A_197, %add3A_215 : i32
          %or3A_326 = arith.constant false
          %or3A_327 = arith.ori %or3A_326, %ne3A_325 : i1
          %or3A_328 = arith.ori %or3A_327, %eq3A_196 : i1
          %convert_element_type3A_329 = arith.extui %or3A_328 : i1 to i32
          %cond3A_330 = arith.constant 0 : i32
          %cond3A_331 = arith.cmpi ne, %convert_element_type3A_329, %cond3A_330 : i32
          scf.if %cond3A_331 {
          } else {
          }
          %and3A_332 = arith.constant false
          %and3A_333 = arith.andi %or3A_328, %and3A_332 : i1
          %ne3A_334 = arith.cmpi ne, %add3A_197, %add3A_215 : i32
          %or3A_335 = arith.constant false
          %or3A_336 = arith.ori %or3A_335, %ne3A_334 : i1
          %or3A_337 = arith.ori %or3A_336, %eq3A_196 : i1
          %convert_element_type3A_338 = arith.extui %or3A_337 : i1 to i32
          %cond3A_339 = arith.constant 0 : i32
          %cond3A_340 = arith.cmpi ne, %convert_element_type3A_338, %cond3A_339 : i32
          scf.if %cond3A_340 {
          } else {
          }
          %and3A_341 = arith.constant false
          %and3A_342 = arith.andi %or3A_337, %and3A_341 : i1
          %ne3A_343 = arith.cmpi ne, %add3A_197, %add3A_215 : i32
          %or3A_344 = arith.constant false
          %or3A_345 = arith.ori %or3A_344, %ne3A_343 : i1
          %or3A_346 = arith.constant false
          %or3A_347 = arith.ori %or3A_345, %or3A_346 : i1
          %or3A_348 = arith.ori %or3A_347, %eq3A_196 : i1
          %convert_element_type3A_349 = arith.extui %or3A_348 : i1 to i32
          %cond3A_350 = arith.constant 0 : i32
          %cond3A_351 = arith.cmpi ne, %convert_element_type3A_349, %cond3A_350 : i32
          scf.if %cond3A_351 {
            "tpu.trace_start"() <{level = 10 : i32, message = "ep_copy_out"}> : () -> ()
            %rem3A_446 = arith.constant 2 : i32
            %rem3A_447 = arith.remui %while3A_185, %rem3A_446 : i32
            %mul3A_448 = arith.constant 128 : i32
            %mul3A_449 = arith.muli %mul3A_448, %add3A_197 : i32
            %dma_start3A_450 = arith.constant 0 : i32
            %dma_start3A_451 = arith.constant 0 : i32
            %dma_start3A_452 = tpu.memref_slice %run_scoped3A_20[%rem3A_447, %dma_start3A_450, %dma_start3A_451] : memref<2x128x144xf32, #tpu.memory_space<vmem>> -> memref<1x128x144xf32, #tpu.memory_space<vmem>>
            %dma_start3A_453 = tpu.memref_squeeze %dma_start3A_452 : memref<1x128x144xf32, #tpu.memory_space<vmem>> -> memref<128x144xf32, #tpu.memory_space<vmem>>
            %dma_start3A_454 = arith.constant 0 : i32
            %dma_start3A_455 = tpu.memref_slice %arg5[%mul3A_449, %dma_start3A_454] : memref<320000x144xf32, #tpu.memory_space<hbm>> -> memref<128x144xf32, #tpu.memory_space<hbm>>
            %dma_start3A_456 = tpu.memref_slice %run_scoped3A_21[%rem3A_447] : memref<2x!tpu.dma_semaphore, #tpu.memory_space<semaphore_mem>> -> memref<1x!tpu.dma_semaphore, #tpu.memory_space<semaphore_mem>>
            %dma_start3A_457 = tpu.memref_squeeze %dma_start3A_456 : memref<1x!tpu.dma_semaphore, #tpu.memory_space<semaphore_mem>> -> memref<!tpu.dma_semaphore, #tpu.memory_space<semaphore_mem>>
            %dma_start3A_458 = arith.constant 0 : i32
            %dma_start3A_459 = tpu.memref_slice %arg5[%mul3A_449, %dma_start3A_458] : memref<320000x144xf32, #tpu.memory_space<hbm>> -> memref<128x144xf32, #tpu.memory_space<hbm>>
            %dma_start3A_460 = arith.constant 0 : i32
            %dma_start3A_461 = arith.constant 0 : i32
            %dma_start3A_462 = tpu.memref_slice %run_scoped3A_20[%rem3A_447, %dma_start3A_460, %dma_start3A_461] : memref<2x128x144xf32, #tpu.memory_space<vmem>> -> memref<1x128x144xf32, #tpu.memory_space<vmem>>
            %dma_start3A_463 = tpu.memref_squeeze %dma_start3A_462 : memref<1x128x144xf32, #tpu.memory_space<vmem>> -> memref<128x144xf32, #tpu.memory_space<vmem>>
            tpu.enqueue_dma source(%dma_start3A_463 : memref<128x144xf32, #tpu.memory_space<vmem>>) target(%dma_start3A_459 : memref<128x144xf32, #tpu.memory_space<hbm>>) target_semaphore(%dma_start3A_457 : memref<!tpu.dma_semaphore, #tpu.memory_space<semaphore_mem>>)
            "tpu.trace_stop"() : () -> ()
          } else {
          }
          %and3A_352 = arith.constant true
          %and3A_353 = arith.andi %or3A_348, %and3A_352 : i1
          %add3A_354 = arith.constant 1 : i32
          %add3A_355 = arith.addi %while3A_185, %add3A_354 : i32
          %select_n3A_356 = arith.select %and3A_353, %add3A_355, %while3A_185 : i32
          %ne3A_357 = arith.cmpi ne, %add3A_197, %add3A_215 : i32
          %or3A_358 = arith.constant false
          %or3A_359 = arith.ori %or3A_358, %ne3A_357 : i1
          %or3A_360 = arith.constant false
          %or3A_361 = arith.ori %or3A_359, %or3A_360 : i1
          %or3A_362 = arith.ori %or3A_361, %eq3A_196 : i1
          %convert_element_type3A_363 = arith.extui %or3A_362 : i1 to i32
          %cond3A_364 = arith.constant 0 : i32
          %cond3A_365 = arith.cmpi ne, %convert_element_type3A_363, %cond3A_364 : i32
          scf.if %cond3A_365 {
            "tpu.trace_start"() <{level = 10 : i32, message = "ep_copy_out"}> : () -> ()
            %rem3A_446 = arith.constant 2 : i32
            %rem3A_447 = arith.remui %while3A_187, %rem3A_446 : i32
            %mul3A_448 = arith.constant 128 : i32
            %mul3A_449 = arith.muli %mul3A_448, %add3A_197 : i32
            %dma_start3A_450 = arith.constant 0 : i32
            %dma_start3A_451 = arith.constant 0 : i32
            %dma_start3A_452 = tpu.memref_slice %run_scoped3A_22[%rem3A_447, %dma_start3A_450, %dma_start3A_451] : memref<2x128x144xf32, #tpu.memory_space<vmem>> -> memref<1x128x144xf32, #tpu.memory_space<vmem>>
            %dma_start3A_453 = tpu.memref_squeeze %dma_start3A_452 : memref<1x128x144xf32, #tpu.memory_space<vmem>> -> memref<128x144xf32, #tpu.memory_space<vmem>>
            %dma_start3A_454 = arith.constant 0 : i32
            %dma_start3A_455 = tpu.memref_slice %arg6[%mul3A_449, %dma_start3A_454] : memref<320000x144xf32, #tpu.memory_space<hbm>> -> memref<128x144xf32, #tpu.memory_space<hbm>>
            %dma_start3A_456 = tpu.memref_slice %run_scoped3A_23[%rem3A_447] : memref<2x!tpu.dma_semaphore, #tpu.memory_space<semaphore_mem>> -> memref<1x!tpu.dma_semaphore, #tpu.memory_space<semaphore_mem>>
            %dma_start3A_457 = tpu.memref_squeeze %dma_start3A_456 : memref<1x!tpu.dma_semaphore, #tpu.memory_space<semaphore_mem>> -> memref<!tpu.dma_semaphore, #tpu.memory_space<semaphore_mem>>
            %dma_start3A_458 = arith.constant 0 : i32
            %dma_start3A_459 = tpu.memref_slice %arg6[%mul3A_449, %dma_start3A_458] : memref<320000x144xf32, #tpu.memory_space<hbm>> -> memref<128x144xf32, #tpu.memory_space<hbm>>
            %dma_start3A_460 = arith.constant 0 : i32
            %dma_start3A_461 = arith.constant 0 : i32
            %dma_start3A_462 = tpu.memref_slice %run_scoped3A_22[%rem3A_447, %dma_start3A_460, %dma_start3A_461] : memref<2x128x144xf32, #tpu.memory_space<vmem>> -> memref<1x128x144xf32, #tpu.memory_space<vmem>>
            %dma_start3A_463 = tpu.memref_squeeze %dma_start3A_462 : memref<1x128x144xf32, #tpu.memory_space<vmem>> -> memref<128x144xf32, #tpu.memory_space<vmem>>
            tpu.enqueue_dma source(%dma_start3A_463 : memref<128x144xf32, #tpu.memory_space<vmem>>) target(%dma_start3A_459 : memref<128x144xf32, #tpu.memory_space<hbm>>) target_semaphore(%dma_start3A_457 : memref<!tpu.dma_semaphore, #tpu.memory_space<semaphore_mem>>)
            "tpu.trace_stop"() : () -> ()
          } else {
          }
          %and3A_366 = arith.constant true
          %and3A_367 = arith.andi %or3A_362, %and3A_366 : i1
          %add3A_368 = arith.constant 1 : i32
          %add3A_369 = arith.addi %while3A_187, %add3A_368 : i32
          %select_n3A_370 = arith.select %and3A_367, %add3A_369, %while3A_187 : i32
          %ne3A_371 = arith.cmpi ne, %add3A_197, %add3A_207 : i32
          %or3A_372 = arith.constant false
          %or3A_373 = arith.ori %or3A_372, %ne3A_371 : i1
          %not3A_374 = arith.constant true
          %not3A_375 = arith.xori %eq3A_193, %not3A_374 : i1
          %and3A_376 = arith.andi %or3A_373, %not3A_375 : i1
          %convert_element_type3A_377 = arith.extui %and3A_376 : i1 to i32
          %cond3A_378 = arith.constant 0 : i32
          %cond3A_379 = arith.cmpi ne, %convert_element_type3A_377, %cond3A_378 : i32
          scf.if %cond3A_379 {
          } else {
          }
          %and3A_380 = arith.constant false
          %and3A_381 = arith.andi %and3A_376, %and3A_380 : i1
          %ne3A_382 = arith.cmpi ne, %add3A_197, %add3A_207 : i32
          %or3A_383 = arith.constant false
          %or3A_384 = arith.ori %or3A_383, %ne3A_382 : i1
          %not3A_385 = arith.constant true
          %not3A_386 = arith.xori %eq3A_193, %not3A_385 : i1
          %and3A_387 = arith.andi %or3A_384, %not3A_386 : i1
          %convert_element_type3A_388 = arith.extui %and3A_387 : i1 to i32
          %cond3A_389 = arith.constant 0 : i32
          %cond3A_390 = arith.cmpi ne, %convert_element_type3A_388, %cond3A_389 : i32
          scf.if %cond3A_390 {
          } else {
          }
          %and3A_391 = arith.constant false
          %and3A_392 = arith.andi %and3A_387, %and3A_391 : i1
          %ne3A_393 = arith.cmpi ne, %add3A_197, %add3A_207 : i32
          %or3A_394 = arith.constant false
          %or3A_395 = arith.ori %or3A_394, %ne3A_393 : i1
          %or3A_396 = arith.constant false
          %or3A_397 = arith.ori %or3A_395, %or3A_396 : i1
          %not3A_398 = arith.constant true
          %not3A_399 = arith.xori %eq3A_193, %not3A_398 : i1
          %and3A_400 = arith.andi %or3A_397, %not3A_399 : i1
          %convert_element_type3A_401 = arith.extui %and3A_400 : i1 to i32
          %cond3A_402 = arith.constant 0 : i32
          %cond3A_403 = arith.cmpi ne, %convert_element_type3A_401, %cond3A_402 : i32
          scf.if %cond3A_403 {
            "tpu.trace_start"() <{level = 10 : i32, message = "ep_wait_out"}> : () -> ()
            %rem3A_446 = arith.constant 2 : i32
            %rem3A_447 = arith.remui %while3A_186, %rem3A_446 : i32
            %mul3A_448 = arith.constant 128 : i32
            %mul3A_449 = arith.muli %mul3A_448, %add3A_207 : i32
            %dma_wait3A = arith.constant 0 : i32
            %dma_wait3A_450 = arith.constant 0 : i32
            %dma_wait3A_451 = tpu.memref_slice %run_scoped3A_20[%rem3A_447, %dma_wait3A, %dma_wait3A_450] : memref<2x128x144xf32, #tpu.memory_space<vmem>> -> memref<1x128x144xf32, #tpu.memory_space<vmem>>
            %dma_wait3A_452 = tpu.memref_squeeze %dma_wait3A_451 : memref<1x128x144xf32, #tpu.memory_space<vmem>> -> memref<128x144xf32, #tpu.memory_space<vmem>>
            %dma_wait3A_453 = arith.constant 0 : i32
            %dma_wait3A_454 = tpu.memref_slice %arg5[%mul3A_449, %dma_wait3A_453] : memref<320000x144xf32, #tpu.memory_space<hbm>> -> memref<128x144xf32, #tpu.memory_space<hbm>>
            %dma_wait3A_455 = tpu.memref_slice %run_scoped3A_21[%rem3A_447] : memref<2x!tpu.dma_semaphore, #tpu.memory_space<semaphore_mem>> -> memref<1x!tpu.dma_semaphore, #tpu.memory_space<semaphore_mem>>
            %dma_wait3A_456 = tpu.memref_squeeze %dma_wait3A_455 : memref<1x!tpu.dma_semaphore, #tpu.memory_space<semaphore_mem>> -> memref<!tpu.dma_semaphore, #tpu.memory_space<semaphore_mem>>
            %dma_wait3A_457 = arith.constant 0 : i32
            %dma_wait3A_458 = tpu.memref_slice %arg5[%mul3A_449, %dma_wait3A_457] : memref<320000x144xf32, #tpu.memory_space<hbm>> -> memref<128x144xf32, #tpu.memory_space<hbm>>
            %dma_wait3A_459 = arith.constant 0 : i32
            %dma_wait3A_460 = arith.constant 0 : i32
            %dma_wait3A_461 = tpu.memref_slice %run_scoped3A_20[%rem3A_447, %dma_wait3A_459, %dma_wait3A_460] : memref<2x128x144xf32, #tpu.memory_space<vmem>> -> memref<1x128x144xf32, #tpu.memory_space<vmem>>
            %dma_wait3A_462 = tpu.memref_squeeze %dma_wait3A_461 : memref<1x128x144xf32, #tpu.memory_space<vmem>> -> memref<128x144xf32, #tpu.memory_space<vmem>>
            tpu.wait_dma2 semaphore(%dma_wait3A_456 : memref<!tpu.dma_semaphore, #tpu.memory_space<semaphore_mem>>) src(%dma_wait3A_462 : memref<128x144xf32, #tpu.memory_space<vmem>>) dst(%dma_wait3A_458 : memref<128x144xf32, #tpu.memory_space<hbm>>)
            "tpu.trace_stop"() : () -> ()
          } else {
          }
          %and3A_404 = arith.constant true
          %and3A_405 = arith.andi %and3A_400, %and3A_404 : i1
          %add3A_406 = arith.constant 1 : i32
          %add3A_407 = arith.addi %while3A_186, %add3A_406 : i32
          %select_n3A_408 = arith.select %and3A_405, %add3A_407, %while3A_186 : i32
          %ne3A_409 = arith.cmpi ne, %add3A_197, %add3A_207 : i32
          %or3A_410 = arith.constant false
          %or3A_411 = arith.ori %or3A_410, %ne3A_409 : i1
          %or3A_412 = arith.constant false
          %or3A_413 = arith.ori %or3A_411, %or3A_412 : i1
          %not3A_414 = arith.constant true
          %not3A_415 = arith.xori %eq3A_193, %not3A_414 : i1
          %and3A_416 = arith.andi %or3A_413, %not3A_415 : i1
          %convert_element_type3A_417 = arith.extui %and3A_416 : i1 to i32
          %cond3A_418 = arith.constant 0 : i32
          %cond3A_419 = arith.cmpi ne, %convert_element_type3A_417, %cond3A_418 : i32
          scf.if %cond3A_419 {
            "tpu.trace_start"() <{level = 10 : i32, message = "ep_wait_out"}> : () -> ()
            %rem3A_446 = arith.constant 2 : i32
            %rem3A_447 = arith.remui %while3A_188, %rem3A_446 : i32
            %mul3A_448 = arith.constant 128 : i32
            %mul3A_449 = arith.muli %mul3A_448, %add3A_207 : i32
            %dma_wait3A = arith.constant 0 : i32
            %dma_wait3A_450 = arith.constant 0 : i32
            %dma_wait3A_451 = tpu.memref_slice %run_scoped3A_22[%rem3A_447, %dma_wait3A, %dma_wait3A_450] : memref<2x128x144xf32, #tpu.memory_space<vmem>> -> memref<1x128x144xf32, #tpu.memory_space<vmem>>
            %dma_wait3A_452 = tpu.memref_squeeze %dma_wait3A_451 : memref<1x128x144xf32, #tpu.memory_space<vmem>> -> memref<128x144xf32, #tpu.memory_space<vmem>>
            %dma_wait3A_453 = arith.constant 0 : i32
            %dma_wait3A_454 = tpu.memref_slice %arg6[%mul3A_449, %dma_wait3A_453] : memref<320000x144xf32, #tpu.memory_space<hbm>> -> memref<128x144xf32, #tpu.memory_space<hbm>>
            %dma_wait3A_455 = tpu.memref_slice %run_scoped3A_23[%rem3A_447] : memref<2x!tpu.dma_semaphore, #tpu.memory_space<semaphore_mem>> -> memref<1x!tpu.dma_semaphore, #tpu.memory_space<semaphore_mem>>
            %dma_wait3A_456 = tpu.memref_squeeze %dma_wait3A_455 : memref<1x!tpu.dma_semaphore, #tpu.memory_space<semaphore_mem>> -> memref<!tpu.dma_semaphore, #tpu.memory_space<semaphore_mem>>
            %dma_wait3A_457 = arith.constant 0 : i32
            %dma_wait3A_458 = tpu.memref_slice %arg6[%mul3A_449, %dma_wait3A_457] : memref<320000x144xf32, #tpu.memory_space<hbm>> -> memref<128x144xf32, #tpu.memory_space<hbm>>
            %dma_wait3A_459 = arith.constant 0 : i32
            %dma_wait3A_460 = arith.constant 0 : i32
            %dma_wait3A_461 = tpu.memref_slice %run_scoped3A_22[%rem3A_447, %dma_wait3A_459, %dma_wait3A_460] : memref<2x128x144xf32, #tpu.memory_space<vmem>> -> memref<1x128x144xf32, #tpu.memory_space<vmem>>
            %dma_wait3A_462 = tpu.memref_squeeze %dma_wait3A_461 : memref<1x128x144xf32, #tpu.memory_space<vmem>> -> memref<128x144xf32, #tpu.memory_space<vmem>>
            tpu.wait_dma2 semaphore(%dma_wait3A_456 : memref<!tpu.dma_semaphore, #tpu.memory_space<semaphore_mem>>) src(%dma_wait3A_462 : memref<128x144xf32, #tpu.memory_space<vmem>>) dst(%dma_wait3A_458 : memref<128x144xf32, #tpu.memory_space<hbm>>)
            "tpu.trace_stop"() : () -> ()
          } else {
          }
          %and3A_420 = arith.constant true
          %and3A_421 = arith.andi %and3A_416, %and3A_420 : i1
          %add3A_422 = arith.constant 1 : i32
          %add3A_423 = arith.addi %while3A_188, %add3A_422 : i32
          %select_n3A_424 = arith.select %and3A_421, %add3A_423, %while3A_188 : i32
          %ne3A_425 = arith.cmpi ne, %add3A_197, %add3A_215 : i32
          %or3A_426 = arith.constant false
          %or3A_427 = arith.ori %or3A_426, %ne3A_425 : i1
          %or3A_428 = arith.ori %or3A_427, %eq3A_196 : i1
          %add3A_429 = arith.constant 1 : i32
          %add3A_430 = arith.addi %while3A_182, %add3A_429 : i32
          %select_n3A_431 = arith.select %or3A_428, %add3A_430, %while3A_182 : i32
          %ne3A_432 = arith.cmpi ne, %add3A_197, %add3A_215 : i32
          %or3A_433 = arith.constant false
          %or3A_434 = arith.ori %or3A_433, %ne3A_432 : i1
          %or3A_435 = arith.ori %or3A_434, %eq3A_196 : i1
          %add3A_436 = arith.constant 1 : i32
          %add3A_437 = arith.addi %while3A_184, %add3A_436 : i32
          %select_n3A_438 = arith.select %or3A_435, %add3A_437, %while3A_184 : i32
          %add3A_439 = arith.constant 1 : i32
          %add3A_440 = arith.addi %while3A_189, %add3A_439 : i32
          %select_n3A_441 = arith.constant true
          %select_n3A_442 = arith.select %select_n3A_441, %add3A_440, %while3A_189 : i32
          %eq3A_443 = arith.cmpi eq, %select_n3A_442, %select_n3A : i32
          %select_n3A_444 = arith.constant 0 : i32
          %select_n3A_445 = arith.select %eq3A_443, %select_n3A_444, %select_n3A_442 : i32
          scf.yield %select_n3A_237, %select_n3A_431, %select_n3A_256, %select_n3A_438, %select_n3A_356, %select_n3A_408, %select_n3A_370, %select_n3A_424, %select_n3A_445 : i32, i32, i32, i32, i32, i32, i32, i32, i32
        }
        %sub3A_123 = arith.constant 1 : i32
        %sub3A_124 = arith.subi %while3A_122#8, %sub3A_123 : i32
        %select_n3A_125 = arith.constant true
        %select_n3A_126 = arith.select %select_n3A_125, %sub3A_124, %while3A_122#8 : i32
        %eq3A_127 = arith.constant -1 : i32
        %eq3A_128 = arith.cmpi eq, %select_n3A_126, %eq3A_127 : i32
        %sub3A_129 = arith.constant 1 : i32
        %sub3A_130 = arith.subi %select_n3A, %sub3A_129 : i32
        %select_n3A_131 = arith.select %eq3A_128, %sub3A_130, %select_n3A_126 : i32
        %sub3A_132 = arith.constant 1 : i32
        %sub3A_133 = arith.subi %mul3A_16, %sub3A_132 : i32
        %mul3A_134 = arith.constant 1 : i32
        %mul3A_135 = arith.muli %mul3A_134, %select_n3A : i32
        %eq3A_136 = arith.constant 0 : i32
        %eq3A_137 = arith.cmpi eq, %sub3A_133, %eq3A_136 : i32
        %sub3A_138 = arith.constant 1 : i32
        %sub3A_139 = arith.subi %mul3A_135, %sub3A_138 : i32
        %eq3A_140 = arith.cmpi eq, %sub3A_133, %sub3A_139 : i32
        %add3A_141 = arith.addi %select_n3A_131, %select_n3A_14 : i32
        %sub3A_142 = arith.constant 1 : i32
        %sub3A_143 = arith.subi %select_n3A_131, %sub3A_142 : i32
        %select_n3A_144 = arith.constant true
        %select_n3A_145 = arith.select %select_n3A_144, %sub3A_143, %select_n3A_131 : i32
        %eq3A_146 = arith.constant -1 : i32
        %eq3A_147 = arith.cmpi eq, %select_n3A_145, %eq3A_146 : i32
        %sub3A_148 = arith.constant 1 : i32
        %sub3A_149 = arith.subi %select_n3A, %sub3A_148 : i32
        %select_n3A_150 = arith.select %eq3A_147, %sub3A_149, %select_n3A_145 : i32
        %add3A_151 = arith.addi %select_n3A_150, %select_n3A_14 : i32
        %add3A_152 = arith.constant 1 : i32
        %add3A_153 = arith.addi %select_n3A_131, %add3A_152 : i32
        %select_n3A_154 = arith.constant true
        %select_n3A_155 = arith.select %select_n3A_154, %add3A_153, %select_n3A_131 : i32
        %eq3A_156 = arith.cmpi eq, %select_n3A_155, %select_n3A : i32
        %select_n3A_157 = arith.constant 0 : i32
        %select_n3A_158 = arith.select %eq3A_156, %select_n3A_157, %select_n3A_155 : i32
        %add3A_159 = arith.addi %select_n3A_158, %select_n3A_14 : i32
        %add3A_160 = arith.constant 1 : i32
        %add3A_161 = arith.addi %select_n3A_158, %add3A_160 : i32
        %select_n3A_162 = arith.constant true
        %select_n3A_163 = arith.select %select_n3A_162, %add3A_161, %select_n3A_158 : i32
        %eq3A_164 = arith.cmpi eq, %select_n3A_163, %select_n3A : i32
        %select_n3A_165 = arith.constant 0 : i32
        %select_n3A_166 = arith.select %eq3A_164, %select_n3A_165, %select_n3A_163 : i32
        %add3A_167 = arith.addi %select_n3A_166, %select_n3A_14 : i32
        %convert_element_type3A_168 = arith.extui %eq3A_140 : i1 to i32
        %cond3A_169 = arith.constant 0 : i32
        %cond3A_170 = arith.cmpi ne, %convert_element_type3A_168, %cond3A_169 : i32
        scf.if %cond3A_170 {
        } else {
        }
        %convert_element_type3A_171 = arith.extui %eq3A_140 : i1 to i32
        %cond3A_172 = arith.constant 0 : i32
        %cond3A_173 = arith.cmpi ne, %convert_element_type3A_171, %cond3A_172 : i32
        scf.if %cond3A_173 {
        } else {
        }
        %convert_element_type3A_174 = arith.extui %eq3A_140 : i1 to i32
        %cond3A_175 = arith.constant 0 : i32
        %cond3A_176 = arith.cmpi ne, %convert_element_type3A_174, %cond3A_175 : i32
        scf.if %cond3A_176 {
          "tpu.trace_start"() <{level = 10 : i32, message = "ep_finalize"}> : () -> ()
          %rem3A_180 = arith.constant 2 : i32
          %rem3A_181 = arith.remui %while3A_122#5, %rem3A_180 : i32
          %mul3A_182 = arith.constant 128 : i32
          %mul3A_183 = arith.muli %mul3A_182, %add3A_141 : i32
          %dma_wait3A = arith.constant 0 : i32
          %dma_wait3A_184 = arith.constant 0 : i32
          %dma_wait3A_185 = tpu.memref_slice %run_scoped3A_20[%rem3A_181, %dma_wait3A, %dma_wait3A_184] : memref<2x128x144xf32, #tpu.memory_space<vmem>> -> memref<1x128x144xf32, #tpu.memory_space<vmem>>
          %dma_wait3A_186 = tpu.memref_squeeze %dma_wait3A_185 : memref<1x128x144xf32, #tpu.memory_space<vmem>> -> memref<128x144xf32, #tpu.memory_space<vmem>>
          %dma_wait3A_187 = arith.constant 0 : i32
          %dma_wait3A_188 = tpu.memref_slice %arg5[%mul3A_183, %dma_wait3A_187] : memref<320000x144xf32, #tpu.memory_space<hbm>> -> memref<128x144xf32, #tpu.memory_space<hbm>>
          %dma_wait3A_189 = tpu.memref_slice %run_scoped3A_21[%rem3A_181] : memref<2x!tpu.dma_semaphore, #tpu.memory_space<semaphore_mem>> -> memref<1x!tpu.dma_semaphore, #tpu.memory_space<semaphore_mem>>
          %dma_wait3A_190 = tpu.memref_squeeze %dma_wait3A_189 : memref<1x!tpu.dma_semaphore, #tpu.memory_space<semaphore_mem>> -> memref<!tpu.dma_semaphore, #tpu.memory_space<semaphore_mem>>
          %dma_wait3A_191 = arith.constant 0 : i32
          %dma_wait3A_192 = tpu.memref_slice %arg5[%mul3A_183, %dma_wait3A_191] : memref<320000x144xf32, #tpu.memory_space<hbm>> -> memref<128x144xf32, #tpu.memory_space<hbm>>
          %dma_wait3A_193 = arith.constant 0 : i32
          %dma_wait3A_194 = arith.constant 0 : i32
          %dma_wait3A_195 = tpu.memref_slice %run_scoped3A_20[%rem3A_181, %dma_wait3A_193, %dma_wait3A_194] : memref<2x128x144xf32, #tpu.memory_space<vmem>> -> memref<1x128x144xf32, #tpu.memory_space<vmem>>
          %dma_wait3A_196 = tpu.memref_squeeze %dma_wait3A_195 : memref<1x128x144xf32, #tpu.memory_space<vmem>> -> memref<128x144xf32, #tpu.memory_space<vmem>>
          tpu.wait_dma2 semaphore(%dma_wait3A_190 : memref<!tpu.dma_semaphore, #tpu.memory_space<semaphore_mem>>) src(%dma_wait3A_196 : memref<128x144xf32, #tpu.memory_space<vmem>>) dst(%dma_wait3A_192 : memref<128x144xf32, #tpu.memory_space<hbm>>)
          "tpu.trace_stop"() : () -> ()
        } else {
        }
        %convert_element_type3A_177 = arith.extui %eq3A_140 : i1 to i32
        %cond3A_178 = arith.constant 0 : i32
        %cond3A_179 = arith.cmpi ne, %convert_element_type3A_177, %cond3A_178 : i32
        scf.if %cond3A_179 {
          "tpu.trace_start"() <{level = 10 : i32, message = "ep_finalize"}> : () -> ()
          %rem3A_180 = arith.constant 2 : i32
          %rem3A_181 = arith.remui %while3A_122#7, %rem3A_180 : i32
          %mul3A_182 = arith.constant 128 : i32
          %mul3A_183 = arith.muli %mul3A_182, %add3A_141 : i32
          %dma_wait3A = arith.constant 0 : i32
          %dma_wait3A_184 = arith.constant 0 : i32
          %dma_wait3A_185 = tpu.memref_slice %run_scoped3A_22[%rem3A_181, %dma_wait3A, %dma_wait3A_184] : memref<2x128x144xf32, #tpu.memory_space<vmem>> -> memref<1x128x144xf32, #tpu.memory_space<vmem>>
          %dma_wait3A_186 = tpu.memref_squeeze %dma_wait3A_185 : memref<1x128x144xf32, #tpu.memory_space<vmem>> -> memref<128x144xf32, #tpu.memory_space<vmem>>
          %dma_wait3A_187 = arith.constant 0 : i32
          %dma_wait3A_188 = tpu.memref_slice %arg6[%mul3A_183, %dma_wait3A_187] : memref<320000x144xf32, #tpu.memory_space<hbm>> -> memref<128x144xf32, #tpu.memory_space<hbm>>
          %dma_wait3A_189 = tpu.memref_slice %run_scoped3A_23[%rem3A_181] : memref<2x!tpu.dma_semaphore, #tpu.memory_space<semaphore_mem>> -> memref<1x!tpu.dma_semaphore, #tpu.memory_space<semaphore_mem>>
          %dma_wait3A_190 = tpu.memref_squeeze %dma_wait3A_189 : memref<1x!tpu.dma_semaphore, #tpu.memory_space<semaphore_mem>> -> memref<!tpu.dma_semaphore, #tpu.memory_space<semaphore_mem>>
          %dma_wait3A_191 = arith.constant 0 : i32
          %dma_wait3A_192 = tpu.memref_slice %arg6[%mul3A_183, %dma_wait3A_191] : memref<320000x144xf32, #tpu.memory_space<hbm>> -> memref<128x144xf32, #tpu.memory_space<hbm>>
          %dma_wait3A_193 = arith.constant 0 : i32
          %dma_wait3A_194 = arith.constant 0 : i32
          %dma_wait3A_195 = tpu.memref_slice %run_scoped3A_22[%rem3A_181, %dma_wait3A_193, %dma_wait3A_194] : memref<2x128x144xf32, #tpu.memory_space<vmem>> -> memref<1x128x144xf32, #tpu.memory_space<vmem>>
          %dma_wait3A_196 = tpu.memref_squeeze %dma_wait3A_195 : memref<1x128x144xf32, #tpu.memory_space<vmem>> -> memref<128x144xf32, #tpu.memory_space<vmem>>
          tpu.wait_dma2 semaphore(%dma_wait3A_190 : memref<!tpu.dma_semaphore, #tpu.memory_space<semaphore_mem>>) src(%dma_wait3A_196 : memref<128x144xf32, #tpu.memory_space<vmem>>) dst(%dma_wait3A_192 : memref<128x144xf32, #tpu.memory_space<hbm>>)
          "tpu.trace_stop"() : () -> ()
        } else {
        }
      } else {
      }
      tpu.yield
    }) : () -> ()
    return
  }
}

module attributes {stable_mosaic.version = 14 : i64} {
  func.func @_edge_mlp_kernel(%arg0: i32, %arg1: memref<512x144xf32, #tpu.memory_space<vmem>>, %arg2: memref<512x144xf32, #tpu.memory_space<vmem>>, %arg3: memref<512x2xi32, #tpu.memory_space<vmem>>, %arg4: memref<256x32xf32, #tpu.memory_space<vmem>>, %arg5: memref<1x32xf32, #tpu.memory_space<vmem>>, %arg6: memref<1x32xf32, #tpu.memory_space<vmem>>, %arg7: memref<256x128xf32, #tpu.memory_space<vmem>>, %arg8: memref<32x128xf32, #tpu.memory_space<vmem>>, %arg9: memref<1x128xf32, #tpu.memory_space<vmem>>, %arg10: memref<1x128xf32, #tpu.memory_space<vmem>>, %arg11: memref<128x64xf32, #tpu.memory_space<vmem>>, %arg12: memref<1x64xf32, #tpu.memory_space<vmem>>, %arg13: memref<64x4xf32, #tpu.memory_space<vmem>>, %arg14: memref<1x4xf32, #tpu.memory_space<vmem>>, %arg15: memref<512x64xf32, #tpu.memory_space<vmem>>, %arg16: memref<512x16xf32, #tpu.memory_space<vmem>>) attributes {dimension_semantics = [#tpu.dimension_semantics<arbitrary>], iteration_bounds = array<i64: 625>, scalar_prefetch = 0 : i64, scratch_operands = 0 : i64, tpu.core_type = #tpu.core_type<tc>, window_params = [{transform_indices = @transform_0, window_bounds = array<i64: 512, 144>}, {transform_indices = @transform_1, window_bounds = array<i64: 512, 144>}, {transform_indices = @transform_2, window_bounds = array<i64: 512, 2>}, {pipeline_mode = #tpu.pipeline_mode<synchronous>, transform_indices = @transform_3, window_bounds = array<i64: 256, 32>}, {pipeline_mode = #tpu.pipeline_mode<synchronous>, transform_indices = @transform_4, window_bounds = array<i64: 1, 32>}, {pipeline_mode = #tpu.pipeline_mode<synchronous>, transform_indices = @transform_5, window_bounds = array<i64: 1, 32>}, {pipeline_mode = #tpu.pipeline_mode<synchronous>, transform_indices = @transform_6, window_bounds = array<i64: 256, 128>}, {pipeline_mode = #tpu.pipeline_mode<synchronous>, transform_indices = @transform_7, window_bounds = array<i64: 32, 128>}, {pipeline_mode = #tpu.pipeline_mode<synchronous>, transform_indices = @transform_8, window_bounds = array<i64: 1, 128>}, {pipeline_mode = #tpu.pipeline_mode<synchronous>, transform_indices = @transform_9, window_bounds = array<i64: 1, 128>}, {pipeline_mode = #tpu.pipeline_mode<synchronous>, transform_indices = @transform_10, window_bounds = array<i64: 128, 64>}, {pipeline_mode = #tpu.pipeline_mode<synchronous>, transform_indices = @transform_11, window_bounds = array<i64: 1, 64>}, {pipeline_mode = #tpu.pipeline_mode<synchronous>, transform_indices = @transform_12, window_bounds = array<i64: 64, 4>}, {pipeline_mode = #tpu.pipeline_mode<synchronous>, transform_indices = @transform_13, window_bounds = array<i64: 1, 4>}, {transform_indices = @transform_14, window_bounds = array<i64: 512, 64>}, {transform_indices = @transform_15, window_bounds = array<i64: 512, 16>}]} {
    %get3A = arith.constant 0 : index
    %get3A_0 = arith.constant 0 : index
    %get3A_1 = vector.load %arg1[%get3A, %get3A_0] : memref<512x144xf32, #tpu.memory_space<vmem>>, vector<512x128xf32>
    %get3A_2 = arith.constant 0 : index
    %get3A_3 = arith.constant 0 : index
    %get3A_4 = vector.load %arg2[%get3A_2, %get3A_3] : memref<512x144xf32, #tpu.memory_space<vmem>>, vector<512x128xf32>
    %get3A_5 = arith.constant 0 : index
    %get3A_6 = arith.constant 128 : index
    %get3A_7 = vector.load %arg1[%get3A_5, %get3A_6] : memref<512x144xf32, #tpu.memory_space<vmem>>, vector<512x3xf32>
    %get3A_8 = arith.constant 0 : index
    %get3A_9 = arith.constant 128 : index
    %get3A_10 = vector.load %arg2[%get3A_8, %get3A_9] : memref<512x144xf32, #tpu.memory_space<vmem>>, vector<512x3xf32>
    %sub3A = arith.subf %get3A_7, %get3A_10 : vector<512x3xf32>
    %mul3A = arith.mulf %sub3A, %sub3A : vector<512x3xf32>
    %reduce_sum3A = arith.constant dense<0.000000e+00> : vector<512xf32>
    %reduce_sum3A_11 = vector.multi_reduction <add>, %mul3A, %reduce_sum3A [1] : vector<512x3xf32> to vector<512xf32>
    %broadcast_in_dim3A = vector.shape_cast %reduce_sum3A_11 : vector<512xf32> to vector<512x1xf32>
    %add3A = arith.constant 9.99999993E-9 : f32
    %add3A_12 = vector.broadcast %add3A : f32 to vector<512x1xf32>
    %add3A_13 = arith.addf %broadcast_in_dim3A, %add3A_12 : vector<512x1xf32>
    %sqrt3A = math.sqrt %add3A_13 : vector<512x1xf32>
    %add3A_14 = arith.constant 9.99999993E-9 : f32
    %add3A_15 = vector.broadcast %add3A_14 : f32 to vector<512x1xf32>
    %add3A_16 = arith.addf %sqrt3A, %add3A_15 : vector<512x1xf32>
    %div3A = vector.broadcast %add3A_16 : vector<512x1xf32> to vector<512x3xf32>
    %div3A_17 = arith.divf %sub3A, %div3A : vector<512x3xf32>
    %neg3A = arith.constant 0.000000e+00 : f32
    %neg3A_18 = vector.broadcast %neg3A : f32 to vector<512x1xf32>
    %neg3A_19 = arith.subf %neg3A_18, %sqrt3A : vector<512x1xf32>
    %exp3A = math.exp %neg3A_19 : vector<512x1xf32>
    %get3A_20 = arith.constant 0 : index
    %get3A_21 = arith.constant 0 : index
    %get3A_22 = vector.load %arg6[%get3A_20, %get3A_21] : memref<1x32xf32, #tpu.memory_space<vmem>>, vector<1x32xf32>
    %sub3A_23 = vector.broadcast %exp3A : vector<512x1xf32> to vector<512x32xf32>
    %sub3A_24 = vector.broadcast %get3A_22 : vector<1x32xf32> to vector<512x32xf32>
    %sub3A_25 = arith.subf %sub3A_23, %sub3A_24 : vector<512x32xf32>
    %integer_pow3A = arith.mulf %sub3A_25, %sub3A_25 : vector<512x32xf32>
    %mul3A_26 = arith.constant -259.485016 : f32
    %mul3A_27 = vector.broadcast %mul3A_26 : f32 to vector<512x32xf32>
    %mul3A_28 = arith.mulf %mul3A_27, %integer_pow3A : vector<512x32xf32>
    %exp3A_29 = math.exp %mul3A_28 : vector<512x32xf32>
    %get3A_30 = arith.constant 0 : index
    %get3A_31 = arith.constant 0 : index
    %get3A_32 = vector.load %arg4[%get3A_30, %get3A_31] : memref<256x32xf32, #tpu.memory_space<vmem>>, vector<128x32xf32>
    %dot_general3A = arith.constant dense<0.000000e+00> : vector<512x32xf32>
    %dot_general3A_33 = tpu.matmul %get3A_1, %get3A_32, %dot_general3A {dimension_numbers = #tpu.dot_dimension_numbers<[1], [0], [0], [1], [0, 0, 1, 1], [], []>, transpose_lhs_hint = false} : vector<512x128xf32>, vector<128x32xf32>, vector<512x32xf32> -> vector<512x32xf32>
    %get3A_34 = arith.constant 128 : index
    %get3A_35 = arith.constant 0 : index
    %get3A_36 = vector.load %arg4[%get3A_34, %get3A_35] : memref<256x32xf32, #tpu.memory_space<vmem>>, vector<128x32xf32>
    %dot_general3A_37 = arith.constant dense<0.000000e+00> : vector<512x32xf32>
    %dot_general3A_38 = tpu.matmul %get3A_4, %get3A_36, %dot_general3A_37 {dimension_numbers = #tpu.dot_dimension_numbers<[1], [0], [0], [1], [0, 0, 1, 1], [], []>, transpose_lhs_hint = false} : vector<512x128xf32>, vector<128x32xf32>, vector<512x32xf32> -> vector<512x32xf32>
    %add3A_39 = arith.addf %dot_general3A_33, %dot_general3A_38 : vector<512x32xf32>
    %get3A_40 = arith.constant 0 : index
    %get3A_41 = arith.constant 0 : index
    %get3A_42 = vector.load %arg5[%get3A_40, %get3A_41] : memref<1x32xf32, #tpu.memory_space<vmem>>, vector<1x32xf32>
    %add3A_43 = vector.broadcast %get3A_42 : vector<1x32xf32> to vector<512x32xf32>
    %add3A_44 = arith.addf %add3A_39, %add3A_43 : vector<512x32xf32>
    %mul3A_45 = arith.mulf %exp3A_29, %add3A_44 : vector<512x32xf32>
    %get3A_46 = arith.constant 0 : index
    %get3A_47 = arith.constant 0 : index
    %get3A_48 = vector.load %arg7[%get3A_46, %get3A_47] : memref<256x128xf32, #tpu.memory_space<vmem>>, vector<128x128xf32>
    %dot_general3A_49 = arith.constant dense<0.000000e+00> : vector<512x128xf32>
    %dot_general3A_50 = tpu.matmul %get3A_1, %get3A_48, %dot_general3A_49 {dimension_numbers = #tpu.dot_dimension_numbers<[1], [0], [0], [1], [0, 0, 1, 1], [], []>, transpose_lhs_hint = false} : vector<512x128xf32>, vector<128x128xf32>, vector<512x128xf32> -> vector<512x128xf32>
    %get3A_51 = arith.constant 128 : index
    %get3A_52 = arith.constant 0 : index
    %get3A_53 = vector.load %arg7[%get3A_51, %get3A_52] : memref<256x128xf32, #tpu.memory_space<vmem>>, vector<128x128xf32>
    %dot_general3A_54 = arith.constant dense<0.000000e+00> : vector<512x128xf32>
    %dot_general3A_55 = tpu.matmul %get3A_4, %get3A_53, %dot_general3A_54 {dimension_numbers = #tpu.dot_dimension_numbers<[1], [0], [0], [1], [0, 0, 1, 1], [], []>, transpose_lhs_hint = false} : vector<512x128xf32>, vector<128x128xf32>, vector<512x128xf32> -> vector<512x128xf32>
    %add3A_56 = arith.addf %dot_general3A_50, %dot_general3A_55 : vector<512x128xf32>
    %get3A_57 = arith.constant 0 : index
    %get3A_58 = arith.constant 0 : index
    %get3A_59 = vector.load %arg8[%get3A_57, %get3A_58] : memref<32x128xf32, #tpu.memory_space<vmem>>, vector<32x128xf32>
    %dot_general3A_60 = arith.constant dense<0.000000e+00> : vector<512x128xf32>
    %dot_general3A_61 = tpu.matmul %mul3A_45, %get3A_59, %dot_general3A_60 {dimension_numbers = #tpu.dot_dimension_numbers<[1], [0], [0], [1], [0, 0, 1, 1], [], []>, transpose_lhs_hint = false} : vector<512x32xf32>, vector<32x128xf32>, vector<512x128xf32> -> vector<512x128xf32>
    %add3A_62 = arith.addf %add3A_56, %dot_general3A_61 : vector<512x128xf32>
    %get3A_63 = arith.constant 0 : index
    %get3A_64 = arith.constant 0 : index
    %get3A_65 = vector.load %arg9[%get3A_63, %get3A_64] : memref<1x128xf32, #tpu.memory_space<vmem>>, vector<1x128xf32>
    %mul3A_66 = vector.broadcast %sqrt3A : vector<512x1xf32> to vector<512x128xf32>
    %mul3A_67 = vector.broadcast %get3A_65 : vector<1x128xf32> to vector<512x128xf32>
    %mul3A_68 = arith.mulf %mul3A_66, %mul3A_67 : vector<512x128xf32>
    %add3A_69 = arith.addf %add3A_62, %mul3A_68 : vector<512x128xf32>
    %get3A_70 = arith.constant 0 : index
    %get3A_71 = arith.constant 0 : index
    %get3A_72 = vector.load %arg10[%get3A_70, %get3A_71] : memref<1x128xf32, #tpu.memory_space<vmem>>, vector<1x128xf32>
    %add3A_73 = vector.broadcast %get3A_72 : vector<1x128xf32> to vector<512x128xf32>
    %add3A_74 = arith.addf %add3A_69, %add3A_73 : vector<512x128xf32>
    %neg3A_75 = arith.constant 0.000000e+00 : f32
    %neg3A_76 = vector.broadcast %neg3A_75 : f32 to vector<512x128xf32>
    %neg3A_77 = arith.subf %neg3A_76, %add3A_74 : vector<512x128xf32>
    %exp3A_78 = math.exp %neg3A_77 : vector<512x128xf32>
    %add3A_79 = arith.constant 1.000000e+00 : f32
    %add3A_80 = vector.broadcast %add3A_79 : f32 to vector<512x128xf32>
    %add3A_81 = arith.addf %add3A_80, %exp3A_78 : vector<512x128xf32>
    %div3A_82 = arith.constant 1.000000e+00 : f32
    %div3A_83 = vector.broadcast %div3A_82 : f32 to vector<512x128xf32>
    %div3A_84 = arith.divf %div3A_83, %add3A_81 : vector<512x128xf32>
    %mul3A_85 = arith.mulf %add3A_74, %div3A_84 : vector<512x128xf32>
    %reduce_sum3A_86 = arith.constant dense<0.000000e+00> : vector<512xf32>
    %reduce_sum3A_87 = vector.multi_reduction <add>, %mul3A_85, %reduce_sum3A_86 [1] : vector<512x128xf32> to vector<512xf32>
    %broadcast_in_dim3A_88 = vector.shape_cast %reduce_sum3A_87 : vector<512xf32> to vector<512x1xf32>
    %div3A_89 = arith.constant 1.280000e+02 : f32
    %div3A_90 = vector.broadcast %div3A_89 : f32 to vector<512x1xf32>
    %div3A_91 = arith.divf %broadcast_in_dim3A_88, %div3A_90 : vector<512x1xf32>
    %sub3A_92 = vector.broadcast %div3A_91 : vector<512x1xf32> to vector<512x128xf32>
    %sub3A_93 = arith.subf %mul3A_85, %sub3A_92 : vector<512x128xf32>
    %integer_pow3A_94 = arith.mulf %sub3A_93, %sub3A_93 : vector<512x128xf32>
    %reduce_sum3A_95 = arith.constant dense<0.000000e+00> : vector<512xf32>
    %reduce_sum3A_96 = vector.multi_reduction <add>, %integer_pow3A_94, %reduce_sum3A_95 [1] : vector<512x128xf32> to vector<512xf32>
    %broadcast_in_dim3A_97 = vector.shape_cast %reduce_sum3A_96 : vector<512xf32> to vector<512x1xf32>
    %div3A_98 = arith.constant 1.280000e+02 : f32
    %div3A_99 = vector.broadcast %div3A_98 : f32 to vector<512x1xf32>
    %div3A_100 = arith.divf %broadcast_in_dim3A_97, %div3A_99 : vector<512x1xf32>
    %sub3A_101 = vector.broadcast %div3A_91 : vector<512x1xf32> to vector<512x128xf32>
    %sub3A_102 = arith.subf %mul3A_85, %sub3A_101 : vector<512x128xf32>
    %add3A_103 = arith.constant 9.99999974E-6 : f32
    %add3A_104 = vector.broadcast %add3A_103 : f32 to vector<512x1xf32>
    %add3A_105 = arith.addf %div3A_100, %add3A_104 : vector<512x1xf32>
    %sqrt3A_106 = math.sqrt %add3A_105 : vector<512x1xf32>
    %div3A_107 = vector.broadcast %sqrt3A_106 : vector<512x1xf32> to vector<512x128xf32>
    %div3A_108 = arith.divf %sub3A_102, %div3A_107 : vector<512x128xf32>
    %get3A_109 = arith.constant 0 : index
    %get3A_110 = arith.constant 0 : index
    %get3A_111 = vector.load %arg11[%get3A_109, %get3A_110] : memref<128x64xf32, #tpu.memory_space<vmem>>, vector<128x64xf32>
    %dot_general3A_112 = arith.constant dense<0.000000e+00> : vector<512x64xf32>
    %dot_general3A_113 = tpu.matmul %div3A_108, %get3A_111, %dot_general3A_112 {dimension_numbers = #tpu.dot_dimension_numbers<[1], [0], [0], [1], [0, 0, 1, 1], [], []>, transpose_lhs_hint = false} : vector<512x128xf32>, vector<128x64xf32>, vector<512x64xf32> -> vector<512x64xf32>
    %get3A_114 = arith.constant 0 : index
    %get3A_115 = arith.constant 0 : index
    %get3A_116 = vector.load %arg12[%get3A_114, %get3A_115] : memref<1x64xf32, #tpu.memory_space<vmem>>, vector<1x64xf32>
    %add3A_117 = vector.broadcast %get3A_116 : vector<1x64xf32> to vector<512x64xf32>
    %add3A_118 = arith.addf %dot_general3A_113, %add3A_117 : vector<512x64xf32>
    %reduce_sum3A_119 = arith.constant dense<0.000000e+00> : vector<512xf32>
    %reduce_sum3A_120 = vector.multi_reduction <add>, %add3A_118, %reduce_sum3A_119 [1] : vector<512x64xf32> to vector<512xf32>
    %broadcast_in_dim3A_121 = vector.shape_cast %reduce_sum3A_120 : vector<512xf32> to vector<512x1xf32>
    %div3A_122 = arith.constant 6.400000e+01 : f32
    %div3A_123 = vector.broadcast %div3A_122 : f32 to vector<512x1xf32>
    %div3A_124 = arith.divf %broadcast_in_dim3A_121, %div3A_123 : vector<512x1xf32>
    %sub3A_125 = vector.broadcast %div3A_124 : vector<512x1xf32> to vector<512x64xf32>
    %sub3A_126 = arith.subf %add3A_118, %sub3A_125 : vector<512x64xf32>
    %integer_pow3A_127 = arith.mulf %sub3A_126, %sub3A_126 : vector<512x64xf32>
    %reduce_sum3A_128 = arith.constant dense<0.000000e+00> : vector<512xf32>
    %reduce_sum3A_129 = vector.multi_reduction <add>, %integer_pow3A_127, %reduce_sum3A_128 [1] : vector<512x64xf32> to vector<512xf32>
    %broadcast_in_dim3A_130 = vector.shape_cast %reduce_sum3A_129 : vector<512xf32> to vector<512x1xf32>
    %div3A_131 = arith.constant 6.400000e+01 : f32
    %div3A_132 = vector.broadcast %div3A_131 : f32 to vector<512x1xf32>
    %div3A_133 = arith.divf %broadcast_in_dim3A_130, %div3A_132 : vector<512x1xf32>
    %sub3A_134 = vector.broadcast %div3A_124 : vector<512x1xf32> to vector<512x64xf32>
    %sub3A_135 = arith.subf %add3A_118, %sub3A_134 : vector<512x64xf32>
    %add3A_136 = arith.constant 9.99999974E-6 : f32
    %add3A_137 = vector.broadcast %add3A_136 : f32 to vector<512x1xf32>
    %add3A_138 = arith.addf %div3A_133, %add3A_137 : vector<512x1xf32>
    %sqrt3A_139 = math.sqrt %add3A_138 : vector<512x1xf32>
    %div3A_140 = vector.broadcast %sqrt3A_139 : vector<512x1xf32> to vector<512x64xf32>
    %div3A_141 = arith.divf %sub3A_135, %div3A_140 : vector<512x64xf32>
    %get3A_142 = arith.constant 0 : index
    %get3A_143 = arith.constant 0 : index
    %get3A_144 = vector.load %arg13[%get3A_142, %get3A_143] : memref<64x4xf32, #tpu.memory_space<vmem>>, vector<64x4xf32>
    %dot_general3A_145 = arith.constant dense<0.000000e+00> : vector<512x4xf32>
    %dot_general3A_146 = tpu.matmul %div3A_141, %get3A_144, %dot_general3A_145 {dimension_numbers = #tpu.dot_dimension_numbers<[1], [0], [0], [1], [0, 0, 1, 1], [], []>, transpose_lhs_hint = false} : vector<512x64xf32>, vector<64x4xf32>, vector<512x4xf32> -> vector<512x4xf32>
    %get3A_147 = arith.constant 0 : index
    %get3A_148 = arith.constant 0 : index
    %get3A_149 = vector.load %arg14[%get3A_147, %get3A_148] : memref<1x4xf32, #tpu.memory_space<vmem>>, vector<1x4xf32>
    %add3A_150 = vector.broadcast %get3A_149 : vector<1x4xf32> to vector<512x4xf32>
    %add3A_151 = arith.addf %dot_general3A_146, %add3A_150 : vector<512x4xf32>
    %max3A = arith.constant 0.000000e+00 : f32
    %max3A_152 = vector.broadcast %max3A : f32 to vector<512x4xf32>
    %max3A_153 = arith.maximumf %add3A_151, %max3A_152 : vector<512x4xf32>
    %mul3A_154 = arith.constant 5.000000e-01 : f32
    %mul3A_155 = vector.broadcast %mul3A_154 : f32 to vector<512x4xf32>
    %mul3A_156 = arith.mulf %add3A_151, %mul3A_155 : vector<512x4xf32>
    %exp3A_157 = math.exp %mul3A_156 : vector<512x4xf32>
    %sub3A_158 = arith.constant 1.000000e+00 : f32
    %sub3A_159 = vector.broadcast %sub3A_158 : f32 to vector<512x4xf32>
    %sub3A_160 = arith.subf %exp3A_157, %sub3A_159 : vector<512x4xf32>
    %mul3A_161 = arith.constant 2.000000e+00 : f32
    %mul3A_162 = vector.broadcast %mul3A_161 : f32 to vector<512x4xf32>
    %mul3A_163 = arith.mulf %mul3A_162, %sub3A_160 : vector<512x4xf32>
    %min3A = arith.constant 0.000000e+00 : f32
    %min3A_164 = vector.broadcast %min3A : f32 to vector<512x4xf32>
    %min3A_165 = arith.minimumf %min3A_164, %mul3A_163 : vector<512x4xf32>
    %add3A_166 = arith.addf %max3A_153, %min3A_165 : vector<512x4xf32>
    %get3A_167 = arith.constant 0 : index
    %get3A_168 = arith.constant 0 : index
    %get3A_169 = vector.load %arg3[%get3A_167, %get3A_168] : memref<512x2xi32, #tpu.memory_space<vmem>>, vector<512x1xi32>
    %get3A_170 = arith.constant 0 : index
    %get3A_171 = arith.constant 1 : index
    %get3A_172 = vector.load %arg3[%get3A_170, %get3A_171] : memref<512x2xi32, #tpu.memory_space<vmem>>, vector<512x1xi32>
    %eq3A = arith.cmpi eq, %get3A_169, %get3A_172 : vector<512x1xi32>
    %exp3A_173 = math.exp %add3A_166 : vector<512x4xf32>
    %jit3A = arith.constant 0.000000e+00 : f32
    %broadcast_in_dim3A_174 = vector.shape_cast %eq3A : vector<512x1xi1> to vector<512x1xi1>
    %broadcast_in_dim3A_175 = vector.broadcast %broadcast_in_dim3A_174 : vector<512x1xi1> to vector<512x4xi1>
    %broadcast_in_dim3A_176 = vector.broadcast %jit3A : f32 to vector<512x4xf32>
    %select_n3A = arith.select %broadcast_in_dim3A_175, %broadcast_in_dim3A_176, %exp3A_173 : vector<512x4xi1>, vector<512x4xf32>
    %broadcast_in_dim3A_177 = arith.constant 1.000000e+00 : f32
    %broadcast_in_dim3A_178 = vector.broadcast %broadcast_in_dim3A_177 : f32 to vector<512x1xf32>
    %broadcast_in_dim3A_179 = arith.constant 0.000000e+00 : f32
    %broadcast_in_dim3A_180 = vector.broadcast %broadcast_in_dim3A_179 : f32 to vector<512x8xf32>
    %swap3A = arith.constant 0 : index
    %swap3A_181 = arith.constant 0 : index
    %swap3A_182 = vector.load %arg15[%swap3A, %swap3A_181] : memref<512x64xf32, #tpu.memory_space<vmem>>, vector<512x64xf32>
    tpu.vector_store %arg15[%swap3A, %swap3A_181], %div3A_141 {strides = array<i32>} : memref<512x64xf32, #tpu.memory_space<vmem>>, vector<512x64xf32>,
    %concatenate3A = tpu.concatenate %select_n3A, %div3A_17, %broadcast_in_dim3A_178, %broadcast_in_dim3A_180 in 1 : vector<512x4xf32>, vector<512x3xf32>, vector<512x1xf32>, vector<512x8xf32> -> vector<512x16xf32>
    %swap3A_183 = arith.constant 0 : index
    %swap3A_184 = arith.constant 0 : index
    %swap3A_185 = vector.load %arg16[%swap3A_183, %swap3A_184] : memref<512x16xf32, #tpu.memory_space<vmem>>, vector<512x16xf32>
    tpu.vector_store %arg16[%swap3A_183, %swap3A_184], %concatenate3A {strides = array<i32>} : memref<512x16xf32, #tpu.memory_space<vmem>>, vector<512x16xf32>,
    return
  }
  func.func @transform_0(%arg0: i32) -> (i32, i32) {
    %c0_i32 = arith.constant 0 : i32
    %c0_i32_0 = arith.constant 0 : i32
    return %arg0, %c0_i32 : i32, i32
  }
  func.func @transform_1(%arg0: i32) -> (i32, i32) {
    %c0_i32 = arith.constant 0 : i32
    %c0_i32_0 = arith.constant 0 : i32
    return %arg0, %c0_i32 : i32, i32
  }
  func.func @transform_2(%arg0: i32) -> (i32, i32) {
    %c0_i32 = arith.constant 0 : i32
    %c0_i32_0 = arith.constant 0 : i32
    return %arg0, %c0_i32 : i32, i32
  }
  func.func @transform_3(%arg0: i32) -> (i32, i32) {
    %c0_i32 = arith.constant 0 : i32
    %c0_i32_0 = arith.constant 0 : i32
    %c0_i32_1 = arith.constant 0 : i32
    return %c0_i32, %c0_i32_0 : i32, i32
  }
  func.func @transform_4(%arg0: i32) -> (i32, i32) {
    %c0_i32 = arith.constant 0 : i32
    %c0_i32_0 = arith.constant 0 : i32
    %c0_i32_1 = arith.constant 0 : i32
    return %c0_i32, %c0_i32_0 : i32, i32
  }
  func.func @transform_5(%arg0: i32) -> (i32, i32) {
    %c0_i32 = arith.constant 0 : i32
    %c0_i32_0 = arith.constant 0 : i32
    %c0_i32_1 = arith.constant 0 : i32
    return %c0_i32, %c0_i32_0 : i32, i32
  }
  func.func @transform_6(%arg0: i32) -> (i32, i32) {
    %c0_i32 = arith.constant 0 : i32
    %c0_i32_0 = arith.constant 0 : i32
    %c0_i32_1 = arith.constant 0 : i32
    return %c0_i32, %c0_i32_0 : i32, i32
  }
  func.func @transform_7(%arg0: i32) -> (i32, i32) {
    %c0_i32 = arith.constant 0 : i32
    %c0_i32_0 = arith.constant 0 : i32
    %c0_i32_1 = arith.constant 0 : i32
    return %c0_i32, %c0_i32_0 : i32, i32
  }
  func.func @transform_8(%arg0: i32) -> (i32, i32) {
    %c0_i32 = arith.constant 0 : i32
    %c0_i32_0 = arith.constant 0 : i32
    %c0_i32_1 = arith.constant 0 : i32
    return %c0_i32, %c0_i32_0 : i32, i32
  }
  func.func @transform_9(%arg0: i32) -> (i32, i32) {
    %c0_i32 = arith.constant 0 : i32
    %c0_i32_0 = arith.constant 0 : i32
    %c0_i32_1 = arith.constant 0 : i32
    return %c0_i32, %c0_i32_0 : i32, i32
  }
  func.func @transform_10(%arg0: i32) -> (i32, i32) {
    %c0_i32 = arith.constant 0 : i32
    %c0_i32_0 = arith.constant 0 : i32
    %c0_i32_1 = arith.constant 0 : i32
    return %c0_i32, %c0_i32_0 : i32, i32
  }
  func.func @transform_11(%arg0: i32) -> (i32, i32) {
    %c0_i32 = arith.constant 0 : i32
    %c0_i32_0 = arith.constant 0 : i32
    %c0_i32_1 = arith.constant 0 : i32
    return %c0_i32, %c0_i32_0 : i32, i32
  }
  func.func @transform_12(%arg0: i32) -> (i32, i32) {
    %c0_i32 = arith.constant 0 : i32
    %c0_i32_0 = arith.constant 0 : i32
    %c0_i32_1 = arith.constant 0 : i32
    return %c0_i32, %c0_i32_0 : i32, i32
  }
  func.func @transform_13(%arg0: i32) -> (i32, i32) {
    %c0_i32 = arith.constant 0 : i32
    %c0_i32_0 = arith.constant 0 : i32
    %c0_i32_1 = arith.constant 0 : i32
    return %c0_i32, %c0_i32_0 : i32, i32
  }
  func.func @transform_14(%arg0: i32) -> (i32, i32) {
    %c0_i32 = arith.constant 0 : i32
    %c0_i32_0 = arith.constant 0 : i32
    return %arg0, %c0_i32 : i32, i32
  }
  func.func @transform_15(%arg0: i32) -> (i32, i32) {
    %c0_i32 = arith.constant 0 : i32
    %c0_i32_0 = arith.constant 0 : i32
    return %arg0, %c0_i32 : i32, i32
  }
}

module attributes {stable_mosaic.version = 14 : i64} {
  func.func @_edge2_kernel(%arg0: i32, %arg1: memref<512x64xf32, #tpu.memory_space<vmem>>, %arg2: memref<512x16xf32, #tpu.memory_space<vmem>>, %arg3: memref<512x16xf32, #tpu.memory_space<vmem>>, %arg4: memref<64x256xf32, #tpu.memory_space<vmem>>, %arg5: memref<4x256xf32, #tpu.memory_space<vmem>>, %arg6: memref<256x32xf32, #tpu.memory_space<vmem>>, %arg7: memref<32x96xf32, #tpu.memory_space<vmem>>, %arg8: memref<3x96xf32, #tpu.memory_space<vmem>>, %arg9: memref<512x96xf32, #tpu.memory_space<vmem>>, %arg10: memref<512x96xf32, #tpu.memory_space<vmem>>, %arg11: memref<512x96xf32, #tpu.memory_space<vmem>>, %arg12: memref<512x96xf32, #tpu.memory_space<vmem>>) attributes {dimension_semantics = [#tpu.dimension_semantics<arbitrary>], iteration_bounds = array<i64: 625>, scalar_prefetch = 0 : i64, scratch_operands = 0 : i64, tpu.core_type = #tpu.core_type<tc>, window_params = [{transform_indices = @transform_0, window_bounds = array<i64: 512, 64>}, {transform_indices = @transform_1, window_bounds = array<i64: 512, 16>}, {transform_indices = @transform_2, window_bounds = array<i64: 512, 16>}, {pipeline_mode = #tpu.pipeline_mode<synchronous>, transform_indices = @transform_3, window_bounds = array<i64: 64, 256>}, {pipeline_mode = #tpu.pipeline_mode<synchronous>, transform_indices = @transform_4, window_bounds = array<i64: 4, 256>}, {pipeline_mode = #tpu.pipeline_mode<synchronous>, transform_indices = @transform_5, window_bounds = array<i64: 256, 32>}, {pipeline_mode = #tpu.pipeline_mode<synchronous>, transform_indices = @transform_6, window_bounds = array<i64: 32, 96>}, {pipeline_mode = #tpu.pipeline_mode<synchronous>, transform_indices = @transform_7, window_bounds = array<i64: 3, 96>}, {transform_indices = @transform_8, window_bounds = array<i64: 512, 96>}, {transform_indices = @transform_9, window_bounds = array<i64: 512, 96>}, {transform_indices = @transform_10, window_bounds = array<i64: 512, 96>}, {transform_indices = @transform_11, window_bounds = array<i64: 512, 96>}]} {
    %get3A = arith.constant 0 : index
    %get3A_0 = arith.constant 0 : index
    %get3A_1 = vector.load %arg2[%get3A, %get3A_0] : memref<512x16xf32, #tpu.memory_space<vmem>>, vector<512x4xf32>
    %get3A_2 = arith.constant 0 : index
    %get3A_3 = arith.constant 0 : index
    %get3A_4 = vector.load %arg3[%get3A_2, %get3A_3] : memref<512x16xf32, #tpu.memory_space<vmem>>, vector<512x4xf32>
    %max3A = arith.constant 1.000000e-30 : f32
    %max3A_5 = vector.broadcast %max3A : f32 to vector<512x4xf32>
    %max3A_6 = arith.maximumf %get3A_4, %max3A_5 : vector<512x4xf32>
    %div3A = arith.divf %get3A_1, %max3A_6 : vector<512x4xf32>
    %get3A_7 = arith.constant 0 : index
    %get3A_8 = arith.constant 0 : index
    %get3A_9 = vector.load %arg1[%get3A_7, %get3A_8] : memref<512x64xf32, #tpu.memory_space<vmem>>, vector<512x64xf32>
    %get3A_10 = arith.constant 0 : index
    %get3A_11 = arith.constant 0 : index
    %get3A_12 = vector.load %arg4[%get3A_10, %get3A_11] : memref<64x256xf32, #tpu.memory_space<vmem>>, vector<64x256xf32>
    %dot_general3A = arith.constant dense<0.000000e+00> : vector<512x256xf32>
    %dot_general3A_13 = tpu.matmul %get3A_9, %get3A_12, %dot_general3A {dimension_numbers = #tpu.dot_dimension_numbers<[1], [0], [0], [1], [0, 0, 1, 1], [], []>, transpose_lhs_hint = false} : vector<512x64xf32>, vector<64x256xf32>, vector<512x256xf32> -> vector<512x256xf32>
    %get3A_14 = arith.constant 0 : index
    %get3A_15 = arith.constant 0 : index
    %get3A_16 = vector.load %arg5[%get3A_14, %get3A_15] : memref<4x256xf32, #tpu.memory_space<vmem>>, vector<4x256xf32>
    %dot_general3A_17 = arith.constant dense<0.000000e+00> : vector<512x256xf32>
    %dot_general3A_18 = tpu.matmul %div3A, %get3A_16, %dot_general3A_17 {dimension_numbers = #tpu.dot_dimension_numbers<[1], [0], [0], [1], [0, 0, 1, 1], [], []>, transpose_lhs_hint = false} : vector<512x4xf32>, vector<4x256xf32>, vector<512x256xf32> -> vector<512x256xf32>
    %mul3A = arith.mulf %dot_general3A_13, %dot_general3A_18 : vector<512x256xf32>
    %get3A_19 = arith.constant 0 : index
    %get3A_20 = arith.constant 0 : index
    %get3A_21 = vector.load %arg6[%get3A_19, %get3A_20] : memref<256x32xf32, #tpu.memory_space<vmem>>, vector<256x32xf32>
    %dot_general3A_22 = arith.constant dense<0.000000e+00> : vector<512x32xf32>
    %dot_general3A_23 = tpu.matmul %mul3A, %get3A_21, %dot_general3A_22 {dimension_numbers = #tpu.dot_dimension_numbers<[1], [0], [0], [1], [0, 0, 1, 1], [], []>, transpose_lhs_hint = false} : vector<512x256xf32>, vector<256x32xf32>, vector<512x32xf32> -> vector<512x32xf32>
    %tanh3A = math.tanh %dot_general3A_23 : vector<512x32xf32>
    %reduce_sum3A = arith.constant dense<0.000000e+00> : vector<512xf32>
    %reduce_sum3A_24 = vector.multi_reduction <add>, %tanh3A, %reduce_sum3A [1] : vector<512x32xf32> to vector<512xf32>
    %broadcast_in_dim3A = vector.shape_cast %reduce_sum3A_24 : vector<512xf32> to vector<512x1xf32>
    %div3A_25 = arith.constant 3.200000e+01 : f32
    %div3A_26 = vector.broadcast %div3A_25 : f32 to vector<512x1xf32>
    %div3A_27 = arith.divf %broadcast_in_dim3A, %div3A_26 : vector<512x1xf32>
    %sub3A = vector.broadcast %div3A_27 : vector<512x1xf32> to vector<512x32xf32>
    %sub3A_28 = arith.subf %tanh3A, %sub3A : vector<512x32xf32>
    %integer_pow3A = arith.mulf %sub3A_28, %sub3A_28 : vector<512x32xf32>
    %reduce_sum3A_29 = arith.constant dense<0.000000e+00> : vector<512xf32>
    %reduce_sum3A_30 = vector.multi_reduction <add>, %integer_pow3A, %reduce_sum3A_29 [1] : vector<512x32xf32> to vector<512xf32>
    %broadcast_in_dim3A_31 = vector.shape_cast %reduce_sum3A_30 : vector<512xf32> to vector<512x1xf32>
    %div3A_32 = arith.constant 3.200000e+01 : f32
    %div3A_33 = vector.broadcast %div3A_32 : f32 to vector<512x1xf32>
    %div3A_34 = arith.divf %broadcast_in_dim3A_31, %div3A_33 : vector<512x1xf32>
    %sub3A_35 = vector.broadcast %div3A_27 : vector<512x1xf32> to vector<512x32xf32>
    %sub3A_36 = arith.subf %tanh3A, %sub3A_35 : vector<512x32xf32>
    %add3A = arith.constant 9.99999974E-6 : f32
    %add3A_37 = vector.broadcast %add3A : f32 to vector<512x1xf32>
    %add3A_38 = arith.addf %div3A_34, %add3A_37 : vector<512x1xf32>
    %sqrt3A = math.sqrt %add3A_38 : vector<512x1xf32>
    %div3A_39 = vector.broadcast %sqrt3A : vector<512x1xf32> to vector<512x32xf32>
    %div3A_40 = arith.divf %sub3A_36, %div3A_39 : vector<512x32xf32>
    %get3A_41 = arith.constant 0 : index
    %get3A_42 = arith.constant 0 : index
    %get3A_43 = vector.load %arg7[%get3A_41, %get3A_42] : memref<32x96xf32, #tpu.memory_space<vmem>>, vector<32x96xf32>
    %dot_general3A_44 = arith.constant dense<0.000000e+00> : vector<512x96xf32>
    %dot_general3A_45 = tpu.matmul %div3A_40, %get3A_43, %dot_general3A_44 {dimension_numbers = #tpu.dot_dimension_numbers<[1], [0], [0], [1], [0, 0, 1, 1], [], []>, transpose_lhs_hint = false} : vector<512x32xf32>, vector<32x96xf32>, vector<512x96xf32> -> vector<512x96xf32>
    %get3A_46 = arith.constant 0 : index
    %get3A_47 = arith.constant 4 : index
    %get3A_48 = vector.load %arg2[%get3A_46, %get3A_47] : memref<512x16xf32, #tpu.memory_space<vmem>>, vector<512x3xf32>
    %get3A_49 = arith.constant 0 : index
    %get3A_50 = arith.constant 0 : index
    %get3A_51 = vector.load %arg8[%get3A_49, %get3A_50] : memref<3x96xf32, #tpu.memory_space<vmem>>, vector<3x96xf32>
    %dot_general3A_52 = arith.constant dense<0.000000e+00> : vector<512x96xf32>
    %dot_general3A_53 = tpu.matmul %get3A_48, %get3A_51, %dot_general3A_52 {dimension_numbers = #tpu.dot_dimension_numbers<[1], [0], [0], [1], [0, 0, 1, 1], [], []>, transpose_lhs_hint = false} : vector<512x3xf32>, vector<3x96xf32>, vector<512x96xf32> -> vector<512x96xf32>
    %mul3A_54 = arith.mulf %dot_general3A_45, %dot_general3A_53 : vector<512x96xf32>
    %slice3A = vector.extract_strided_slice %mul3A {offsets = [0, 0], sizes = [512, 96], strides = [1, 1]} : vector<512x256xf32> to vector<512x96xf32>
    %swap3A = arith.constant 0 : index
    %swap3A_55 = arith.constant 0 : index
    %swap3A_56 = vector.load %arg9[%swap3A, %swap3A_55] : memref<512x96xf32, #tpu.memory_space<vmem>>, vector<512x96xf32>
    tpu.vector_store %arg9[%swap3A, %swap3A_55], %slice3A {strides = array<i32>} : memref<512x96xf32, #tpu.memory_space<vmem>>, vector<512x96xf32>,
    %slice3A_57 = vector.extract_strided_slice %mul3A {offsets = [0, 96], sizes = [512, 96], strides = [1, 1]} : vector<512x256xf32> to vector<512x96xf32>
    %swap3A_58 = arith.constant 0 : index
    %swap3A_59 = arith.constant 0 : index
    %swap3A_60 = vector.load %arg10[%swap3A_58, %swap3A_59] : memref<512x96xf32, #tpu.memory_space<vmem>>, vector<512x96xf32>
    tpu.vector_store %arg10[%swap3A_58, %swap3A_59], %slice3A_57 {strides = array<i32>} : memref<512x96xf32, #tpu.memory_space<vmem>>, vector<512x96xf32>,
    %slice3A_61 = vector.extract_strided_slice %mul3A {offsets = [0, 192], sizes = [512, 64], strides = [1, 1]} : vector<512x256xf32> to vector<512x64xf32>
    %slice3A_62 = vector.extract_strided_slice %mul3A_54 {offsets = [0, 0], sizes = [512, 32], strides = [1, 1]} : vector<512x96xf32> to vector<512x32xf32>
    %concatenate3A = tpu.concatenate %slice3A_61, %slice3A_62 in 1 : vector<512x64xf32>, vector<512x32xf32> -> vector<512x96xf32>
    %swap3A_63 = arith.constant 0 : index
    %swap3A_64 = arith.constant 0 : index
    %swap3A_65 = vector.load %arg11[%swap3A_63, %swap3A_64] : memref<512x96xf32, #tpu.memory_space<vmem>>, vector<512x96xf32>
    tpu.vector_store %arg11[%swap3A_63, %swap3A_64], %concatenate3A {strides = array<i32>} : memref<512x96xf32, #tpu.memory_space<vmem>>, vector<512x96xf32>,
    %slice3A_66 = vector.extract_strided_slice %mul3A_54 {offsets = [0, 32], sizes = [512, 64], strides = [1, 1]} : vector<512x96xf32> to vector<512x64xf32>
    %broadcast_in_dim3A_67 = arith.constant 0.000000e+00 : f32
    %broadcast_in_dim3A_68 = vector.broadcast %broadcast_in_dim3A_67 : f32 to vector<512x32xf32>
    %concatenate3A_69 = tpu.concatenate %slice3A_66, %broadcast_in_dim3A_68 in 1 : vector<512x64xf32>, vector<512x32xf32> -> vector<512x96xf32>
    %swap3A_70 = arith.constant 0 : index
    %swap3A_71 = arith.constant 0 : index
    %swap3A_72 = vector.load %arg12[%swap3A_70, %swap3A_71] : memref<512x96xf32, #tpu.memory_space<vmem>>, vector<512x96xf32>
    tpu.vector_store %arg12[%swap3A_70, %swap3A_71], %concatenate3A_69 {strides = array<i32>} : memref<512x96xf32, #tpu.memory_space<vmem>>, vector<512x96xf32>,
    return
  }
  func.func @transform_0(%arg0: i32) -> (i32, i32) {
    %c0_i32 = arith.constant 0 : i32
    %c0_i32_0 = arith.constant 0 : i32
    return %arg0, %c0_i32 : i32, i32
  }
  func.func @transform_1(%arg0: i32) -> (i32, i32) {
    %c0_i32 = arith.constant 0 : i32
    %c0_i32_0 = arith.constant 0 : i32
    return %arg0, %c0_i32 : i32, i32
  }
  func.func @transform_2(%arg0: i32) -> (i32, i32) {
    %c0_i32 = arith.constant 0 : i32
    %c0_i32_0 = arith.constant 0 : i32
    return %arg0, %c0_i32 : i32, i32
  }
  func.func @transform_3(%arg0: i32) -> (i32, i32) {
    %c0_i32 = arith.constant 0 : i32
    %c0_i32_0 = arith.constant 0 : i32
    %c0_i32_1 = arith.constant 0 : i32
    return %c0_i32, %c0_i32_0 : i32, i32
  }
  func.func @transform_4(%arg0: i32) -> (i32, i32) {
    %c0_i32 = arith.constant 0 : i32
    %c0_i32_0 = arith.constant 0 : i32
    %c0_i32_1 = arith.constant 0 : i32
    return %c0_i32, %c0_i32_0 : i32, i32
  }
  func.func @transform_5(%arg0: i32) -> (i32, i32) {
    %c0_i32 = arith.constant 0 : i32
    %c0_i32_0 = arith.constant 0 : i32
    %c0_i32_1 = arith.constant 0 : i32
    return %c0_i32, %c0_i32_0 : i32, i32
  }
  func.func @transform_6(%arg0: i32) -> (i32, i32) {
    %c0_i32 = arith.constant 0 : i32
    %c0_i32_0 = arith.constant 0 : i32
    %c0_i32_1 = arith.constant 0 : i32
    return %c0_i32, %c0_i32_0 : i32, i32
  }
  func.func @transform_7(%arg0: i32) -> (i32, i32) {
    %c0_i32 = arith.constant 0 : i32
    %c0_i32_0 = arith.constant 0 : i32
    %c0_i32_1 = arith.constant 0 : i32
    return %c0_i32, %c0_i32_0 : i32, i32
  }
  func.func @transform_8(%arg0: i32) -> (i32, i32) {
    %c0_i32 = arith.constant 0 : i32
    %c0_i32_0 = arith.constant 0 : i32
    return %arg0, %c0_i32 : i32, i32
  }
  func.func @transform_9(%arg0: i32) -> (i32, i32) {
    %c0_i32 = arith.constant 0 : i32
    %c0_i32_0 = arith.constant 0 : i32
    return %arg0, %c0_i32 : i32, i32
  }
  func.func @transform_10(%arg0: i32) -> (i32, i32) {
    %c0_i32 = arith.constant 0 : i32
    %c0_i32_0 = arith.constant 0 : i32
    return %arg0, %c0_i32 : i32, i32
  }
  func.func @transform_11(%arg0: i32) -> (i32, i32) {
    %c0_i32 = arith.constant 0 : i32
    %c0_i32_0 = arith.constant 0 : i32
    return %arg0, %c0_i32 : i32, i32
  }
}

module attributes {stable_mosaic.version = 14 : i64} {
  func.func @_node_kernel(%arg0: i32, %arg1: memref<1000x128xf32, #tpu.memory_space<vmem>>, %arg2: memref<1000x3xf32, #tpu.memory_space<vmem>>, %arg3: memref<1000x3xf32, #tpu.memory_space<vmem>>, %arg4: memref<1000x96xf32, #tpu.memory_space<vmem>>, %arg5: memref<1000x96xf32, #tpu.memory_space<vmem>>, %arg6: memref<1000x96xf32, #tpu.memory_space<vmem>>, %arg7: memref<1000x96xf32, #tpu.memory_space<vmem>>, %arg8: memref<1000x16xf32, #tpu.memory_space<vmem>>, %arg9: memref<128x128xf32, #tpu.memory_space<vmem>>, %arg10: memref<256x128xf32, #tpu.memory_space<vmem>>, %arg11: memref<32x128xf32, #tpu.memory_space<vmem>>, %arg12: memref<1x128xf32, #tpu.memory_space<vmem>>, %arg13: memref<128x128xf32, #tpu.memory_space<vmem>>, %arg14: memref<1x128xf32, #tpu.memory_space<vmem>>, %arg15: memref<96x32xf32, #tpu.memory_space<vmem>>, %arg16: memref<32x64xf32, #tpu.memory_space<vmem>>, %arg17: memref<1x64xf32, #tpu.memory_space<vmem>>, %arg18: memref<64x32xf32, #tpu.memory_space<vmem>>, %arg19: memref<1x32xf32, #tpu.memory_space<vmem>>, %arg20: memref<128x64xf32, #tpu.memory_space<vmem>>, %arg21: memref<1x64xf32, #tpu.memory_space<vmem>>, %arg22: memref<64x1xf32, #tpu.memory_space<vmem>>, %arg23: memref<96x3xf32, #tpu.memory_space<vmem>>, %arg24: memref<1000x128xf32, #tpu.memory_space<vmem>>, %arg25: memref<1000x3xf32, #tpu.memory_space<vmem>>, %arg26: memref<1000x3xf32, #tpu.memory_space<vmem>>) attributes {dimension_semantics = [#tpu.dimension_semantics<arbitrary>], iteration_bounds = array<i64: 10>, scalar_prefetch = 0 : i64, scratch_operands = 0 : i64, tpu.core_type = #tpu.core_type<tc>, window_params = [{transform_indices = @transform_0, window_bounds = array<i64: 1000, 128>}, {transform_indices = @transform_1, window_bounds = array<i64: 1000, 3>}, {transform_indices = @transform_2, window_bounds = array<i64: 1000, 3>}, {transform_indices = @transform_3, window_bounds = array<i64: 1000, 96>}, {transform_indices = @transform_4, window_bounds = array<i64: 1000, 96>}, {transform_indices = @transform_5, window_bounds = array<i64: 1000, 96>}, {transform_indices = @transform_6, window_bounds = array<i64: 1000, 96>}, {transform_indices = @transform_7, window_bounds = array<i64: 1000, 16>}, {pipeline_mode = #tpu.pipeline_mode<synchronous>, transform_indices = @transform_8, window_bounds = array<i64: 128, 128>}, {pipeline_mode = #tpu.pipeline_mode<synchronous>, transform_indices = @transform_9, window_bounds = array<i64: 256, 128>}, {pipeline_mode = #tpu.pipeline_mode<synchronous>, transform_indices = @transform_10, window_bounds = array<i64: 32, 128>}, {pipeline_mode = #tpu.pipeline_mode<synchronous>, transform_indices = @transform_11, window_bounds = array<i64: 1, 128>}, {pipeline_mode = #tpu.pipeline_mode<synchronous>, transform_indices = @transform_12, window_bounds = array<i64: 128, 128>}, {pipeline_mode = #tpu.pipeline_mode<synchronous>, transform_indices = @transform_13, window_bounds = array<i64: 1, 128>}, {pipeline_mode = #tpu.pipeline_mode<synchronous>, transform_indices = @transform_14, window_bounds = array<i64: 96, 32>}, {pipeline_mode = #tpu.pipeline_mode<synchronous>, transform_indices = @transform_15, window_bounds = array<i64: 32, 64>}, {pipeline_mode = #tpu.pipeline_mode<synchronous>, transform_indices = @transform_16, window_bounds = array<i64: 1, 64>}, {pipeline_mode = #tpu.pipeline_mode<synchronous>, transform_indices = @transform_17, window_bounds = array<i64: 64, 32>}, {pipeline_mode = #tpu.pipeline_mode<synchronous>, transform_indices = @transform_18, window_bounds = array<i64: 1, 32>}, {pipeline_mode = #tpu.pipeline_mode<synchronous>, transform_indices = @transform_19, window_bounds = array<i64: 128, 64>}, {pipeline_mode = #tpu.pipeline_mode<synchronous>, transform_indices = @transform_20, window_bounds = array<i64: 1, 64>}, {pipeline_mode = #tpu.pipeline_mode<synchronous>, transform_indices = @transform_21, window_bounds = array<i64: 64, 1>}, {pipeline_mode = #tpu.pipeline_mode<synchronous>, transform_indices = @transform_22, window_bounds = array<i64: 96, 3>}, {transform_indices = @transform_23, window_bounds = array<i64: 1000, 128>}, {transform_indices = @transform_24, window_bounds = array<i64: 1000, 3>}, {transform_indices = @transform_25, window_bounds = array<i64: 1000, 3>}]} {
    %get3A = arith.constant 0 : index
    %get3A_0 = arith.constant 0 : index
    %get3A_1 = vector.load %arg4[%get3A, %get3A_0] : memref<1000x96xf32, #tpu.memory_space<vmem>>, vector<1000x96xf32>
    %get3A_2 = arith.constant 0 : index
    %get3A_3 = arith.constant 0 : index
    %get3A_4 = vector.load %arg5[%get3A_2, %get3A_3] : memref<1000x96xf32, #tpu.memory_space<vmem>>, vector<1000x96xf32>
    %get3A_5 = arith.constant 0 : index
    %get3A_6 = arith.constant 0 : index
    %get3A_7 = vector.load %arg6[%get3A_5, %get3A_6] : memref<1000x96xf32, #tpu.memory_space<vmem>>, vector<1000x64xf32>
    %concatenate3A = tpu.concatenate %get3A_1, %get3A_4, %get3A_7 in 1 : vector<1000x96xf32>, vector<1000x96xf32>, vector<1000x64xf32> -> vector<1000x256xf32>
    %get3A_8 = arith.constant 0 : index
    %get3A_9 = arith.constant 7 : index
    %get3A_10 = vector.load %arg8[%get3A_8, %get3A_9] : memref<1000x16xf32, #tpu.memory_space<vmem>>, vector<1000x1xf32>
    %max3A = arith.constant 1.000000e+00 : f32
    %max3A_11 = vector.broadcast %max3A : f32 to vector<1000x1xf32>
    %max3A_12 = arith.maximumf %get3A_10, %max3A_11 : vector<1000x1xf32>
    %get3A_13 = arith.constant 0 : index
    %get3A_14 = arith.constant 64 : index
    %get3A_15 = vector.load %arg6[%get3A_13, %get3A_14] : memref<1000x96xf32, #tpu.memory_space<vmem>>, vector<1000x32xf32>
    %get3A_16 = arith.constant 0 : index
    %get3A_17 = arith.constant 0 : index
    %get3A_18 = vector.load %arg7[%get3A_16, %get3A_17] : memref<1000x96xf32, #tpu.memory_space<vmem>>, vector<1000x64xf32>
    %concatenate3A_19 = tpu.concatenate %get3A_15, %get3A_18 in 1 : vector<1000x32xf32>, vector<1000x64xf32> -> vector<1000x96xf32>
    %div3A = vector.broadcast %max3A_12 : vector<1000x1xf32> to vector<1000x96xf32>
    %div3A_20 = arith.divf %concatenate3A_19, %div3A : vector<1000x96xf32>
    %mul3A = arith.mulf %div3A_20, %div3A_20 : vector<1000x96xf32>
    %get3A_21 = arith.constant 0 : index
    %get3A_22 = arith.constant 0 : index
    %get3A_23 = vector.load %arg15[%get3A_21, %get3A_22] : memref<96x32xf32, #tpu.memory_space<vmem>>, vector<96x32xf32>
    %dot_general3A = arith.constant dense<0.000000e+00> : vector<1000x32xf32>
    %dot_general3A_24 = tpu.matmul %mul3A, %get3A_23, %dot_general3A {dimension_numbers = #tpu.dot_dimension_numbers<[1], [0], [0], [1], [0, 0, 1, 1], [], []>, transpose_lhs_hint = false} : vector<1000x96xf32>, vector<96x32xf32>, vector<1000x32xf32> -> vector<1000x32xf32>
    %get3A_25 = arith.constant 0 : index
    %get3A_26 = arith.constant 0 : index
    %get3A_27 = vector.load %arg16[%get3A_25, %get3A_26] : memref<32x64xf32, #tpu.memory_space<vmem>>, vector<32x64xf32>
    %dot_general3A_28 = arith.constant dense<0.000000e+00> : vector<1000x64xf32>
    %dot_general3A_29 = tpu.matmul %dot_general3A_24, %get3A_27, %dot_general3A_28 {dimension_numbers = #tpu.dot_dimension_numbers<[1], [0], [0], [1], [0, 0, 1, 1], [], []>, transpose_lhs_hint = false} : vector<1000x32xf32>, vector<32x64xf32>, vector<1000x64xf32> -> vector<1000x64xf32>
    %get3A_30 = arith.constant 0 : index
    %get3A_31 = arith.constant 0 : index
    %get3A_32 = vector.load %arg17[%get3A_30, %get3A_31] : memref<1x64xf32, #tpu.memory_space<vmem>>, vector<1x64xf32>
    %add3A = vector.broadcast %get3A_32 : vector<1x64xf32> to vector<1000x64xf32>
    %add3A_33 = arith.addf %dot_general3A_29, %add3A : vector<1000x64xf32>
    %neg3A = arith.constant 0.000000e+00 : f32
    %neg3A_34 = vector.broadcast %neg3A : f32 to vector<1000x64xf32>
    %neg3A_35 = arith.subf %neg3A_34, %add3A_33 : vector<1000x64xf32>
    %exp3A = math.exp %neg3A_35 : vector<1000x64xf32>
    %add3A_36 = arith.constant 1.000000e+00 : f32
    %add3A_37 = vector.broadcast %add3A_36 : f32 to vector<1000x64xf32>
    %add3A_38 = arith.addf %add3A_37, %exp3A : vector<1000x64xf32>
    %div3A_39 = arith.constant 1.000000e+00 : f32
    %div3A_40 = vector.broadcast %div3A_39 : f32 to vector<1000x64xf32>
    %div3A_41 = arith.divf %div3A_40, %add3A_38 : vector<1000x64xf32>
    %mul3A_42 = arith.mulf %add3A_33, %div3A_41 : vector<1000x64xf32>
    %reduce_sum3A = arith.constant dense<0.000000e+00> : vector<1000xf32>
    %reduce_sum3A_43 = vector.multi_reduction <add>, %mul3A_42, %reduce_sum3A [1] : vector<1000x64xf32> to vector<1000xf32>
    %broadcast_in_dim3A = vector.shape_cast %reduce_sum3A_43 : vector<1000xf32> to vector<1000x1xf32>
    %div3A_44 = arith.constant 6.400000e+01 : f32
    %div3A_45 = vector.broadcast %div3A_44 : f32 to vector<1000x1xf32>
    %div3A_46 = arith.divf %broadcast_in_dim3A, %div3A_45 : vector<1000x1xf32>
    %sub3A = vector.broadcast %div3A_46 : vector<1000x1xf32> to vector<1000x64xf32>
    %sub3A_47 = arith.subf %mul3A_42, %sub3A : vector<1000x64xf32>
    %integer_pow3A = arith.mulf %sub3A_47, %sub3A_47 : vector<1000x64xf32>
    %reduce_sum3A_48 = arith.constant dense<0.000000e+00> : vector<1000xf32>
    %reduce_sum3A_49 = vector.multi_reduction <add>, %integer_pow3A, %reduce_sum3A_48 [1] : vector<1000x64xf32> to vector<1000xf32>
    %broadcast_in_dim3A_50 = vector.shape_cast %reduce_sum3A_49 : vector<1000xf32> to vector<1000x1xf32>
    %div3A_51 = arith.constant 6.400000e+01 : f32
    %div3A_52 = vector.broadcast %div3A_51 : f32 to vector<1000x1xf32>
    %div3A_53 = arith.divf %broadcast_in_dim3A_50, %div3A_52 : vector<1000x1xf32>
    %sub3A_54 = vector.broadcast %div3A_46 : vector<1000x1xf32> to vector<1000x64xf32>
    %sub3A_55 = arith.subf %mul3A_42, %sub3A_54 : vector<1000x64xf32>
    %add3A_56 = arith.constant 9.99999974E-6 : f32
    %add3A_57 = vector.broadcast %add3A_56 : f32 to vector<1000x1xf32>
    %add3A_58 = arith.addf %div3A_53, %add3A_57 : vector<1000x1xf32>
    %sqrt3A = math.sqrt %add3A_58 : vector<1000x1xf32>
    %div3A_59 = vector.broadcast %sqrt3A : vector<1000x1xf32> to vector<1000x64xf32>
    %div3A_60 = arith.divf %sub3A_55, %div3A_59 : vector<1000x64xf32>
    %get3A_61 = arith.constant 0 : index
    %get3A_62 = arith.constant 0 : index
    %get3A_63 = vector.load %arg18[%get3A_61, %get3A_62] : memref<64x32xf32, #tpu.memory_space<vmem>>, vector<64x32xf32>
    %dot_general3A_64 = arith.constant dense<0.000000e+00> : vector<1000x32xf32>
    %dot_general3A_65 = tpu.matmul %div3A_60, %get3A_63, %dot_general3A_64 {dimension_numbers = #tpu.dot_dimension_numbers<[1], [0], [0], [1], [0, 0, 1, 1], [], []>, transpose_lhs_hint = false} : vector<1000x64xf32>, vector<64x32xf32>, vector<1000x32xf32> -> vector<1000x32xf32>
    %get3A_66 = arith.constant 0 : index
    %get3A_67 = arith.constant 0 : index
    %get3A_68 = vector.load %arg19[%get3A_66, %get3A_67] : memref<1x32xf32, #tpu.memory_space<vmem>>, vector<1x32xf32>
    %add3A_69 = vector.broadcast %get3A_68 : vector<1x32xf32> to vector<1000x32xf32>
    %add3A_70 = arith.addf %dot_general3A_65, %add3A_69 : vector<1000x32xf32>
    %neg3A_71 = arith.constant 0.000000e+00 : f32
    %neg3A_72 = vector.broadcast %neg3A_71 : f32 to vector<1000x32xf32>
    %neg3A_73 = arith.subf %neg3A_72, %add3A_70 : vector<1000x32xf32>
    %exp3A_74 = math.exp %neg3A_73 : vector<1000x32xf32>
    %add3A_75 = arith.constant 1.000000e+00 : f32
    %add3A_76 = vector.broadcast %add3A_75 : f32 to vector<1000x32xf32>
    %add3A_77 = arith.addf %add3A_76, %exp3A_74 : vector<1000x32xf32>
    %div3A_78 = arith.constant 1.000000e+00 : f32
    %div3A_79 = vector.broadcast %div3A_78 : f32 to vector<1000x32xf32>
    %div3A_80 = arith.divf %div3A_79, %add3A_77 : vector<1000x32xf32>
    %mul3A_81 = arith.mulf %add3A_70, %div3A_80 : vector<1000x32xf32>
    %reduce_sum3A_82 = arith.constant dense<0.000000e+00> : vector<1000xf32>
    %reduce_sum3A_83 = vector.multi_reduction <add>, %mul3A_81, %reduce_sum3A_82 [1] : vector<1000x32xf32> to vector<1000xf32>
    %broadcast_in_dim3A_84 = vector.shape_cast %reduce_sum3A_83 : vector<1000xf32> to vector<1000x1xf32>
    %div3A_85 = arith.constant 3.200000e+01 : f32
    %div3A_86 = vector.broadcast %div3A_85 : f32 to vector<1000x1xf32>
    %div3A_87 = arith.divf %broadcast_in_dim3A_84, %div3A_86 : vector<1000x1xf32>
    %sub3A_88 = vector.broadcast %div3A_87 : vector<1000x1xf32> to vector<1000x32xf32>
    %sub3A_89 = arith.subf %mul3A_81, %sub3A_88 : vector<1000x32xf32>
    %integer_pow3A_90 = arith.mulf %sub3A_89, %sub3A_89 : vector<1000x32xf32>
    %reduce_sum3A_91 = arith.constant dense<0.000000e+00> : vector<1000xf32>
    %reduce_sum3A_92 = vector.multi_reduction <add>, %integer_pow3A_90, %reduce_sum3A_91 [1] : vector<1000x32xf32> to vector<1000xf32>
    %broadcast_in_dim3A_93 = vector.shape_cast %reduce_sum3A_92 : vector<1000xf32> to vector<1000x1xf32>
    %div3A_94 = arith.constant 3.200000e+01 : f32
    %div3A_95 = vector.broadcast %div3A_94 : f32 to vector<1000x1xf32>
    %div3A_96 = arith.divf %broadcast_in_dim3A_93, %div3A_95 : vector<1000x1xf32>
    %sub3A_97 = vector.broadcast %div3A_87 : vector<1000x1xf32> to vector<1000x32xf32>
    %sub3A_98 = arith.subf %mul3A_81, %sub3A_97 : vector<1000x32xf32>
    %add3A_99 = arith.constant 9.99999974E-6 : f32
    %add3A_100 = vector.broadcast %add3A_99 : f32 to vector<1000x1xf32>
    %add3A_101 = arith.addf %div3A_96, %add3A_100 : vector<1000x1xf32>
    %sqrt3A_102 = math.sqrt %add3A_101 : vector<1000x1xf32>
    %div3A_103 = vector.broadcast %sqrt3A_102 : vector<1000x1xf32> to vector<1000x32xf32>
    %div3A_104 = arith.divf %sub3A_98, %div3A_103 : vector<1000x32xf32>
    %get3A_105 = arith.constant 0 : index
    %get3A_106 = arith.constant 0 : index
    %get3A_107 = vector.load %arg1[%get3A_105, %get3A_106] : memref<1000x128xf32, #tpu.memory_space<vmem>>, vector<1000x128xf32>
    %get3A_108 = arith.constant 0 : index
    %get3A_109 = arith.constant 0 : index
    %get3A_110 = vector.load %arg9[%get3A_108, %get3A_109] : memref<128x128xf32, #tpu.memory_space<vmem>>, vector<128x128xf32>
    %dot_general3A_111 = arith.constant dense<0.000000e+00> : vector<1000x128xf32>
    %dot_general3A_112 = tpu.matmul %get3A_107, %get3A_110, %dot_general3A_111 {dimension_numbers = #tpu.dot_dimension_numbers<[1], [0], [0], [1], [0, 0, 1, 1], [], []>, transpose_lhs_hint = false} : vector<1000x128xf32>, vector<128x128xf32>, vector<1000x128xf32> -> vector<1000x128xf32>
    %get3A_113 = arith.constant 0 : index
    %get3A_114 = arith.constant 0 : index
    %get3A_115 = vector.load %arg10[%get3A_113, %get3A_114] : memref<256x128xf32, #tpu.memory_space<vmem>>, vector<256x128xf32>
    %dot_general3A_116 = arith.constant dense<0.000000e+00> : vector<1000x128xf32>
    %dot_general3A_117 = tpu.matmul %concatenate3A, %get3A_115, %dot_general3A_116 {dimension_numbers = #tpu.dot_dimension_numbers<[1], [0], [0], [1], [0, 0, 1, 1], [], []>, transpose_lhs_hint = false} : vector<1000x256xf32>, vector<256x128xf32>, vector<1000x128xf32> -> vector<1000x128xf32>
    %add3A_118 = arith.addf %dot_general3A_112, %dot_general3A_117 : vector<1000x128xf32>
    %get3A_119 = arith.constant 0 : index
    %get3A_120 = arith.constant 0 : index
    %get3A_121 = vector.load %arg11[%get3A_119, %get3A_120] : memref<32x128xf32, #tpu.memory_space<vmem>>, vector<32x128xf32>
    %dot_general3A_122 = arith.constant dense<0.000000e+00> : vector<1000x128xf32>
    %dot_general3A_123 = tpu.matmul %div3A_104, %get3A_121, %dot_general3A_122 {dimension_numbers = #tpu.dot_dimension_numbers<[1], [0], [0], [1], [0, 0, 1, 1], [], []>, transpose_lhs_hint = false} : vector<1000x32xf32>, vector<32x128xf32>, vector<1000x128xf32> -> vector<1000x128xf32>
    %add3A_124 = arith.addf %add3A_118, %dot_general3A_123 : vector<1000x128xf32>
    %get3A_125 = arith.constant 0 : index
    %get3A_126 = arith.constant 0 : index
    %get3A_127 = vector.load %arg12[%get3A_125, %get3A_126] : memref<1x128xf32, #tpu.memory_space<vmem>>, vector<1x128xf32>
    %add3A_128 = vector.broadcast %get3A_127 : vector<1x128xf32> to vector<1000x128xf32>
    %add3A_129 = arith.addf %add3A_124, %add3A_128 : vector<1000x128xf32>
    %neg3A_130 = arith.constant 0.000000e+00 : f32
    %neg3A_131 = vector.broadcast %neg3A_130 : f32 to vector<1000x128xf32>
    %neg3A_132 = arith.subf %neg3A_131, %add3A_129 : vector<1000x128xf32>
    %exp3A_133 = math.exp %neg3A_132 : vector<1000x128xf32>
    %add3A_134 = arith.constant 1.000000e+00 : f32
    %add3A_135 = vector.broadcast %add3A_134 : f32 to vector<1000x128xf32>
    %add3A_136 = arith.addf %add3A_135, %exp3A_133 : vector<1000x128xf32>
    %div3A_137 = arith.constant 1.000000e+00 : f32
    %div3A_138 = vector.broadcast %div3A_137 : f32 to vector<1000x128xf32>
    %div3A_139 = arith.divf %div3A_138, %add3A_136 : vector<1000x128xf32>
    %mul3A_140 = arith.mulf %add3A_129, %div3A_139 : vector<1000x128xf32>
    %reduce_sum3A_141 = arith.constant dense<0.000000e+00> : vector<1000xf32>
    %reduce_sum3A_142 = vector.multi_reduction <add>, %mul3A_140, %reduce_sum3A_141 [1] : vector<1000x128xf32> to vector<1000xf32>
    %broadcast_in_dim3A_143 = vector.shape_cast %reduce_sum3A_142 : vector<1000xf32> to vector<1000x1xf32>
    %div3A_144 = arith.constant 1.280000e+02 : f32
    %div3A_145 = vector.broadcast %div3A_144 : f32 to vector<1000x1xf32>
    %div3A_146 = arith.divf %broadcast_in_dim3A_143, %div3A_145 : vector<1000x1xf32>
    %sub3A_147 = vector.broadcast %div3A_146 : vector<1000x1xf32> to vector<1000x128xf32>
    %sub3A_148 = arith.subf %mul3A_140, %sub3A_147 : vector<1000x128xf32>
    %integer_pow3A_149 = arith.mulf %sub3A_148, %sub3A_148 : vector<1000x128xf32>
    %reduce_sum3A_150 = arith.constant dense<0.000000e+00> : vector<1000xf32>
    %reduce_sum3A_151 = vector.multi_reduction <add>, %integer_pow3A_149, %reduce_sum3A_150 [1] : vector<1000x128xf32> to vector<1000xf32>
    %broadcast_in_dim3A_152 = vector.shape_cast %reduce_sum3A_151 : vector<1000xf32> to vector<1000x1xf32>
    %div3A_153 = arith.constant 1.280000e+02 : f32
    %div3A_154 = vector.broadcast %div3A_153 : f32 to vector<1000x1xf32>
    %div3A_155 = arith.divf %broadcast_in_dim3A_152, %div3A_154 : vector<1000x1xf32>
    %sub3A_156 = vector.broadcast %div3A_146 : vector<1000x1xf32> to vector<1000x128xf32>
    %sub3A_157 = arith.subf %mul3A_140, %sub3A_156 : vector<1000x128xf32>
    %add3A_158 = arith.constant 9.99999974E-6 : f32
    %add3A_159 = vector.broadcast %add3A_158 : f32 to vector<1000x1xf32>
    %add3A_160 = arith.addf %div3A_155, %add3A_159 : vector<1000x1xf32>
    %sqrt3A_161 = math.sqrt %add3A_160 : vector<1000x1xf32>
    %div3A_162 = vector.broadcast %sqrt3A_161 : vector<1000x1xf32> to vector<1000x128xf32>
    %div3A_163 = arith.divf %sub3A_157, %div3A_162 : vector<1000x128xf32>
    %get3A_164 = arith.constant 0 : index
    %get3A_165 = arith.constant 0 : index
    %get3A_166 = vector.load %arg1[%get3A_164, %get3A_165] : memref<1000x128xf32, #tpu.memory_space<vmem>>, vector<1000x128xf32>
    %get3A_167 = arith.constant 0 : index
    %get3A_168 = arith.constant 0 : index
    %get3A_169 = vector.load %arg13[%get3A_167, %get3A_168] : memref<128x128xf32, #tpu.memory_space<vmem>>, vector<128x128xf32>
    %dot_general3A_170 = arith.constant dense<0.000000e+00> : vector<1000x128xf32>
    %dot_general3A_171 = tpu.matmul %div3A_163, %get3A_169, %dot_general3A_170 {dimension_numbers = #tpu.dot_dimension_numbers<[1], [0], [0], [1], [0, 0, 1, 1], [], []>, transpose_lhs_hint = false} : vector<1000x128xf32>, vector<128x128xf32>, vector<1000x128xf32> -> vector<1000x128xf32>
    %get3A_172 = arith.constant 0 : index
    %get3A_173 = arith.constant 0 : index
    %get3A_174 = vector.load %arg14[%get3A_172, %get3A_173] : memref<1x128xf32, #tpu.memory_space<vmem>>, vector<1x128xf32>
    %add3A_175 = vector.broadcast %get3A_174 : vector<1x128xf32> to vector<1000x128xf32>
    %add3A_176 = arith.addf %dot_general3A_171, %add3A_175 : vector<1000x128xf32>
    %neg3A_177 = arith.constant 0.000000e+00 : f32
    %neg3A_178 = vector.broadcast %neg3A_177 : f32 to vector<1000x128xf32>
    %neg3A_179 = arith.subf %neg3A_178, %add3A_176 : vector<1000x128xf32>
    %exp3A_180 = math.exp %neg3A_179 : vector<1000x128xf32>
    %add3A_181 = arith.constant 1.000000e+00 : f32
    %add3A_182 = vector.broadcast %add3A_181 : f32 to vector<1000x128xf32>
    %add3A_183 = arith.addf %add3A_182, %exp3A_180 : vector<1000x128xf32>
    %div3A_184 = arith.constant 1.000000e+00 : f32
    %div3A_185 = vector.broadcast %div3A_184 : f32 to vector<1000x128xf32>
    %div3A_186 = arith.divf %div3A_185, %add3A_183 : vector<1000x128xf32>
    %mul3A_187 = arith.mulf %add3A_176, %div3A_186 : vector<1000x128xf32>
    %reduce_sum3A_188 = arith.constant dense<0.000000e+00> : vector<1000xf32>
    %reduce_sum3A_189 = vector.multi_reduction <add>, %mul3A_187, %reduce_sum3A_188 [1] : vector<1000x128xf32> to vector<1000xf32>
    %broadcast_in_dim3A_190 = vector.shape_cast %reduce_sum3A_189 : vector<1000xf32> to vector<1000x1xf32>
    %div3A_191 = arith.constant 1.280000e+02 : f32
    %div3A_192 = vector.broadcast %div3A_191 : f32 to vector<1000x1xf32>
    %div3A_193 = arith.divf %broadcast_in_dim3A_190, %div3A_192 : vector<1000x1xf32>
    %sub3A_194 = vector.broadcast %div3A_193 : vector<1000x1xf32> to vector<1000x128xf32>
    %sub3A_195 = arith.subf %mul3A_187, %sub3A_194 : vector<1000x128xf32>
    %integer_pow3A_196 = arith.mulf %sub3A_195, %sub3A_195 : vector<1000x128xf32>
    %reduce_sum3A_197 = arith.constant dense<0.000000e+00> : vector<1000xf32>
    %reduce_sum3A_198 = vector.multi_reduction <add>, %integer_pow3A_196, %reduce_sum3A_197 [1] : vector<1000x128xf32> to vector<1000xf32>
    %broadcast_in_dim3A_199 = vector.shape_cast %reduce_sum3A_198 : vector<1000xf32> to vector<1000x1xf32>
    %div3A_200 = arith.constant 1.280000e+02 : f32
    %div3A_201 = vector.broadcast %div3A_200 : f32 to vector<1000x1xf32>
    %div3A_202 = arith.divf %broadcast_in_dim3A_199, %div3A_201 : vector<1000x1xf32>
    %sub3A_203 = vector.broadcast %div3A_193 : vector<1000x1xf32> to vector<1000x128xf32>
    %sub3A_204 = arith.subf %mul3A_187, %sub3A_203 : vector<1000x128xf32>
    %add3A_205 = arith.constant 9.99999974E-6 : f32
    %add3A_206 = vector.broadcast %add3A_205 : f32 to vector<1000x1xf32>
    %add3A_207 = arith.addf %div3A_202, %add3A_206 : vector<1000x1xf32>
    %sqrt3A_208 = math.sqrt %add3A_207 : vector<1000x1xf32>
    %div3A_209 = vector.broadcast %sqrt3A_208 : vector<1000x1xf32> to vector<1000x128xf32>
    %div3A_210 = arith.divf %sub3A_204, %div3A_209 : vector<1000x128xf32>
    %add3A_211 = arith.addf %get3A_166, %div3A_210 : vector<1000x128xf32>
    %get3A_212 = arith.constant 0 : index
    %get3A_213 = arith.constant 0 : index
    %get3A_214 = vector.load %arg23[%get3A_212, %get3A_213] : memref<96x3xf32, #tpu.memory_space<vmem>>, vector<96x3xf32>
    %dot_general3A_215 = arith.constant dense<0.000000e+00> : vector<1000x3xf32>
    %dot_general3A_216 = tpu.matmul %div3A_20, %get3A_214, %dot_general3A_215 {dimension_numbers = #tpu.dot_dimension_numbers<[1], [0], [0], [1], [0, 0, 1, 1], [], []>, transpose_lhs_hint = false} : vector<1000x96xf32>, vector<96x3xf32>, vector<1000x3xf32> -> vector<1000x3xf32>
    %get3A_217 = arith.constant 0 : index
    %get3A_218 = arith.constant 0 : index
    %get3A_219 = vector.load %arg20[%get3A_217, %get3A_218] : memref<128x64xf32, #tpu.memory_space<vmem>>, vector<128x64xf32>
    %dot_general3A_220 = arith.constant dense<0.000000e+00> : vector<1000x64xf32>
    %dot_general3A_221 = tpu.matmul %add3A_211, %get3A_219, %dot_general3A_220 {dimension_numbers = #tpu.dot_dimension_numbers<[1], [0], [0], [1], [0, 0, 1, 1], [], []>, transpose_lhs_hint = false} : vector<1000x128xf32>, vector<128x64xf32>, vector<1000x64xf32> -> vector<1000x64xf32>
    %get3A_222 = arith.constant 0 : index
    %get3A_223 = arith.constant 0 : index
    %get3A_224 = vector.load %arg21[%get3A_222, %get3A_223] : memref<1x64xf32, #tpu.memory_space<vmem>>, vector<1x64xf32>
    %add3A_225 = vector.broadcast %get3A_224 : vector<1x64xf32> to vector<1000x64xf32>
    %add3A_226 = arith.addf %dot_general3A_221, %add3A_225 : vector<1000x64xf32>
    %neg3A_227 = arith.constant 0.000000e+00 : f32
    %neg3A_228 = vector.broadcast %neg3A_227 : f32 to vector<1000x64xf32>
    %neg3A_229 = arith.subf %neg3A_228, %add3A_226 : vector<1000x64xf32>
    %exp3A_230 = math.exp %neg3A_229 : vector<1000x64xf32>
    %add3A_231 = arith.constant 1.000000e+00 : f32
    %add3A_232 = vector.broadcast %add3A_231 : f32 to vector<1000x64xf32>
    %add3A_233 = arith.addf %add3A_232, %exp3A_230 : vector<1000x64xf32>
    %div3A_234 = arith.constant 1.000000e+00 : f32
    %div3A_235 = vector.broadcast %div3A_234 : f32 to vector<1000x64xf32>
    %div3A_236 = arith.divf %div3A_235, %add3A_233 : vector<1000x64xf32>
    %mul3A_237 = arith.mulf %add3A_226, %div3A_236 : vector<1000x64xf32>
    %reduce_sum3A_238 = arith.constant dense<0.000000e+00> : vector<1000xf32>
    %reduce_sum3A_239 = vector.multi_reduction <add>, %mul3A_237, %reduce_sum3A_238 [1] : vector<1000x64xf32> to vector<1000xf32>
    %broadcast_in_dim3A_240 = vector.shape_cast %reduce_sum3A_239 : vector<1000xf32> to vector<1000x1xf32>
    %div3A_241 = arith.constant 6.400000e+01 : f32
    %div3A_242 = vector.broadcast %div3A_241 : f32 to vector<1000x1xf32>
    %div3A_243 = arith.divf %broadcast_in_dim3A_240, %div3A_242 : vector<1000x1xf32>
    %sub3A_244 = vector.broadcast %div3A_243 : vector<1000x1xf32> to vector<1000x64xf32>
    %sub3A_245 = arith.subf %mul3A_237, %sub3A_244 : vector<1000x64xf32>
    %integer_pow3A_246 = arith.mulf %sub3A_245, %sub3A_245 : vector<1000x64xf32>
    %reduce_sum3A_247 = arith.constant dense<0.000000e+00> : vector<1000xf32>
    %reduce_sum3A_248 = vector.multi_reduction <add>, %integer_pow3A_246, %reduce_sum3A_247 [1] : vector<1000x64xf32> to vector<1000xf32>
    %broadcast_in_dim3A_249 = vector.shape_cast %reduce_sum3A_248 : vector<1000xf32> to vector<1000x1xf32>
    %div3A_250 = arith.constant 6.400000e+01 : f32
    %div3A_251 = vector.broadcast %div3A_250 : f32 to vector<1000x1xf32>
    %div3A_252 = arith.divf %broadcast_in_dim3A_249, %div3A_251 : vector<1000x1xf32>
    %sub3A_253 = vector.broadcast %div3A_243 : vector<1000x1xf32> to vector<1000x64xf32>
    %sub3A_254 = arith.subf %mul3A_237, %sub3A_253 : vector<1000x64xf32>
    %add3A_255 = arith.constant 9.99999974E-6 : f32
    %add3A_256 = vector.broadcast %add3A_255 : f32 to vector<1000x1xf32>
    %add3A_257 = arith.addf %div3A_252, %add3A_256 : vector<1000x1xf32>
    %sqrt3A_258 = math.sqrt %add3A_257 : vector<1000x1xf32>
    %div3A_259 = vector.broadcast %sqrt3A_258 : vector<1000x1xf32> to vector<1000x64xf32>
    %div3A_260 = arith.divf %sub3A_254, %div3A_259 : vector<1000x64xf32>
    %get3A_261 = arith.constant 0 : index
    %get3A_262 = arith.constant 0 : index
    %get3A_263 = vector.load %arg22[%get3A_261, %get3A_262] : memref<64x1xf32, #tpu.memory_space<vmem>>, vector<64x1xf32>
    %dot_general3A_264 = arith.constant dense<0.000000e+00> : vector<1000x1xf32>
    %dot_general3A_265 = tpu.matmul %div3A_260, %get3A_263, %dot_general3A_264 {dimension_numbers = #tpu.dot_dimension_numbers<[1], [0], [0], [1], [0, 0, 1, 1], [], []>, transpose_lhs_hint = false} : vector<1000x64xf32>, vector<64x1xf32>, vector<1000x1xf32> -> vector<1000x1xf32>
    %neg3A_266 = arith.constant 0.000000e+00 : f32
    %neg3A_267 = vector.broadcast %neg3A_266 : f32 to vector<1000x1xf32>
    %neg3A_268 = arith.subf %neg3A_267, %dot_general3A_265 : vector<1000x1xf32>
    %exp3A_269 = math.exp %neg3A_268 : vector<1000x1xf32>
    %add3A_270 = arith.constant 1.000000e+00 : f32
    %add3A_271 = vector.broadcast %add3A_270 : f32 to vector<1000x1xf32>
    %add3A_272 = arith.addf %add3A_271, %exp3A_269 : vector<1000x1xf32>
    %div3A_273 = arith.constant 2.000000e+00 : f32
    %div3A_274 = vector.broadcast %div3A_273 : f32 to vector<1000x1xf32>
    %div3A_275 = arith.divf %div3A_274, %add3A_272 : vector<1000x1xf32>
    %get3A_276 = arith.constant 0 : index
    %get3A_277 = arith.constant 0 : index
    %get3A_278 = vector.load %arg3[%get3A_276, %get3A_277] : memref<1000x3xf32, #tpu.memory_space<vmem>>, vector<1000x3xf32>
    %mul3A_279 = vector.broadcast %div3A_275 : vector<1000x1xf32> to vector<1000x3xf32>
    %mul3A_280 = arith.mulf %mul3A_279, %get3A_278 : vector<1000x3xf32>
    %add3A_281 = arith.addf %mul3A_280, %dot_general3A_216 : vector<1000x3xf32>
    %swap3A = arith.constant 0 : index
    %swap3A_282 = arith.constant 0 : index
    %swap3A_283 = vector.load %arg24[%swap3A, %swap3A_282] : memref<1000x128xf32, #tpu.memory_space<vmem>>, vector<1000x128xf32>
    tpu.vector_store %arg24[%swap3A, %swap3A_282], %add3A_211 {strides = array<i32>} : memref<1000x128xf32, #tpu.memory_space<vmem>>, vector<1000x128xf32>,
    %get3A_284 = arith.constant 0 : index
    %get3A_285 = arith.constant 0 : index
    %get3A_286 = vector.load %arg2[%get3A_284, %get3A_285] : memref<1000x3xf32, #tpu.memory_space<vmem>>, vector<1000x3xf32>
    %add3A_287 = arith.addf %get3A_286, %add3A_281 : vector<1000x3xf32>
    %swap3A_288 = arith.constant 0 : index
    %swap3A_289 = arith.constant 0 : index
    %swap3A_290 = vector.load %arg25[%swap3A_288, %swap3A_289] : memref<1000x3xf32, #tpu.memory_space<vmem>>, vector<1000x3xf32>
    tpu.vector_store %arg25[%swap3A_288, %swap3A_289], %add3A_287 {strides = array<i32>} : memref<1000x3xf32, #tpu.memory_space<vmem>>, vector<1000x3xf32>,
    %swap3A_291 = arith.constant 0 : index
    %swap3A_292 = arith.constant 0 : index
    %swap3A_293 = vector.load %arg26[%swap3A_291, %swap3A_292] : memref<1000x3xf32, #tpu.memory_space<vmem>>, vector<1000x3xf32>
    tpu.vector_store %arg26[%swap3A_291, %swap3A_292], %add3A_281 {strides = array<i32>} : memref<1000x3xf32, #tpu.memory_space<vmem>>, vector<1000x3xf32>,
    return
  }
  func.func @transform_0(%arg0: i32) -> (i32, i32) {
    %c0_i32 = arith.constant 0 : i32
    %c0_i32_0 = arith.constant 0 : i32
    return %arg0, %c0_i32 : i32, i32
  }
  func.func @transform_1(%arg0: i32) -> (i32, i32) {
    %c0_i32 = arith.constant 0 : i32
    %c0_i32_0 = arith.constant 0 : i32
    return %arg0, %c0_i32 : i32, i32
  }
  func.func @transform_2(%arg0: i32) -> (i32, i32) {
    %c0_i32 = arith.constant 0 : i32
    %c0_i32_0 = arith.constant 0 : i32
    return %arg0, %c0_i32 : i32, i32
  }
  func.func @transform_3(%arg0: i32) -> (i32, i32) {
    %c0_i32 = arith.constant 0 : i32
    %c0_i32_0 = arith.constant 0 : i32
    return %arg0, %c0_i32 : i32, i32
  }
  func.func @transform_4(%arg0: i32) -> (i32, i32) {
    %c0_i32 = arith.constant 0 : i32
    %c0_i32_0 = arith.constant 0 : i32
    return %arg0, %c0_i32 : i32, i32
  }
  func.func @transform_5(%arg0: i32) -> (i32, i32) {
    %c0_i32 = arith.constant 0 : i32
    %c0_i32_0 = arith.constant 0 : i32
    return %arg0, %c0_i32 : i32, i32
  }
  func.func @transform_6(%arg0: i32) -> (i32, i32) {
    %c0_i32 = arith.constant 0 : i32
    %c0_i32_0 = arith.constant 0 : i32
    return %arg0, %c0_i32 : i32, i32
  }
  func.func @transform_7(%arg0: i32) -> (i32, i32) {
    %c0_i32 = arith.constant 0 : i32
    %c0_i32_0 = arith.constant 0 : i32
    return %arg0, %c0_i32 : i32, i32
  }
  func.func @transform_8(%arg0: i32) -> (i32, i32) {
    %c0_i32 = arith.constant 0 : i32
    %c0_i32_0 = arith.constant 0 : i32
    %c0_i32_1 = arith.constant 0 : i32
    return %c0_i32, %c0_i32_0 : i32, i32
  }
  func.func @transform_9(%arg0: i32) -> (i32, i32) {
    %c0_i32 = arith.constant 0 : i32
    %c0_i32_0 = arith.constant 0 : i32
    %c0_i32_1 = arith.constant 0 : i32
    return %c0_i32, %c0_i32_0 : i32, i32
  }
  func.func @transform_10(%arg0: i32) -> (i32, i32) {
    %c0_i32 = arith.constant 0 : i32
    %c0_i32_0 = arith.constant 0 : i32
    %c0_i32_1 = arith.constant 0 : i32
    return %c0_i32, %c0_i32_0 : i32, i32
  }
  func.func @transform_11(%arg0: i32) -> (i32, i32) {
    %c0_i32 = arith.constant 0 : i32
    %c0_i32_0 = arith.constant 0 : i32
    %c0_i32_1 = arith.constant 0 : i32
    return %c0_i32, %c0_i32_0 : i32, i32
  }
  func.func @transform_12(%arg0: i32) -> (i32, i32) {
    %c0_i32 = arith.constant 0 : i32
    %c0_i32_0 = arith.constant 0 : i32
    %c0_i32_1 = arith.constant 0 : i32
    return %c0_i32, %c0_i32_0 : i32, i32
  }
  func.func @transform_13(%arg0: i32) -> (i32, i32) {
    %c0_i32 = arith.constant 0 : i32
    %c0_i32_0 = arith.constant 0 : i32
    %c0_i32_1 = arith.constant 0 : i32
    return %c0_i32, %c0_i32_0 : i32, i32
  }
  func.func @transform_14(%arg0: i32) -> (i32, i32) {
    %c0_i32 = arith.constant 0 : i32
    %c0_i32_0 = arith.constant 0 : i32
    %c0_i32_1 = arith.constant 0 : i32
    return %c0_i32, %c0_i32_0 : i32, i32
  }
  func.func @transform_15(%arg0: i32) -> (i32, i32) {
    %c0_i32 = arith.constant 0 : i32
    %c0_i32_0 = arith.constant 0 : i32
    %c0_i32_1 = arith.constant 0 : i32
    return %c0_i32, %c0_i32_0 : i32, i32
  }
  func.func @transform_16(%arg0: i32) -> (i32, i32) {
    %c0_i32 = arith.constant 0 : i32
    %c0_i32_0 = arith.constant 0 : i32
    %c0_i32_1 = arith.constant 0 : i32
    return %c0_i32, %c0_i32_0 : i32, i32
  }
  func.func @transform_17(%arg0: i32) -> (i32, i32) {
    %c0_i32 = arith.constant 0 : i32
    %c0_i32_0 = arith.constant 0 : i32
    %c0_i32_1 = arith.constant 0 : i32
    return %c0_i32, %c0_i32_0 : i32, i32
  }
  func.func @transform_18(%arg0: i32) -> (i32, i32) {
    %c0_i32 = arith.constant 0 : i32
    %c0_i32_0 = arith.constant 0 : i32
    %c0_i32_1 = arith.constant 0 : i32
    return %c0_i32, %c0_i32_0 : i32, i32
  }
  func.func @transform_19(%arg0: i32) -> (i32, i32) {
    %c0_i32 = arith.constant 0 : i32
    %c0_i32_0 = arith.constant 0 : i32
    %c0_i32_1 = arith.constant 0 : i32
    return %c0_i32, %c0_i32_0 : i32, i32
  }
  func.func @transform_20(%arg0: i32) -> (i32, i32) {
    %c0_i32 = arith.constant 0 : i32
    %c0_i32_0 = arith.constant 0 : i32
    %c0_i32_1 = arith.constant 0 : i32
    return %c0_i32, %c0_i32_0 : i32, i32
  }
  func.func @transform_21(%arg0: i32) -> (i32, i32) {
    %c0_i32 = arith.constant 0 : i32
    %c0_i32_0 = arith.constant 0 : i32
    %c0_i32_1 = arith.constant 0 : i32
    return %c0_i32, %c0_i32_0 : i32, i32
  }
  func.func @transform_22(%arg0: i32) -> (i32, i32) {
    %c0_i32 = arith.constant 0 : i32
    %c0_i32_0 = arith.constant 0 : i32
    %c0_i32_1 = arith.constant 0 : i32
    return %c0_i32, %c0_i32_0 : i32, i32
  }
  func.func @transform_23(%arg0: i32) -> (i32, i32) {
    %c0_i32 = arith.constant 0 : i32
    %c0_i32_0 = arith.constant 0 : i32
    return %arg0, %c0_i32 : i32, i32
  }
  func.func @transform_24(%arg0: i32) -> (i32, i32) {
    %c0_i32 = arith.constant 0 : i32
    %c0_i32_0 = arith.constant 0 : i32
    return %arg0, %c0_i32 : i32, i32
  }
  func.func @transform_25(%arg0: i32) -> (i32, i32) {
    %c0_i32 = arith.constant 0 : i32
    %c0_i32_0 = arith.constant 0 : i32
    return %arg0, %c0_i32 : i32, i32
  }
}

</mosaic_0001>

<sc_bundles>
// kernel: kernel.11.cloned.1.call-start
scs
__scs_entry_jumppad:
0x0: {  	(pc) =	sbr.rel $0x88, $3  }
0x1: {  	(tag) =	ssettag $0x0;
	lr =	simm.s32 $0x1  }
0x2: {  	[smem:$0x3F88] =	sst lr;
	_ =	strace $0xD0000000  }
0x3: {  	_ = 	snop  }
0x4: {  	_ = 	snop  }
0x5: {  	_ = 	snop  }
0x6: {  	_ = 	snop  }
0x7: {  	_ = 	snop  }
__scs_overlays_trampoline_lowered:
0x8: {  	[smem:$0x3F97] =	sst s0  }
0x9: {  	[smem:$0x3F98] =	sst s1  }
0xa: {  	[smem:$0x3F99] =	sst s2  }
0xb: {  	[smem:$0x3F9A] =	sst s3  }
0xc: {  	[smem:$0x3F9B] =	sst s4  }
0xd: {  	[smem:$0x3F9C] =	sst s5  }
0xe: {  	[smem:$0x3F9D] =	sst s6  }
0xf: {  	[smem:$0x3F9E] =	sst s7  }
0x10: {  	[smem:$0x3F9F] =	sst s8  }
0x11: {  	[smem:$0x3FA0] =	sst s9;
	s0 =	simm.s32 @!p0 $0x0  }
0x12: {  	s1 =	sld [smem:$0x3F86];
	s0 =	simm.s32 @p0 $0x1  }
0x13: {  	[smem:$0x3FA1] =	sst s0;
	s0 =	simm.s32 @!p1 $0x0  }
0x14: {  	s2 =	sld [smem:$0x3F85];
	s0 =	simm.s32 @p1 $0x1  }
0x15: {  	[smem:$0x3FA2] =	sst s0;
	s0 =	simm.s32 @!p2 $0x0  }
0x16: {  	s3 =	sld [smem:$0x3FDB];
	s0 =	simm.s32 @p2 $0x1  }
0x17: {  	s4 =	simm.s32 $0x1BF5;
	[smem:$0x3FA4] =	sst s0  }
0x18: {  	s0 =	sld [smem:$0x3F87];
	_ =	swait.ge [sflag:s4], $0x0  }
0x19: {  	s7 =	sld [smem:$0x3F88]  }
0x1a: {  	s8 =	sadd.s32 $0xFFFFE003, lr  }
0x1b: {  	s9 =	sadd.s32 $0xFFFFFEF7, lr;
	s5 =	simm.s32 $0xFFFFFFFF;
	p2 =	slt.u32 s8, $0xFFFFF086  }
0x1c: {  	p1 =	slt.u32 s9, $0xF7A;
	s5 =	simm.s32 @!p2 $0x0  }
0x1d: {  	s5 =	simm.s32 @p1 $0x1;
	p0 =	seq.s32 s7, s2  }
0x1e: {  	s7 =	smul.u32 @!p0 $0xF7A, s2;
	p2 =	seq.s32 @!p0 s5, $0x0  }
0x1f: {  	s9 =	smul.u32 $0xF7A, s1;
	s8 =	simm.s32 @!p0 $0x1BF5;
	p2 =	por !p2, p0  }
0x20: {  	[sflag:s8] =	ssyncset.s32 @!p0 $0xFFFFF086;
	s6 =	sadd.s32 @!p0 s3, s7;
	s7 =	simm.s32 @!p0 $0x108  }
0x21: {  	s3 =	sadd.s32 s3, s9;
	s6 =	sadd.s32 @!p0 $0x88, s6;
	s7 =	simm.s32 @p2 $0x1082  }
0x22: {  	[simem:s7], [sflag:s8] =	dma.local @!p0 [hbm:s6], $0xF7A  }
0x23: {  	s9 =	sor.u32 $0xD0000000, s2;
	s6 =	simm.s32 $0x108;
	_ =	swait.ge @!p0 [sflag:s8], $0x0  }
0x24: {  	s3 =	sadd.s32 $0x88, s3;
	s6 =	simm.s32 @!p1 $0x1082;
	[sflag:s4] =	ssyncset.s32 $0xFFFFF086  }
0x25: {  	[simem:s6], [sflag:s4] =	dma.local [hbm:s3], $0xF7A  }
0x26: {  	[smem:$0x3F88] =	sst s1;
	(tag) =	ssettag s2;
	_ =	strace s9  }
0x27: {  	s1 =	sld [smem:$0x3F98]  }
0x28: {  	s2 =	sld [smem:$0x3F99]  }
0x29: {  	s4 =	sld [smem:$0x3F9B]  }
0x2a: {  	p0 =	seq.s32 s5, $0x0;
	s5 =	sld [smem:$0x3F9C]  }
0x2b: {  	s6 =	sld [smem:$0x3F9D]  }
0x2c: {  	s7 =	sld [smem:$0x3F9E]  }
0x2d: {  	s3 =	simm.s32 $0x108;
	s8 =	sld [smem:$0x3F9F]  }
0x2e: {  	s3 =	simm.s32 @!p0 $0x1082;
	s9 =	sld [smem:$0x3FA0]  }
0x2f: {  	lr =	sadd.s32 s0, s3;
	s0 =	sld [smem:$0x3F97]  }
0x30: {  	s3 =	sld [smem:$0x3F9A]  }
0x31: {  	[smem:$0x3FA3] =	sst s10  }
0x32: {  	s10 =	sld [smem:$0x3FA1];
	_ =	sdelay $0x3  }
0x33: {  	p0 =	seq.s32 s10, $0x1;
	s10 =	sld [smem:$0x3FA3];
	_ =	sdelay $0x3  }
0x34: {  	[smem:$0x3FA3] =	sst s10  }
0x35: {  	s10 =	sld [smem:$0x3FA2];
	_ =	sdelay $0x3  }
0x36: {  	p1 =	seq.s32 s10, $0x1;
	s10 =	sld [smem:$0x3FA3];
	_ =	sdelay $0x3  }
0x37: {  	[smem:$0x3FA3] =	sst s10  }
0x38: {  	s10 =	sld [smem:$0x3FA4]  }
0x39: {  	_ = 	snop;
	(pc) =	sbr.ind lr, $3  }
0x3a: {  	_ = 	snop  }
0x3b: {  	_ = 	snop  }
0x3c: {  	p2 =	seq.s32 s10, $0x1;
	s10 =	sld [smem:$0x3FA3]  }
0x3d: {  	_ =	shalt  }
0x3e: {  	_ =	shalt  }
0x3f: {  	_ =	shalt  }
0x40: {  	_ =	shalt  }
0x41: {  	_ =	shalt  }
0x42: {  	_ =	shalt  }
0x43: {  	_ =	shalt  }
0x44: {  	_ =	shalt  }
0x45: {  	_ =	shalt  }
0x46: {  	_ =	shalt  }
0x47: {  	_ =	shalt  }
0x48: {  	_ =	shalt  }
0x49: {  	_ =	shalt  }
0x4a: {  	_ =	shalt  }
0x4b: {  	_ =	shalt  }
0x4c: {  	_ =	shalt  }
0x4d: {  	_ =	shalt  }
0x4e: {  	_ =	shalt  }
0x4f: {  	_ =	shalt  }
0x50: {  	_ =	shalt  }
0x51: {  	_ =	shalt  }
0x52: {  	_ =	shalt  }
0x53: {  	_ =	shalt  }
0x54: {  	_ =	shalt  }
0x55: {  	_ =	shalt  }
0x56: {  	_ =	shalt  }
0x57: {  	_ =	shalt  }
0x58: {  	_ =	shalt  }
0x59: {  	_ =	shalt  }
0x5a: {  	_ =	shalt  }
0x5b: {  	_ =	shalt  }
0x5c: {  	_ =	shalt  }
0x5d: {  	_ =	shalt  }
0x5e: {  	_ =	shalt  }
0x5f: {  	_ =	shalt  }
0x60: {  	_ =	shalt  }
0x61: {  	_ =	shalt  }
0x62: {  	_ =	shalt  }
0x63: {  	_ =	shalt  }
0x64: {  	_ =	shalt  }
0x65: {  	_ =	shalt  }
0x66: {  	_ =	shalt  }
0x67: {  	_ =	shalt  }
0x68: {  	_ =	shalt  }
0x69: {  	_ =	shalt  }
0x6a: {  	_ =	shalt  }
0x6b: {  	_ =	shalt  }
0x6c: {  	_ =	shalt  }
0x6d: {  	_ =	shalt  }
0x6e: {  	_ =	shalt  }
0x6f: {  	_ =	shalt  }
0x70: {  	_ =	shalt  }
0x71: {  	_ =	shalt  }
0x72: {  	_ =	shalt  }
0x73: {  	_ =	shalt  }
0x74: {  	_ =	shalt  }
0x75: {  	_ =	shalt  }
0x76: {  	_ =	shalt  }
0x77: {  	_ =	shalt  }
0x78: {  	_ =	shalt  }
0x79: {  	_ =	shalt  }
0x7a: {  	_ =	shalt  }
0x7b: {  	_ =	shalt  }
0x7c: {  	_ =	shalt  }
0x7d: {  	_ =	shalt  }
0x7e: {  	_ =	shalt  }
0x7f: {  	_ =	shalt  }
0x80: {  	_ =	shalt  }
0x81: {  	_ =	shalt  }
0x82: {  	_ =	shalt  }
0x83: {  	_ =	shalt  }
0x84: {  	_ =	shalt  }
0x85: {  	_ =	shalt  }
0x86: {  	_ =	shalt  }
0x87: {  	_ =	shalt  }
.Lfunc_end0:
.L_simem_size_0:
called_computation.1_lowered:
.L_overlay_start_0:
0x88: {  	s2 =	sld [smem:$0x3FD9]  }
0x89: {  	s3 =	sld [smem:$0x3FFE];
	_ =	sdelay $0x1  }
0x8a: {  	s1 =	srdreg.scid  }
0x8b: {  	s0 =	sand.u32 $0x1, s1  }
0x8c: {  	s16 =	sshll.u32 s0, $0xA;
	s2 =	sadd.s32 s3, s2  }
0x8d: {  	s2 =	sadd.s32 s2, s16  }
0x8e: {  	[smem:$0x3FAF] =	sst s2  }
0x8f: {  	_ = 	snop  }
0x90: {  	(tm) =	ssettm $0x1  }
0x91: {  	s17 =	sld [smem:$0x3FFB];
	_ =	sdelay $0x3  }
0x92: {  	_ =	strace s17  }
0x93: {  	s2 =	sld [smem:$0x3FFC];
	_ =	sdelay $0x3  }
0x94: {  	_ =	strace s2  }
0x95: {  	s2 =	sld [smem:$0x3FFD];
	_ =	sdelay $0x3  }
0x96: {  	_ =	strace s2  }
0x97: {  	_ =	strace $0x8FFFFFFF  }
0x98: {  	s18 =	sld [smem:$0x3FDB];
	_ =	sdelay $0x1  }
0x99: {  	s19 =	simm.s32 $_scs_section_size  }
0x9a: {  	s4 =	simm.s32 $_size__tile_overlayer_lowered;
	s5 =	simm.s32 $_tile_overlayer_lowered  }
0x9b: {  	s22 =	simm.s32 $0x1BFF;
	s21 =	sshll.u32 s5, $0x1;
	s2 =	sadd.s32 s19, s18  }
0x9c: {  	s6 =	simm.s32 $0x0;
	s20 =	sshll.u32 s4, $0x1;
	s4 =	sadd.s32 s21, s2  }
0x9d: {  	[timem:s6], [sflag:s22] =	dma.local [hbm:s4], s20  }
0x9e: {  	_ =	swait.ge [sflag:s22], s20  }
0x9f: {  	s3 =	ssub.s32 $0x0, s20;
	[sflag:s22] =	ssyncset.done $0x0  }
0xa0: {  	[sflag:s22] =	ssyncadd.s32 s3;
	_ =	sdelay $0x1  }
0xa1: {  	s23 =	simm.s32 $0x1B8B  }
0xa2: {  	_ =	swait.ge [sflag:s23], $0x1  }
0xa3: {  	[sflag:s23] =	ssyncset.done $0x0  }
0xa4: {  	s25 =	simm.s32 $0x1B8E;
	s24 =	sld [smem:$0x3FFE];
	[sflag:s23] =	ssyncadd.s32 $0xFFFFFFFF  }
0xa5: {  	s26 =	simm.s32 $execute0_lowered;
	[smem:$0x3FD2] =	sst s25  }
0xa6: {  	s4 =	sshll.u32 s26, $0x1;
	_ =	strace $0x80000055;
	[dreg:$0x1] =	wrdreg $0xFFFFFFFF  }
0xa7: {  	s28 =	simm.s32 $_size_execute0_lowered;
	s2 =	sadd.s32 s2, s4;
	[dreg:$0x0] =	wrdreg $0x0  }
0xa8: {  	s4 =	sshll.u32 s28, $0x1;
	[dreg:$0x2] =	wrdreg s2  }
0xa9: {  	[dreg:$0x3] =	wrdreg s4  }
0xaa: {  	[dreg:$0x4] =	wrdreg $0xC0  }
0xab: {  	_ =	task [dreg:s6], $0x5FFFF  }
0xac: {  	[dreg:$0x1] =	wrdreg $0xFFFFFFFF  }
0xad: {  	[dreg:$0x0] =	wrdreg $0x60  }
0xae: {  	[dreg:$0x2] =	wrdreg s24  }
0xaf: {  	[dreg:$0x3] =	wrdreg $0x11000  }
0xb0: {  	[dreg:$0x4] =	wrdreg $0x9  }
0xb1: {  	_ =	task.clear_ibuf [dreg:s6], $0x5FFFF;
	_ =	strace $0x90000055  }
0xb2: {  	s29 =	simm.s32 $0x9;
	_ =	strace $0x80000057  }
0xb3: {  	_ =	swait.ge [sflag:s29], $0x1  }
0xb4: {  	[sflag:s29] =	ssyncadd.s32 $0xFFFFFFFF  }
0xb5: {  	_ =	strace $0x90000057  }
0xb6: {  	_ =	sfence  }
0xb7: {  	s30 =	sld [smem:$0x0];
	_ =	sdelay $0x2  }
0xb8: {  	s31 =	sshll.u32 s1, $0xD;
	s1 =	sshrl.u32 s1, $0x2  }
0xb9: {  	s3 =	sand.u32 $0x4000, s31;
	s1 =	sadd.s32 s1, s30  }
0xba: {  	s0 =	sor.u32 s3, s0;
	s1 =	sshll.u32 s1, $0x11  }
0xbb: {  	s0 =	sor.u32 s1, s0  }
0xbc: {  	s0 =	sadd.s32 $0x8F2B, s0  }
0xbd: {  	[sflag:s0] =	ssyncadd.remote.s32 $0x1  }
0xbe: {  	_ =	sfence.sel $0xFFFF  }
0xbf: {  	[dreg:$0x0] =	wrdreg $0xFFFFFFFF;
	(pc) =	sbr.abs _section_cstart, $3  }
0xc0: {  	[dreg:$0x1] =	wrdreg $0xFFFFFFFF  }
0xc1: {  	_ =	task.clear_ibuf [dreg:s6], $0x2FFFF;
	_ =	strace $0x9FFFFFFF  }
0xc2: {  	(tm) =	ssettm $0x7FFFFFFF  }
0xc3: {  	_ =	shalt  }
tec
execute0_lowered:
.L_overlay_start_1:
0x0: {  	(tag) =	ssettag $0x1  }
0x1: {  	s4 =	rddreg [dreg:$0x0]  }
0x2: {  	s2 =	rddreg [dreg:$0x1]  }
0x3: {  	s0 =	rddreg [dreg:$0x2];
	s3 =	simm.s32 $0x0;
	s1 =	stileid.u32  }
0x4: {  	s24 =	srdreg.scid;
	[smem:$0x7FF] =	sst s3;
	s5 =	sshll.u32 s1, $0x9  }
0x5: {  	s6 =	smul.u32 $0x3E80, s1;
	s7 =	sshll.u32 s1, $0x5;
	s10 =	sand.u32 $0x1, s24  }
0x6: {  	p0 =	slt.u32 s1, $0xA;
	_ =	strace $0x80000056;
	s9 =	sadd.s32 s5, s4  }
0x7: {  	s11 =	sadd.s32 s7, s4;
	s26 =	ssub.s32 $0x2, s10;
	s12 =	smul.u32 $0x4E200, s10  }
0x8: {  	p1 =	seq.s32 s10, $0x0;
	s31 =	smul.u32 $0x4E20, s10;
	s8 =	sshrl.u32 s6, $0x3  }
0x9: {  	s28 =	sshrl.u32 s26, $0x1;
	p0 =	por !p1, !p0;
	p1 =	sgt.u32 s1, $0x9  }
0xa: {  	s25 =	sadd.s32 s8, s4;
	s29 =	ssub.s32 s26, s28;
	s4 =	sadd.s32 s6, s2  }
0xb: {  	p0 =	por !p0, !p0;
	s8 =	sadd.s32 $0x11C00, s11;
	s30 =	sadd.s32 s12, s9  }
0xc: {  	s9 =	sadd.s32 $0x9DFA00, s9;
	s13 =	sshll.u32 @!p1 s1, $0x6;
	s5 =	sadd.s32 $0x7E00, s25  }
0xd: {  	s6 =	sadd.s32 $0xB18200, s25;
	s7 =	smax.u32 s29, $0x1;
	s10 =	sadd.s32 $0xA7BE00, s30  }
0xe: {  	s11 =	sadd.s32 s31, s8;
	s12 =	sor.u32 @!p1 $0x1C01, s13;
	s13 =	sshrl.u32 @!p1 s4, $0x3  }
.LBB2_1:
0xf: {  	[spmem:s13], [sflag:s12] =	dma.local @!p1 [hbm:s5], $0x7D0  }
0x10: {  	s14 =	simm.s32 @!p1 $0x1  }
0x11: {  	_ =	swait.ge @!p1 [sflag:s14], $0x7D0  }
0x12: {  	s15 =	sadd.s32 $0x0, s1;
	[sflag:s14] =	ssyncset.done @!p1 $0x0  }
0x13: {  	p2 =	sgt.u32 s15, $0x4E1;
	[sflag:s14] =	ssyncadd.s32 @!p1 $0xFFFFF830  }
0x14: {  	s16 =	simm.s32 @!p2 $0x2;
	s14 =	simm.s32 @!p2 $0x0;
	[bflag:$0x0] =	sbarrier.arrive $0xFFFF  }
0x15: {  	[tilespmem:s14], [sflag:$0x2] =	stream.linear.gather @!p2 [hbm4b:s8+s14], $0x100, $0x38;
	[tilespmem:$0x3810] =	vst v63  }
0x16: {  	_ =	swait.ge @!p2 [sflag:s16], $0x100  }
0x17: {  	[sflag:s16] =	ssyncset.done @!p2 $0x0;
	p2 =	por p2, p2  }
0x18: {  	[sflag:s16] =	ssyncadd.s32 @!p2 $0xFFFFFF00;
	s15 =	simm.s32 @!p2 $0x100  }
0x19: {  	[tilespmem:s15], [sflag:$0x2] =	stream.linear.gather @!p2 [hbm4b:s9+s14], $0x1000, $0x38;
	[tilespmem:$0x3810] =	vst v63  }
0x1a: {  	_ =	swait.ge @!p2 [sflag:s16], $0x1000  }
0x1b: {  	[sflag:s16] =	ssyncset.done @!p2 $0x0  }
0x1c: {  	s18 =	simm.s32 @!p2 $0x80;
	[sflag:s16] =	ssyncadd.s32 @!p2 $0xFFFFF000  }
0x1d: {  	[spmem:s2] =	stream.indirect.scatter.add.f32 @!p2 [tilespmem:s15], [sflag:$0x2], $0x10, s14, s18, $0xb8;
	[tilespmem:$0x3810] =	vst v63  }
0x1e: {  	_ =	swait.ge @!p2 [sflag:s16], $0x800  }
0x1f: {  	s31 =	sadd.s32 $0x10, s1;
	[sflag:s16] =	ssyncset.done @!p2 $0x0  }
0x20: {  	s17 =	simm.s32 @!p2 $0x1;
	s14 =	simm.s32 @!p2 $0x900;
	[sflag:s16] =	ssyncadd.s32 @!p2 $0xFFFFF800  }
0x21: {  	[spmem:s2] =	stream.indirect.scatter.add.f32 @!p2 [tilespmem:s14], [sflag:$0x1], $0x10, s18, s18, $0xb8;
	[tilespmem:$0x3810] =	vst v63  }
0x22: {  	p4 =	sgt.u32 s31, $0x4E1;
	s15 =	simm.s32 $0x20;
	_ =	swait.ge @!p2 [sflag:s17], $0x800  }
0x23: {  	s16 =	sadd.s32 $0x200, s8;
	s14 =	sadd.s32 $0x2000, s9;
	[sflag:s17] =	ssyncset.done @!p2 $0x0  }
.LBB2_2:
0x24: {  	s18 =	simm.s32 @!p4 $0x0;
	s19 =	simm.s32 @!p4 $0x2;
	[sflag:s17] =	ssyncadd.s32 @!p2 $0xFFFFF800  }
0x25: {  	[tilespmem:s18], [sflag:$0x2] =	stream.linear.gather @!p4 [hbm4b:s16+s18], $0x100, $0x38;
	[tilespmem:$0x3810] =	vst v63  }
0x26: {  	s20 =	smov.u32 s15;
	s15 =	sadd.s32 $0x10, s15;
	_ =	swait.ge @!p4 [sflag:s19], $0x100  }
0x27: {  	p2 =	por p4, p4;
	p3 =	sne.s32 s15, $0x4F0;
	[sflag:s19] =	ssyncset.done @!p4 $0x0  }
0x28: {  	s17 =	simm.s32 @!p2 $0x100;
	[sflag:s19] =	ssyncadd.s32 @!p2 $0xFFFFFF00  }
0x29: {  	[tilespmem:s17], [sflag:$0x2] =	stream.linear.gather @!p2 [hbm4b:s14+s18], $0x1000, $0x38;
	[tilespmem:$0x3810] =	vst v63  }
0x2a: {  	_ =	swait.ge @!p2 [sflag:s19], $0x1000  }
0x2b: {  	[sflag:s19] =	ssyncset.done @!p2 $0x0  }
0x2c: {  	s21 =	simm.s32 @!p2 $0x80;
	[sflag:s19] =	ssyncadd.s32 @!p2 $0xFFFFF000  }
0x2d: {  	[spmem:s2] =	stream.indirect.scatter.add.f32 @!p2 [tilespmem:s17], [sflag:$0x2], $0x10, s18, s21, $0xb8;
	[tilespmem:$0x3810] =	vst v63  }
0x2e: {  	_ =	swait.ge @!p2 [sflag:s19], $0x800  }
.Ltmp0:
0x2f: {  	[sflag:s19] =	ssyncset.done @!p2 $0x0;
	(pc) =	sbr.rel @p3 .LBB2_2-.Ltmp0, $4  }
0x30: {  	s18 =	simm.s32 @!p2 $0x900;
	s17 =	simm.s32 @!p2 $0x1;
	[sflag:s19] =	ssyncadd.s32 @!p2 $0xFFFFF800  }
0x31: {  	[spmem:s2] =	stream.indirect.scatter.add.f32 @!p2 [tilespmem:s18], [sflag:$0x1], $0x10, s21, s21, $0xb8;
	[tilespmem:$0x3810] =	vst v63  }
0x32: {  	s14 =	sadd.s32 $0x2000, s14;
	s18 =	sadd.s32 s20, s1;
	_ =	swait.ge @!p2 [sflag:s17], $0x800  }
0x33: {  	s16 =	sadd.s32 $0x200, s16;
	p4 =	sgt.u32 s18, $0x4E1;
	[sflag:s17] =	ssyncset.done @!p2 $0x0  }
0x34: {  	s15 =	simm.s32 @!p4 $0x0;
	s18 =	simm.s32 @!p4 $0x2;
	[sflag:s17] =	ssyncadd.s32 @!p2 $0xFFFFF800  }
0x35: {  	[tilespmem:s15], [sflag:$0x2] =	stream.linear.gather @!p4 [hbm4b:s16+s15], $0x100, $0x38;
	[tilespmem:$0x3810] =	vst v63  }
0x36: {  	_ =	swait.ge @!p4 [sflag:s18], $0x100  }
0x37: {  	p2 =	por p4, p4;
	[sflag:s18] =	ssyncset.done @!p4 $0x0  }
0x38: {  	s16 =	simm.s32 @!p2 $0x100;
	[sflag:s18] =	ssyncadd.s32 @!p2 $0xFFFFFF00  }
0x39: {  	[tilespmem:s16], [sflag:$0x2] =	stream.linear.gather @!p2 [hbm4b:s14+s15], $0x1000, $0x38;
	[tilespmem:$0x3810] =	vst v63  }
0x3a: {  	_ =	swait.ge @!p2 [sflag:s18], $0x1000  }
0x3b: {  	[sflag:s18] =	ssyncset.done @!p2 $0x0  }
0x3c: {  	s14 =	simm.s32 @!p2 $0x80;
	[sflag:s18] =	ssyncadd.s32 @!p2 $0xFFFFF000  }
0x3d: {  	[spmem:s2] =	stream.indirect.scatter.add.f32 @!p2 [tilespmem:s16], [sflag:$0x2], $0x10, s15, s14, $0xb8;
	[tilespmem:$0x3810] =	vst v63  }
0x3e: {  	_ =	swait.ge @!p2 [sflag:s18], $0x800  }
0x3f: {  	[sflag:s18] =	ssyncset.done @!p2 $0x0  }
0x40: {  	s15 =	simm.s32 @!p2 $0x900;
	s16 =	simm.s32 @!p2 $0x1;
	[sflag:s18] =	ssyncadd.s32 @!p2 $0xFFFFF800  }
0x41: {  	[spmem:s2] =	stream.indirect.scatter.add.f32 @!p2 [tilespmem:s15], [sflag:$0x1], $0x10, s14, s14, $0xb8;
	[tilespmem:$0x3810] =	vst v63  }
0x42: {  	_ =	swait.ge @!p2 [sflag:s16], $0x800  }
0x43: {  	[sflag:s16] =	ssyncset.done @!p2 $0x0  }
0x44: {  	s14 =	sshll.u32 @p0 s1, $0x6;
	[sflag:s16] =	ssyncadd.s32 @!p2 $0xFFFFF800  }
0x45: {  	s15 =	sshrl.u32 @p0 s4, $0x3;
	s14 =	sor.u32 @p0 $0x1C01, s14;
	[bflag:$0x0] =	sbarrier.arrive $0xFFFF  }
0x46: {  	[hbm:s6], [sflag:s14] =	dma.local @p0 [spmem:s15], $0x7D0  }
0x47: {  	s14 =	simm.s32 @p0 $0x1  }
0x48: {  	s30 =	sadd.s32 $0x0, s1;
	_ =	swait.ge @p0 [sflag:s14], $0x7D0  }
0x49: {  	p2 =	sgt.u32 s30, $0x270;
	[sflag:s14] =	ssyncset.done @p0 $0x0  }
0x4a: {  	s16 =	simm.s32 @!p2 $0x2;
	[sflag:s14] =	ssyncadd.s32 @p0 $0xFFFFF830;
	s14 =	simm.s32 @!p2 $0x0  }
0x4b: {  	[tilespmem:s14], [sflag:$0x2] =	stream.linear.gather @!p2 [hbm4b:s11+s14], $0x100, $0x38;
	[tilespmem:$0x3810] =	vst v63  }
0x4c: {  	_ =	swait.ge @!p2 [sflag:s16], $0x100  }
0x4d: {  	[sflag:s16] =	ssyncset.done @!p2 $0x0;
	p2 =	por p2, p2  }
0x4e: {  	[sflag:s16] =	ssyncadd.s32 @!p2 $0xFFFFFF00;
	s15 =	simm.s32 @!p2 $0x80;
	s18 =	simm.s32 @!p2 $0x100  }
0x4f: {  	[tilespmem:s18], [sflag:$0x2] =	stream.indirect.gather @!p2 [spmem:s2], $0x10, s14, s15, $0xb8;
	[tilespmem:$0x3810] =	vst v63  }
0x50: {  	_ =	swait.ge @!p2 [sflag:s16], $0x800  }
0x51: {  	[sflag:s16] =	ssyncset.done @!p2 $0x0  }
0x52: {  	s17 =	simm.s32 @!p2 $0x900;
	[sflag:s16] =	ssyncadd.s32 @!p2 $0xFFFFF800  }
0x53: {  	[tilespmem:s17], [sflag:$0x2] =	stream.indirect.gather @!p2 [spmem:s2], $0x10, s15, s15, $0xb8;
	[tilespmem:$0x3810] =	vst v63  }
0x54: {  	_ =	swait.ge @!p2 [sflag:s16], $0x800  }
0x55: {  	[sflag:s16] =	ssyncset.done @!p2 $0x0  }
0x56: {  	s31 =	sadd.s32 $0x10, s1;
	s17 =	simm.s32 @!p2 $0x1;
	[sflag:s16] =	ssyncadd.s32 @!p2 $0xFFFFF800  }
0x57: {  	[hbm4b:s10+s14] =	stream.linear.scatter @!p2 [tilespmem:s18], [sflag:$0x1], $0x1000, $0x38;
	[tilespmem:$0x3810] =	vst v63  }
0x58: {  	p4 =	sgt.u32 s31, $0x270;
	s15 =	simm.s32 $0x20;
	_ =	swait.ge @!p2 [sflag:s17], $0x1000  }
0x59: {  	s16 =	sadd.s32 $0x200, s11;
	s14 =	sadd.s32 $0x2000, s10;
	[sflag:s17] =	ssyncset.done @!p2 $0x0  }
.LBB2_4:
0x5a: {  	s18 =	simm.s32 @!p4 $0x0;
	s19 =	simm.s32 @!p4 $0x2;
	[sflag:s17] =	ssyncadd.s32 @!p2 $0xFFFFF000  }
0x5b: {  	[tilespmem:s18], [sflag:$0x2] =	stream.linear.gather @!p4 [hbm4b:s16+s18], $0x100, $0x38;
	[tilespmem:$0x3810] =	vst v63  }
0x5c: {  	s20 =	smov.u32 s15;
	s15 =	sadd.s32 $0x10, s15;
	_ =	swait.ge @!p4 [sflag:s19], $0x100  }
0x5d: {  	p2 =	por p4, p4;
	p3 =	sne.s32 s15, $0x280;
	[sflag:s19] =	ssyncset.done @!p4 $0x0  }
0x5e: {  	s17 =	simm.s32 @!p2 $0x80;
	s21 =	simm.s32 @!p2 $0x100;
	[sflag:s19] =	ssyncadd.s32 @!p2 $0xFFFFFF00  }
0x5f: {  	[tilespmem:s21], [sflag:$0x2] =	stream.indirect.gather @!p2 [spmem:s2], $0x10, s18, s17, $0xb8;
	[tilespmem:$0x3810] =	vst v63  }
0x60: {  	_ =	swait.ge @!p2 [sflag:s19], $0x800  }
0x61: {  	[sflag:s19] =	ssyncset.done @!p2 $0x0  }
0x62: {  	s22 =	simm.s32 @!p2 $0x900;
	[sflag:s19] =	ssyncadd.s32 @!p2 $0xFFFFF800  }
0x63: {  	[tilespmem:s22], [sflag:$0x2] =	stream.indirect.gather @!p2 [spmem:s2], $0x10, s17, s17, $0xb8;
	[tilespmem:$0x3810] =	vst v63  }
0x64: {  	_ =	swait.ge @!p2 [sflag:s19], $0x800  }
.Ltmp1:
0x65: {  	[sflag:s19] =	ssyncset.done @!p2 $0x0;
	(pc) =	sbr.rel @p3 .LBB2_4-.Ltmp1, $4  }
0x66: {  	s17 =	simm.s32 @!p2 $0x1;
	[sflag:s19] =	ssyncadd.s32 @!p2 $0xFFFFF800  }
0x67: {  	[hbm4b:s14+s18] =	stream.linear.scatter @!p2 [tilespmem:s21], [sflag:$0x1], $0x1000, $0x38;
	[tilespmem:$0x3810] =	vst v63  }
0x68: {  	s16 =	sadd.s32 $0x200, s16;
	s18 =	sadd.s32 s20, s1;
	_ =	swait.ge @!p2 [sflag:s17], $0x1000  }
0x69: {  	s14 =	sadd.s32 $0x2000, s14;
	p4 =	sgt.u32 s18, $0x270;
	[sflag:s17] =	ssyncset.done @!p2 $0x0  }
0x6a: {  	s15 =	simm.s32 @!p4 $0x0;
	s18 =	simm.s32 @!p4 $0x2;
	[sflag:s17] =	ssyncadd.s32 @!p2 $0xFFFFF000  }
0x6b: {  	[tilespmem:s15], [sflag:$0x2] =	stream.linear.gather @!p4 [hbm4b:s16+s15], $0x100, $0x38;
	[tilespmem:$0x3810] =	vst v63  }
0x6c: {  	_ =	swait.ge @!p4 [sflag:s18], $0x100  }
0x6d: {  	p2 =	por p4, p4;
	[sflag:s18] =	ssyncset.done @!p4 $0x0  }
0x6e: {  	s16 =	simm.s32 @!p2 $0x80;
	s17 =	simm.s32 @!p2 $0x100;
	[sflag:s18] =	ssyncadd.s32 @!p2 $0xFFFFFF00  }
0x6f: {  	[tilespmem:s17], [sflag:$0x2] =	stream.indirect.gather @!p2 [spmem:s2], $0x10, s15, s16, $0xb8;
	[tilespmem:$0x3810] =	vst v63  }
0x70: {  	_ =	swait.ge @!p2 [sflag:s18], $0x800  }
0x71: {  	[sflag:s18] =	ssyncset.done @!p2 $0x0  }
0x72: {  	s19 =	simm.s32 @!p2 $0x900;
	[sflag:s18] =	ssyncadd.s32 @!p2 $0xFFFFF800  }
0x73: {  	[tilespmem:s19], [sflag:$0x2] =	stream.indirect.gather @!p2 [spmem:s2], $0x10, s16, s16, $0xb8;
	[tilespmem:$0x3810] =	vst v63  }
0x74: {  	s3 =	sadd.s32 $0x1, s3;
	_ =	swait.ge @!p2 [sflag:s18], $0x800  }
0x75: {  	p3 =	sne.s32 s3, s7;
	[sflag:s18] =	ssyncset.done @!p2 $0x0  }
.Ltmp2:
0x76: {  	s16 =	simm.s32 @!p2 $0x1;
	[sflag:s18] =	ssyncadd.s32 @!p2 $0xFFFFF800;
	(pc) =	sbr.rel @p3 .LBB2_1-.Ltmp2, $4  }
0x77: {  	[hbm4b:s14+s15] =	stream.linear.scatter @!p2 [tilespmem:s17], [sflag:$0x1], $0x1000, $0x38;
	[tilespmem:$0x3810] =	vst v63  }
0x78: {  	_ =	swait.ge @!p2 [sflag:s16], $0x1000  }
0x79: {  	[sflag:s16] =	ssyncset.done @!p2 $0x0  }
0x7a: {  	[sflag:s16] =	ssyncadd.s32 @!p2 $0xFFFFF000  }
0x7b: {  	_ =	sfence.sel $0x180000  }
0x7c: {  	[bflag:$0x0] =	sbarrier.arrive $0xFFFF  }
0x7d: {  	p0 =	sne.s32 s1, $0x0;
	_ =	strace $0x90000056  }
0x7e: {  	s0 =	sadd.s32 @!p0 $0x100000, s0;
	[bflag:$0x2] =	sbarrier.arrive $0xFFFF  }
0x7f: {  	[sflag:s0] =	ssyncadd.tile.s32 @!p0 $0x1;
	_ =	shalt  }
.Lfunc_end2:
_tile_overlayer_lowered:
.L_overlay_start_2:
0x80: {  	(tag) =	ssettag $0x2  }
0x81: {  	s0 =	rddreg [dreg:$0x0];
	s2 =	stileid.u32  }
0x82: {  	s1 =	rddreg [dreg:$0x1];
	p0 =	sne.s32 s2, $0x0  }
0x83: {  	s3 =	rddreg [dreg:$0x2];
	[bflag:$0x3] =	sbarrier.arrive $0xFFFF;
	s2 =	simm.s32 @!p0 $0x1C01  }
0x84: {  	[timem:s3], [sflag:s2] =	dma.local @!p0 [hbm:s0], s1  }
0x85: {  	s0 =	simm.s32 @!p0 $0x1  }
0x86: {  	_ =	swait.ge @!p0 [sflag:s0], s1  }
0x87: {  	s1 =	ssub.s32 @!p0 $0x0, s1;
	[sflag:s0] =	ssyncset.done @!p0 $0x0  }
0x88: {  	[sflag:s0] =	ssyncadd.s32 @!p0 s1  }
0x89: {  	[bflag:$0x3] =	sbarrier.arrive $0xFFFF  }
0x8a: {  	_ =	shalt  }

// kernel: kernel.14.cloned.1.call-start
scs
__scs_entry_jumppad:
0x0: {  	(pc) =	sbr.rel $0x88, $3  }
0x1: {  	(tag) =	ssettag $0x0;
	lr =	simm.s32 $0x1  }
0x2: {  	[smem:$0x3F88] =	sst lr;
	_ =	strace $0xD0000000  }
0x3: {  	_ = 	snop  }
0x4: {  	_ = 	snop  }
0x5: {  	_ = 	snop  }
0x6: {  	_ = 	snop  }
0x7: {  	_ = 	snop  }
__scs_overlays_trampoline_lowered:
0x8: {  	[smem:$0x3F97] =	sst s0  }
0x9: {  	[smem:$0x3F98] =	sst s1  }
0xa: {  	[smem:$0x3F99] =	sst s2  }
0xb: {  	[smem:$0x3F9A] =	sst s3  }
0xc: {  	[smem:$0x3F9B] =	sst s4  }
0xd: {  	[smem:$0x3F9C] =	sst s5  }
0xe: {  	[smem:$0x3F9D] =	sst s6  }
0xf: {  	[smem:$0x3F9E] =	sst s7  }
0x10: {  	[smem:$0x3F9F] =	sst s8  }
0x11: {  	[smem:$0x3FA0] =	sst s9;
	s0 =	simm.s32 @!p0 $0x0  }
0x12: {  	s1 =	sld [smem:$0x3F86];
	s0 =	simm.s32 @p0 $0x1  }
0x13: {  	[smem:$0x3FA1] =	sst s0;
	s0 =	simm.s32 @!p1 $0x0  }
0x14: {  	s2 =	sld [smem:$0x3F85];
	s0 =	simm.s32 @p1 $0x1  }
0x15: {  	[smem:$0x3FA2] =	sst s0;
	s0 =	simm.s32 @!p2 $0x0  }
0x16: {  	s3 =	sld [smem:$0x3FDB];
	s0 =	simm.s32 @p2 $0x1  }
0x17: {  	s4 =	simm.s32 $0x1BF5;
	[smem:$0x3FA4] =	sst s0  }
0x18: {  	s0 =	sld [smem:$0x3F87];
	_ =	swait.ge [sflag:s4], $0x0  }
0x19: {  	s7 =	sld [smem:$0x3F88]  }
0x1a: {  	s8 =	sadd.s32 $0xFFFFE003, lr  }
0x1b: {  	s9 =	sadd.s32 $0xFFFFFEF7, lr;
	s5 =	simm.s32 $0xFFFFFFFF;
	p2 =	slt.u32 s8, $0xFFFFF086  }
0x1c: {  	p1 =	slt.u32 s9, $0xF7A;
	s5 =	simm.s32 @!p2 $0x0  }
0x1d: {  	s5 =	simm.s32 @p1 $0x1;
	p0 =	seq.s32 s7, s2  }
0x1e: {  	s7 =	smul.u32 @!p0 $0xF7A, s2;
	p2 =	seq.s32 @!p0 s5, $0x0  }
0x1f: {  	s9 =	smul.u32 $0xF7A, s1;
	s8 =	simm.s32 @!p0 $0x1BF5;
	p2 =	por !p2, p0  }
0x20: {  	[sflag:s8] =	ssyncset.s32 @!p0 $0xFFFFF086;
	s6 =	sadd.s32 @!p0 s3, s7;
	s7 =	simm.s32 @!p0 $0x108  }
0x21: {  	s3 =	sadd.s32 s3, s9;
	s6 =	sadd.s32 @!p0 $0x88, s6;
	s7 =	simm.s32 @p2 $0x1082  }
0x22: {  	[simem:s7], [sflag:s8] =	dma.local @!p0 [hbm:s6], $0xF7A  }
0x23: {  	s9 =	sor.u32 $0xD0000000, s2;
	s6 =	simm.s32 $0x108;
	_ =	swait.ge @!p0 [sflag:s8], $0x0  }
0x24: {  	s3 =	sadd.s32 $0x88, s3;
	s6 =	simm.s32 @!p1 $0x1082;
	[sflag:s4] =	ssyncset.s32 $0xFFFFF086  }
0x25: {  	[simem:s6], [sflag:s4] =	dma.local [hbm:s3], $0xF7A  }
0x26: {  	[smem:$0x3F88] =	sst s1;
	(tag) =	ssettag s2;
	_ =	strace s9  }
0x27: {  	s1 =	sld [smem:$0x3F98]  }
0x28: {  	s2 =	sld [smem:$0x3F99]  }
0x29: {  	s4 =	sld [smem:$0x3F9B]  }
0x2a: {  	p0 =	seq.s32 s5, $0x0;
	s5 =	sld [smem:$0x3F9C]  }
0x2b: {  	s6 =	sld [smem:$0x3F9D]  }
0x2c: {  	s7 =	sld [smem:$0x3F9E]  }
0x2d: {  	s3 =	simm.s32 $0x108;
	s8 =	sld [smem:$0x3F9F]  }
0x2e: {  	s3 =	simm.s32 @!p0 $0x1082;
	s9 =	sld [smem:$0x3FA0]  }
0x2f: {  	lr =	sadd.s32 s0, s3;
	s0 =	sld [smem:$0x3F97]  }
0x30: {  	s3 =	sld [smem:$0x3F9A]  }
0x31: {  	[smem:$0x3FA3] =	sst s10  }
0x32: {  	s10 =	sld [smem:$0x3FA1];
	_ =	sdelay $0x3  }
0x33: {  	p0 =	seq.s32 s10, $0x1;
	s10 =	sld [smem:$0x3FA3];
	_ =	sdelay $0x3  }
0x34: {  	[smem:$0x3FA3] =	sst s10  }
0x35: {  	s10 =	sld [smem:$0x3FA2];
	_ =	sdelay $0x3  }
0x36: {  	p1 =	seq.s32 s10, $0x1;
	s10 =	sld [smem:$0x3FA3];
	_ =	sdelay $0x3  }
0x37: {  	[smem:$0x3FA3] =	sst s10  }
0x38: {  	s10 =	sld [smem:$0x3FA4]  }
0x39: {  	_ = 	snop;
	(pc) =	sbr.ind lr, $3  }
0x3a: {  	_ = 	snop  }
0x3b: {  	_ = 	snop  }
0x3c: {  	p2 =	seq.s32 s10, $0x1;
	s10 =	sld [smem:$0x3FA3]  }
0x3d: {  	_ =	shalt  }
0x3e: {  	_ =	shalt  }
0x3f: {  	_ =	shalt  }
0x40: {  	_ =	shalt  }
0x41: {  	_ =	shalt  }
0x42: {  	_ =	shalt  }
0x43: {  	_ =	shalt  }
0x44: {  	_ =	shalt  }
0x45: {  	_ =	shalt  }
0x46: {  	_ =	shalt  }
0x47: {  	_ =	shalt  }
0x48: {  	_ =	shalt  }
0x49: {  	_ =	shalt  }
0x4a: {  	_ =	shalt  }
0x4b: {  	_ =	shalt  }
0x4c: {  	_ =	shalt  }
0x4d: {  	_ =	shalt  }
0x4e: {  	_ =	shalt  }
0x4f: {  	_ =	shalt  }
0x50: {  	_ =	shalt  }
0x51: {  	_ =	shalt  }
0x52: {  	_ =	shalt  }
0x53: {  	_ =	shalt  }
0x54: {  	_ =	shalt  }
0x55: {  	_ =	shalt  }
0x56: {  	_ =	shalt  }
0x57: {  	_ =	shalt  }
0x58: {  	_ =	shalt  }
0x59: {  	_ =	shalt  }
0x5a: {  	_ =	shalt  }
0x5b: {  	_ =	shalt  }
0x5c: {  	_ =	shalt  }
0x5d: {  	_ =	shalt  }
0x5e: {  	_ =	shalt  }
0x5f: {  	_ =	shalt  }
0x60: {  	_ =	shalt  }
0x61: {  	_ =	shalt  }
0x62: {  	_ =	shalt  }
0x63: {  	_ =	shalt  }
0x64: {  	_ =	shalt  }
0x65: {  	_ =	shalt  }
0x66: {  	_ =	shalt  }
0x67: {  	_ =	shalt  }
0x68: {  	_ =	shalt  }
0x69: {  	_ =	shalt  }
0x6a: {  	_ =	shalt  }
0x6b: {  	_ =	shalt  }
0x6c: {  	_ =	shalt  }
0x6d: {  	_ =	shalt  }
0x6e: {  	_ =	shalt  }
0x6f: {  	_ =	shalt  }
0x70: {  	_ =	shalt  }
0x71: {  	_ =	shalt  }
0x72: {  	_ =	shalt  }
0x73: {  	_ =	shalt  }
0x74: {  	_ =	shalt  }
0x75: {  	_ =	shalt  }
0x76: {  	_ =	shalt  }
0x77: {  	_ =	shalt  }
0x78: {  	_ =	shalt  }
0x79: {  	_ =	shalt  }
0x7a: {  	_ =	shalt  }
0x7b: {  	_ =	shalt  }
0x7c: {  	_ =	shalt  }
0x7d: {  	_ =	shalt  }
0x7e: {  	_ =	shalt  }
0x7f: {  	_ =	shalt  }
0x80: {  	_ =	shalt  }
0x81: {  	_ =	shalt  }
0x82: {  	_ =	shalt  }
0x83: {  	_ =	shalt  }
0x84: {  	_ =	shalt  }
0x85: {  	_ =	shalt  }
0x86: {  	_ =	shalt  }
0x87: {  	_ =	shalt  }
.Lfunc_end0:
.L_simem_size_0:
called_computation.2_lowered:
.L_overlay_start_0:
0x88: {  	s2 =	sld [smem:$0x3FD9]  }
0x89: {  	s3 =	sld [smem:$0x3FFE];
	_ =	sdelay $0x1  }
0x8a: {  	s1 =	srdreg.scid  }
0x8b: {  	s0 =	sand.u32 $0x1, s1  }
0x8c: {  	s16 =	sshll.u32 s0, $0xA;
	s2 =	sadd.s32 s3, s2  }
0x8d: {  	s2 =	sadd.s32 s2, s16  }
0x8e: {  	[smem:$0x3FAF] =	sst s2  }
0x8f: {  	_ = 	snop  }
0x90: {  	(tm) =	ssettm $0x1  }
0x91: {  	s17 =	sld [smem:$0x3FFB];
	_ =	sdelay $0x3  }
0x92: {  	_ =	strace s17  }
0x93: {  	s2 =	sld [smem:$0x3FFC];
	_ =	sdelay $0x3  }
0x94: {  	_ =	strace s2  }
0x95: {  	s2 =	sld [smem:$0x3FFD];
	_ =	sdelay $0x3  }
0x96: {  	_ =	strace s2  }
0x97: {  	_ =	strace $0x8FFFFFFF  }
0x98: {  	s18 =	sld [smem:$0x3FDB];
	_ =	sdelay $0x1  }
0x99: {  	s19 =	simm.s32 $_scs_section_size  }
0x9a: {  	s4 =	simm.s32 $_size__tile_overlayer_lowered;
	s5 =	simm.s32 $_tile_overlayer_lowered  }
0x9b: {  	s22 =	simm.s32 $0x1BFF;
	s21 =	sshll.u32 s5, $0x1;
	s2 =	sadd.s32 s19, s18  }
0x9c: {  	s6 =	simm.s32 $0x0;
	s20 =	sshll.u32 s4, $0x1;
	s4 =	sadd.s32 s21, s2  }
0x9d: {  	[timem:s6], [sflag:s22] =	dma.local [hbm:s4], s20  }
0x9e: {  	_ =	swait.ge [sflag:s22], s20  }
0x9f: {  	s3 =	ssub.s32 $0x0, s20;
	[sflag:s22] =	ssyncset.done $0x0  }
0xa0: {  	[sflag:s22] =	ssyncadd.s32 s3;
	_ =	sdelay $0x1  }
0xa1: {  	s23 =	simm.s32 $0x1B8B  }
0xa2: {  	_ =	swait.ge [sflag:s23], $0x1  }
0xa3: {  	[sflag:s23] =	ssyncset.done $0x0  }
0xa4: {  	s25 =	simm.s32 $0x1B8E;
	s24 =	sld [smem:$0x3FFE];
	[sflag:s23] =	ssyncadd.s32 $0xFFFFFFFF  }
0xa5: {  	s26 =	simm.s32 $execute0_lowered;
	[smem:$0x3FD2] =	sst s25  }
0xa6: {  	s4 =	sshll.u32 s26, $0x1;
	_ =	strace $0x80000058;
	[dreg:$0x1] =	wrdreg $0xFFFFFFFF  }
0xa7: {  	s28 =	simm.s32 $_size_execute0_lowered;
	s2 =	sadd.s32 s2, s4;
	[dreg:$0x0] =	wrdreg $0x0  }
0xa8: {  	s4 =	sshll.u32 s28, $0x1;
	[dreg:$0x2] =	wrdreg s2  }
0xa9: {  	[dreg:$0x3] =	wrdreg s4  }
0xaa: {  	[dreg:$0x4] =	wrdreg $0xC0  }
0xab: {  	_ =	task [dreg:s6], $0x5FFFF  }
0xac: {  	[dreg:$0x1] =	wrdreg $0xFFFFFFFF  }
0xad: {  	[dreg:$0x0] =	wrdreg $0x60  }
0xae: {  	[dreg:$0x2] =	wrdreg s24  }
0xaf: {  	[dreg:$0x3] =	wrdreg $0xC2000  }
0xb0: {  	[dreg:$0x4] =	wrdreg $0x9  }
0xb1: {  	_ =	task.clear_ibuf [dreg:s6], $0x5FFFF;
	_ =	strace $0x90000058  }
0xb2: {  	s29 =	simm.s32 $0x9;
	_ =	strace $0x8000005A  }
0xb3: {  	_ =	swait.ge [sflag:s29], $0x1  }
0xb4: {  	[sflag:s29] =	ssyncadd.s32 $0xFFFFFFFF  }
0xb5: {  	_ =	strace $0x9000005A  }
0xb6: {  	_ =	sfence  }
0xb7: {  	s30 =	sld [smem:$0x0];
	_ =	sdelay $0x2  }
0xb8: {  	s31 =	sshll.u32 s1, $0xD;
	s1 =	sshrl.u32 s1, $0x2  }
0xb9: {  	s3 =	sand.u32 $0x4000, s31;
	s1 =	sadd.s32 s1, s30  }
0xba: {  	s0 =	sor.u32 s3, s0;
	s1 =	sshll.u32 s1, $0x11  }
0xbb: {  	s0 =	sor.u32 s1, s0  }
0xbc: {  	s0 =	sadd.s32 $0x8F2B, s0  }
0xbd: {  	[sflag:s0] =	ssyncadd.remote.s32 $0x1  }
0xbe: {  	_ =	sfence.sel $0xFFFF  }
0xbf: {  	[dreg:$0x0] =	wrdreg $0xFFFFFFFF;
	(pc) =	sbr.abs _section_cstart, $3  }
0xc0: {  	[dreg:$0x1] =	wrdreg $0xFFFFFFFF  }
0xc1: {  	_ =	task.clear_ibuf [dreg:s6], $0x2FFFF;
	_ =	strace $0x9FFFFFFF  }
0xc2: {  	(tm) =	ssettm $0x7FFFFFFF  }
0xc3: {  	_ =	shalt  }
tec
execute0_lowered:
.L_overlay_start_1:
0x0: {  	(tag) =	ssettag $0x1  }
0x1: {  	s0 =	rddreg [dreg:$0x0]  }
0x2: {  	s1 =	rddreg [dreg:$0x1];
	s2 =	simm.s32 $0x0  }
0x3: {  	s3 =	stileid.u32;
	[smem:$0x7FF] =	sst s2  }
0x4: {  	s4 =	srdreg.scid;
	s7 =	sadd.s32 $0xB1D200, s0;
	s9 =	sadd.s32 $0x1619A00, s0  }
0x5: {  	s29 =	simm.s32 $0x3;
	s12 =	sadd.s32 $0x1270200, s0;
	s13 =	sadd.s32 $0xEC6A00, s0  }
0x6: {  	s8 =	sadd.s32 $0x11C00, s0;
	s5 =	smul.u32 $0x17700, s3;
	s16 =	sand.u32 $0x1, s4  }
0x7: {  	p0 =	slt.u32 s3, $0xA;
	s20 =	sor.u32 $0x10, s3;
	s17 =	smul.u32 $0xC00, s3  }
0x8: {  	s21 =	sshll.u32 s3, $0x5;
	s11 =	ssub.s32 $0x4D2, s3;
	_ =	strace $0x80000059  }
0x9: {  	s4 =	ssub.s32 $0x2, s16;
	p1 =	seq.s32 s16, $0x0;
	s18 =	smul.u32 $0xC00, s20  }
0xa: {  	p3 =	sne.s32 s16, $0x0;
	s6 =	sshrl.u32 s5, $0x3;
	s10 =	sshrl.u32 s4, $0x1  }
0xb: {  	p1 =	por !p1, !p0;
	s15 =	sadd.s32 s7, s17;
	s23 =	sadd.s32 s9, s17  }
0xc: {  	s24 =	sadd.s32 s12, s17;
	s17 =	sadd.s32 s13, s17;
	s0 =	sadd.s32 s6, s0  }
0xd: {  	s14 =	ssub.s32 s4, s10;
	p1 =	por !p1, !p1;
	[dreg:$0x3] =	wrdreg s15  }
0xe: {  	s6 =	sadd.s32 s8, s21;
	s10 =	sshll.u32 s20, $0x5;
	[dreg:$0x6] =	wrdreg s23  }
0xf: {  	s7 =	sadd.s32 s7, s18;
	s26 =	sadd.s32 s9, s18;
	[dreg:$0x8] =	wrdreg s24  }
0x10: {  	s30 =	sadd.s32 s12, s18;
	s31 =	sadd.s32 s13, s18;
	[dreg:$0x4] =	wrdreg s7  }
0x11: {  	s13 =	sadd.s32 $0x24000, s15;
	s28 =	sadd.s32 $0x24000, s17;
	[dreg:$0xc] =	wrdreg s26  }
0x12: {  	s12 =	simm.s32 $0x0;
	s4 =	simm.s32 @!p1 $0x0;
	[dreg:$0xd] =	wrdreg s30  }
0x13: {  	s8 =	sadd.s32 s8, s10;
	s22 =	sadd.s32 $0x91200, s0;
	[dreg:$0xe] =	wrdreg s31  }
0x14: {  	s10 =	ssub.s32 $0x4E2, s3;
	s19 =	sadd.s32 $0x73C00, s0;
	[dreg:$0x5] =	wrdreg s22  }
0x15: {  	s20 =	sadd.s32 $0x56600, s0;
	s25 =	smax.u32 s14, $0x1;
	[dreg:$0x7] =	wrdreg s19  }
0x16: {  	s14 =	sadd.s32 $0x600, s6;
	s4 =	simm.s32 @p1 $0x1;
	[dreg:$0x9] =	wrdreg s20  }
0x17: {  	p1 =	seq.s32 s16, $0x1;
	[smem:$0x7FB] =	sst s4;
	s4 =	sadd.s32 s5, s1  }
0x18: {  	s5 =	sadd.s32 $0x1BA00, s0;
	p0 =	por !p0, !p1;
	s0 =	sadd.s32 $0x39000, s0  }
0x19: {  	p0 =	por !p0, !p0;
	[dreg:$0xa] =	wrdreg s0;
	s0 =	simm.s32 @!p1 $0x0  }
0x1a: {  	[dreg:$0xb] =	wrdreg s25;
	s19 =	simm.s32 @!p0 $0x0;
	s0 =	simm.s32 @p1 $0x1  }
0x1b: {  	s26 =	sadd.s32 $0x24000, s24;
	s19 =	simm.s32 @p0 $0x1;
	[smem:$0x7FD] =	sst s0  }
0x1c: {  	s25 =	sadd.s32 $0x24000, s23;
	p4 =	por !p1, !p1;
	[smem:$0x7FC] =	sst s19  }
.LBB2_1:
0x1d: {  	s31 =	sld [smem:$0x7FB];
	_ =	sdelay $0x2  }
0x1e: {  	p0 =	seq.s32 s31, $0x1  }
.Ltmp0:
0x1f: {  	_ = 	snop;
	(pc) =	sbr.rel @!p0 .LBB2_3-.Ltmp0, $3  }
0x20: {  	_ =	sdelay $0x1  }
0x21: {  	s0 =	sshll.u32 s3, $0x6  }
0x22: {  	s9 =	sshrl.u32 s4, $0x3;
	s30 =	sor.u32 $0x1C03, s0  }
0x23: {  	[spmem:s9], [sflag:s30] =	dma.local [hbm:s5], $0x2EE0  }
.Ltmp1:
0x24: {  	_ =	swait.ge [sflag:s29], $0x2EE0;
	(pc) =	sbr.rel .LBB2_4-.Ltmp1, $3  }
0x25: {  	[sflag:s29] =	ssyncset.done $0x0  }
0x26: {  	[sflag:s29] =	ssyncadd.s32 $0xFFFFD120  }
0x27: {  	[bflag:$0x0] =	sbarrier.arrive $0xFFFF;
	_ =	sdelay $0x1  }
.LBB2_3:
.Ltmp2:
0x28: {  	(pc) =	sbr.rel @p3 .LBB2_5-.Ltmp2, $2  }
0x29: {  	_ =	sdelay $0x1  }
0x2a: {  	[bflag:$0x0] =	sbarrier.arrive $0xFFFF;
	_ =	sdelay $0x1  }
.LBB2_4:
0x2b: {  	[tilespmem:s2], [sflag:$0x1] =	stream.linear.gather [hbm4b:s6+s2], $0x100, $0x38;
	[tilespmem:$0x1AC60] =	vst v63  }
0x2c: {  	s0 =	rddreg [dreg:$0x3];
	s7 =	simm.s32 $0x200  }
0x2d: {  	[tilespmem:s7], [sflag:$0x1] =	stream.linear.gather [hbm4b:s0+s2], $0x6000, $0x38;
	[tilespmem:$0x1AC60] =	vst v63  }
0x2e: {  	s23 =	simm.s32 $0x100  }
0x2f: {  	[tilespmem:s23], [sflag:$0x2] =	stream.linear.gather [hbm4b:s8+s2], $0x100, $0x38;
	[tilespmem:$0x1AC60] =	vst v63  }
0x30: {  	s24 =	rddreg [dreg:$0x4];
	s31 =	simm.s32 $0x6200  }
0x31: {  	[tilespmem:s31], [sflag:$0x2] =	stream.linear.gather [hbm4b:s24+s2], $0x6000, $0x38;
	[tilespmem:$0x1AC60] =	vst v63  }
.LBB2_5:
0x32: {  	p0 =	sle.u32 @!p3 s10, $0x0  }
0x33: {  	p0 =	por p0, p3  }
0x34: {  	s0 =	simm.s32 @!p0 $0x1  }
0x35: {  	_ =	swait.ge @!p0 [sflag:s0], $0x100  }
0x36: {  	[sflag:s0] =	ssyncset.done @!p0 $0x0  }
0x37: {  	[sflag:s0] =	ssyncadd.s32 @!p0 $0xFFFFFF00  }
0x38: {  	_ =	swait.ge @!p0 [sflag:s0], $0x6000  }
0x39: {  	s7 =	simm.s32 @!p0 $0x200;
	s16 =	simm.s32 @!p0 $0x3;
	[sflag:s0] =	ssyncset.done @!p0 $0x0  }
0x3a: {  	s18 =	simm.s32 @!p0 $0x80;
	s20 =	simm.s32 @!p0 $0x0;
	[sflag:s0] =	ssyncadd.s32 @!p0 $0xFFFFA000  }
0x3b: {  	[spmem:s1] =	stream.indirect.scatter.add.f32 @!p0 [tilespmem:s7], [sflag:$0x3], $0x60, s20, s18, $0xb8;
	[tilespmem:$0x1AC60] =	vst v63  }
0x3c: {  	_ =	swait.ge @!p0 [sflag:s16], $0x3000  }
0x3d: {  	s24 =	sadd.s32 $0x0, s3;
	[sflag:s16] =	ssyncset.done @!p0 $0x0  }
0x3e: {  	s7 =	simm.s32 @!p0 $0x3200;
	s20 =	sadd.s32 $0x20, s24;
	[sflag:s16] =	ssyncadd.s32 @!p0 $0xFFFFD000  }
0x3f: {  	[spmem:s1] =	stream.indirect.scatter.add.f32 @!p0 [tilespmem:s7], [sflag:$0x3], $0x60, s18, s18, $0xb8;
	[tilespmem:$0x1AC60] =	vst v63  }
0x40: {  	p1 =	sgt.u32 @!p3 s20, $0x4E1;
	_ =	swait.ge @!p0 [sflag:s16], $0x3000  }
0x41: {  	p5 =	sle.u32 @!p3 s11, $0x0;
	p1 =	por p1, p3;
	[sflag:s16] =	ssyncset.done @!p0 $0x0  }
0x42: {  	s7 =	sadd.s32 @!p1 $0xFFFFFE00, s14;
	[sflag:s16] =	ssyncadd.s32 @!p0 $0xFFFFD000;
	s16 =	simm.s32 @!p1 $0x0  }
0x43: {  	[tilespmem:s16], [sflag:$0x1] =	stream.linear.gather @!p1 [hbm4b:s7+s16], $0x100, $0x38;
	[tilespmem:$0x1AC60] =	vst v63  }
0x44: {  	s18 =	simm.s32 @!p1 $0x200;
	p0 =	por p5, p3;
	s7 =	sadd.s32 @!p1 $0xFFFF4000, s13  }
0x45: {  	[tilespmem:s18], [sflag:$0x1] =	stream.linear.gather @!p1 [hbm4b:s7+s16], $0x6000, $0x38;
	[tilespmem:$0x1AC60] =	vst v63  }
0x46: {  	s7 =	simm.s32 @!p0 $0x2  }
0x47: {  	_ =	swait.ge @!p0 [sflag:s7], $0x100  }
0x48: {  	[sflag:s7] =	ssyncset.done @!p0 $0x0  }
0x49: {  	s31 =	sadd.s32 $0x18000, s13;
	s0 =	sadd.s32 $0x30, s24;
	[sflag:s7] =	ssyncadd.s32 @!p0 $0xFFFFFF00  }
0x4a: {  	s20 =	simm.s32 $0x20;
	p5 =	sle.u32 @!p3 s10, $0x20;
	_ =	swait.ge @!p0 [sflag:s7], $0x6000  }
0x4b: {  	s23 =	simm.s32 @!p0 $0x80;
	s18 =	simm.s32 @!p0 $0x6200;
	[sflag:s7] =	ssyncset.done @!p0 $0x0  }
0x4c: {  	s16 =	simm.s32 @!p0 $0x3;
	[sflag:s7] =	ssyncadd.s32 @!p0 $0xFFFFA000;
	s7 =	simm.s32 @!p0 $0x100  }
0x4d: {  	[spmem:s1] =	stream.indirect.scatter.add.f32 @!p0 [tilespmem:s18], [sflag:$0x3], $0x60, s7, s23, $0xb8;
	[tilespmem:$0x1AC60] =	vst v63  }
0x4e: {  	s24 =	simm.s32 @!p0 $0x9200;
	p5 =	por p5, p3;
	_ =	swait.ge @!p0 [sflag:s16], $0x3000  }
0x4f: {  	p1 =	sgt.u32 @!p3 s0, $0x4E1;
	s0 =	sadd.s32 $0x400, s14;
	[sflag:s16] =	ssyncset.done @!p0 $0x0  }
0x50: {  	p1 =	por p1, p3;
	s18 =	simm.s32 @!p0 $0x180;
	[sflag:s16] =	ssyncadd.s32 @!p0 $0xFFFFD000  }
0x51: {  	[spmem:s1] =	stream.indirect.scatter.add.f32 @!p0 [tilespmem:s24], [sflag:$0x3], $0x60, s18, s23, $0xb8;
	[tilespmem:$0x1AC60] =	vst v63  }
0x52: {  	s7 =	simm.s32 $0x40;
	s18 =	simm.s32 @!p1 $0x0;
	_ =	swait.ge @!p0 [sflag:s16], $0x3000  }
0x53: {  	s23 =	smov.u32 s14;
	s24 =	smov.u32 s13;
	[sflag:s16] =	ssyncset.done @!p0 $0x0  }
.LBB2_6:
0x54: {  	[sflag:s16] =	ssyncadd.s32 @!p0 $0xFFFFD000;
	s16 =	simm.s32 @!p1 $0x100;
	s19 =	simm.s32 @!p1 $0x6200  }
0x55: {  	[tilespmem:s16], [sflag:$0x2] =	stream.linear.gather @!p1 [hbm4b:s23+s18], $0x100, $0x38;
	[tilespmem:$0x1AC60] =	vst v63  }
0x56: {  	s21 =	smov.u32 s7;
	s7 =	sadd.s32 $0x20, s7;
	s16 =	simm.s32 @!p5 $0x1  }
0x57: {  	[tilespmem:s19], [sflag:$0x2] =	stream.linear.gather @!p1 [hbm4b:s24+s18], $0x6000, $0x38;
	[tilespmem:$0x1AC60] =	vst v63  }
0x58: {  	p6 =	sne.s32 s7, $0x500;
	s23 =	smov.u32 s0;
	_ =	swait.ge @!p5 [sflag:s16], $0x100  }
0x59: {  	s24 =	smov.u32 s31;
	[sflag:s16] =	ssyncset.done @!p5 $0x0  }
0x5a: {  	[sflag:s16] =	ssyncadd.s32 @!p5 $0xFFFFFF00  }
0x5b: {  	s18 =	simm.s32 @!p5 $0x200;
	s19 =	simm.s32 @!p5 $0x3;
	_ =	swait.ge @!p5 [sflag:s16], $0x6000  }
0x5c: {  	s22 =	simm.s32 @!p5 $0x80;
	s15 =	simm.s32 @!p5 $0x0;
	[sflag:s16] =	ssyncset.done @!p5 $0x0  }
0x5d: {  	[sflag:s16] =	ssyncadd.s32 @!p5 $0xFFFFA000  }
0x5e: {  	[spmem:s1] =	stream.indirect.scatter.add.f32 @!p5 [tilespmem:s18], [sflag:$0x3], $0x60, s15, s22, $0xb8;
	[tilespmem:$0x1AC60] =	vst v63  }
0x5f: {  	_ =	swait.ge @!p5 [sflag:s19], $0x3000  }
0x60: {  	s16 =	sadd.s32 s20, s3;
	s15 =	simm.s32 @!p5 $0x3200;
	[sflag:s19] =	ssyncset.done @!p5 $0x0  }
0x61: {  	s18 =	sadd.s32 $0x20, s16;
	s16 =	sadd.s32 $0x30, s16;
	[sflag:s19] =	ssyncadd.s32 @!p5 $0xFFFFD000  }
0x62: {  	[spmem:s1] =	stream.indirect.scatter.add.f32 @!p5 [tilespmem:s15], [sflag:$0x3], $0x60, s22, s22, $0xb8;
	[tilespmem:$0x1AC60] =	vst v63  }
0x63: {  	p0 =	sgt.u32 @!p3 s18, $0x4E1;
	p1 =	sgt.u32 @!p3 s16, $0x4E1;
	_ =	swait.ge @!p5 [sflag:s19], $0x3000  }
0x64: {  	p2 =	por p0, p3;
	p0 =	sge.u32 @!p3 s20, s11;
	[sflag:s19] =	ssyncset.done @!p5 $0x0  }
0x65: {  	s16 =	simm.s32 @!p2 $0x0;
	s15 =	sadd.s32 @!p2 $0xFFFFFE00, s0;
	[sflag:s19] =	ssyncadd.s32 @!p5 $0xFFFFD000  }
0x66: {  	[tilespmem:s16], [sflag:$0x1] =	stream.linear.gather @!p2 [hbm4b:s15+s16], $0x100, $0x38;
	[tilespmem:$0x1AC60] =	vst v63  }
0x67: {  	s18 =	simm.s32 @!p2 $0x200;
	p0 =	por p0, p3;
	s15 =	sadd.s32 @!p2 $0xFFFF4000, s31  }
0x68: {  	[tilespmem:s18], [sflag:$0x1] =	stream.linear.gather @!p2 [hbm4b:s15+s16], $0x6000, $0x38;
	[tilespmem:$0x1AC60] =	vst v63  }
0x69: {  	s20 =	smov.u32 s21;
	s15 =	simm.s32 @!p0 $0x2  }
0x6a: {  	_ =	swait.ge @!p0 [sflag:s15], $0x100  }
0x6b: {  	[sflag:s15] =	ssyncset.done @!p0 $0x0  }
0x6c: {  	[sflag:s15] =	ssyncadd.s32 @!p0 $0xFFFFFF00  }
0x6d: {  	_ =	swait.ge @!p0 [sflag:s15], $0x6000  }
0x6e: {  	s18 =	simm.s32 @!p0 $0x6200;
	s16 =	simm.s32 @!p0 $0x3;
	[sflag:s15] =	ssyncset.done @!p0 $0x0  }
0x6f: {  	s19 =	simm.s32 @!p0 $0x100;
	[sflag:s15] =	ssyncadd.s32 @!p0 $0xFFFFA000;
	s15 =	simm.s32 @!p0 $0x80  }
0x70: {  	[spmem:s1] =	stream.indirect.scatter.add.f32 @!p0 [tilespmem:s18], [sflag:$0x3], $0x60, s19, s15, $0xb8;
	[tilespmem:$0x1AC60] =	vst v63  }
0x71: {  	s0 =	sadd.s32 $0x400, s0;
	_ =	swait.ge @!p0 [sflag:s16], $0x3000  }
.Ltmp3:
0x72: {  	s31 =	sadd.s32 $0x18000, s31;
	[sflag:s16] =	ssyncset.done @!p0 $0x0;
	(pc) =	sbr.rel @p6 .LBB2_6-.Ltmp3, $4  }
0x73: {  	s18 =	simm.s32 @!p0 $0x180;
	s19 =	simm.s32 @!p0 $0x9200;
	[sflag:s16] =	ssyncadd.s32 @!p0 $0xFFFFD000  }
0x74: {  	[spmem:s1] =	stream.indirect.scatter.add.f32 @!p0 [tilespmem:s19], [sflag:$0x3], $0x60, s18, s15, $0xb8;
	[tilespmem:$0x1AC60] =	vst v63  }
0x75: {  	p1 =	por p1, p3;
	p2 =	sge.u32 @!p3 s20, s10;
	_ =	swait.ge @!p0 [sflag:s16], $0x3000  }
0x76: {  	p5 =	por p2, p3;
	s18 =	simm.s32 @!p1 $0x0;
	[sflag:s16] =	ssyncset.done @!p0 $0x0  }
0x77: {  	[sflag:s16] =	ssyncadd.s32 @!p0 $0xFFFFD000;
	s7 =	simm.s32 @!p1 $0x100  }
0x78: {  	[tilespmem:s7], [sflag:$0x2] =	stream.linear.gather @!p1 [hbm4b:s23+s18], $0x100, $0x38;
	[tilespmem:$0x1AC60] =	vst v63  }
0x79: {  	s15 =	simm.s32 @!p5 $0x1;
	s7 =	simm.s32 @!p1 $0x6200  }
0x7a: {  	[tilespmem:s7], [sflag:$0x2] =	stream.linear.gather @!p1 [hbm4b:s24+s18], $0x6000, $0x38;
	[tilespmem:$0x1AC60] =	vst v63  }
0x7b: {  	_ =	swait.ge @!p5 [sflag:s15], $0x100  }
0x7c: {  	[sflag:s15] =	ssyncset.done @!p5 $0x0  }
0x7d: {  	[sflag:s15] =	ssyncadd.s32 @!p5 $0xFFFFFF00  }
0x7e: {  	_ =	swait.ge @!p5 [sflag:s15], $0x6000  }
0x7f: {  	s16 =	simm.s32 @!p5 $0x3;
	s19 =	simm.s32 @!p5 $0x0;
	[sflag:s15] =	ssyncset.done @!p5 $0x0  }
0x80: {  	s7 =	simm.s32 @!p5 $0x200;
	s18 =	simm.s32 @!p5 $0x80;
	[sflag:s15] =	ssyncadd.s32 @!p5 $0xFFFFA000  }
0x81: {  	[spmem:s1] =	stream.indirect.scatter.add.f32 @!p5 [tilespmem:s7], [sflag:$0x3], $0x60, s19, s18, $0xb8;
	[tilespmem:$0x1AC60] =	vst v63  }
0x82: {  	_ =	swait.ge @!p5 [sflag:s16], $0x3000  }
0x83: {  	s24 =	sadd.s32 s20, s3;
	[sflag:s16] =	ssyncset.done @!p5 $0x0  }
0x84: {  	s15 =	simm.s32 @!p5 $0x3200;
	s19 =	sadd.s32 $0x20, s24;
	[sflag:s16] =	ssyncadd.s32 @!p5 $0xFFFFD000  }
0x85: {  	[spmem:s1] =	stream.indirect.scatter.add.f32 @!p5 [tilespmem:s15], [sflag:$0x3], $0x60, s18, s18, $0xb8;
	[tilespmem:$0x1AC60] =	vst v63  }
0x86: {  	p0 =	sgt.u32 @!p3 s19, $0x4E1;
	_ =	swait.ge @!p5 [sflag:s16], $0x3000  }
0x87: {  	p1 =	por p0, p3;
	p0 =	sge.u32 @!p3 s20, s11;
	[sflag:s16] =	ssyncset.done @!p5 $0x0  }
0x88: {  	s15 =	sadd.s32 @!p1 $0xFFFFFE00, s0;
	[sflag:s16] =	ssyncadd.s32 @!p5 $0xFFFFD000;
	s16 =	simm.s32 @!p1 $0x0  }
0x89: {  	[tilespmem:s16], [sflag:$0x1] =	stream.linear.gather @!p1 [hbm4b:s15+s16], $0x100, $0x38;
	[tilespmem:$0x1AC60] =	vst v63  }
0x8a: {  	p0 =	por p0, p3;
	s18 =	simm.s32 @!p1 $0x200;
	s15 =	sadd.s32 @!p1 $0xFFFF4000, s31  }
0x8b: {  	[tilespmem:s18], [sflag:$0x1] =	stream.linear.gather @!p1 [hbm4b:s15+s16], $0x6000, $0x38;
	[tilespmem:$0x1AC60] =	vst v63  }
0x8c: {  	s15 =	simm.s32 @!p0 $0x2  }
0x8d: {  	_ =	swait.ge @!p0 [sflag:s15], $0x100  }
0x8e: {  	[sflag:s15] =	ssyncset.done @!p0 $0x0  }
0x8f: {  	[sflag:s15] =	ssyncadd.s32 @!p0 $0xFFFFFF00  }
0x90: {  	_ =	swait.ge @!p0 [sflag:s15], $0x6000  }
0x91: {  	s19 =	simm.s32 @!p0 $0x100;
	s16 =	simm.s32 @!p0 $0x6200;
	[sflag:s15] =	ssyncset.done @!p0 $0x0  }
0x92: {  	s18 =	simm.s32 @!p0 $0x3;
	[sflag:s15] =	ssyncadd.s32 @!p0 $0xFFFFA000;
	s15 =	simm.s32 @!p0 $0x80  }
0x93: {  	[spmem:s1] =	stream.indirect.scatter.add.f32 @!p0 [tilespmem:s16], [sflag:$0x3], $0x60, s19, s15, $0xb8;
	[tilespmem:$0x1AC60] =	vst v63  }
0x94: {  	_ =	swait.ge @!p0 [sflag:s18], $0x3000  }
0x95: {  	s7 =	sadd.s32 $0x30, s24;
	[sflag:s18] =	ssyncset.done @!p0 $0x0  }
0x96: {  	s16 =	simm.s32 @!p0 $0x180;
	s19 =	simm.s32 @!p0 $0x9200;
	[sflag:s18] =	ssyncadd.s32 @!p0 $0xFFFFD000  }
0x97: {  	[spmem:s1] =	stream.indirect.scatter.add.f32 @!p0 [tilespmem:s19], [sflag:$0x3], $0x60, s16, s15, $0xb8;
	[tilespmem:$0x1AC60] =	vst v63  }
0x98: {  	p1 =	sgt.u32 @!p3 s7, $0x4E1;
	_ =	swait.ge @!p0 [sflag:s18], $0x3000  }
0x99: {  	p1 =	por p1, p3;
	[sflag:s18] =	ssyncset.done @!p0 $0x0  }
0x9a: {  	s7 =	simm.s32 @!p1 $0x0;
	s15 =	simm.s32 @!p1 $0x100;
	[sflag:s18] =	ssyncadd.s32 @!p0 $0xFFFFD000  }
0x9b: {  	[tilespmem:s15], [sflag:$0x2] =	stream.linear.gather @!p1 [hbm4b:s0+s7], $0x100, $0x38;
	[tilespmem:$0x1AC60] =	vst v63  }
0x9c: {  	s0 =	simm.s32 @!p1 $0x6200  }
0x9d: {  	[tilespmem:s0], [sflag:$0x2] =	stream.linear.gather @!p1 [hbm4b:s31+s7], $0x6000, $0x38;
	[tilespmem:$0x1AC60] =	vst v63  }
0x9e: {  	[bflag:$0x0] =	sbarrier.arrive $0xFFFF  }
0x9f: {  	s31 =	sld [smem:$0x7FB];
	_ =	sdelay $0x2  }
0xa0: {  	p0 =	seq.s32 s31, $0x1  }
.Ltmp4:
0xa1: {  	_ = 	snop;
	(pc) =	sbr.rel @!p0 .LBB2_9-.Ltmp4, $1  }
0xa2: {  	_ =	sdelay $0x3  }
0xa3: {  	s0 =	rddreg [dreg:$0x5]  }
0xa4: {  	[hbm:s0], [sflag:s30] =	dma.local [spmem:s9], $0x2EE0  }
0xa5: {  	_ =	swait.ge [sflag:s29], $0x2EE0  }
0xa6: {  	[sflag:s29] =	ssyncset.done $0x0  }
0xa7: {  	[sflag:s29] =	ssyncadd.s32 $0xFFFFD120  }
0xa8: {  	[bflag:$0x0] =	sbarrier.arrive $0xFFFF  }
0xa9: {  	[spmem:s9], [sflag:s30] =	dma.local [hbm:s5], $0x2EE0  }
.Ltmp5:
0xaa: {  	_ =	swait.ge [sflag:s29], $0x2EE0;
	(pc) =	sbr.rel .LBB2_10-.Ltmp5, $3  }
0xab: {  	[sflag:s29] =	ssyncset.done $0x0  }
0xac: {  	[sflag:s29] =	ssyncadd.s32 $0xFFFFD120  }
0xad: {  	[bflag:$0x0] =	sbarrier.arrive $0xFFFF;
	_ =	sdelay $0x1  }
.LBB2_9:
.Ltmp6:
0xae: {  	(pc) =	sbr.rel @p3 .LBB2_11-.Ltmp6, $3  }
0xaf: {  	_ = 	snop  }
0xb0: {  	[bflag:$0x0] =	sbarrier.arrive $0xFFFF  }
0xb1: {  	[bflag:$0x0] =	sbarrier.arrive $0xFFFF;
	_ =	sdelay $0x1  }
.LBB2_10:
0xb2: {  	[tilespmem:s2], [sflag:$0x1] =	stream.linear.gather [hbm4b:s6+s2], $0x100, $0x38;
	[tilespmem:$0x1AC60] =	vst v63  }
0xb3: {  	s0 =	rddreg [dreg:$0x6];
	s7 =	simm.s32 $0x200  }
0xb4: {  	[tilespmem:s7], [sflag:$0x1] =	stream.linear.gather [hbm4b:s0+s2], $0x6000, $0x38;
	[tilespmem:$0x1AC60] =	vst v63  }
0xb5: {  	s24 =	simm.s32 $0x100  }
0xb6: {  	[tilespmem:s24], [sflag:$0x2] =	stream.linear.gather [hbm4b:s8+s2], $0x100, $0x38;
	[tilespmem:$0x1AC60] =	vst v63  }
0xb7: {  	s30 =	rddreg [dreg:$0xc];
	s31 =	simm.s32 $0x6200  }
0xb8: {  	[tilespmem:s31], [sflag:$0x2] =	stream.linear.gather [hbm4b:s30+s2], $0x6000, $0x38;
	[tilespmem:$0x1AC60] =	vst v63  }
.LBB2_11:
0xb9: {  	p0 =	sle.u32 @!p3 s10, $0x0  }
0xba: {  	p0 =	por p0, p3  }
0xbb: {  	s0 =	simm.s32 @!p0 $0x1  }
0xbc: {  	_ =	swait.ge @!p0 [sflag:s0], $0x100  }
0xbd: {  	[sflag:s0] =	ssyncset.done @!p0 $0x0  }
0xbe: {  	[sflag:s0] =	ssyncadd.s32 @!p0 $0xFFFFFF00  }
0xbf: {  	_ =	swait.ge @!p0 [sflag:s0], $0x6000  }
0xc0: {  	s7 =	simm.s32 @!p0 $0x200;
	s9 =	simm.s32 @!p0 $0x3;
	[sflag:s0] =	ssyncset.done @!p0 $0x0  }
0xc1: {  	s15 =	simm.s32 @!p0 $0x80;
	s16 =	simm.s32 @!p0 $0x0;
	[sflag:s0] =	ssyncadd.s32 @!p0 $0xFFFFA000  }
0xc2: {  	[spmem:s1] =	stream.indirect.scatter.add.f32 @!p0 [tilespmem:s7], [sflag:$0x3], $0x60, s16, s15, $0xb8;
	[tilespmem:$0x1AC60] =	vst v63  }
0xc3: {  	_ =	swait.ge @!p0 [sflag:s9], $0x3000  }
0xc4: {  	s31 =	sadd.s32 $0x0, s3;
	[sflag:s9] =	ssyncset.done @!p0 $0x0  }
0xc5: {  	s7 =	simm.s32 @!p0 $0x3200;
	s16 =	sadd.s32 $0x20, s31;
	[sflag:s9] =	ssyncadd.s32 @!p0 $0xFFFFD000  }
0xc6: {  	[spmem:s1] =	stream.indirect.scatter.add.f32 @!p0 [tilespmem:s7], [sflag:$0x3], $0x60, s15, s15, $0xb8;
	[tilespmem:$0x1AC60] =	vst v63  }
0xc7: {  	p1 =	sgt.u32 @!p3 s16, $0x4E1;
	_ =	swait.ge @!p0 [sflag:s9], $0x3000  }
0xc8: {  	p2 =	sle.u32 @!p3 s11, $0x0;
	p1 =	por p1, p3;
	[sflag:s9] =	ssyncset.done @!p0 $0x0  }
0xc9: {  	s7 =	sadd.s32 @!p1 $0xFFFFFE00, s14;
	[sflag:s9] =	ssyncadd.s32 @!p0 $0xFFFFD000;
	s9 =	simm.s32 @!p1 $0x0  }
0xca: {  	[tilespmem:s9], [sflag:$0x1] =	stream.linear.gather @!p1 [hbm4b:s7+s9], $0x100, $0x38;
	[tilespmem:$0x1AC60] =	vst v63  }
0xcb: {  	s15 =	simm.s32 @!p1 $0x200;
	p0 =	por p2, p3;
	s7 =	sadd.s32 @!p1 $0xFFFF4000, s25  }
0xcc: {  	[tilespmem:s15], [sflag:$0x1] =	stream.linear.gather @!p1 [hbm4b:s7+s9], $0x6000, $0x38;
	[tilespmem:$0x1AC60] =	vst v63  }
0xcd: {  	s7 =	simm.s32 @!p0 $0x2  }
0xce: {  	_ =	swait.ge @!p0 [sflag:s7], $0x100  }
0xcf: {  	[sflag:s7] =	ssyncset.done @!p0 $0x0  }
0xd0: {  	s20 =	simm.s32 $0x20;
	s23 =	smov.u32 s14;
	[sflag:s7] =	ssyncadd.s32 @!p0 $0xFFFFFF00  }
0xd1: {  	s24 =	smov.u32 s25;
	s0 =	sadd.s32 $0x30, s31;
	_ =	swait.ge @!p0 [sflag:s7], $0x6000  }
0xd2: {  	s16 =	simm.s32 @!p0 $0x3;
	s9 =	simm.s32 @!p0 $0x6200;
	[sflag:s7] =	ssyncset.done @!p0 $0x0  }
0xd3: {  	s15 =	simm.s32 @!p0 $0x80;
	[sflag:s7] =	ssyncadd.s32 @!p0 $0xFFFFA000;
	s7 =	simm.s32 @!p0 $0x100  }
0xd4: {  	[spmem:s1] =	stream.indirect.scatter.add.f32 @!p0 [tilespmem:s9], [sflag:$0x3], $0x60, s7, s15, $0xb8;
	[tilespmem:$0x1AC60] =	vst v63  }
0xd5: {  	p2 =	sle.u32 @!p3 s10, $0x20;
	s18 =	simm.s32 @!p0 $0x180;
	_ =	swait.ge @!p0 [sflag:s16], $0x3000  }
0xd6: {  	s19 =	simm.s32 @!p0 $0x9200;
	p5 =	por p2, p3;
	[sflag:s16] =	ssyncset.done @!p0 $0x0  }
0xd7: {  	p1 =	sgt.u32 @!p3 s0, $0x4E1;
	s0 =	sadd.s32 $0x400, s14;
	[sflag:s16] =	ssyncadd.s32 @!p0 $0xFFFFD000  }
0xd8: {  	[spmem:s1] =	stream.indirect.scatter.add.f32 @!p0 [tilespmem:s19], [sflag:$0x3], $0x60, s18, s15, $0xb8;
	[tilespmem:$0x1AC60] =	vst v63  }
0xd9: {  	p1 =	por p1, p3;
	s7 =	simm.s32 $0x40;
	_ =	swait.ge @!p0 [sflag:s16], $0x3000  }
0xda: {  	s9 =	sadd.s32 $0x18000, s25;
	s18 =	simm.s32 @!p1 $0x0;
	[sflag:s16] =	ssyncset.done @!p0 $0x0  }
.LBB2_12:
0xdb: {  	[sflag:s16] =	ssyncadd.s32 @!p0 $0xFFFFD000;
	s15 =	simm.s32 @!p1 $0x100;
	s16 =	simm.s32 @!p1 $0x6200  }
0xdc: {  	[tilespmem:s15], [sflag:$0x2] =	stream.linear.gather @!p1 [hbm4b:s23+s18], $0x100, $0x38;
	[tilespmem:$0x1AC60] =	vst v63  }
0xdd: {  	s19 =	smov.u32 s7;
	s7 =	sadd.s32 $0x20, s7;
	s15 =	simm.s32 @!p5 $0x1  }
0xde: {  	[tilespmem:s16], [sflag:$0x2] =	stream.linear.gather @!p1 [hbm4b:s24+s18], $0x6000, $0x38;
	[tilespmem:$0x1AC60] =	vst v63  }
0xdf: {  	p6 =	sne.s32 s7, $0x500;
	s23 =	smov.u32 s0;
	_ =	swait.ge @!p5 [sflag:s15], $0x100  }
0xe0: {  	s24 =	smov.u32 s9;
	[sflag:s15] =	ssyncset.done @!p5 $0x0  }
0xe1: {  	[sflag:s15] =	ssyncadd.s32 @!p5 $0xFFFFFF00  }
0xe2: {  	s16 =	simm.s32 @!p5 $0x200;
	s18 =	simm.s32 @!p5 $0x3;
	_ =	swait.ge @!p5 [sflag:s15], $0x6000  }
0xe3: {  	s21 =	simm.s32 @!p5 $0x80;
	s22 =	simm.s32 @!p5 $0x0;
	[sflag:s15] =	ssyncset.done @!p5 $0x0  }
0xe4: {  	[sflag:s15] =	ssyncadd.s32 @!p5 $0xFFFFA000  }
0xe5: {  	[spmem:s1] =	stream.indirect.scatter.add.f32 @!p5 [tilespmem:s16], [sflag:$0x3], $0x60, s22, s21, $0xb8;
	[tilespmem:$0x1AC60] =	vst v63  }
0xe6: {  	_ =	swait.ge @!p5 [sflag:s18], $0x3000  }
0xe7: {  	s15 =	simm.s32 @!p5 $0x3200;
	s16 =	sadd.s32 s20, s3;
	[sflag:s18] =	ssyncset.done @!p5 $0x0  }
0xe8: {  	s22 =	sadd.s32 $0x20, s16;
	s16 =	sadd.s32 $0x30, s16;
	[sflag:s18] =	ssyncadd.s32 @!p5 $0xFFFFD000  }
0xe9: {  	[spmem:s1] =	stream.indirect.scatter.add.f32 @!p5 [tilespmem:s15], [sflag:$0x3], $0x60, s21, s21, $0xb8;
	[tilespmem:$0x1AC60] =	vst v63  }
0xea: {  	p0 =	sgt.u32 @!p3 s22, $0x4E1;
	p1 =	sgt.u32 @!p3 s16, $0x4E1;
	_ =	swait.ge @!p5 [sflag:s18], $0x3000  }
0xeb: {  	p2 =	por p0, p3;
	p0 =	sge.u32 @!p3 s20, s11;
	[sflag:s18] =	ssyncset.done @!p5 $0x0  }
0xec: {  	s15 =	sadd.s32 @!p2 $0xFFFFFE00, s0;
	s16 =	simm.s32 @!p2 $0x0;
	[sflag:s18] =	ssyncadd.s32 @!p5 $0xFFFFD000  }
0xed: {  	[tilespmem:s16], [sflag:$0x1] =	stream.linear.gather @!p2 [hbm4b:s15+s16], $0x100, $0x38;
	[tilespmem:$0x1AC60] =	vst v63  }
0xee: {  	p0 =	por p0, p3;
	s18 =	simm.s32 @!p2 $0x200;
	s15 =	sadd.s32 @!p2 $0xFFFF4000, s9  }
0xef: {  	[tilespmem:s18], [sflag:$0x1] =	stream.linear.gather @!p2 [hbm4b:s15+s16], $0x6000, $0x38;
	[tilespmem:$0x1AC60] =	vst v63  }
0xf0: {  	s20 =	smov.u32 s19;
	s15 =	simm.s32 @!p0 $0x2  }
0xf1: {  	_ =	swait.ge @!p0 [sflag:s15], $0x100  }
0xf2: {  	[sflag:s15] =	ssyncset.done @!p0 $0x0  }
0xf3: {  	[sflag:s15] =	ssyncadd.s32 @!p0 $0xFFFFFF00  }
0xf4: {  	_ =	swait.ge @!p0 [sflag:s15], $0x6000  }
0xf5: {  	s18 =	simm.s32 @!p0 $0x6200;
	s16 =	simm.s32 @!p0 $0x3;
	[sflag:s15] =	ssyncset.done @!p0 $0x0  }
0xf6: {  	s19 =	simm.s32 @!p0 $0x100;
	[sflag:s15] =	ssyncadd.s32 @!p0 $0xFFFFA000;
	s15 =	simm.s32 @!p0 $0x80  }
0xf7: {  	[spmem:s1] =	stream.indirect.scatter.add.f32 @!p0 [tilespmem:s18], [sflag:$0x3], $0x60, s19, s15, $0xb8;
	[tilespmem:$0x1AC60] =	vst v63  }
0xf8: {  	s0 =	sadd.s32 $0x400, s0;
	_ =	swait.ge @!p0 [sflag:s16], $0x3000  }
.Ltmp7:
0xf9: {  	s9 =	sadd.s32 $0x18000, s9;
	[sflag:s16] =	ssyncset.done @!p0 $0x0;
	(pc) =	sbr.rel @p6 .LBB2_12-.Ltmp7, $4  }
0xfa: {  	s18 =	simm.s32 @!p0 $0x180;
	s19 =	simm.s32 @!p0 $0x9200;
	[sflag:s16] =	ssyncadd.s32 @!p0 $0xFFFFD000  }
0xfb: {  	[spmem:s1] =	stream.indirect.scatter.add.f32 @!p0 [tilespmem:s19], [sflag:$0x3], $0x60, s18, s15, $0xb8;
	[tilespmem:$0x1AC60] =	vst v63  }
0xfc: {  	p1 =	por p1, p3;
	p2 =	sge.u32 @!p3 s20, s10;
	_ =	swait.ge @!p0 [sflag:s16], $0x3000  }
0xfd: {  	p5 =	por p2, p3;
	s18 =	simm.s32 @!p1 $0x0;
	[sflag:s16] =	ssyncset.done @!p0 $0x0  }
0xfe: {  	[sflag:s16] =	ssyncadd.s32 @!p0 $0xFFFFD000;
	s7 =	simm.s32 @!p1 $0x100  }
0xff: {  	[tilespmem:s7], [sflag:$0x2] =	stream.linear.gather @!p1 [hbm4b:s23+s18], $0x100, $0x38;
	[tilespmem:$0x1AC60] =	vst v63  }
0x100: {  	s15 =	simm.s32 @!p5 $0x1;
	s7 =	simm.s32 @!p1 $0x6200  }
0x101: {  	[tilespmem:s7], [sflag:$0x2] =	stream.linear.gather @!p1 [hbm4b:s24+s18], $0x6000, $0x38;
	[tilespmem:$0x1AC60] =	vst v63  }
0x102: {  	_ =	swait.ge @!p5 [sflag:s15], $0x100  }
0x103: {  	[sflag:s15] =	ssyncset.done @!p5 $0x0  }
0x104: {  	[sflag:s15] =	ssyncadd.s32 @!p5 $0xFFFFFF00  }
0x105: {  	_ =	swait.ge @!p5 [sflag:s15], $0x6000  }
0x106: {  	s16 =	simm.s32 @!p5 $0x3;
	s19 =	simm.s32 @!p5 $0x0;
	[sflag:s15] =	ssyncset.done @!p5 $0x0  }
0x107: {  	s7 =	simm.s32 @!p5 $0x200;
	s18 =	simm.s32 @!p5 $0x80;
	[sflag:s15] =	ssyncadd.s32 @!p5 $0xFFFFA000  }
0x108: {  	[spmem:s1] =	stream.indirect.scatter.add.f32 @!p5 [tilespmem:s7], [sflag:$0x3], $0x60, s19, s18, $0xb8;
	[tilespmem:$0x1AC60] =	vst v63  }
0x109: {  	_ =	swait.ge @!p5 [sflag:s16], $0x3000  }
0x10a: {  	s24 =	sadd.s32 s20, s3;
	[sflag:s16] =	ssyncset.done @!p5 $0x0  }
0x10b: {  	s15 =	simm.s32 @!p5 $0x3200;
	s19 =	sadd.s32 $0x20, s24;
	[sflag:s16] =	ssyncadd.s32 @!p5 $0xFFFFD000  }
0x10c: {  	[spmem:s1] =	stream.indirect.scatter.add.f32 @!p5 [tilespmem:s15], [sflag:$0x3], $0x60, s18, s18, $0xb8;
	[tilespmem:$0x1AC60] =	vst v63  }
0x10d: {  	p0 =	sgt.u32 @!p3 s19, $0x4E1;
	_ =	swait.ge @!p5 [sflag:s16], $0x3000  }
0x10e: {  	p1 =	por p0, p3;
	p0 =	sge.u32 @!p3 s20, s11;
	[sflag:s16] =	ssyncset.done @!p5 $0x0  }
0x10f: {  	s15 =	sadd.s32 @!p1 $0xFFFFFE00, s0;
	[sflag:s16] =	ssyncadd.s32 @!p5 $0xFFFFD000;
	s16 =	simm.s32 @!p1 $0x0  }
0x110: {  	[tilespmem:s16], [sflag:$0x1] =	stream.linear.gather @!p1 [hbm4b:s15+s16], $0x100, $0x38;
	[tilespmem:$0x1AC60] =	vst v63  }
0x111: {  	p0 =	por p0, p3;
	s18 =	simm.s32 @!p1 $0x200;
	s15 =	sadd.s32 @!p1 $0xFFFF4000, s9  }
0x112: {  	[tilespmem:s18], [sflag:$0x1] =	stream.linear.gather @!p1 [hbm4b:s15+s16], $0x6000, $0x38;
	[tilespmem:$0x1AC60] =	vst v63  }
0x113: {  	s15 =	simm.s32 @!p0 $0x2  }
0x114: {  	_ =	swait.ge @!p0 [sflag:s15], $0x100  }
0x115: {  	[sflag:s15] =	ssyncset.done @!p0 $0x0  }
0x116: {  	[sflag:s15] =	ssyncadd.s32 @!p0 $0xFFFFFF00  }
0x117: {  	_ =	swait.ge @!p0 [sflag:s15], $0x6000  }
0x118: {  	s19 =	simm.s32 @!p0 $0x100;
	s16 =	simm.s32 @!p0 $0x6200;
	[sflag:s15] =	ssyncset.done @!p0 $0x0  }
0x119: {  	s18 =	simm.s32 @!p0 $0x3;
	[sflag:s15] =	ssyncadd.s32 @!p0 $0xFFFFA000;
	s15 =	simm.s32 @!p0 $0x80  }
0x11a: {  	[spmem:s1] =	stream.indirect.scatter.add.f32 @!p0 [tilespmem:s16], [sflag:$0x3], $0x60, s19, s15, $0xb8;
	[tilespmem:$0x1AC60] =	vst v63  }
0x11b: {  	_ =	swait.ge @!p0 [sflag:s18], $0x3000  }
0x11c: {  	s7 =	sadd.s32 $0x30, s24;
	[sflag:s18] =	ssyncset.done @!p0 $0x0  }
0x11d: {  	s16 =	simm.s32 @!p0 $0x180;
	s19 =	simm.s32 @!p0 $0x9200;
	[sflag:s18] =	ssyncadd.s32 @!p0 $0xFFFFD000  }
0x11e: {  	[spmem:s1] =	stream.indirect.scatter.add.f32 @!p0 [tilespmem:s19], [sflag:$0x3], $0x60, s16, s15, $0xb8;
	[tilespmem:$0x1AC60] =	vst v63  }
0x11f: {  	p1 =	sgt.u32 @!p3 s7, $0x4E1;
	_ =	swait.ge @!p0 [sflag:s18], $0x3000  }
0x120: {  	p1 =	por p1, p3;
	[sflag:s18] =	ssyncset.done @!p0 $0x0;
	s20 =	sld [smem:$0x7FB]  }
0x121: {  	s7 =	simm.s32 @!p1 $0x0;
	s15 =	simm.s32 @!p1 $0x100;
	[sflag:s18] =	ssyncadd.s32 @!p0 $0xFFFFD000  }
0x122: {  	[tilespmem:s15], [sflag:$0x2] =	stream.linear.gather @!p1 [hbm4b:s0+s7], $0x100, $0x38;
	[tilespmem:$0x1AC60] =	vst v63  }
0x123: {  	s0 =	simm.s32 @!p1 $0x6200;
	p0 =	seq.s32 s20, $0x1  }
0x124: {  	[tilespmem:s0], [sflag:$0x2] =	stream.linear.gather @!p1 [hbm4b:s9+s7], $0x6000, $0x38;
	[tilespmem:$0x1AC60] =	vst v63  }
0x125: {  	s0 =	sshll.u32 @p0 s3, $0x6;
	[bflag:$0x0] =	sbarrier.arrive $0xFFFF  }
0x126: {  	s7 =	sshrl.u32 @p0 s4, $0x3;
	s0 =	sor.u32 @p0 $0x1C03, s0;
	s9 =	rddreg [dreg:$0x7]  }
0x127: {  	[hbm:s9], [sflag:s0] =	dma.local @p0 [spmem:s7], $0x2EE0  }
0x128: {  	s0 =	simm.s32 @p0 $0x3  }
0x129: {  	_ =	swait.ge @p0 [sflag:s0], $0x2EE0  }
0x12a: {  	s21 =	sld [smem:$0x7FC];
	_ =	sdelay $0x1  }
0x12b: {  	[sflag:s0] =	ssyncset.done @p0 $0x0  }
0x12c: {  	[sflag:s0] =	ssyncadd.s32 @p0 $0xFFFFD120;
	p0 =	seq.s32 s21, $0x1  }
0x12d: {  	[bflag:$0x0] =	sbarrier.arrive $0xFFFF;
	s0 =	sshll.u32 @p0 s3, $0x6  }
0x12e: {  	s30 =	sshrl.u32 @p0 s4, $0x3;
	s9 =	sor.u32 @p0 $0x1C03, s0;
	s0 =	simm.s32 @p0 $0x3  }
0x12f: {  	[spmem:s30], [sflag:s9] =	dma.local @p0 [hbm:s5], $0x2EE0  }
0x130: {  	_ =	swait.ge @p0 [sflag:s0], $0x2EE0  }
0x131: {  	[sflag:s0] =	ssyncset.done @p0 $0x0  }
0x132: {  	[sflag:s0] =	ssyncadd.s32 @p0 $0xFFFFD120  }
0x133: {  	[bflag:$0x0] =	sbarrier.arrive $0xFFFF  }
0x134: {  	s22 =	sld [smem:$0x7FD];
	_ =	sdelay $0x2  }
0x135: {  	p0 =	seq.s32 s22, $0x1  }
0x136: {  	s0 =	simm.s32 @p0 $0x0  }
0x137: {  	[tilespmem:s0], [sflag:$0x1] =	stream.linear.gather @p0 [hbm4b:s6+s0], $0x100, $0x38;
	[tilespmem:$0x1AC60] =	vst v63  }
0x138: {  	s15 =	rddreg [dreg:$0x8];
	s7 =	simm.s32 @p0 $0x200  }
0x139: {  	[tilespmem:s7], [sflag:$0x1] =	stream.linear.gather @p0 [hbm4b:s15+s0], $0x6000, $0x38;
	[tilespmem:$0x1AC60] =	vst v63  }
0x13a: {  	s7 =	simm.s32 @p0 $0x100  }
0x13b: {  	[tilespmem:s7], [sflag:$0x2] =	stream.linear.gather @p0 [hbm4b:s8+s0], $0x100, $0x38;
	[tilespmem:$0x1AC60] =	vst v63  }
0x13c: {  	p1 =	sle.u32 s10, $0x0;
	s15 =	rddreg [dreg:$0xd];
	s7 =	simm.s32 @p0 $0x6200  }
0x13d: {  	[tilespmem:s7], [sflag:$0x2] =	stream.linear.gather @p0 [hbm4b:s15+s0], $0x6000, $0x38;
	[tilespmem:$0x1AC60] =	vst v63  }
0x13e: {  	p0 =	por p1, p4  }
0x13f: {  	s0 =	simm.s32 @!p0 $0x1  }
0x140: {  	_ =	swait.ge @!p0 [sflag:s0], $0x100  }
0x141: {  	[sflag:s0] =	ssyncset.done @!p0 $0x0  }
0x142: {  	[sflag:s0] =	ssyncadd.s32 @!p0 $0xFFFFFF00  }
0x143: {  	_ =	swait.ge @!p0 [sflag:s0], $0x6000  }
0x144: {  	s7 =	simm.s32 @!p0 $0x200;
	s15 =	simm.s32 @!p0 $0x3;
	[sflag:s0] =	ssyncset.done @!p0 $0x0  }
0x145: {  	s16 =	simm.s32 @!p0 $0x80;
	s18 =	simm.s32 @!p0 $0x0;
	[sflag:s0] =	ssyncadd.s32 @!p0 $0xFFFFA000  }
0x146: {  	[spmem:s1] =	stream.indirect.scatter.add.f32 @!p0 [tilespmem:s7], [sflag:$0x3], $0x60, s18, s16, $0xb8;
	[tilespmem:$0x1AC60] =	vst v63  }
0x147: {  	_ =	swait.ge @!p0 [sflag:s15], $0x3000  }
0x148: {  	s23 =	sadd.s32 $0x0, s3;
	[sflag:s15] =	ssyncset.done @!p0 $0x0  }
0x149: {  	s24 =	sadd.s32 $0x20, s23;
	s7 =	simm.s32 @!p0 $0x3200;
	[sflag:s15] =	ssyncadd.s32 @!p0 $0xFFFFD000  }
0x14a: {  	[spmem:s1] =	stream.indirect.scatter.add.f32 @!p0 [tilespmem:s7], [sflag:$0x3], $0x60, s16, s16, $0xb8;
	[tilespmem:$0x1AC60] =	vst v63  }
0x14b: {  	p2 =	sgt.u32 s24, $0x4E1;
	_ =	swait.ge @!p0 [sflag:s15], $0x3000  }
0x14c: {  	p1 =	por p2, p4;
	p2 =	sle.u32 s11, $0x0;
	[sflag:s15] =	ssyncset.done @!p0 $0x0  }
0x14d: {  	s7 =	sadd.s32 @!p1 $0xFFFFFE00, s14;
	[sflag:s15] =	ssyncadd.s32 @!p0 $0xFFFFD000;
	s15 =	simm.s32 @!p1 $0x0  }
0x14e: {  	[tilespmem:s15], [sflag:$0x1] =	stream.linear.gather @!p1 [hbm4b:s7+s15], $0x100, $0x38;
	[tilespmem:$0x1AC60] =	vst v63  }
0x14f: {  	s16 =	simm.s32 @!p1 $0x200;
	p0 =	por p2, p4;
	s7 =	sadd.s32 @!p1 $0xFFFF4000, s26  }
0x150: {  	[tilespmem:s16], [sflag:$0x1] =	stream.linear.gather @!p1 [hbm4b:s7+s15], $0x6000, $0x38;
	[tilespmem:$0x1AC60] =	vst v63  }
0x151: {  	s7 =	simm.s32 @!p0 $0x2  }
0x152: {  	_ =	swait.ge @!p0 [sflag:s7], $0x100  }
0x153: {  	[sflag:s7] =	ssyncset.done @!p0 $0x0  }
0x154: {  	s31 =	sadd.s32 $0x18000, s26;
	p6 =	sle.u32 s10, $0x20;
	[sflag:s7] =	ssyncadd.s32 @!p0 $0xFFFFFF00  }
0x155: {  	s24 =	smov.u32 s26;
	s20 =	simm.s32 $0x20;
	_ =	swait.ge @!p0 [sflag:s7], $0x6000  }
0x156: {  	s18 =	simm.s32 @!p0 $0x80;
	s15 =	simm.s32 @!p0 $0x6200;
	[sflag:s7] =	ssyncset.done @!p0 $0x0  }
0x157: {  	s16 =	simm.s32 @!p0 $0x3;
	[sflag:s7] =	ssyncadd.s32 @!p0 $0xFFFFA000;
	s7 =	simm.s32 @!p0 $0x100  }
0x158: {  	[spmem:s1] =	stream.indirect.scatter.add.f32 @!p0 [tilespmem:s15], [sflag:$0x3], $0x60, s7, s18, $0xb8;
	[tilespmem:$0x1AC60] =	vst v63  }
0x159: {  	s0 =	sadd.s32 $0x30, s23;
	s23 =	smov.u32 s14;
	_ =	swait.ge @!p0 [sflag:s16], $0x3000  }
0x15a: {  	p5 =	sgt.u32 s0, $0x4E1;
	s0 =	sadd.s32 $0x400, s14;
	[sflag:s16] =	ssyncset.done @!p0 $0x0  }
0x15b: {  	s19 =	simm.s32 @!p0 $0x9200;
	s15 =	simm.s32 @!p0 $0x180;
	[sflag:s16] =	ssyncadd.s32 @!p0 $0xFFFFD000  }
0x15c: {  	[spmem:s1] =	stream.indirect.scatter.add.f32 @!p0 [tilespmem:s19], [sflag:$0x3], $0x60, s15, s18, $0xb8;
	[tilespmem:$0x1AC60] =	vst v63  }
0x15d: {  	p1 =	por p5, p4;
	p5 =	por p6, p4;
	_ =	swait.ge @!p0 [sflag:s16], $0x3000  }
0x15e: {  	s7 =	simm.s32 $0x40;
	s18 =	simm.s32 @!p1 $0x0;
	[sflag:s16] =	ssyncset.done @!p0 $0x0  }
.LBB2_14:
0x15f: {  	[sflag:s16] =	ssyncadd.s32 @!p0 $0xFFFFD000;
	s15 =	simm.s32 @!p1 $0x100;
	s16 =	simm.s32 @!p1 $0x6200  }
0x160: {  	[tilespmem:s15], [sflag:$0x2] =	stream.linear.gather @!p1 [hbm4b:s23+s18], $0x100, $0x38;
	[tilespmem:$0x1AC60] =	vst v63  }
0x161: {  	s19 =	smov.u32 s7;
	s7 =	sadd.s32 $0x20, s7;
	s15 =	simm.s32 @!p5 $0x1  }
0x162: {  	[tilespmem:s16], [sflag:$0x2] =	stream.linear.gather @!p1 [hbm4b:s24+s18], $0x6000, $0x38;
	[tilespmem:$0x1AC60] =	vst v63  }
0x163: {  	p6 =	sne.s32 s7, $0x500;
	s23 =	smov.u32 s0;
	_ =	swait.ge @!p5 [sflag:s15], $0x100  }
0x164: {  	s24 =	smov.u32 s31;
	[sflag:s15] =	ssyncset.done @!p5 $0x0  }
0x165: {  	[sflag:s15] =	ssyncadd.s32 @!p5 $0xFFFFFF00  }
0x166: {  	s16 =	simm.s32 @!p5 $0x200;
	s18 =	simm.s32 @!p5 $0x3;
	_ =	swait.ge @!p5 [sflag:s15], $0x6000  }
0x167: {  	s21 =	simm.s32 @!p5 $0x80;
	s22 =	simm.s32 @!p5 $0x0;
	[sflag:s15] =	ssyncset.done @!p5 $0x0  }
0x168: {  	[sflag:s15] =	ssyncadd.s32 @!p5 $0xFFFFA000  }
0x169: {  	[spmem:s1] =	stream.indirect.scatter.add.f32 @!p5 [tilespmem:s16], [sflag:$0x3], $0x60, s22, s21, $0xb8;
	[tilespmem:$0x1AC60] =	vst v63  }
0x16a: {  	_ =	swait.ge @!p5 [sflag:s18], $0x3000  }
0x16b: {  	s15 =	simm.s32 @!p5 $0x3200;
	s16 =	sadd.s32 s20, s3;
	[sflag:s18] =	ssyncset.done @!p5 $0x0  }
0x16c: {  	s22 =	sadd.s32 $0x20, s16;
	s16 =	sadd.s32 $0x30, s16;
	[sflag:s18] =	ssyncadd.s32 @!p5 $0xFFFFD000  }
0x16d: {  	[spmem:s1] =	stream.indirect.scatter.add.f32 @!p5 [tilespmem:s15], [sflag:$0x3], $0x60, s21, s21, $0xb8;
	[tilespmem:$0x1AC60] =	vst v63  }
0x16e: {  	p0 =	sgt.u32 s22, $0x4E1;
	p1 =	sgt.u32 s16, $0x4E1;
	_ =	swait.ge @!p5 [sflag:s18], $0x3000  }
0x16f: {  	p2 =	por p0, p4;
	p0 =	sge.u32 s20, s11;
	[sflag:s18] =	ssyncset.done @!p5 $0x0  }
0x170: {  	s15 =	sadd.s32 @!p2 $0xFFFFFE00, s0;
	s16 =	simm.s32 @!p2 $0x0;
	[sflag:s18] =	ssyncadd.s32 @!p5 $0xFFFFD000  }
0x171: {  	[tilespmem:s16], [sflag:$0x1] =	stream.linear.gather @!p2 [hbm4b:s15+s16], $0x100, $0x38;
	[tilespmem:$0x1AC60] =	vst v63  }
0x172: {  	p0 =	por p0, p4;
	s18 =	simm.s32 @!p2 $0x200;
	s15 =	sadd.s32 @!p2 $0xFFFF4000, s31  }
0x173: {  	[tilespmem:s18], [sflag:$0x1] =	stream.linear.gather @!p2 [hbm4b:s15+s16], $0x6000, $0x38;
	[tilespmem:$0x1AC60] =	vst v63  }
0x174: {  	s20 =	smov.u32 s19;
	s15 =	simm.s32 @!p0 $0x2  }
0x175: {  	_ =	swait.ge @!p0 [sflag:s15], $0x100  }
0x176: {  	[sflag:s15] =	ssyncset.done @!p0 $0x0  }
0x177: {  	[sflag:s15] =	ssyncadd.s32 @!p0 $0xFFFFFF00  }
0x178: {  	_ =	swait.ge @!p0 [sflag:s15], $0x6000  }
0x179: {  	s18 =	simm.s32 @!p0 $0x6200;
	s16 =	simm.s32 @!p0 $0x3;
	[sflag:s15] =	ssyncset.done @!p0 $0x0  }
0x17a: {  	s19 =	simm.s32 @!p0 $0x100;
	[sflag:s15] =	ssyncadd.s32 @!p0 $0xFFFFA000;
	s15 =	simm.s32 @!p0 $0x80  }
0x17b: {  	[spmem:s1] =	stream.indirect.scatter.add.f32 @!p0 [tilespmem:s18], [sflag:$0x3], $0x60, s19, s15, $0xb8;
	[tilespmem:$0x1AC60] =	vst v63  }
0x17c: {  	s0 =	sadd.s32 $0x400, s0;
	_ =	swait.ge @!p0 [sflag:s16], $0x3000  }
.Ltmp8:
0x17d: {  	s31 =	sadd.s32 $0x18000, s31;
	[sflag:s16] =	ssyncset.done @!p0 $0x0;
	(pc) =	sbr.rel @p6 .LBB2_14-.Ltmp8, $4  }
0x17e: {  	s18 =	simm.s32 @!p0 $0x180;
	s19 =	simm.s32 @!p0 $0x9200;
	[sflag:s16] =	ssyncadd.s32 @!p0 $0xFFFFD000  }
0x17f: {  	[spmem:s1] =	stream.indirect.scatter.add.f32 @!p0 [tilespmem:s19], [sflag:$0x3], $0x60, s18, s15, $0xb8;
	[tilespmem:$0x1AC60] =	vst v63  }
0x180: {  	p1 =	por p1, p4;
	p2 =	sge.u32 s20, s10;
	_ =	swait.ge @!p0 [sflag:s16], $0x3000  }
0x181: {  	p5 =	por p2, p4;
	s18 =	simm.s32 @!p1 $0x0;
	[sflag:s16] =	ssyncset.done @!p0 $0x0  }
0x182: {  	[sflag:s16] =	ssyncadd.s32 @!p0 $0xFFFFD000;
	s7 =	simm.s32 @!p1 $0x100  }
0x183: {  	[tilespmem:s7], [sflag:$0x2] =	stream.linear.gather @!p1 [hbm4b:s23+s18], $0x100, $0x38;
	[tilespmem:$0x1AC60] =	vst v63  }
0x184: {  	s15 =	simm.s32 @!p5 $0x1;
	s7 =	simm.s32 @!p1 $0x6200  }
0x185: {  	[tilespmem:s7], [sflag:$0x2] =	stream.linear.gather @!p1 [hbm4b:s24+s18], $0x6000, $0x38;
	[tilespmem:$0x1AC60] =	vst v63  }
0x186: {  	_ =	swait.ge @!p5 [sflag:s15], $0x100  }
0x187: {  	[sflag:s15] =	ssyncset.done @!p5 $0x0  }
0x188: {  	[sflag:s15] =	ssyncadd.s32 @!p5 $0xFFFFFF00  }
0x189: {  	_ =	swait.ge @!p5 [sflag:s15], $0x6000  }
0x18a: {  	s16 =	simm.s32 @!p5 $0x3;
	s19 =	simm.s32 @!p5 $0x0;
	[sflag:s15] =	ssyncset.done @!p5 $0x0  }
0x18b: {  	s7 =	simm.s32 @!p5 $0x200;
	s18 =	simm.s32 @!p5 $0x80;
	[sflag:s15] =	ssyncadd.s32 @!p5 $0xFFFFA000  }
0x18c: {  	[spmem:s1] =	stream.indirect.scatter.add.f32 @!p5 [tilespmem:s7], [sflag:$0x3], $0x60, s19, s18, $0xb8;
	[tilespmem:$0x1AC60] =	vst v63  }
0x18d: {  	_ =	swait.ge @!p5 [sflag:s16], $0x3000  }
0x18e: {  	s23 =	sadd.s32 s20, s3;
	[sflag:s16] =	ssyncset.done @!p5 $0x0  }
0x18f: {  	s24 =	sadd.s32 $0x20, s23;
	s15 =	simm.s32 @!p5 $0x3200;
	[sflag:s16] =	ssyncadd.s32 @!p5 $0xFFFFD000  }
0x190: {  	[spmem:s1] =	stream.indirect.scatter.add.f32 @!p5 [tilespmem:s15], [sflag:$0x3], $0x60, s18, s18, $0xb8;
	[tilespmem:$0x1AC60] =	vst v63  }
0x191: {  	p1 =	sgt.u32 s24, $0x4E1;
	_ =	swait.ge @!p5 [sflag:s16], $0x3000  }
0x192: {  	p2 =	sge.u32 s20, s11;
	p1 =	por p1, p4;
	[sflag:s16] =	ssyncset.done @!p5 $0x0  }
0x193: {  	s15 =	sadd.s32 @!p1 $0xFFFFFE00, s0;
	[sflag:s16] =	ssyncadd.s32 @!p5 $0xFFFFD000;
	s16 =	simm.s32 @!p1 $0x0  }
0x194: {  	[tilespmem:s16], [sflag:$0x1] =	stream.linear.gather @!p1 [hbm4b:s15+s16], $0x100, $0x38;
	[tilespmem:$0x1AC60] =	vst v63  }
0x195: {  	p0 =	por p2, p4;
	s18 =	simm.s32 @!p1 $0x200;
	s15 =	sadd.s32 @!p1 $0xFFFF4000, s31  }
0x196: {  	[tilespmem:s18], [sflag:$0x1] =	stream.linear.gather @!p1 [hbm4b:s15+s16], $0x6000, $0x38;
	[tilespmem:$0x1AC60] =	vst v63  }
0x197: {  	s15 =	simm.s32 @!p0 $0x2  }
0x198: {  	_ =	swait.ge @!p0 [sflag:s15], $0x100  }
0x199: {  	[sflag:s15] =	ssyncset.done @!p0 $0x0  }
0x19a: {  	[sflag:s15] =	ssyncadd.s32 @!p0 $0xFFFFFF00  }
0x19b: {  	_ =	swait.ge @!p0 [sflag:s15], $0x6000  }
0x19c: {  	s19 =	simm.s32 @!p0 $0x100;
	s16 =	simm.s32 @!p0 $0x6200;
	[sflag:s15] =	ssyncset.done @!p0 $0x0  }
0x19d: {  	s18 =	simm.s32 @!p0 $0x3;
	[sflag:s15] =	ssyncadd.s32 @!p0 $0xFFFFA000;
	s15 =	simm.s32 @!p0 $0x80  }
0x19e: {  	[spmem:s1] =	stream.indirect.scatter.add.f32 @!p0 [tilespmem:s16], [sflag:$0x3], $0x60, s19, s15, $0xb8;
	[tilespmem:$0x1AC60] =	vst v63  }
0x19f: {  	_ =	swait.ge @!p0 [sflag:s18], $0x3000  }
0x1a0: {  	s7 =	sadd.s32 $0x30, s23;
	[sflag:s18] =	ssyncset.done @!p0 $0x0  }
0x1a1: {  	s16 =	simm.s32 @!p0 $0x180;
	s19 =	simm.s32 @!p0 $0x9200;
	[sflag:s18] =	ssyncadd.s32 @!p0 $0xFFFFD000  }
0x1a2: {  	[spmem:s1] =	stream.indirect.scatter.add.f32 @!p0 [tilespmem:s19], [sflag:$0x3], $0x60, s16, s15, $0xb8;
	[tilespmem:$0x1AC60] =	vst v63  }
0x1a3: {  	p6 =	sgt.u32 s7, $0x4E1;
	_ =	swait.ge @!p0 [sflag:s18], $0x3000  }
0x1a4: {  	p1 =	por p6, p4;
	[sflag:s18] =	ssyncset.done @!p0 $0x0  }
0x1a5: {  	s7 =	simm.s32 @!p1 $0x0;
	s15 =	simm.s32 @!p1 $0x100;
	[sflag:s18] =	ssyncadd.s32 @!p0 $0xFFFFD000  }
0x1a6: {  	[tilespmem:s15], [sflag:$0x2] =	stream.linear.gather @!p1 [hbm4b:s0+s7], $0x100, $0x38;
	[tilespmem:$0x1AC60] =	vst v63  }
0x1a7: {  	s0 =	simm.s32 @!p1 $0x6200  }
0x1a8: {  	[tilespmem:s0], [sflag:$0x2] =	stream.linear.gather @!p1 [hbm4b:s31+s7], $0x6000, $0x38;
	[tilespmem:$0x1AC60] =	vst v63  }
0x1a9: {  	[bflag:$0x0] =	sbarrier.arrive $0xFFFF  }
0x1aa: {  	s21 =	sld [smem:$0x7FC];
	_ =	sdelay $0x2  }
0x1ab: {  	p0 =	seq.s32 s21, $0x1  }
0x1ac: {  	[bflag:$0x0] =	sbarrier.arrive @!p0 $0xFFFF  }
0x1ad: {  	s0 =	rddreg [dreg:$0x9]  }
0x1ae: {  	[hbm:s0], [sflag:s9] =	dma.local @p0 [spmem:s30], $0x2EE0  }
0x1af: {  	s0 =	simm.s32 @p0 $0x3  }
0x1b0: {  	_ =	swait.ge @p0 [sflag:s0], $0x2EE0  }
0x1b1: {  	[sflag:s0] =	ssyncset.done @p0 $0x0  }
0x1b2: {  	[sflag:s0] =	ssyncadd.s32 @p0 $0xFFFFD120  }
0x1b3: {  	[bflag:$0x0] =	sbarrier.arrive @p0 $0xFFFF  }
0x1b4: {  	[spmem:s30], [sflag:s9] =	dma.local @p0 [hbm:s5], $0x2EE0  }
0x1b5: {  	_ =	swait.ge @p0 [sflag:s0], $0x2EE0  }
0x1b6: {  	[sflag:s0] =	ssyncset.done @p0 $0x0  }
0x1b7: {  	[sflag:s0] =	ssyncadd.s32 @p0 $0xFFFFD120  }
0x1b8: {  	[bflag:$0x0] =	sbarrier.arrive $0xFFFF  }
0x1b9: {  	s22 =	sld [smem:$0x7FD];
	_ =	sdelay $0x2  }
0x1ba: {  	p0 =	seq.s32 s22, $0x1  }
0x1bb: {  	s0 =	simm.s32 @p0 $0x0  }
0x1bc: {  	[tilespmem:s0], [sflag:$0x1] =	stream.linear.gather @p0 [hbm4b:s6+s0], $0x100, $0x38;
	[tilespmem:$0x1AC60] =	vst v63  }
0x1bd: {  	s7 =	simm.s32 @p0 $0x200  }
0x1be: {  	[tilespmem:s7], [sflag:$0x1] =	stream.linear.gather @p0 [hbm4b:s17+s0], $0x6000, $0x38;
	[tilespmem:$0x1AC60] =	vst v63  }
0x1bf: {  	s7 =	simm.s32 @p0 $0x100  }
0x1c0: {  	[tilespmem:s7], [sflag:$0x2] =	stream.linear.gather @p0 [hbm4b:s8+s0], $0x100, $0x38;
	[tilespmem:$0x1AC60] =	vst v63  }
0x1c1: {  	p1 =	sle.u32 s10, $0x0;
	s15 =	rddreg [dreg:$0xe];
	s7 =	simm.s32 @p0 $0x6200  }
0x1c2: {  	[tilespmem:s7], [sflag:$0x2] =	stream.linear.gather @p0 [hbm4b:s15+s0], $0x6000, $0x38;
	[tilespmem:$0x1AC60] =	vst v63  }
0x1c3: {  	p0 =	por p1, p4  }
0x1c4: {  	s0 =	simm.s32 @!p0 $0x1  }
0x1c5: {  	_ =	swait.ge @!p0 [sflag:s0], $0x100  }
0x1c6: {  	[sflag:s0] =	ssyncset.done @!p0 $0x0  }
0x1c7: {  	[sflag:s0] =	ssyncadd.s32 @!p0 $0xFFFFFF00  }
0x1c8: {  	_ =	swait.ge @!p0 [sflag:s0], $0x6000  }
0x1c9: {  	s7 =	simm.s32 @!p0 $0x200;
	s15 =	simm.s32 @!p0 $0x3;
	[sflag:s0] =	ssyncset.done @!p0 $0x0  }
0x1ca: {  	s16 =	simm.s32 @!p0 $0x80;
	s18 =	simm.s32 @!p0 $0x0;
	[sflag:s0] =	ssyncadd.s32 @!p0 $0xFFFFA000  }
0x1cb: {  	[spmem:s1] =	stream.indirect.scatter.add.f32 @!p0 [tilespmem:s7], [sflag:$0x3], $0x60, s18, s16, $0xb8;
	[tilespmem:$0x1AC60] =	vst v63  }
0x1cc: {  	_ =	swait.ge @!p0 [sflag:s15], $0x3000  }
0x1cd: {  	s23 =	sadd.s32 $0x0, s3;
	[sflag:s15] =	ssyncset.done @!p0 $0x0  }
0x1ce: {  	s24 =	sadd.s32 $0x20, s23;
	s7 =	simm.s32 @!p0 $0x3200;
	[sflag:s15] =	ssyncadd.s32 @!p0 $0xFFFFD000  }
0x1cf: {  	[spmem:s1] =	stream.indirect.scatter.add.f32 @!p0 [tilespmem:s7], [sflag:$0x3], $0x60, s16, s16, $0xb8;
	[tilespmem:$0x1AC60] =	vst v63  }
0x1d0: {  	p2 =	sgt.u32 s24, $0x4E1;
	_ =	swait.ge @!p0 [sflag:s15], $0x3000  }
0x1d1: {  	p1 =	por p2, p4;
	p2 =	sle.u32 s11, $0x0;
	[sflag:s15] =	ssyncset.done @!p0 $0x0  }
0x1d2: {  	s7 =	sadd.s32 @!p1 $0xFFFFFE00, s14;
	[sflag:s15] =	ssyncadd.s32 @!p0 $0xFFFFD000;
	s15 =	simm.s32 @!p1 $0x0  }
0x1d3: {  	[tilespmem:s15], [sflag:$0x1] =	stream.linear.gather @!p1 [hbm4b:s7+s15], $0x100, $0x38;
	[tilespmem:$0x1AC60] =	vst v63  }
0x1d4: {  	s16 =	simm.s32 @!p1 $0x200;
	p0 =	por p2, p4;
	s7 =	sadd.s32 @!p1 $0xFFFF4000, s28  }
0x1d5: {  	[tilespmem:s16], [sflag:$0x1] =	stream.linear.gather @!p1 [hbm4b:s7+s15], $0x6000, $0x38;
	[tilespmem:$0x1AC60] =	vst v63  }
0x1d6: {  	s7 =	simm.s32 @!p0 $0x2  }
0x1d7: {  	_ =	swait.ge @!p0 [sflag:s7], $0x100  }
0x1d8: {  	[sflag:s7] =	ssyncset.done @!p0 $0x0  }
0x1d9: {  	s20 =	simm.s32 $0x20;
	s24 =	smov.u32 s28;
	[sflag:s7] =	ssyncadd.s32 @!p0 $0xFFFFFF00  }
0x1da: {  	p6 =	sle.u32 s10, $0x20;
	s31 =	sadd.s32 $0x18000, s28;
	_ =	swait.ge @!p0 [sflag:s7], $0x6000  }
0x1db: {  	s18 =	simm.s32 @!p0 $0x80;
	s15 =	simm.s32 @!p0 $0x6200;
	[sflag:s7] =	ssyncset.done @!p0 $0x0  }
0x1dc: {  	s16 =	simm.s32 @!p0 $0x3;
	[sflag:s7] =	ssyncadd.s32 @!p0 $0xFFFFA000;
	s7 =	simm.s32 @!p0 $0x100  }
0x1dd: {  	[spmem:s1] =	stream.indirect.scatter.add.f32 @!p0 [tilespmem:s15], [sflag:$0x3], $0x60, s7, s18, $0xb8;
	[tilespmem:$0x1AC60] =	vst v63  }
0x1de: {  	s0 =	sadd.s32 $0x30, s23;
	s23 =	smov.u32 s14;
	_ =	swait.ge @!p0 [sflag:s16], $0x3000  }
0x1df: {  	p5 =	sgt.u32 s0, $0x4E1;
	s0 =	sadd.s32 $0x400, s14;
	[sflag:s16] =	ssyncset.done @!p0 $0x0  }
0x1e0: {  	s19 =	simm.s32 @!p0 $0x9200;
	s15 =	simm.s32 @!p0 $0x180;
	[sflag:s16] =	ssyncadd.s32 @!p0 $0xFFFFD000  }
0x1e1: {  	[spmem:s1] =	stream.indirect.scatter.add.f32 @!p0 [tilespmem:s19], [sflag:$0x3], $0x60, s15, s18, $0xb8;
	[tilespmem:$0x1AC60] =	vst v63  }
0x1e2: {  	p1 =	por p5, p4;
	p5 =	por p6, p4;
	_ =	swait.ge @!p0 [sflag:s16], $0x3000  }
0x1e3: {  	s7 =	simm.s32 $0x40;
	s18 =	simm.s32 @!p1 $0x0;
	[sflag:s16] =	ssyncset.done @!p0 $0x0  }
.LBB2_16:
0x1e4: {  	[sflag:s16] =	ssyncadd.s32 @!p0 $0xFFFFD000;
	s15 =	simm.s32 @!p1 $0x100;
	s16 =	simm.s32 @!p1 $0x6200  }
0x1e5: {  	[tilespmem:s15], [sflag:$0x2] =	stream.linear.gather @!p1 [hbm4b:s23+s18], $0x100, $0x38;
	[tilespmem:$0x1AC60] =	vst v63  }
0x1e6: {  	s19 =	smov.u32 s7;
	s7 =	sadd.s32 $0x20, s7;
	s15 =	simm.s32 @!p5 $0x1  }
0x1e7: {  	[tilespmem:s16], [sflag:$0x2] =	stream.linear.gather @!p1 [hbm4b:s24+s18], $0x6000, $0x38;
	[tilespmem:$0x1AC60] =	vst v63  }
0x1e8: {  	p6 =	sne.s32 s7, $0x500;
	s23 =	smov.u32 s0;
	_ =	swait.ge @!p5 [sflag:s15], $0x100  }
0x1e9: {  	s24 =	smov.u32 s31;
	[sflag:s15] =	ssyncset.done @!p5 $0x0  }
0x1ea: {  	[sflag:s15] =	ssyncadd.s32 @!p5 $0xFFFFFF00  }
0x1eb: {  	s16 =	simm.s32 @!p5 $0x200;
	s18 =	simm.s32 @!p5 $0x3;
	_ =	swait.ge @!p5 [sflag:s15], $0x6000  }
0x1ec: {  	s21 =	simm.s32 @!p5 $0x80;
	s22 =	simm.s32 @!p5 $0x0;
	[sflag:s15] =	ssyncset.done @!p5 $0x0  }
0x1ed: {  	[sflag:s15] =	ssyncadd.s32 @!p5 $0xFFFFA000  }
0x1ee: {  	[spmem:s1] =	stream.indirect.scatter.add.f32 @!p5 [tilespmem:s16], [sflag:$0x3], $0x60, s22, s21, $0xb8;
	[tilespmem:$0x1AC60] =	vst v63  }
0x1ef: {  	_ =	swait.ge @!p5 [sflag:s18], $0x3000  }
0x1f0: {  	s15 =	simm.s32 @!p5 $0x3200;
	s16 =	sadd.s32 s20, s3;
	[sflag:s18] =	ssyncset.done @!p5 $0x0  }
0x1f1: {  	s22 =	sadd.s32 $0x20, s16;
	s16 =	sadd.s32 $0x30, s16;
	[sflag:s18] =	ssyncadd.s32 @!p5 $0xFFFFD000  }
0x1f2: {  	[spmem:s1] =	stream.indirect.scatter.add.f32 @!p5 [tilespmem:s15], [sflag:$0x3], $0x60, s21, s21, $0xb8;
	[tilespmem:$0x1AC60] =	vst v63  }
0x1f3: {  	p0 =	sgt.u32 s22, $0x4E1;
	p1 =	sgt.u32 s16, $0x4E1;
	_ =	swait.ge @!p5 [sflag:s18], $0x3000  }
0x1f4: {  	p2 =	por p0, p4;
	p0 =	sge.u32 s20, s11;
	[sflag:s18] =	ssyncset.done @!p5 $0x0  }
0x1f5: {  	s15 =	sadd.s32 @!p2 $0xFFFFFE00, s0;
	s16 =	simm.s32 @!p2 $0x0;
	[sflag:s18] =	ssyncadd.s32 @!p5 $0xFFFFD000  }
0x1f6: {  	[tilespmem:s16], [sflag:$0x1] =	stream.linear.gather @!p2 [hbm4b:s15+s16], $0x100, $0x38;
	[tilespmem:$0x1AC60] =	vst v63  }
0x1f7: {  	p0 =	por p0, p4;
	s18 =	simm.s32 @!p2 $0x200;
	s15 =	sadd.s32 @!p2 $0xFFFF4000, s31  }
0x1f8: {  	[tilespmem:s18], [sflag:$0x1] =	stream.linear.gather @!p2 [hbm4b:s15+s16], $0x6000, $0x38;
	[tilespmem:$0x1AC60] =	vst v63  }
0x1f9: {  	s20 =	smov.u32 s19;
	s15 =	simm.s32 @!p0 $0x2  }
0x1fa: {  	_ =	swait.ge @!p0 [sflag:s15], $0x100  }
0x1fb: {  	[sflag:s15] =	ssyncset.done @!p0 $0x0  }
0x1fc: {  	[sflag:s15] =	ssyncadd.s32 @!p0 $0xFFFFFF00  }
0x1fd: {  	_ =	swait.ge @!p0 [sflag:s15], $0x6000  }
0x1fe: {  	s18 =	simm.s32 @!p0 $0x6200;
	s16 =	simm.s32 @!p0 $0x3;
	[sflag:s15] =	ssyncset.done @!p0 $0x0  }
0x1ff: {  	s19 =	simm.s32 @!p0 $0x100;
	[sflag:s15] =	ssyncadd.s32 @!p0 $0xFFFFA000;
	s15 =	simm.s32 @!p0 $0x80  }
0x200: {  	[spmem:s1] =	stream.indirect.scatter.add.f32 @!p0 [tilespmem:s18], [sflag:$0x3], $0x60, s19, s15, $0xb8;
	[tilespmem:$0x1AC60] =	vst v63  }
0x201: {  	s0 =	sadd.s32 $0x400, s0;
	_ =	swait.ge @!p0 [sflag:s16], $0x3000  }
.Ltmp9:
0x202: {  	s31 =	sadd.s32 $0x18000, s31;
	[sflag:s16] =	ssyncset.done @!p0 $0x0;
	(pc) =	sbr.rel @p6 .LBB2_16-.Ltmp9, $4  }
0x203: {  	s18 =	simm.s32 @!p0 $0x180;
	s19 =	simm.s32 @!p0 $0x9200;
	[sflag:s16] =	ssyncadd.s32 @!p0 $0xFFFFD000  }
0x204: {  	[spmem:s1] =	stream.indirect.scatter.add.f32 @!p0 [tilespmem:s19], [sflag:$0x3], $0x60, s18, s15, $0xb8;
	[tilespmem:$0x1AC60] =	vst v63  }
0x205: {  	p1 =	por p1, p4;
	p2 =	sge.u32 s20, s10;
	_ =	swait.ge @!p0 [sflag:s16], $0x3000  }
0x206: {  	p5 =	por p2, p4;
	s18 =	simm.s32 @!p1 $0x0;
	[sflag:s16] =	ssyncset.done @!p0 $0x0  }
0x207: {  	[sflag:s16] =	ssyncadd.s32 @!p0 $0xFFFFD000;
	s7 =	simm.s32 @!p1 $0x100  }
0x208: {  	[tilespmem:s7], [sflag:$0x2] =	stream.linear.gather @!p1 [hbm4b:s23+s18], $0x100, $0x38;
	[tilespmem:$0x1AC60] =	vst v63  }
0x209: {  	s15 =	simm.s32 @!p5 $0x1;
	s7 =	simm.s32 @!p1 $0x6200  }
0x20a: {  	[tilespmem:s7], [sflag:$0x2] =	stream.linear.gather @!p1 [hbm4b:s24+s18], $0x6000, $0x38;
	[tilespmem:$0x1AC60] =	vst v63  }
0x20b: {  	_ =	swait.ge @!p5 [sflag:s15], $0x100  }
0x20c: {  	[sflag:s15] =	ssyncset.done @!p5 $0x0  }
0x20d: {  	[sflag:s15] =	ssyncadd.s32 @!p5 $0xFFFFFF00  }
0x20e: {  	_ =	swait.ge @!p5 [sflag:s15], $0x6000  }
0x20f: {  	s16 =	simm.s32 @!p5 $0x3;
	s19 =	simm.s32 @!p5 $0x0;
	[sflag:s15] =	ssyncset.done @!p5 $0x0  }
0x210: {  	s7 =	simm.s32 @!p5 $0x200;
	s18 =	simm.s32 @!p5 $0x80;
	[sflag:s15] =	ssyncadd.s32 @!p5 $0xFFFFA000  }
0x211: {  	[spmem:s1] =	stream.indirect.scatter.add.f32 @!p5 [tilespmem:s7], [sflag:$0x3], $0x60, s19, s18, $0xb8;
	[tilespmem:$0x1AC60] =	vst v63  }
0x212: {  	_ =	swait.ge @!p5 [sflag:s16], $0x3000  }
0x213: {  	s22 =	sadd.s32 s20, s3;
	[sflag:s16] =	ssyncset.done @!p5 $0x0  }
0x214: {  	s23 =	sadd.s32 $0x20, s22;
	s15 =	simm.s32 @!p5 $0x3200;
	[sflag:s16] =	ssyncadd.s32 @!p5 $0xFFFFD000  }
0x215: {  	[spmem:s1] =	stream.indirect.scatter.add.f32 @!p5 [tilespmem:s15], [sflag:$0x3], $0x60, s18, s18, $0xb8;
	[tilespmem:$0x1AC60] =	vst v63  }
0x216: {  	p1 =	sgt.u32 s23, $0x4E1;
	_ =	swait.ge @!p5 [sflag:s16], $0x3000  }
0x217: {  	p2 =	sge.u32 s20, s11;
	p1 =	por p1, p4;
	[sflag:s16] =	ssyncset.done @!p5 $0x0  }
0x218: {  	s15 =	sadd.s32 @!p1 $0xFFFFFE00, s0;
	[sflag:s16] =	ssyncadd.s32 @!p5 $0xFFFFD000;
	s16 =	simm.s32 @!p1 $0x0  }
0x219: {  	[tilespmem:s16], [sflag:$0x1] =	stream.linear.gather @!p1 [hbm4b:s15+s16], $0x100, $0x38;
	[tilespmem:$0x1AC60] =	vst v63  }
0x21a: {  	p0 =	por p2, p4;
	s18 =	simm.s32 @!p1 $0x200;
	s15 =	sadd.s32 @!p1 $0xFFFF4000, s31  }
0x21b: {  	[tilespmem:s18], [sflag:$0x1] =	stream.linear.gather @!p1 [hbm4b:s15+s16], $0x6000, $0x38;
	[tilespmem:$0x1AC60] =	vst v63  }
0x21c: {  	s15 =	simm.s32 @!p0 $0x2  }
0x21d: {  	_ =	swait.ge @!p0 [sflag:s15], $0x100  }
0x21e: {  	[sflag:s15] =	ssyncset.done @!p0 $0x0  }
0x21f: {  	[sflag:s15] =	ssyncadd.s32 @!p0 $0xFFFFFF00  }
0x220: {  	_ =	swait.ge @!p0 [sflag:s15], $0x6000  }
0x221: {  	s19 =	simm.s32 @!p0 $0x100;
	s16 =	simm.s32 @!p0 $0x6200;
	[sflag:s15] =	ssyncset.done @!p0 $0x0  }
0x222: {  	s18 =	simm.s32 @!p0 $0x3;
	[sflag:s15] =	ssyncadd.s32 @!p0 $0xFFFFA000;
	s15 =	simm.s32 @!p0 $0x80  }
0x223: {  	[spmem:s1] =	stream.indirect.scatter.add.f32 @!p0 [tilespmem:s16], [sflag:$0x3], $0x60, s19, s15, $0xb8;
	[tilespmem:$0x1AC60] =	vst v63  }
0x224: {  	_ =	swait.ge @!p0 [sflag:s18], $0x3000  }
0x225: {  	s7 =	sadd.s32 $0x30, s22;
	[sflag:s18] =	ssyncset.done @!p0 $0x0  }
0x226: {  	s16 =	simm.s32 @!p0 $0x180;
	s19 =	simm.s32 @!p0 $0x9200;
	[sflag:s18] =	ssyncadd.s32 @!p0 $0xFFFFD000  }
0x227: {  	[spmem:s1] =	stream.indirect.scatter.add.f32 @!p0 [tilespmem:s19], [sflag:$0x3], $0x60, s16, s15, $0xb8;
	[tilespmem:$0x1AC60] =	vst v63  }
0x228: {  	p6 =	sgt.u32 s7, $0x4E1;
	_ =	swait.ge @!p0 [sflag:s18], $0x3000  }
0x229: {  	p1 =	por p6, p4;
	[sflag:s18] =	ssyncset.done @!p0 $0x0  }
0x22a: {  	s7 =	simm.s32 @!p1 $0x0;
	s15 =	simm.s32 @!p1 $0x100;
	[sflag:s18] =	ssyncadd.s32 @!p0 $0xFFFFD000  }
0x22b: {  	[tilespmem:s15], [sflag:$0x2] =	stream.linear.gather @!p1 [hbm4b:s0+s7], $0x100, $0x38;
	[tilespmem:$0x1AC60] =	vst v63  }
0x22c: {  	s0 =	simm.s32 @!p1 $0x6200  }
0x22d: {  	[tilespmem:s0], [sflag:$0x2] =	stream.linear.gather @!p1 [hbm4b:s31+s7], $0x6000, $0x38;
	[tilespmem:$0x1AC60] =	vst v63  }
0x22e: {  	[bflag:$0x0] =	sbarrier.arrive $0xFFFF  }
0x22f: {  	s24 =	sld [smem:$0x7FC];
	_ =	sdelay $0x2  }
0x230: {  	s0 =	rddreg [dreg:$0xa];
	p0 =	seq.s32 s24, $0x1  }
0x231: {  	[hbm:s0], [sflag:s9] =	dma.local @p0 [spmem:s30], $0x2EE0  }
0x232: {  	s0 =	simm.s32 @p0 $0x3  }
0x233: {  	_ =	swait.ge @p0 [sflag:s0], $0x2EE0  }
0x234: {  	s12 =	sadd.s32 $0x1, s12;
	[sflag:s0] =	ssyncset.done @p0 $0x0;
	s31 =	rddreg [dreg:$0xb]  }
0x235: {  	[sflag:s0] =	ssyncadd.s32 @p0 $0xFFFFD120;
	p0 =	sne.s32 s12, s31  }
.Ltmp10:
0x236: {  	_ = 	snop;
	(pc) =	sbr.rel @p0 .LBB2_1-.Ltmp10, $2  }
0x237: {  	_ =	sdelay $0x1  }
0x238: {  	[bflag:$0x0] =	sbarrier.arrive $0xFFFF;
	_ =	sdelay $0x1  }
0x239: {  	_ =	sfence.sel $0x180000  }
0x23a: {  	[bflag:$0x0] =	sbarrier.arrive $0xFFFF  }
0x23b: {  	_ =	strace $0x90000059  }
0x23c: {  	[bflag:$0x2] =	sbarrier.arrive $0xFFFF  }
0x23d: {  	p0 =	sne.s32 s3, $0x0;
	s0 =	rddreg [dreg:$0x2]  }
0x23e: {  	s0 =	sadd.s32 @!p0 $0x100000, s0  }
0x23f: {  	[sflag:s0] =	ssyncadd.tile.s32 @!p0 $0x1;
	_ =	shalt  }
.Lfunc_end2:
_tile_overlayer_lowered:
.L_overlay_start_2:
0x240: {  	(tag) =	ssettag $0x2  }
0x241: {  	s0 =	rddreg [dreg:$0x0];
	s2 =	stileid.u32  }
0x242: {  	s1 =	rddreg [dreg:$0x1];
	p0 =	sne.s32 s2, $0x0  }
0x243: {  	s3 =	rddreg [dreg:$0x2];
	[bflag:$0x3] =	sbarrier.arrive $0xFFFF;
	s2 =	simm.s32 @!p0 $0x1C03  }
0x244: {  	[timem:s3], [sflag:s2] =	dma.local @!p0 [hbm:s0], s1  }
0x245: {  	s0 =	simm.s32 @!p0 $0x3  }
0x246: {  	_ =	swait.ge @!p0 [sflag:s0], s1  }
0x247: {  	s1 =	ssub.s32 @!p0 $0x0, s1;
	[sflag:s0] =	ssyncset.done @!p0 $0x0  }
0x248: {  	[sflag:s0] =	ssyncadd.s32 @!p0 s1  }
0x249: {  	[bflag:$0x3] =	sbarrier.arrive $0xFFFF  }
0x24a: {  	_ =	shalt  }

// kernel: kernel.8.cloned.1.call-start
scs
__scs_entry_jumppad:
0x0: {  	(pc) =	sbr.rel $0x88, $3  }
0x1: {  	(tag) =	ssettag $0x0;
	lr =	simm.s32 $0x1  }
0x2: {  	[smem:$0x3F88] =	sst lr;
	_ =	strace $0xD0000000  }
0x3: {  	_ = 	snop  }
0x4: {  	_ = 	snop  }
0x5: {  	_ = 	snop  }
0x6: {  	_ = 	snop  }
0x7: {  	_ = 	snop  }
__scs_overlays_trampoline_lowered:
0x8: {  	[smem:$0x3F97] =	sst s0  }
0x9: {  	[smem:$0x3F98] =	sst s1  }
0xa: {  	[smem:$0x3F99] =	sst s2  }
0xb: {  	[smem:$0x3F9A] =	sst s3  }
0xc: {  	[smem:$0x3F9B] =	sst s4  }
0xd: {  	[smem:$0x3F9C] =	sst s5  }
0xe: {  	[smem:$0x3F9D] =	sst s6  }
0xf: {  	[smem:$0x3F9E] =	sst s7  }
0x10: {  	[smem:$0x3F9F] =	sst s8  }
0x11: {  	[smem:$0x3FA0] =	sst s9;
	s0 =	simm.s32 @!p0 $0x0  }
0x12: {  	s1 =	sld [smem:$0x3F86];
	s0 =	simm.s32 @p0 $0x1  }
0x13: {  	[smem:$0x3FA1] =	sst s0;
	s0 =	simm.s32 @!p1 $0x0  }
0x14: {  	s2 =	sld [smem:$0x3F85];
	s0 =	simm.s32 @p1 $0x1  }
0x15: {  	[smem:$0x3FA2] =	sst s0;
	s0 =	simm.s32 @!p2 $0x0  }
0x16: {  	s3 =	sld [smem:$0x3FDB];
	s0 =	simm.s32 @p2 $0x1  }
0x17: {  	s4 =	simm.s32 $0x1BF5;
	[smem:$0x3FA4] =	sst s0  }
0x18: {  	s0 =	sld [smem:$0x3F87];
	_ =	swait.ge [sflag:s4], $0x0  }
0x19: {  	s7 =	sld [smem:$0x3F88]  }
0x1a: {  	s8 =	sadd.s32 $0xFFFFE003, lr  }
0x1b: {  	s9 =	sadd.s32 $0xFFFFFEF7, lr;
	s5 =	simm.s32 $0xFFFFFFFF;
	p2 =	slt.u32 s8, $0xFFFFF086  }
0x1c: {  	p1 =	slt.u32 s9, $0xF7A;
	s5 =	simm.s32 @!p2 $0x0  }
0x1d: {  	s5 =	simm.s32 @p1 $0x1;
	p0 =	seq.s32 s7, s2  }
0x1e: {  	s7 =	smul.u32 @!p0 $0xF7A, s2;
	p2 =	seq.s32 @!p0 s5, $0x0  }
0x1f: {  	s9 =	smul.u32 $0xF7A, s1;
	s8 =	simm.s32 @!p0 $0x1BF5;
	p2 =	por !p2, p0  }
0x20: {  	[sflag:s8] =	ssyncset.s32 @!p0 $0xFFFFF086;
	s6 =	sadd.s32 @!p0 s3, s7;
	s7 =	simm.s32 @!p0 $0x108  }
0x21: {  	s3 =	sadd.s32 s3, s9;
	s6 =	sadd.s32 @!p0 $0x88, s6;
	s7 =	simm.s32 @p2 $0x1082  }
0x22: {  	[simem:s7], [sflag:s8] =	dma.local @!p0 [hbm:s6], $0xF7A  }
0x23: {  	s9 =	sor.u32 $0xD0000000, s2;
	s6 =	simm.s32 $0x108;
	_ =	swait.ge @!p0 [sflag:s8], $0x0  }
0x24: {  	s3 =	sadd.s32 $0x88, s3;
	s6 =	simm.s32 @!p1 $0x1082;
	[sflag:s4] =	ssyncset.s32 $0xFFFFF086  }
0x25: {  	[simem:s6], [sflag:s4] =	dma.local [hbm:s3], $0xF7A  }
0x26: {  	[smem:$0x3F88] =	sst s1;
	(tag) =	ssettag s2;
	_ =	strace s9  }
0x27: {  	s1 =	sld [smem:$0x3F98]  }
0x28: {  	s2 =	sld [smem:$0x3F99]  }
0x29: {  	s4 =	sld [smem:$0x3F9B]  }
0x2a: {  	p0 =	seq.s32 s5, $0x0;
	s5 =	sld [smem:$0x3F9C]  }
0x2b: {  	s6 =	sld [smem:$0x3F9D]  }
0x2c: {  	s7 =	sld [smem:$0x3F9E]  }
0x2d: {  	s3 =	simm.s32 $0x108;
	s8 =	sld [smem:$0x3F9F]  }
0x2e: {  	s3 =	simm.s32 @!p0 $0x1082;
	s9 =	sld [smem:$0x3FA0]  }
0x2f: {  	lr =	sadd.s32 s0, s3;
	s0 =	sld [smem:$0x3F97]  }
0x30: {  	s3 =	sld [smem:$0x3F9A]  }
0x31: {  	[smem:$0x3FA3] =	sst s10  }
0x32: {  	s10 =	sld [smem:$0x3FA1];
	_ =	sdelay $0x3  }
0x33: {  	p0 =	seq.s32 s10, $0x1;
	s10 =	sld [smem:$0x3FA3];
	_ =	sdelay $0x3  }
0x34: {  	[smem:$0x3FA3] =	sst s10  }
0x35: {  	s10 =	sld [smem:$0x3FA2];
	_ =	sdelay $0x3  }
0x36: {  	p1 =	seq.s32 s10, $0x1;
	s10 =	sld [smem:$0x3FA3];
	_ =	sdelay $0x3  }
0x37: {  	[smem:$0x3FA3] =	sst s10  }
0x38: {  	s10 =	sld [smem:$0x3FA4]  }
0x39: {  	_ = 	snop;
	(pc) =	sbr.ind lr, $3  }
0x3a: {  	_ = 	snop  }
0x3b: {  	_ = 	snop  }
0x3c: {  	p2 =	seq.s32 s10, $0x1;
	s10 =	sld [smem:$0x3FA3]  }
0x3d: {  	_ =	shalt  }
0x3e: {  	_ =	shalt  }
0x3f: {  	_ =	shalt  }
0x40: {  	_ =	shalt  }
0x41: {  	_ =	shalt  }
0x42: {  	_ =	shalt  }
0x43: {  	_ =	shalt  }
0x44: {  	_ =	shalt  }
0x45: {  	_ =	shalt  }
0x46: {  	_ =	shalt  }
0x47: {  	_ =	shalt  }
0x48: {  	_ =	shalt  }
0x49: {  	_ =	shalt  }
0x4a: {  	_ =	shalt  }
0x4b: {  	_ =	shalt  }
0x4c: {  	_ =	shalt  }
0x4d: {  	_ =	shalt  }
0x4e: {  	_ =	shalt  }
0x4f: {  	_ =	shalt  }
0x50: {  	_ =	shalt  }
0x51: {  	_ =	shalt  }
0x52: {  	_ =	shalt  }
0x53: {  	_ =	shalt  }
0x54: {  	_ =	shalt  }
0x55: {  	_ =	shalt  }
0x56: {  	_ =	shalt  }
0x57: {  	_ =	shalt  }
0x58: {  	_ =	shalt  }
0x59: {  	_ =	shalt  }
0x5a: {  	_ =	shalt  }
0x5b: {  	_ =	shalt  }
0x5c: {  	_ =	shalt  }
0x5d: {  	_ =	shalt  }
0x5e: {  	_ =	shalt  }
0x5f: {  	_ =	shalt  }
0x60: {  	_ =	shalt  }
0x61: {  	_ =	shalt  }
0x62: {  	_ =	shalt  }
0x63: {  	_ =	shalt  }
0x64: {  	_ =	shalt  }
0x65: {  	_ =	shalt  }
0x66: {  	_ =	shalt  }
0x67: {  	_ =	shalt  }
0x68: {  	_ =	shalt  }
0x69: {  	_ =	shalt  }
0x6a: {  	_ =	shalt  }
0x6b: {  	_ =	shalt  }
0x6c: {  	_ =	shalt  }
0x6d: {  	_ =	shalt  }
0x6e: {  	_ =	shalt  }
0x6f: {  	_ =	shalt  }
0x70: {  	_ =	shalt  }
0x71: {  	_ =	shalt  }
0x72: {  	_ =	shalt  }
0x73: {  	_ =	shalt  }
0x74: {  	_ =	shalt  }
0x75: {  	_ =	shalt  }
0x76: {  	_ =	shalt  }
0x77: {  	_ =	shalt  }
0x78: {  	_ =	shalt  }
0x79: {  	_ =	shalt  }
0x7a: {  	_ =	shalt  }
0x7b: {  	_ =	shalt  }
0x7c: {  	_ =	shalt  }
0x7d: {  	_ =	shalt  }
0x7e: {  	_ =	shalt  }
0x7f: {  	_ =	shalt  }
0x80: {  	_ =	shalt  }
0x81: {  	_ =	shalt  }
0x82: {  	_ =	shalt  }
0x83: {  	_ =	shalt  }
0x84: {  	_ =	shalt  }
0x85: {  	_ =	shalt  }
0x86: {  	_ =	shalt  }
0x87: {  	_ =	shalt  }
.Lfunc_end0:
.L_simem_size_0:
called_computation_lowered:
.L_overlay_start_0:
0x88: {  	s2 =	sld [smem:$0x3FD9]  }
0x89: {  	s3 =	sld [smem:$0x3FFE];
	_ =	sdelay $0x1  }
0x8a: {  	s1 =	srdreg.scid  }
0x8b: {  	s0 =	sand.u32 $0x1, s1  }
0x8c: {  	s16 =	sshll.u32 s0, $0xA;
	s2 =	sadd.s32 s3, s2  }
0x8d: {  	s2 =	sadd.s32 s2, s16  }
0x8e: {  	[smem:$0x3FAF] =	sst s2  }
0x8f: {  	_ = 	snop  }
0x90: {  	(tm) =	ssettm $0x1  }
0x91: {  	s17 =	sld [smem:$0x3FFB];
	_ =	sdelay $0x3  }
0x92: {  	_ =	strace s17  }
0x93: {  	s2 =	sld [smem:$0x3FFC];
	_ =	sdelay $0x3  }
0x94: {  	_ =	strace s2  }
0x95: {  	s2 =	sld [smem:$0x3FFD];
	_ =	sdelay $0x3  }
0x96: {  	_ =	strace s2  }
0x97: {  	_ =	strace $0x8FFFFFFF  }
0x98: {  	s18 =	sld [smem:$0x3FDB];
	_ =	sdelay $0x1  }
0x99: {  	s19 =	simm.s32 $_scs_section_size  }
0x9a: {  	s4 =	simm.s32 $_size__tile_overlayer_lowered;
	s5 =	simm.s32 $_tile_overlayer_lowered  }
0x9b: {  	s22 =	simm.s32 $0x1BFF;
	s21 =	sshll.u32 s5, $0x1;
	s2 =	sadd.s32 s19, s18  }
0x9c: {  	s6 =	simm.s32 $0x0;
	s20 =	sshll.u32 s4, $0x1;
	s4 =	sadd.s32 s21, s2  }
0x9d: {  	[timem:s6], [sflag:s22] =	dma.local [hbm:s4], s20  }
0x9e: {  	_ =	swait.ge [sflag:s22], s20  }
0x9f: {  	s3 =	ssub.s32 $0x0, s20;
	[sflag:s22] =	ssyncset.done $0x0  }
0xa0: {  	[sflag:s22] =	ssyncadd.s32 s3;
	_ =	sdelay $0x1  }
0xa1: {  	s23 =	simm.s32 $0x1B8B  }
0xa2: {  	_ =	swait.ge [sflag:s23], $0x1  }
0xa3: {  	[sflag:s23] =	ssyncset.done $0x0  }
0xa4: {  	s25 =	simm.s32 $0x1B8E;
	s24 =	sld [smem:$0x3FFE];
	[sflag:s23] =	ssyncadd.s32 $0xFFFFFFFF  }
0xa5: {  	s26 =	simm.s32 $execute0_lowered;
	[smem:$0x3FD2] =	sst s25  }
0xa6: {  	s4 =	sshll.u32 s26, $0x1;
	_ =	strace $0x80000046;
	[dreg:$0x1] =	wrdreg $0xFFFFFFFF  }
0xa7: {  	s28 =	simm.s32 $_size_execute0_lowered;
	s2 =	sadd.s32 s2, s4;
	[dreg:$0x0] =	wrdreg $0x0  }
0xa8: {  	s4 =	sshll.u32 s28, $0x1;
	[dreg:$0x2] =	wrdreg s2  }
0xa9: {  	[dreg:$0x3] =	wrdreg s4  }
0xaa: {  	[dreg:$0x4] =	wrdreg $0xC0  }
0xab: {  	_ =	task [dreg:s6], $0x5FFFF  }
0xac: {  	[dreg:$0x1] =	wrdreg $0xFFFFFFFF  }
0xad: {  	[dreg:$0x0] =	wrdreg $0x60  }
0xae: {  	[dreg:$0x2] =	wrdreg s24  }
0xaf: {  	[dreg:$0x3] =	wrdreg $0x9  }
0xb0: {  	_ =	task.clear_ibuf [dreg:s6], $0x4FFFF;
	_ =	strace $0x90000046  }
0xb1: {  	s29 =	simm.s32 $0x9;
	_ =	strace $0x80000054  }
0xb2: {  	_ =	swait.ge [sflag:s29], $0x1  }
0xb3: {  	[sflag:s29] =	ssyncadd.s32 $0xFFFFFFFF  }
0xb4: {  	_ =	strace $0x90000054  }
0xb5: {  	_ =	sfence  }
0xb6: {  	s30 =	sld [smem:$0x0];
	_ =	sdelay $0x2  }
0xb7: {  	s31 =	sshll.u32 s1, $0xD;
	s1 =	sshrl.u32 s1, $0x2  }
0xb8: {  	s3 =	sand.u32 $0x4000, s31;
	s1 =	sadd.s32 s1, s30  }
0xb9: {  	s0 =	sor.u32 s3, s0;
	s1 =	sshll.u32 s1, $0x11  }
0xba: {  	s0 =	sor.u32 s1, s0  }
0xbb: {  	s0 =	sadd.s32 $0x8F2B, s0  }
0xbc: {  	[sflag:s0] =	ssyncadd.remote.s32 $0x1  }
0xbd: {  	_ =	sfence.sel $0xFFFF  }
0xbe: {  	[dreg:$0x0] =	wrdreg $0xFFFFFFFF;
	(pc) =	sbr.abs _section_cstart, $3  }
0xbf: {  	[dreg:$0x1] =	wrdreg $0xFFFFFFFF  }
0xc0: {  	_ =	task.clear_ibuf [dreg:s6], $0x2FFFF;
	_ =	strace $0x9FFFFFFF  }
0xc1: {  	(tm) =	ssettm $0x7FFFFFFF  }
tec
execute0_lowered:
.L_overlay_start_1:
0x0: {  	(tag) =	ssettag $0x1  }
0x1: {  	s0 =	rddreg [dreg:$0x0];
	s1 =	srdreg.scid;
	s2 =	simm.s32 $0x0  }
0x2: {  	s4 =	stileid.u32;
	s9 =	simm.s32 $0x4F;
	s1 =	sand.u32 $0x1, s1  }
0x3: {  	s15 =	simm.s32 $0x80;
	s16 =	simm.s32 $0x9;
	s3 =	sshll.u32 s1, $0x4  }
0x4: {  	s17 =	simm.s32 $0x0;
	[smem:$0x7FF] =	sst s2;
	s6 =	sor.u32 s4, s3  }
0x5: {  	s5 =	sadd.s32 $0x11C00, s0;
	_ =	strace $0x80000047;
	s7 =	smul.u32 $0x4E, s6  }
0x6: {  	s1 =	ssub.s32 $0x2, s1;
	s3 =	sadd.s32 $0x1BA00, s0;
	s8 =	smul.u32 $0x4F, s6  }
0x7: {  	s4 =	sadd.s32 $0x7E00, s0;
	p0 =	slt.u32 s6, $0x4;
	s6 =	sadd.s32 $0x4, s7  }
0x8: {  	s30 =	sshrl.u32 s1, $0x1;
	s9 =	simm.s32 @!p0 $0x4E;
	s6 =	smov.u32 @p0 s8  }
0x9: {  	s7 =	sadd.s32 $0x5C5E00, s0;
	s12 =	sadd.s32 $0xFFFFFFFF, s9;
	s10 =	sshll.u32 s6, $0x4  }
0xa: {  	s8 =	sadd.s32 $0x47A00, s0;
	s0 =	ssub.s32 s1, s30;
	s31 =	sand.u32 $0x1FFFFFF0, s10  }
0xb: {  	s13 =	smax.u32 s0, $0x1;
	s10 =	sadd.s32 s4, s31;
	s11 =	sadd.s32 s5, s31  }
.LBB2_1:
0xc: {  	_ =	strace $0x80000048  }
0xd: {  	s0 =	simm.s32 $0x100;
	s28 =	simm.s32 $0x1;
	s29 =	simm.s32 $0x0  }
0xe: {  	s18 =	simm.s32 $0x0;
	s19 =	simm.s32 $0x0;
	s25 =	simm.s32 $0x0  }
0xf: {  	[tilespmem:s2], [sflag:$0x1] =	stream.linear.gather [hbm4b:s10+s2], $0x80, $0x200038;
	[tilespmem:$0x12200] =	vst v63  }
0x10: {  	s20 =	simm.s32 $0x0;
	s21 =	simm.s32 $0x0;
	s22 =	simm.s32 $0x1  }
0x11: {  	[tilespmem:s0], [sflag:$0x3] =	stream.linear.gather [hbm4b:s11+s2], $0x80, $0x200038;
	[tilespmem:$0x12200] =	vst v63  }
0x12: {  	s23 =	simm.s32 $0x0;
	s24 =	simm.s32 $0x0;
	_ =	strace $0x90000048  }
.LBB2_2:
0x13: {  	s26 =	sadd.s32 $0x1, s29  }
0x14: {  	p0 =	seq.s32 s26, s9  }
0x15: {  	s26 =	simm.s32 @p0 $0x0;
	p0 =	sge.u32 s24, s12  }
0x16: {  	p1 =	seq.s32 @!p0 s29, s26  }
0x17: {  	p2 =	por p1, p0  }
0x18: {  	s0 =	sadd.s32 @!p2 s6, s26  }
0x19: {  	s1 =	sand.u32 @!p2 $0x1, s28;
	s0 =	sshll.u32 @!p2 s0, $0x4  }
0x1a: {  	_ =	strace @!p2 $0x80000049;
	s31 =	simm.s32 @!p2 $0x0;
	s0 =	sand.u32 @!p2 $0x1FFFFFF0, s0  }
0x1b: {  	s14 =	sshll.u32 @!p2 s1, $0x7;
	s1 =	sadd.s32 @!p2 $0x1, s1;
	s30 =	sadd.s32 @!p2 s4, s0  }
0x1c: {  	[tilespmem:s14], [sflag:s1] =	stream.linear.gather @!p2 [hbm4b:s30+s31], $0x80, $0x200038;
	[tilespmem:$0x12200] =	vst v63  }
0x1d: {  	s1 =	sand.u32 @!p2 $0x1, s22  }
0x1e: {  	s0 =	sadd.s32 @!p2 s5, s0;
	_ =	strace @!p2 $0x90000049;
	s14 =	sshll.u32 @!p2 s1, $0x7  }
0x1f: {  	s1 =	sadd.s32 @!p2 $0x3, s1;
	_ =	strace @!p2 $0x8000004A;
	s14 =	sor.u32 @!p2 $0x100, s14  }
0x20: {  	[tilespmem:s14], [sflag:s1] =	stream.linear.gather @!p2 [hbm4b:s0+s31], $0x80, $0x200038;
	[tilespmem:$0x12200] =	vst v63  }
0x21: {  	s14 =	sand.u32 $0x1, s23;
	_ =	strace @!p2 $0x9000004A  }
0x22: {  	s0 =	sadd.s32 $0x1, s14;
	_ =	strace $0x8000004B  }
0x23: {  	_ =	swait.ge [sflag:s0], $0x80  }
0x24: {  	[sflag:s0] =	ssyncset.done $0x0  }
0x25: {  	[sflag:s0] =	ssyncadd.s32 $0xFFFFFF80  }
0x26: {  	s30 =	sand.u32 $0x1, s21;
	_ =	strace $0x9000004B  }
0x27: {  	s31 =	sadd.s32 $0x3, s30;
	_ =	strace $0x8000004C  }
0x28: {  	s0 =	sand.u32 $0x1, s20;
	_ =	swait.ge [sflag:s31], $0x80  }
0x29: {  	s14 =	smul.u32 $0x12000, s0;
	[sflag:s31] =	ssyncset.done $0x0  }
0x2a: {  	p3 =	seq.s32 s12, s24;
	s30 =	sshll.u32 s23, $0x7;
	[sflag:s31] =	ssyncadd.s32 $0xFFFFFF80  }
0x2b: {  	s1 =	sshrl.u32 s14, $0x2;
	s14 =	sand.u32 $0x80, s30;
	_ =	strace $0x9000004C  }
0x2c: {  	s1 =	sor.u32 $0x200, s1;
	s31 =	sand.u32 $0x1, s19;
	_ =	strace $0x8000004D  }
0x2d: {  	[tilespmem:s1], [sflag:$0x9] =	stream.indirect.gather [hbm4b:s3+s15], $0x90, s14, s15, $0x2000b8;
	[tilespmem:$0x12200] =	vst v63  }
0x2e: {  	p4 =	seq.s32 @!p3 s29, s26;
	s14 =	smul.u32 $0x12000, s31  }
0x2f: {  	p3 =	por p3, !p4;
	s30 =	sshll.u32 s21, $0x7;
	_ =	swait.ge [sflag:s16], $0x4800  }
0x30: {  	s30 =	sand.u32 $0x80, s30;
	[sflag:s16] =	ssyncset.done $0x0;
	s14 =	sshrl.u32 s14, $0x2  }
0x31: {  	s30 =	sor.u32 $0x100, s30;
	[sflag:s16] =	ssyncadd.s32 $0xFFFFB800;
	s14 =	sadd.s32 $0x9200, s14  }
0x32: {  	[tilespmem:s14], [sflag:$0x9] =	stream.indirect.gather [hbm4b:s3+s15], $0x90, s30, s15, $0x2000b8;
	[tilespmem:$0x12200] =	vst v63  }
0x33: {  	s29 =	sadd.s32 @p3 s6, s29;
	_ =	swait.ge [sflag:s16], $0x4800  }
0x34: {  	s29 =	smul.u32 @p3 $0x4800, s29;
	[sflag:s16] =	ssyncset.done $0x0  }
0x35: {  	[sflag:s16] =	ssyncadd.s32 $0xFFFFB800  }
0x36: {  	s29 =	sshrl.u32 @p3 s29, $0x3;
	s30 =	simm.s32 $0x0;
	_ =	strace $0x9000004D  }
0x37: {  	s0 =	sadd.s32 @p3 $0x5, s0;
	s30 =	sadd.s32 @p3 s7, s29;
	_ =	strace @p3 $0x8000004E  }
0x38: {  	[hbm4b:s30+s2] =	stream.linear.scatter @p3 [tilespmem:s1], [sflag:s0], $0x4800, $0x200038;
	[tilespmem:$0x12200] =	vst v63  }
0x39: {  	p1 =	por !p1, p0;
	s20 =	sadd.s32 @p3 $0x1, s20;
	_ =	strace @p3 $0x9000004E  }
0x3a: {  	s0 =	sadd.s32 @p3 $0x7, s31;
	s1 =	sadd.s32 @p3 s8, s29;
	_ =	strace @p3 $0x8000004F  }
0x3b: {  	[hbm4b:s1+s2] =	stream.linear.scatter @p3 [tilespmem:s14], [sflag:s0], $0x4800, $0x200038;
	[tilespmem:$0x12200] =	vst v63  }
0x3c: {  	s30 =	simm.s32 @p3 $0x1;
	_ =	strace @p3 $0x9000004F;
	p3 =	seq.s32 s24, $0x0  }
0x3d: {  	s31 =	smov.u32 s28;
	s29 =	smov.u32 s26;
	s0 =	sand.u32 @!p3 $0x1, s25  }
0x3e: {  	s19 =	sadd.s32 s19, s30;
	_ =	strace @!p3 $0x80000050;
	s0 =	sadd.s32 @!p3 $0x5, s0  }
0x3f: {  	s23 =	sadd.s32 s23, s30;
	s1 =	sadd.s32 @!p2 $0x1, s28;
	_ =	swait.ge @!p3 [sflag:s0], $0x4800  }
0x40: {  	s31 =	smov.u32 @p1 s1;
	s24 =	sadd.s32 $0x1, s24;
	[sflag:s0] =	ssyncset.done @!p3 $0x0  }
0x41: {  	s14 =	sand.u32 @!p3 $0x1, s18;
	[sflag:s0] =	ssyncadd.s32 @!p3 $0xFFFFB800;
	s0 =	simm.s32 $0x0  }
0x42: {  	s31 =	smov.u32 @p0 s28;
	s1 =	simm.s32 @!p3 $0x1;
	s0 =	simm.s32 @p1 $0x1  }
0x43: {  	_ =	strace @!p3 $0x90000050;
	s0 =	simm.s32 @p0 $0x0;
	p0 =	sne.s32 s9, s24  }
.Ltmp0:
0x44: {  	s14 =	sadd.s32 @!p3 $0x7, s14;
	_ =	strace @!p3 $0x80000051;
	(pc) =	sbr.rel @p0 .LBB2_2-.Ltmp0, $4  }
0x45: {  	s21 =	sadd.s32 s21, s30;
	s1 =	simm.s32 @p3 $0x0;
	_ =	swait.ge @!p3 [sflag:s14], $0x4800  }
0x46: {  	s22 =	sadd.s32 s22, s0;
	s0 =	sadd.s32 @!p3 $0x1, s25;
	[sflag:s14] =	ssyncset.done @!p3 $0x0  }
0x47: {  	s28 =	smov.u32 s31;
	s0 =	smov.u32 @p3 s25;
	[sflag:s14] =	ssyncadd.s32 @!p3 $0xFFFFB800  }
0x48: {  	s18 =	sadd.s32 s18, s1;
	s25 =	smov.u32 s0;
	_ =	strace @!p3 $0x90000051  }
0x49: {  	s0 =	sand.u32 $0x1, s0  }
0x4a: {  	_ =	strace $0x80000052;
	s0 =	sadd.s32 $0x5, s0  }
0x4b: {  	_ =	swait.ge [sflag:s0], $0x4800  }
0x4c: {  	[sflag:s0] =	ssyncset.done $0x0  }
0x4d: {  	s17 =	sadd.s32 $0x1, s17;
	[sflag:s0] =	ssyncadd.s32 $0xFFFFB800  }
0x4e: {  	s31 =	sand.u32 $0x1, s18;
	p0 =	sne.s32 s17, s13;
	_ =	strace $0x90000052  }
.Ltmp1:
0x4f: {  	s0 =	sadd.s32 $0x7, s31;
	_ =	strace $0x80000053;
	(pc) =	sbr.rel @p0 .LBB2_1-.Ltmp1, $4  }
0x50: {  	_ =	swait.ge [sflag:s0], $0x4800  }
0x51: {  	[sflag:s0] =	ssyncset.done $0x0  }
0x52: {  	[sflag:s0] =	ssyncadd.s32 $0xFFFFB800  }
0x53: {  	_ =	strace $0x90000053  }
0x54: {  	_ =	sfence.sel $0x180000  }
0x55: {  	[bflag:$0x0] =	sbarrier.arrive $0xFFFF  }
0x56: {  	_ =	strace $0x90000047  }
0x57: {  	s0 =	stileid.u32;
	[bflag:$0x2] =	sbarrier.arrive $0xFFFF  }
0x58: {  	p0 =	sne.s32 s0, $0x0;
	s0 =	rddreg [dreg:$0x1]  }
0x59: {  	s0 =	sadd.s32 @!p0 $0x100000, s0  }
0x5a: {  	[sflag:s0] =	ssyncadd.tile.s32 @!p0 $0x1;
	_ =	shalt  }
.Lfunc_end2:
_tile_overlayer_lowered:
.L_overlay_start_2:
0x5b: {  	(tag) =	ssettag $0x2  }
0x5c: {  	s0 =	rddreg [dreg:$0x0];
	s2 =	stileid.u32  }
0x5d: {  	s1 =	rddreg [dreg:$0x1];
	p0 =	sne.s32 s2, $0x0  }
0x5e: {  	s3 =	rddreg [dreg:$0x2];
	[bflag:$0x3] =	sbarrier.arrive $0xFFFF;
	s2 =	simm.s32 @!p0 $0x1C01  }
0x5f: {  	[timem:s3], [sflag:s2] =	dma.local @!p0 [hbm:s0], s1  }
0x60: {  	s0 =	simm.s32 @!p0 $0x1  }
0x61: {  	_ =	swait.ge @!p0 [sflag:s0], s1  }
0x62: {  	s1 =	ssub.s32 @!p0 $0x0, s1;
	[sflag:s0] =	ssyncset.done @!p0 $0x0  }
0x63: {  	[sflag:s0] =	ssyncadd.s32 @!p0 s1  }
0x64: {  	[bflag:$0x3] =	sbarrier.arrive $0xFFFF  }
0x65: {  	_ =	shalt  }

</sc_bundles>
